<compile_context>
chip_gen: v7x
topology: tpu7x:2x2x1
jax: 0.10.2.dev20260603
libtpu: 0.0.44.dev20260713+nightly
codegen_flags: <defaults>
</compile_context>

<pallas_src>
import functools
import math

import jax
import jax.numpy as jnp
from jax import lax
from jax.experimental import pallas as pl
from jax.experimental.pallas import tpu as pltpu
from jax.experimental.pallas import tpu_sc as plsc

NC = 2
NS = 16
L = 16
NW = NC * NS

B, T, D = 128, 512, 768
N = B * T
SEG_PAD_ID = 2
TOK_PER_W = N // NW
C = 16
NSUB = TOK_PER_W // C
IDXW = 128
IDX_ROWS_W = TOK_PER_W // IDXW
NBUF = 4


def _build_base(pe2, w_seg):
    S = w_seg.shape[0]

    def body(pe_ref, seg_ref, out_ref):
        s = pl.program_id(0)
        out_ref[...] = pe_ref[...] + seg_ref[pl.ds(s, 1), :]

    return pl.pallas_call(
        body,
        grid=(S,),
        in_specs=[
            pl.BlockSpec((T, D), lambda s: (0, 0)),
            pl.BlockSpec((S, D), lambda s: (0, 0)),
        ],
        out_specs=pl.BlockSpec((T, D), lambda s: (s, 0)),
        out_shape=jax.ShapeDtypeStruct((S * T, D), jnp.float32),
    )(pe2, w_seg)


def _build_cidx(tt, am):

    def body(tt_ref, am_ref, out_ref):
        t = lax.broadcasted_iota(jnp.int32, (B, T), 1)
        ids = jnp.where(am_ref[...] == 0, SEG_PAD_ID, tt_ref[...])
        out_ref[...] = ids * T + t

    return pl.pallas_call(
        body,
        out_shape=jax.ShapeDtypeStruct((B, T), jnp.int32),
    )(tt, am)


def _sc_embed(idx2, cidx2, w_tok, base):
    scale = jnp.float32(math.sqrt(D))
    mesh = plsc.VectorSubcoreMesh(core_axis_name="c", subcore_axis_name="s")

    @functools.partial(
        pl.kernel,
        mesh=mesh,
        out_type=jax.ShapeDtypeStruct((N, D), jnp.float32),
        scratch_types=(
            [pltpu.VMEM((IDX_ROWS_W, IDXW), jnp.int32)] * 2
            + [pltpu.VMEM((C, D), jnp.float32)] * (2 * NBUF)
            + [pltpu.SemaphoreType.DMA] * (3 * NBUF)
        ),
    )
    def k(idx_hbm, cidx_hbm, wtok_hbm, base_hbm, out_hbm, *scr):
        idx_v, cidx_v = scr[0], scr[1]
        tok_bufs = scr[2:2 + NBUF]
        base_bufs = scr[2 + NBUF:2 + 2 * NBUF]
        sems = scr[2 + 2 * NBUF:]
        gt_sems = sems[0:NBUF]
        gb_sems = sems[NBUF:2 * NBUF]
        out_sems = sems[2 * NBUF:3 * NBUF]

        wid = lax.axis_index("s") * NC + lax.axis_index("c")
        row0 = wid * IDX_ROWS_W
        tok0 = wid * TOK_PER_W

        pltpu.sync_copy(idx_hbm.at[pl.ds(row0, IDX_ROWS_W)], idx_v)
        pltpu.sync_copy(cidx_hbm.at[pl.ds(row0, IDX_ROWS_W)], cidx_v)

        def _idx_slice(v, j):
            return v.at[j // (IDXW // C), pl.ds(lax.rem(j, IDXW // C) * C, C)]

        def issue_gathers(j, p):
            pltpu.async_copy(wtok_hbm.at[_idx_slice(idx_v, j)],
                             tok_bufs[p], gt_sems[p])
            pltpu.async_copy(base_hbm.at[_idx_slice(cidx_v, j)],
                             base_bufs[p], gb_sems[p])

        def wait_gathers(p):
            pltpu.make_async_copy(wtok_hbm.at[_idx_slice(idx_v, 0)],
                                  tok_bufs[p], gt_sems[p]).wait()
            pltpu.make_async_copy(base_hbm.at[_idx_slice(cidx_v, 0)],
                                  base_bufs[p], gb_sems[p]).wait()

        def wait_out(p):
            pltpu.make_async_copy(tok_bufs[p],
                                  out_hbm.at[pl.ds(tok0, C)], out_sems[p]).wait()

        def compute_and_out(j, p):
            def row_body(r, _):
                for cv in range(D // L):
                    sl = pl.ds(cv * L, L)
                    tok_bufs[p][r, sl] = (tok_bufs[p][r, sl] * scale
                                          + base_bufs[p][r, sl])
                return 0

            lax.fori_loop(0, C, row_body, 0)
            pltpu.async_copy(tok_bufs[p], out_hbm.at[pl.ds(tok0 + j * C, C)],
                             out_sems[p])

        issue_gathers(0, 0)
        issue_gathers(1, 1)

        def pipe_body(ii, _):
            for u in range(NBUF):
                i = NBUF * ii + u
                pf = (u + 2) % NBUF

                @pl.when(jnp.logical_and(i >= 2, i <= NSUB - 3))
                def _():
                    wait_out(pf)

                @pl.when(i <= NSUB - 3)
                def _():
                    issue_gathers(i + 2, pf)

                wait_gathers(u)
                compute_and_out(i, u)
            return 0

        lax.fori_loop(0, NSUB // NBUF, pipe_body, 0)
        for p in range(NBUF):
            wait_out(p)

    return k(idx2, cidx2, w_tok, base)


def kernel(inputs, token_type_ids, attn_mask, W_tok, W_seg, pe):
    pe2 = pe.reshape(T, D)
    base = _build_base(pe2, W_seg)
    cidx = _build_cidx(token_type_ids, attn_mask)
    idx2 = inputs.reshape(N // IDXW, IDXW)
    cidx2 = cidx.reshape(N // IDXW, IDXW)
    out = _sc_embed(idx2, cidx2, W_tok, base)
    return out.reshape(B, T, D)

# --- scband reference (transcript-rebuilt; emitter-appended) ---
"""Pipeline reference for scband-bertembedding-39857296507178 (READ-ONLY COPY).

The authoritative reference and input builder live on the scoring server;
editing this copy changes nothing except your own understanding.
"""

import jax, jax.numpy as jnp
import numpy as np
import math

D_MODEL = 768
VOCAB = 30522
MAX_LEN = 512
TOK_PAD = 0
SEG_PAD = 2

def _make_pe():
    pe = np.zeros((MAX_LEN, D_MODEL), dtype=np.float32)
    const_term = math.log(10000.0) / D_MODEL
    div_terms = np.exp(-np.arange(0, D_MODEL, 2) * const_term)
    positions = np.arange(0, MAX_LEN)[:, None]
    pe[:, 0::2] = np.sin(positions * div_terms)
    pe[:, 1::2] = np.cos(positions * div_terms)
    return jnp.asarray(pe)[None, :, :]

def setup_inputs(seed: int = 0) -> dict:
    key = jax.random.key(seed)
    k1, k2, k3, k4, k5 = jax.random.split(key, 5)
    inputs = jax.random.randint(k1, (128, 512), 0, VOCAB, dtype=jnp.int64 if jax.config.jax_enable_x64 else jnp.int32).astype(jnp.int32)
    token_type_ids = jax.random.randint(k2, (128, 512), 0, 2).astype(jnp.int32)
    attn_mask = jax.random.randint(k3, (128, 512), 0, 2).astype(jnp.int32)
    W_tok = jax.random.normal(k4, (VOCAB, D_MODEL), dtype=jnp.float32)
    W_tok = W_tok.at[TOK_PAD].set(0.0)  # nn.Embedding padding_idx row is zero
    W_seg = jax.random.normal(k5, (3, D_MODEL), dtype=jnp.float32)
    W_seg = W_seg.at[SEG_PAD].set(0.0)
    pe = _make_pe()
    return {"inputs": inputs, "token_type_ids": token_type_ids, "attn_mask": attn_mask, "W_tok": W_tok, "W_seg": W_seg, "pe": pe}

def reference(inputs, token_type_ids, attn_mask, W_tok, W_seg, pe):
    # TokenEmbeddings: gather + scale by sqrt(d_model)
    tok = jnp.take(W_tok, inputs, axis=0) * math.sqrt(D_MODEL)
    # SinusoidalPositionalEncoding (dropout = identity in eval)
    seq_len = inputs.shape[1]
    pos = pe[:, :seq_len, :]
    # SegmentEmbedding: masked_fill then gather
    ids = jnp.where(attn_mask == 0, SEG_PAD, token_type_ids)
    seg = jnp.take(W_seg, ids, axis=0)
    # dropout = identity in eval
    return tok + pos + seg

if __name__ == "__main__":
    import jax
    _d = setup_inputs()
    print(jax.jit(kernel)(*tuple(_d.values())))

</pallas_src>

<mosaic_0001>
#map = affine_map<(d0, d1) -> (0, 0)>
#map1 = affine_map<(d0, d1) -> (0)>
module attributes {stable_mosaic.version = 14 : i64} {
  func.func @_rewritten_body(%arg0: i32, %arg1: i32, %arg2: memref<512x128xi32, #tpu.memory_space<hbm>>, %arg3: memref<512x128xi32, #tpu.memory_space<hbm>>, %arg4: memref<30522x768xf32, #tpu.memory_space<hbm>>, %arg5: memref<1536x768xf32, #tpu.memory_space<hbm>>, %arg6: memref<1xf32, #tpu.memory_space<hbm>>, %arg7: memref<65536x768xf32, #tpu.memory_space<hbm>>, %arg8: memref<16x128xi32, #tpu.memory_space<vmem>>, %arg9: memref<16x128xi32, #tpu.memory_space<vmem>>, %arg10: memref<16x768xf32, #tpu.memory_space<vmem>>, %arg11: memref<16x768xf32, #tpu.memory_space<vmem>>, %arg12: memref<16x768xf32, #tpu.memory_space<vmem>>, %arg13: memref<16x768xf32, #tpu.memory_space<vmem>>, %arg14: memref<16x768xf32, #tpu.memory_space<vmem>>, %arg15: memref<16x768xf32, #tpu.memory_space<vmem>>, %arg16: memref<16x768xf32, #tpu.memory_space<vmem>>, %arg17: memref<16x768xf32, #tpu.memory_space<vmem>>, %arg18: memref<!tpu.dma_semaphore, #tpu.memory_space<semaphore_mem>>, %arg19: memref<!tpu.dma_semaphore, #tpu.memory_space<semaphore_mem>>, %arg20: memref<!tpu.dma_semaphore, #tpu.memory_space<semaphore_mem>>, %arg21: memref<!tpu.dma_semaphore, #tpu.memory_space<semaphore_mem>>, %arg22: memref<!tpu.dma_semaphore, #tpu.memory_space<semaphore_mem>>, %arg23: memref<!tpu.dma_semaphore, #tpu.memory_space<semaphore_mem>>, %arg24: memref<!tpu.dma_semaphore, #tpu.memory_space<semaphore_mem>>, %arg25: memref<!tpu.dma_semaphore, #tpu.memory_space<semaphore_mem>>, %arg26: memref<!tpu.dma_semaphore, #tpu.memory_space<semaphore_mem>>, %arg27: memref<!tpu.dma_semaphore, #tpu.memory_space<semaphore_mem>>, %arg28: memref<!tpu.dma_semaphore, #tpu.memory_space<semaphore_mem>>, %arg29: memref<!tpu.dma_semaphore, #tpu.memory_space<semaphore_mem>>) attributes {dimension_semantics = [#tpu.dimension_semantics<core_parallel>, #tpu.dimension_semantics<subcore_parallel>], iteration_bounds = array<i64: 2, 16>, scalar_prefetch = 0 : i64, scratch_operands = 22 : i64, tpu.core_type = #tpu.core_type<sc_vector_subcore>, window_params = [{transform_indices = #map}, {transform_indices = #map}, {transform_indices = #map}, {transform_indices = #map}, {transform_indices = #map1}, {transform_indices = #map}]} {
    %empty_ref3A = memref.alloca() : memref<16xf32, #tpu.memory_space<vmem>>
    "tpu.region"() ({
      %run_scoped3A = tpu.sem_alloc : memref<!tpu.dma_semaphore, #tpu.memory_space<semaphore_mem>>
      %dma_start3A_70 = arith.constant 0 : i32
      %dma_start3A_71 = tpu.memref_slice %empty_ref3A[%dma_start3A_70] : memref<16xf32, #tpu.memory_space<vmem>> -> memref<1xf32, #tpu.memory_space<vmem>>
      %dma_start3A_72 = arith.constant 0 : i32
      %dma_start3A_73 = tpu.memref_slice %empty_ref3A[%dma_start3A_72] : memref<16xf32, #tpu.memory_space<vmem>> -> memref<1xf32, #tpu.memory_space<vmem>>
      tpu.enqueue_dma source(%arg6 : memref<1xf32, #tpu.memory_space<hbm>>) target(%dma_start3A_73 : memref<1xf32, #tpu.memory_space<vmem>>) target_semaphore(%run_scoped3A : memref<!tpu.dma_semaphore, #tpu.memory_space<semaphore_mem>>)
      %dma_wait3A_74 = arith.constant 0 : i32
      %dma_wait3A_75 = tpu.memref_slice %empty_ref3A[%dma_wait3A_74] : memref<16xf32, #tpu.memory_space<vmem>> -> memref<1xf32, #tpu.memory_space<vmem>>
      %dma_wait3A_76 = arith.constant 0 : i32
      %dma_wait3A_77 = tpu.memref_slice %empty_ref3A[%dma_wait3A_76] : memref<16xf32, #tpu.memory_space<vmem>> -> memref<1xf32, #tpu.memory_space<vmem>>
      tpu.wait_dma2 semaphore(%run_scoped3A : memref<!tpu.dma_semaphore, #tpu.memory_space<semaphore_mem>>) src(%arg6 : memref<1xf32, #tpu.memory_space<hbm>>) dst(%dma_wait3A_77 : memref<1xf32, #tpu.memory_space<vmem>>)
      tpu.yield
    }) : () -> ()
    %get3A = arith.constant 0 : index
    %get3A_0 = tpu.vector_load %empty_ref3A[%get3A] {strides = array<i32>} : memref<16xf32, #tpu.memory_space<vmem>>, vector<16xf32>,
    %get3A_1 = vector.shape_cast %get3A_0 : vector<16xf32> to vector<16xf32>
    %slice3A = vector.extract_strided_slice %get3A_1 {offsets = [0], sizes = [1], strides = [1]} : vector<16xf32> to vector<1xf32>
    %squeeze3A = vector.extract %slice3A[0] : f32 from vector<1xf32>
    %mul3A = arith.constant 2 : i32
    %mul3A_2 = arith.muli %arg1, %mul3A : i32
    %add3A = arith.addi %mul3A_2, %arg0 : i32
    %mul3A_3 = arith.constant 16 : i32
    %mul3A_4 = arith.muli %add3A, %mul3A_3 : i32
    %mul3A_5 = arith.constant 2048 : i32
    %mul3A_6 = arith.muli %add3A, %mul3A_5 : i32
    "tpu.region"() ({
      %run_scoped3A = tpu.sem_alloc : memref<!tpu.dma_semaphore, #tpu.memory_space<semaphore_mem>>
      %dma_start3A_70 = arith.constant 0 : i32
      %dma_start3A_71 = tpu.memref_slice %arg2[%mul3A_4, %dma_start3A_70] : memref<512x128xi32, #tpu.memory_space<hbm>> -> memref<16x128xi32, #tpu.memory_space<hbm>>
      %dma_start3A_72 = arith.constant 0 : i32
      %dma_start3A_73 = tpu.memref_slice %arg2[%mul3A_4, %dma_start3A_72] : memref<512x128xi32, #tpu.memory_space<hbm>> -> memref<16x128xi32, #tpu.memory_space<hbm>>
      tpu.enqueue_dma source(%dma_start3A_73 : memref<16x128xi32, #tpu.memory_space<hbm>>) target(%arg8 : memref<16x128xi32, #tpu.memory_space<vmem>>) target_semaphore(%run_scoped3A : memref<!tpu.dma_semaphore, #tpu.memory_space<semaphore_mem>>)
      %dma_wait3A_74 = arith.constant 0 : i32
      %dma_wait3A_75 = tpu.memref_slice %arg2[%mul3A_4, %dma_wait3A_74] : memref<512x128xi32, #tpu.memory_space<hbm>> -> memref<16x128xi32, #tpu.memory_space<hbm>>
      %dma_wait3A_76 = arith.constant 0 : i32
      %dma_wait3A_77 = tpu.memref_slice %arg2[%mul3A_4, %dma_wait3A_76] : memref<512x128xi32, #tpu.memory_space<hbm>> -> memref<16x128xi32, #tpu.memory_space<hbm>>
      tpu.wait_dma2 semaphore(%run_scoped3A : memref<!tpu.dma_semaphore, #tpu.memory_space<semaphore_mem>>) src(%dma_wait3A_77 : memref<16x128xi32, #tpu.memory_space<hbm>>) dst(%arg8 : memref<16x128xi32, #tpu.memory_space<vmem>>)
      tpu.yield
    }) : () -> ()
    "tpu.region"() ({
      %run_scoped3A = tpu.sem_alloc : memref<!tpu.dma_semaphore, #tpu.memory_space<semaphore_mem>>
      %dma_start3A_70 = arith.constant 0 : i32
      %dma_start3A_71 = tpu.memref_slice %arg3[%mul3A_4, %dma_start3A_70] : memref<512x128xi32, #tpu.memory_space<hbm>> -> memref<16x128xi32, #tpu.memory_space<hbm>>
      %dma_start3A_72 = arith.constant 0 : i32
      %dma_start3A_73 = tpu.memref_slice %arg3[%mul3A_4, %dma_start3A_72] : memref<512x128xi32, #tpu.memory_space<hbm>> -> memref<16x128xi32, #tpu.memory_space<hbm>>
      tpu.enqueue_dma source(%dma_start3A_73 : memref<16x128xi32, #tpu.memory_space<hbm>>) target(%arg9 : memref<16x128xi32, #tpu.memory_space<vmem>>) target_semaphore(%run_scoped3A : memref<!tpu.dma_semaphore, #tpu.memory_space<semaphore_mem>>)
      %dma_wait3A_74 = arith.constant 0 : i32
      %dma_wait3A_75 = tpu.memref_slice %arg3[%mul3A_4, %dma_wait3A_74] : memref<512x128xi32, #tpu.memory_space<hbm>> -> memref<16x128xi32, #tpu.memory_space<hbm>>
      %dma_wait3A_76 = arith.constant 0 : i32
      %dma_wait3A_77 = tpu.memref_slice %arg3[%mul3A_4, %dma_wait3A_76] : memref<512x128xi32, #tpu.memory_space<hbm>> -> memref<16x128xi32, #tpu.memory_space<hbm>>
      tpu.wait_dma2 semaphore(%run_scoped3A : memref<!tpu.dma_semaphore, #tpu.memory_space<semaphore_mem>>) src(%dma_wait3A_77 : memref<16x128xi32, #tpu.memory_space<hbm>>) dst(%arg9 : memref<16x128xi32, #tpu.memory_space<vmem>>)
      tpu.yield
    }) : () -> ()
    %rem3A = arith.constant 0 : i32
    %rem3A_7 = arith.constant 8 : i32
    %rem3A_8 = arith.remsi %rem3A, %rem3A_7 : i32
    %mul3A_9 = arith.constant 16 : i32
    %mul3A_10 = arith.muli %rem3A_8, %mul3A_9 : i32
    %dma_start3A = arith.constant 0 : i32
    %dma_start3A_11 = tpu.memref_slice %arg8[%dma_start3A, %mul3A_10] : memref<16x128xi32, #tpu.memory_space<vmem>> -> memref<1x16xi32, #tpu.memory_space<vmem>>
    %dma_start3A_12 = tpu.memref_squeeze %dma_start3A_11 : memref<1x16xi32, #tpu.memory_space<vmem>> -> memref<16xi32, #tpu.memory_space<vmem>>
    %dma_start3A_13 = arith.constant 0 : i32
    %dma_start3A_14 = arith.constant 0 : i32
    %dma_start3A_15 = tpu.memref_slice %arg4[%dma_start3A_13, %dma_start3A_14] : memref<30522x768xf32, #tpu.memory_space<hbm>> -> memref<30522x768xf32, #tpu.memory_space<hbm>>
    tpu.enqueue_indirect_dma source(%dma_start3A_15 : memref<30522x768xf32, #tpu.memory_space<hbm>>) target(%arg10 : memref<16x768xf32, #tpu.memory_space<vmem>>) offsets(%dma_start3A_12 : memref<16xi32, #tpu.memory_space<vmem>>) semaphore(%arg18 : memref<!tpu.dma_semaphore, #tpu.memory_space<semaphore_mem>>)
    %rem3A_16 = arith.constant 0 : i32
    %rem3A_17 = arith.constant 8 : i32
    %rem3A_18 = arith.remsi %rem3A_16, %rem3A_17 : i32
    %mul3A_19 = arith.constant 16 : i32
    %mul3A_20 = arith.muli %rem3A_18, %mul3A_19 : i32
    %dma_start3A_21 = arith.constant 0 : i32
    %dma_start3A_22 = tpu.memref_slice %arg9[%dma_start3A_21, %mul3A_20] : memref<16x128xi32, #tpu.memory_space<vmem>> -> memref<1x16xi32, #tpu.memory_space<vmem>>
    %dma_start3A_23 = tpu.memref_squeeze %dma_start3A_22 : memref<1x16xi32, #tpu.memory_space<vmem>> -> memref<16xi32, #tpu.memory_space<vmem>>
    %dma_start3A_24 = arith.constant 0 : i32
    %dma_start3A_25 = arith.constant 0 : i32
    %dma_start3A_26 = tpu.memref_slice %arg5[%dma_start3A_24, %dma_start3A_25] : memref<1536x768xf32, #tpu.memory_space<hbm>> -> memref<1536x768xf32, #tpu.memory_space<hbm>>
    tpu.enqueue_indirect_dma source(%dma_start3A_26 : memref<1536x768xf32, #tpu.memory_space<hbm>>) target(%arg14 : memref<16x768xf32, #tpu.memory_space<vmem>>) offsets(%dma_start3A_23 : memref<16xi32, #tpu.memory_space<vmem>>) semaphore(%arg22 : memref<!tpu.dma_semaphore, #tpu.memory_space<semaphore_mem>>)
    %rem3A_27 = arith.constant 1 : i32
    %rem3A_28 = arith.constant 8 : i32
    %rem3A_29 = arith.remsi %rem3A_27, %rem3A_28 : i32
    %mul3A_30 = arith.constant 16 : i32
    %mul3A_31 = arith.muli %rem3A_29, %mul3A_30 : i32
    %dma_start3A_32 = arith.constant 0 : i32
    %dma_start3A_33 = tpu.memref_slice %arg8[%dma_start3A_32, %mul3A_31] : memref<16x128xi32, #tpu.memory_space<vmem>> -> memref<1x16xi32, #tpu.memory_space<vmem>>
    %dma_start3A_34 = tpu.memref_squeeze %dma_start3A_33 : memref<1x16xi32, #tpu.memory_space<vmem>> -> memref<16xi32, #tpu.memory_space<vmem>>
    %dma_start3A_35 = arith.constant 0 : i32
    %dma_start3A_36 = arith.constant 0 : i32
    %dma_start3A_37 = tpu.memref_slice %arg4[%dma_start3A_35, %dma_start3A_36] : memref<30522x768xf32, #tpu.memory_space<hbm>> -> memref<30522x768xf32, #tpu.memory_space<hbm>>
    tpu.enqueue_indirect_dma source(%dma_start3A_37 : memref<30522x768xf32, #tpu.memory_space<hbm>>) target(%arg11 : memref<16x768xf32, #tpu.memory_space<vmem>>) offsets(%dma_start3A_34 : memref<16xi32, #tpu.memory_space<vmem>>) semaphore(%arg19 : memref<!tpu.dma_semaphore, #tpu.memory_space<semaphore_mem>>)
    %rem3A_38 = arith.constant 1 : i32
    %rem3A_39 = arith.constant 8 : i32
    %rem3A_40 = arith.remsi %rem3A_38, %rem3A_39 : i32
    %mul3A_41 = arith.constant 16 : i32
    %mul3A_42 = arith.muli %rem3A_40, %mul3A_41 : i32
    %dma_start3A_43 = arith.constant 0 : i32
    %dma_start3A_44 = tpu.memref_slice %arg9[%dma_start3A_43, %mul3A_42] : memref<16x128xi32, #tpu.memory_space<vmem>> -> memref<1x16xi32, #tpu.memory_space<vmem>>
    %dma_start3A_45 = tpu.memref_squeeze %dma_start3A_44 : memref<1x16xi32, #tpu.memory_space<vmem>> -> memref<16xi32, #tpu.memory_space<vmem>>
    %dma_start3A_46 = arith.constant 0 : i32
    %dma_start3A_47 = arith.constant 0 : i32
    %dma_start3A_48 = tpu.memref_slice %arg5[%dma_start3A_46, %dma_start3A_47] : memref<1536x768xf32, #tpu.memory_space<hbm>> -> memref<1536x768xf32, #tpu.memory_space<hbm>>
    tpu.enqueue_indirect_dma source(%dma_start3A_48 : memref<1536x768xf32, #tpu.memory_space<hbm>>) target(%arg15 : memref<16x768xf32, #tpu.memory_space<vmem>>) offsets(%dma_start3A_45 : memref<16xi32, #tpu.memory_space<vmem>>) semaphore(%arg23 : memref<!tpu.dma_semaphore, #tpu.memory_space<semaphore_mem>>)
    %scan3A = arith.constant 0 : i32
    %scan3A_49 = arith.constant 0 : i32
    %scan3A_50 = arith.constant 32 : i32
    %scan3A_51 = arith.addi %scan3A_49, %scan3A_50 : i32
    %scan3A_52 = arith.constant 1 : i32
    %scan3A_53 = scf.for %scan3A_70 = %scan3A_49 to %scan3A_51 step %scan3A_52 iter_args(%scan3A_71 = %scan3A) -> (i32)  : i32 {
      %mul3A_72 = arith.constant 4 : i32
      %mul3A_73 = arith.muli %mul3A_72, %scan3A_70 : i32
      %add3A_74 = arith.constant 0 : i32
      %add3A_75 = arith.addi %mul3A_73, %add3A_74 : i32
      %ge3A = arith.constant 2 : i32
      %ge3A_76 = arith.cmpi sge, %add3A_75, %ge3A : i32
      %le3A = arith.constant 125 : i32
      %le3A_77 = arith.cmpi sle, %add3A_75, %le3A : i32
      %and3A = arith.andi %ge3A_76, %le3A_77 : i1
      %convert_element_type3A = arith.extui %and3A : i1 to i32
      %cond3A = arith.constant 0 : i32
      %cond3A_78 = arith.cmpi ne, %convert_element_type3A, %cond3A : i32
      scf.if %cond3A_78 {
        %dma_wait3A_280 = arith.constant 0 : i32
        %dma_wait3A_281 = tpu.memref_slice %arg7[%mul3A_6, %dma_wait3A_280] : memref<65536x768xf32, #tpu.memory_space<hbm>> -> memref<16x768xf32, #tpu.memory_space<hbm>>
        %dma_wait3A_282 = arith.constant 0 : i32
        %dma_wait3A_283 = tpu.memref_slice %arg7[%mul3A_6, %dma_wait3A_282] : memref<65536x768xf32, #tpu.memory_space<hbm>> -> memref<16x768xf32, #tpu.memory_space<hbm>>
        tpu.wait_dma2 semaphore(%arg28 : memref<!tpu.dma_semaphore, #tpu.memory_space<semaphore_mem>>) src(%arg12 : memref<16x768xf32, #tpu.memory_space<vmem>>) dst(%dma_wait3A_283 : memref<16x768xf32, #tpu.memory_space<hbm>>)
      } else {
      }
      %le3A_79 = arith.constant 125 : i32
      %le3A_80 = arith.cmpi sle, %add3A_75, %le3A_79 : i32
      %convert_element_type3A_81 = arith.extui %le3A_80 : i1 to i32
      %cond3A_82 = arith.constant 0 : i32
      %cond3A_83 = arith.cmpi ne, %convert_element_type3A_81, %cond3A_82 : i32
      scf.if %cond3A_83 {
        %add3A_280 = arith.constant 2 : i32
        %add3A_281 = arith.addi %add3A_75, %add3A_280 : i32
        %jit3A = arith.constant 8 : i32
        %div3A = arith.divsi %add3A_281, %jit3A : i32
        %sign3A = arith.constant 0 : i32
        %sign3A_282 = arith.cmpi sgt, %add3A_281, %sign3A : i32
        %sign3A_283 = arith.extui %sign3A_282 : i1 to i32
        %sign3A_284 = arith.constant 0 : i32
        %sign3A_285 = arith.cmpi slt, %add3A_281, %sign3A_284 : i32
        %sign3A_286 = arith.extui %sign3A_285 : i1 to i32
        %sign3A_287 = arith.subi %sign3A_283, %sign3A_286 : i32
        %sign3A_288 = arith.constant 0 : i32
        %sign3A_289 = arith.cmpi sgt, %jit3A, %sign3A_288 : i32
        %sign3A_290 = arith.extui %sign3A_289 : i1 to i32
        %sign3A_291 = arith.constant 0 : i32
        %sign3A_292 = arith.cmpi slt, %jit3A, %sign3A_291 : i32
        %sign3A_293 = arith.extui %sign3A_292 : i1 to i32
        %sign3A_294 = arith.subi %sign3A_290, %sign3A_293 : i32
        %ne3A = arith.cmpi ne, %sign3A_287, %sign3A_294 : i32
        %rem3A_295 = arith.remsi %add3A_281, %jit3A : i32
        %ne3A_296 = arith.constant 0 : i32
        %ne3A_297 = arith.cmpi ne, %rem3A_295, %ne3A_296 : i32
        %and3A_298 = arith.andi %ne3A, %ne3A_297 : i1
        %sub3A = arith.constant 1 : i32
        %sub3A_299 = arith.subi %div3A, %sub3A : i32
        %select_n3A = arith.select %and3A_298, %sub3A_299, %div3A : i32
        %rem3A_300 = arith.constant 8 : i32
        %rem3A_301 = arith.remsi %add3A_281, %rem3A_300 : i32
        %mul3A_302 = arith.constant 16 : i32
        %mul3A_303 = arith.muli %rem3A_301, %mul3A_302 : i32
        %dma_start3A_304 = tpu.memref_slice %arg8[%select_n3A, %mul3A_303] : memref<16x128xi32, #tpu.memory_space<vmem>> -> memref<1x16xi32, #tpu.memory_space<vmem>>
        %dma_start3A_305 = tpu.memref_squeeze %dma_start3A_304 : memref<1x16xi32, #tpu.memory_space<vmem>> -> memref<16xi32, #tpu.memory_space<vmem>>
        %dma_start3A_306 = arith.constant 0 : i32
        %dma_start3A_307 = arith.constant 0 : i32
        %dma_start3A_308 = tpu.memref_slice %arg4[%dma_start3A_306, %dma_start3A_307] : memref<30522x768xf32, #tpu.memory_space<hbm>> -> memref<30522x768xf32, #tpu.memory_space<hbm>>
        tpu.enqueue_indirect_dma source(%dma_start3A_308 : memref<30522x768xf32, #tpu.memory_space<hbm>>) target(%arg12 : memref<16x768xf32, #tpu.memory_space<vmem>>) offsets(%dma_start3A_305 : memref<16xi32, #tpu.memory_space<vmem>>) semaphore(%arg20 : memref<!tpu.dma_semaphore, #tpu.memory_space<semaphore_mem>>)
        %jit3A_309 = arith.constant 8 : i32
        %div3A_310 = arith.divsi %add3A_281, %jit3A_309 : i32
        %sign3A_311 = arith.constant 0 : i32
        %sign3A_312 = arith.cmpi sgt, %add3A_281, %sign3A_311 : i32
        %sign3A_313 = arith.extui %sign3A_312 : i1 to i32
        %sign3A_314 = arith.constant 0 : i32
        %sign3A_315 = arith.cmpi slt, %add3A_281, %sign3A_314 : i32
        %sign3A_316 = arith.extui %sign3A_315 : i1 to i32
        %sign3A_317 = arith.subi %sign3A_313, %sign3A_316 : i32
        %sign3A_318 = arith.constant 0 : i32
        %sign3A_319 = arith.cmpi sgt, %jit3A_309, %sign3A_318 : i32
        %sign3A_320 = arith.extui %sign3A_319 : i1 to i32
        %sign3A_321 = arith.constant 0 : i32
        %sign3A_322 = arith.cmpi slt, %jit3A_309, %sign3A_321 : i32
        %sign3A_323 = arith.extui %sign3A_322 : i1 to i32
        %sign3A_324 = arith.subi %sign3A_320, %sign3A_323 : i32
        %ne3A_325 = arith.cmpi ne, %sign3A_317, %sign3A_324 : i32
        %rem3A_326 = arith.remsi %add3A_281, %jit3A_309 : i32
        %ne3A_327 = arith.constant 0 : i32
        %ne3A_328 = arith.cmpi ne, %rem3A_326, %ne3A_327 : i32
        %and3A_329 = arith.andi %ne3A_325, %ne3A_328 : i1
        %sub3A_330 = arith.constant 1 : i32
        %sub3A_331 = arith.subi %div3A_310, %sub3A_330 : i32
        %select_n3A_332 = arith.select %and3A_329, %sub3A_331, %div3A_310 : i32
        %rem3A_333 = arith.constant 8 : i32
        %rem3A_334 = arith.remsi %add3A_281, %rem3A_333 : i32
        %mul3A_335 = arith.constant 16 : i32
        %mul3A_336 = arith.muli %rem3A_334, %mul3A_335 : i32
        %dma_start3A_337 = tpu.memref_slice %arg9[%select_n3A_332, %mul3A_336] : memref<16x128xi32, #tpu.memory_space<vmem>> -> memref<1x16xi32, #tpu.memory_space<vmem>>
        %dma_start3A_338 = tpu.memref_squeeze %dma_start3A_337 : memref<1x16xi32, #tpu.memory_space<vmem>> -> memref<16xi32, #tpu.memory_space<vmem>>
        %dma_start3A_339 = arith.constant 0 : i32
        %dma_start3A_340 = arith.constant 0 : i32
        %dma_start3A_341 = tpu.memref_slice %arg5[%dma_start3A_339, %dma_start3A_340] : memref<1536x768xf32, #tpu.memory_space<hbm>> -> memref<1536x768xf32, #tpu.memory_space<hbm>>
        tpu.enqueue_indirect_dma source(%dma_start3A_341 : memref<1536x768xf32, #tpu.memory_space<hbm>>) target(%arg16 : memref<16x768xf32, #tpu.memory_space<vmem>>) offsets(%dma_start3A_338 : memref<16xi32, #tpu.memory_space<vmem>>) semaphore(%arg24 : memref<!tpu.dma_semaphore, #tpu.memory_space<semaphore_mem>>)
      } else {
      }
      %rem3A_84 = arith.constant 0 : i32
      %rem3A_85 = arith.constant 8 : i32
      %rem3A_86 = arith.remsi %rem3A_84, %rem3A_85 : i32
      %mul3A_87 = arith.constant 16 : i32
      %mul3A_88 = arith.muli %rem3A_86, %mul3A_87 : i32
      %dma_wait3A_89 = arith.constant 0 : i32
      %dma_wait3A_90 = tpu.memref_slice %arg8[%dma_wait3A_89, %mul3A_88] : memref<16x128xi32, #tpu.memory_space<vmem>> -> memref<1x16xi32, #tpu.memory_space<vmem>>
      %dma_wait3A_91 = tpu.memref_squeeze %dma_wait3A_90 : memref<1x16xi32, #tpu.memory_space<vmem>> -> memref<16xi32, #tpu.memory_space<vmem>>
      %dma_wait3A_92 = arith.constant 0 : i32
      %dma_wait3A_93 = arith.constant 0 : i32
      %dma_wait3A_94 = tpu.memref_slice %arg4[%dma_wait3A_92, %dma_wait3A_93] : memref<30522x768xf32, #tpu.memory_space<hbm>> -> memref<30522x768xf32, #tpu.memory_space<hbm>>
      tpu.wait_indirect_dma semaphore(%arg18 : memref<!tpu.dma_semaphore, #tpu.memory_space<semaphore_mem>>) src(%dma_wait3A_94 : memref<30522x768xf32, #tpu.memory_space<hbm>>) dst(%arg10 : memref<16x768xf32, #tpu.memory_space<vmem>>)
      %rem3A_95 = arith.constant 0 : i32
      %rem3A_96 = arith.constant 8 : i32
      %rem3A_97 = arith.remsi %rem3A_95, %rem3A_96 : i32
      %mul3A_98 = arith.constant 16 : i32
      %mul3A_99 = arith.muli %rem3A_97, %mul3A_98 : i32
      %dma_wait3A_100 = arith.constant 0 : i32
      %dma_wait3A_101 = tpu.memref_slice %arg9[%dma_wait3A_100, %mul3A_99] : memref<16x128xi32, #tpu.memory_space<vmem>> -> memref<1x16xi32, #tpu.memory_space<vmem>>
      %dma_wait3A_102 = tpu.memref_squeeze %dma_wait3A_101 : memref<1x16xi32, #tpu.memory_space<vmem>> -> memref<16xi32, #tpu.memory_space<vmem>>
      %dma_wait3A_103 = arith.constant 0 : i32
      %dma_wait3A_104 = arith.constant 0 : i32
      %dma_wait3A_105 = tpu.memref_slice %arg5[%dma_wait3A_103, %dma_wait3A_104] : memref<1536x768xf32, #tpu.memory_space<hbm>> -> memref<1536x768xf32, #tpu.memory_space<hbm>>
      tpu.wait_indirect_dma semaphore(%arg22 : memref<!tpu.dma_semaphore, #tpu.memory_space<semaphore_mem>>) src(%dma_wait3A_105 : memref<1536x768xf32, #tpu.memory_space<hbm>>) dst(%arg14 : memref<16x768xf32, #tpu.memory_space<vmem>>)
      %scan3A_106 = arith.constant 0 : i32
      %scan3A_107 = arith.constant 0 : i32
      %scan3A_108 = arith.constant 16 : i32
      %scan3A_109 = arith.addi %scan3A_107, %scan3A_108 : i32
      %scan3A_110 = arith.constant 1 : i32
      %scan3A_111 = scf.for %scan3A_280 = %scan3A_107 to %scan3A_109 step %scan3A_110 iter_args(%scan3A_281 = %scan3A_106) -> (i32)  : i32 {
        %get3A_282 = arith.index_cast %scan3A_280 : i32 to index
        %get3A_283 = arith.constant 0 : index
        %get3A_284 = tpu.vector_load %arg10[%get3A_282, %get3A_283] {strides = array<i32>} : memref<16x768xf32, #tpu.memory_space<vmem>>, vector<1x16xf32>,
        %get3A_285 = vector.shape_cast %get3A_284 : vector<1x16xf32> to vector<16xf32>
        %mul3A_286 = vector.broadcast %squeeze3A : f32 to vector<16xf32>
        %mul3A_287 = arith.mulf %get3A_285, %mul3A_286 : vector<16xf32>
        %get3A_288 = arith.index_cast %scan3A_280 : i32 to index
        %get3A_289 = arith.constant 0 : index
        %get3A_290 = tpu.vector_load %arg14[%get3A_288, %get3A_289] {strides = array<i32>} : memref<16x768xf32, #tpu.memory_space<vmem>>, vector<1x16xf32>,
        %get3A_291 = vector.shape_cast %get3A_290 : vector<1x16xf32> to vector<16xf32>
        %add3A_292 = arith.addf %mul3A_287, %get3A_291 : vector<16xf32>
        %swap3A = arith.index_cast %scan3A_280 : i32 to index
        %swap3A_293 = arith.constant 0 : index
        %swap3A_294 = tpu.vector_load %arg10[%swap3A, %swap3A_293] {strides = array<i32>} : memref<16x768xf32, #tpu.memory_space<vmem>>, vector<1x16xf32>,
        %swap3A_295 = vector.shape_cast %swap3A_294 : vector<1x16xf32> to vector<16xf32>
        %swap3A_296 = vector.shape_cast %add3A_292 : vector<16xf32> to vector<1x16xf32>
        tpu.vector_store %arg10[%swap3A, %swap3A_293], %swap3A_296 {strides = array<i32>} : memref<16x768xf32, #tpu.memory_space<vmem>>, vector<1x16xf32>,
        %get3A_297 = arith.index_cast %scan3A_280 : i32 to index
        %get3A_298 = arith.constant 16 : index
        %get3A_299 = tpu.vector_load %arg10[%get3A_297, %get3A_298] {strides = array<i32>} : memref<16x768xf32, #tpu.memory_space<vmem>>, vector<1x16xf32>,
        %get3A_300 = vector.shape_cast %get3A_299 : vector<1x16xf32> to vector<16xf32>
        %mul3A_301 = vector.broadcast %squeeze3A : f32 to vector<16xf32>
        %mul3A_302 = arith.mulf %get3A_300, %mul3A_301 : vector<16xf32>
        %get3A_303 = arith.index_cast %scan3A_280 : i32 to index
        %get3A_304 = arith.constant 16 : index
        %get3A_305 = tpu.vector_load %arg14[%get3A_303, %get3A_304] {strides = array<i32>} : memref<16x768xf32, #tpu.memory_space<vmem>>, vector<1x16xf32>,
        %get3A_306 = vector.shape_cast %get3A_305 : vector<1x16xf32> to vector<16xf32>
        %add3A_307 = arith.addf %mul3A_302, %get3A_306 : vector<16xf32>
        %swap3A_308 = arith.index_cast %scan3A_280 : i32 to index
        %swap3A_309 = arith.constant 16 : index
        %swap3A_310 = tpu.vector_load %arg10[%swap3A_308, %swap3A_309] {strides = array<i32>} : memref<16x768xf32, #tpu.memory_space<vmem>>, vector<1x16xf32>,
        %swap3A_311 = vector.shape_cast %swap3A_310 : vector<1x16xf32> to vector<16xf32>
        %swap3A_312 = vector.shape_cast %add3A_307 : vector<16xf32> to vector<1x16xf32>
        tpu.vector_store %arg10[%swap3A_308, %swap3A_309], %swap3A_312 {strides = array<i32>} : memref<16x768xf32, #tpu.memory_space<vmem>>, vector<1x16xf32>,
        %get3A_313 = arith.index_cast %scan3A_280 : i32 to index
        %get3A_314 = arith.constant 32 : index
        %get3A_315 = tpu.vector_load %arg10[%get3A_313, %get3A_314] {strides = array<i32>} : memref<16x768xf32, #tpu.memory_space<vmem>>, vector<1x16xf32>,
        %get3A_316 = vector.shape_cast %get3A_315 : vector<1x16xf32> to vector<16xf32>
        %mul3A_317 = vector.broadcast %squeeze3A : f32 to vector<16xf32>
        %mul3A_318 = arith.mulf %get3A_316, %mul3A_317 : vector<16xf32>
        %get3A_319 = arith.index_cast %scan3A_280 : i32 to index
        %get3A_320 = arith.constant 32 : index
        %get3A_321 = tpu.vector_load %arg14[%get3A_319, %get3A_320] {strides = array<i32>} : memref<16x768xf32, #tpu.memory_space<vmem>>, vector<1x16xf32>,
        %get3A_322 = vector.shape_cast %get3A_321 : vector<1x16xf32> to vector<16xf32>
        %add3A_323 = arith.addf %mul3A_318, %get3A_322 : vector<16xf32>
        %swap3A_324 = arith.index_cast %scan3A_280 : i32 to index
        %swap3A_325 = arith.constant 32 : index
        %swap3A_326 = tpu.vector_load %arg10[%swap3A_324, %swap3A_325] {strides = array<i32>} : memref<16x768xf32, #tpu.memory_space<vmem>>, vector<1x16xf32>,
        %swap3A_327 = vector.shape_cast %swap3A_326 : vector<1x16xf32> to vector<16xf32>
        %swap3A_328 = vector.shape_cast %add3A_323 : vector<16xf32> to vector<1x16xf32>
        tpu.vector_store %arg10[%swap3A_324, %swap3A_325], %swap3A_328 {strides = array<i32>} : memref<16x768xf32, #tpu.memory_space<vmem>>, vector<1x16xf32>,
        %get3A_329 = arith.index_cast %scan3A_280 : i32 to index
        %get3A_330 = arith.constant 48 : index
        %get3A_331 = tpu.vector_load %arg10[%get3A_329, %get3A_330] {strides = array<i32>} : memref<16x768xf32, #tpu.memory_space<vmem>>, vector<1x16xf32>,
        %get3A_332 = vector.shape_cast %get3A_331 : vector<1x16xf32> to vector<16xf32>
        %mul3A_333 = vector.broadcast %squeeze3A : f32 to vector<16xf32>
        %mul3A_334 = arith.mulf %get3A_332, %mul3A_333 : vector<16xf32>
        %get3A_335 = arith.index_cast %scan3A_280 : i32 to index
        %get3A_336 = arith.constant 48 : index
        %get3A_337 = tpu.vector_load %arg14[%get3A_335, %get3A_336] {strides = array<i32>} : memref<16x768xf32, #tpu.memory_space<vmem>>, vector<1x16xf32>,
        %get3A_338 = vector.shape_cast %get3A_337 : vector<1x16xf32> to vector<16xf32>
        %add3A_339 = arith.addf %mul3A_334, %get3A_338 : vector<16xf32>
        %swap3A_340 = arith.index_cast %scan3A_280 : i32 to index
        %swap3A_341 = arith.constant 48 : index
        %swap3A_342 = tpu.vector_load %arg10[%swap3A_340, %swap3A_341] {strides = array<i32>} : memref<16x768xf32, #tpu.memory_space<vmem>>, vector<1x16xf32>,
        %swap3A_343 = vector.shape_cast %swap3A_342 : vector<1x16xf32> to vector<16xf32>
        %swap3A_344 = vector.shape_cast %add3A_339 : vector<16xf32> to vector<1x16xf32>
        tpu.vector_store %arg10[%swap3A_340, %swap3A_341], %swap3A_344 {strides = array<i32>} : memref<16x768xf32, #tpu.memory_space<vmem>>, vector<1x16xf32>,
        %get3A_345 = arith.index_cast %scan3A_280 : i32 to index
        %get3A_346 = arith.constant 64 : index
        %get3A_347 = tpu.vector_load %arg10[%get3A_345, %get3A_346] {strides = array<i32>} : memref<16x768xf32, #tpu.memory_space<vmem>>, vector<1x16xf32>,
        %get3A_348 = vector.shape_cast %get3A_347 : vector<1x16xf32> to vector<16xf32>
        %mul3A_349 = vector.broadcast %squeeze3A : f32 to vector<16xf32>
        %mul3A_350 = arith.mulf %get3A_348, %mul3A_349 : vector<16xf32>
        %get3A_351 = arith.index_cast %scan3A_280 : i32 to index
        %get3A_352 = arith.constant 64 : index
        %get3A_353 = tpu.vector_load %arg14[%get3A_351, %get3A_352] {strides = array<i32>} : memref<16x768xf32, #tpu.memory_space<vmem>>, vector<1x16xf32>,
        %get3A_354 = vector.shape_cast %get3A_353 : vector<1x16xf32> to vector<16xf32>
        %add3A_355 = arith.addf %mul3A_350, %get3A_354 : vector<16xf32>
        %swap3A_356 = arith.index_cast %scan3A_280 : i32 to index
        %swap3A_357 = arith.constant 64 : index
        %swap3A_358 = tpu.vector_load %arg10[%swap3A_356, %swap3A_357] {strides = array<i32>} : memref<16x768xf32, #tpu.memory_space<vmem>>, vector<1x16xf32>,
        %swap3A_359 = vector.shape_cast %swap3A_358 : vector<1x16xf32> to vector<16xf32>
        %swap3A_360 = vector.shape_cast %add3A_355 : vector<16xf32> to vector<1x16xf32>
        tpu.vector_store %arg10[%swap3A_356, %swap3A_357], %swap3A_360 {strides = array<i32>} : memref<16x768xf32, #tpu.memory_space<vmem>>, vector<1x16xf32>,
        %get3A_361 = arith.index_cast %scan3A_280 : i32 to index
        %get3A_362 = arith.constant 80 : index
        %get3A_363 = tpu.vector_load %arg10[%get3A_361, %get3A_362] {strides = array<i32>} : memref<16x768xf32, #tpu.memory_space<vmem>>, vector<1x16xf32>,
        %get3A_364 = vector.shape_cast %get3A_363 : vector<1x16xf32> to vector<16xf32>
        %mul3A_365 = vector.broadcast %squeeze3A : f32 to vector<16xf32>
        %mul3A_366 = arith.mulf %get3A_364, %mul3A_365 : vector<16xf32>
        %get3A_367 = arith.index_cast %scan3A_280 : i32 to index
        %get3A_368 = arith.constant 80 : index
        %get3A_369 = tpu.vector_load %arg14[%get3A_367, %get3A_368] {strides = array<i32>} : memref<16x768xf32, #tpu.memory_space<vmem>>, vector<1x16xf32>,
        %get3A_370 = vector.shape_cast %get3A_369 : vector<1x16xf32> to vector<16xf32>
        %add3A_371 = arith.addf %mul3A_366, %get3A_370 : vector<16xf32>
        %swap3A_372 = arith.index_cast %scan3A_280 : i32 to index
        %swap3A_373 = arith.constant 80 : index
        %swap3A_374 = tpu.vector_load %arg10[%swap3A_372, %swap3A_373] {strides = array<i32>} : memref<16x768xf32, #tpu.memory_space<vmem>>, vector<1x16xf32>,
        %swap3A_375 = vector.shape_cast %swap3A_374 : vector<1x16xf32> to vector<16xf32>
        %swap3A_376 = vector.shape_cast %add3A_371 : vector<16xf32> to vector<1x16xf32>
        tpu.vector_store %arg10[%swap3A_372, %swap3A_373], %swap3A_376 {strides = array<i32>} : memref<16x768xf32, #tpu.memory_space<vmem>>, vector<1x16xf32>,
        %get3A_377 = arith.index_cast %scan3A_280 : i32 to index
        %get3A_378 = arith.constant 96 : index
        %get3A_379 = tpu.vector_load %arg10[%get3A_377, %get3A_378] {strides = array<i32>} : memref<16x768xf32, #tpu.memory_space<vmem>>, vector<1x16xf32>,
        %get3A_380 = vector.shape_cast %get3A_379 : vector<1x16xf32> to vector<16xf32>
        %mul3A_381 = vector.broadcast %squeeze3A : f32 to vector<16xf32>
        %mul3A_382 = arith.mulf %get3A_380, %mul3A_381 : vector<16xf32>
        %get3A_383 = arith.index_cast %scan3A_280 : i32 to index
        %get3A_384 = arith.constant 96 : index
        %get3A_385 = tpu.vector_load %arg14[%get3A_383, %get3A_384] {strides = array<i32>} : memref<16x768xf32, #tpu.memory_space<vmem>>, vector<1x16xf32>,
        %get3A_386 = vector.shape_cast %get3A_385 : vector<1x16xf32> to vector<16xf32>
        %add3A_387 = arith.addf %mul3A_382, %get3A_386 : vector<16xf32>
        %swap3A_388 = arith.index_cast %scan3A_280 : i32 to index
        %swap3A_389 = arith.constant 96 : index
        %swap3A_390 = tpu.vector_load %arg10[%swap3A_388, %swap3A_389] {strides = array<i32>} : memref<16x768xf32, #tpu.memory_space<vmem>>, vector<1x16xf32>,
        %swap3A_391 = vector.shape_cast %swap3A_390 : vector<1x16xf32> to vector<16xf32>
        %swap3A_392 = vector.shape_cast %add3A_387 : vector<16xf32> to vector<1x16xf32>
        tpu.vector_store %arg10[%swap3A_388, %swap3A_389], %swap3A_392 {strides = array<i32>} : memref<16x768xf32, #tpu.memory_space<vmem>>, vector<1x16xf32>,
        %get3A_393 = arith.index_cast %scan3A_280 : i32 to index
        %get3A_394 = arith.constant 112 : index
        %get3A_395 = tpu.vector_load %arg10[%get3A_393, %get3A_394] {strides = array<i32>} : memref<16x768xf32, #tpu.memory_space<vmem>>, vector<1x16xf32>,
        %get3A_396 = vector.shape_cast %get3A_395 : vector<1x16xf32> to vector<16xf32>
        %mul3A_397 = vector.broadcast %squeeze3A : f32 to vector<16xf32>
        %mul3A_398 = arith.mulf %get3A_396, %mul3A_397 : vector<16xf32>
        %get3A_399 = arith.index_cast %scan3A_280 : i32 to index
        %get3A_400 = arith.constant 112 : index
        %get3A_401 = tpu.vector_load %arg14[%get3A_399, %get3A_400] {strides = array<i32>} : memref<16x768xf32, #tpu.memory_space<vmem>>, vector<1x16xf32>,
        %get3A_402 = vector.shape_cast %get3A_401 : vector<1x16xf32> to vector<16xf32>
        %add3A_403 = arith.addf %mul3A_398, %get3A_402 : vector<16xf32>
        %swap3A_404 = arith.index_cast %scan3A_280 : i32 to index
        %swap3A_405 = arith.constant 112 : index
        %swap3A_406 = tpu.vector_load %arg10[%swap3A_404, %swap3A_405] {strides = array<i32>} : memref<16x768xf32, #tpu.memory_space<vmem>>, vector<1x16xf32>,
        %swap3A_407 = vector.shape_cast %swap3A_406 : vector<1x16xf32> to vector<16xf32>
        %swap3A_408 = vector.shape_cast %add3A_403 : vector<16xf32> to vector<1x16xf32>
        tpu.vector_store %arg10[%swap3A_404, %swap3A_405], %swap3A_408 {strides = array<i32>} : memref<16x768xf32, #tpu.memory_space<vmem>>, vector<1x16xf32>,
        %get3A_409 = arith.index_cast %scan3A_280 : i32 to index
        %get3A_410 = arith.constant 128 : index
        %get3A_411 = tpu.vector_load %arg10[%get3A_409, %get3A_410] {strides = array<i32>} : memref<16x768xf32, #tpu.memory_space<vmem>>, vector<1x16xf32>,
        %get3A_412 = vector.shape_cast %get3A_411 : vector<1x16xf32> to vector<16xf32>
        %mul3A_413 = vector.broadcast %squeeze3A : f32 to vector<16xf32>
        %mul3A_414 = arith.mulf %get3A_412, %mul3A_413 : vector<16xf32>
        %get3A_415 = arith.index_cast %scan3A_280 : i32 to index
        %get3A_416 = arith.constant 128 : index
        %get3A_417 = tpu.vector_load %arg14[%get3A_415, %get3A_416] {strides = array<i32>} : memref<16x768xf32, #tpu.memory_space<vmem>>, vector<1x16xf32>,
        %get3A_418 = vector.shape_cast %get3A_417 : vector<1x16xf32> to vector<16xf32>
        %add3A_419 = arith.addf %mul3A_414, %get3A_418 : vector<16xf32>
        %swap3A_420 = arith.index_cast %scan3A_280 : i32 to index
        %swap3A_421 = arith.constant 128 : index
        %swap3A_422 = tpu.vector_load %arg10[%swap3A_420, %swap3A_421] {strides = array<i32>} : memref<16x768xf32, #tpu.memory_space<vmem>>, vector<1x16xf32>,
        %swap3A_423 = vector.shape_cast %swap3A_422 : vector<1x16xf32> to vector<16xf32>
        %swap3A_424 = vector.shape_cast %add3A_419 : vector<16xf32> to vector<1x16xf32>
        tpu.vector_store %arg10[%swap3A_420, %swap3A_421], %swap3A_424 {strides = array<i32>} : memref<16x768xf32, #tpu.memory_space<vmem>>, vector<1x16xf32>,
        %get3A_425 = arith.index_cast %scan3A_280 : i32 to index
        %get3A_426 = arith.constant 144 : index
        %get3A_427 = tpu.vector_load %arg10[%get3A_425, %get3A_426] {strides = array<i32>} : memref<16x768xf32, #tpu.memory_space<vmem>>, vector<1x16xf32>,
        %get3A_428 = vector.shape_cast %get3A_427 : vector<1x16xf32> to vector<16xf32>
        %mul3A_429 = vector.broadcast %squeeze3A : f32 to vector<16xf32>
        %mul3A_430 = arith.mulf %get3A_428, %mul3A_429 : vector<16xf32>
        %get3A_431 = arith.index_cast %scan3A_280 : i32 to index
        %get3A_432 = arith.constant 144 : index
        %get3A_433 = tpu.vector_load %arg14[%get3A_431, %get3A_432] {strides = array<i32>} : memref<16x768xf32, #tpu.memory_space<vmem>>, vector<1x16xf32>,
        %get3A_434 = vector.shape_cast %get3A_433 : vector<1x16xf32> to vector<16xf32>
        %add3A_435 = arith.addf %mul3A_430, %get3A_434 : vector<16xf32>
        %swap3A_436 = arith.index_cast %scan3A_280 : i32 to index
        %swap3A_437 = arith.constant 144 : index
        %swap3A_438 = tpu.vector_load %arg10[%swap3A_436, %swap3A_437] {strides = array<i32>} : memref<16x768xf32, #tpu.memory_space<vmem>>, vector<1x16xf32>,
        %swap3A_439 = vector.shape_cast %swap3A_438 : vector<1x16xf32> to vector<16xf32>
        %swap3A_440 = vector.shape_cast %add3A_435 : vector<16xf32> to vector<1x16xf32>
        tpu.vector_store %arg10[%swap3A_436, %swap3A_437], %swap3A_440 {strides = array<i32>} : memref<16x768xf32, #tpu.memory_space<vmem>>, vector<1x16xf32>,
        %get3A_441 = arith.index_cast %scan3A_280 : i32 to index
        %get3A_442 = arith.constant 160 : index
        %get3A_443 = tpu.vector_load %arg10[%get3A_441, %get3A_442] {strides = array<i32>} : memref<16x768xf32, #tpu.memory_space<vmem>>, vector<1x16xf32>,
        %get3A_444 = vector.shape_cast %get3A_443 : vector<1x16xf32> to vector<16xf32>
        %mul3A_445 = vector.broadcast %squeeze3A : f32 to vector<16xf32>
        %mul3A_446 = arith.mulf %get3A_444, %mul3A_445 : vector<16xf32>
        %get3A_447 = arith.index_cast %scan3A_280 : i32 to index
        %get3A_448 = arith.constant 160 : index
        %get3A_449 = tpu.vector_load %arg14[%get3A_447, %get3A_448] {strides = array<i32>} : memref<16x768xf32, #tpu.memory_space<vmem>>, vector<1x16xf32>,
        %get3A_450 = vector.shape_cast %get3A_449 : vector<1x16xf32> to vector<16xf32>
        %add3A_451 = arith.addf %mul3A_446, %get3A_450 : vector<16xf32>
        %swap3A_452 = arith.index_cast %scan3A_280 : i32 to index
        %swap3A_453 = arith.constant 160 : index
        %swap3A_454 = tpu.vector_load %arg10[%swap3A_452, %swap3A_453] {strides = array<i32>} : memref<16x768xf32, #tpu.memory_space<vmem>>, vector<1x16xf32>,
        %swap3A_455 = vector.shape_cast %swap3A_454 : vector<1x16xf32> to vector<16xf32>
        %swap3A_456 = vector.shape_cast %add3A_451 : vector<16xf32> to vector<1x16xf32>
        tpu.vector_store %arg10[%swap3A_452, %swap3A_453], %swap3A_456 {strides = array<i32>} : memref<16x768xf32, #tpu.memory_space<vmem>>, vector<1x16xf32>,
        %get3A_457 = arith.index_cast %scan3A_280 : i32 to index
        %get3A_458 = arith.constant 176 : index
        %get3A_459 = tpu.vector_load %arg10[%get3A_457, %get3A_458] {strides = array<i32>} : memref<16x768xf32, #tpu.memory_space<vmem>>, vector<1x16xf32>,
        %get3A_460 = vector.shape_cast %get3A_459 : vector<1x16xf32> to vector<16xf32>
        %mul3A_461 = vector.broadcast %squeeze3A : f32 to vector<16xf32>
        %mul3A_462 = arith.mulf %get3A_460, %mul3A_461 : vector<16xf32>
        %get3A_463 = arith.index_cast %scan3A_280 : i32 to index
        %get3A_464 = arith.constant 176 : index
        %get3A_465 = tpu.vector_load %arg14[%get3A_463, %get3A_464] {strides = array<i32>} : memref<16x768xf32, #tpu.memory_space<vmem>>, vector<1x16xf32>,
        %get3A_466 = vector.shape_cast %get3A_465 : vector<1x16xf32> to vector<16xf32>
        %add3A_467 = arith.addf %mul3A_462, %get3A_466 : vector<16xf32>
        %swap3A_468 = arith.index_cast %scan3A_280 : i32 to index
        %swap3A_469 = arith.constant 176 : index
        %swap3A_470 = tpu.vector_load %arg10[%swap3A_468, %swap3A_469] {strides = array<i32>} : memref<16x768xf32, #tpu.memory_space<vmem>>, vector<1x16xf32>,
        %swap3A_471 = vector.shape_cast %swap3A_470 : vector<1x16xf32> to vector<16xf32>
        %swap3A_472 = vector.shape_cast %add3A_467 : vector<16xf32> to vector<1x16xf32>
        tpu.vector_store %arg10[%swap3A_468, %swap3A_469], %swap3A_472 {strides = array<i32>} : memref<16x768xf32, #tpu.memory_space<vmem>>, vector<1x16xf32>,
        %get3A_473 = arith.index_cast %scan3A_280 : i32 to index
        %get3A_474 = arith.constant 192 : index
        %get3A_475 = tpu.vector_load %arg10[%get3A_473, %get3A_474] {strides = array<i32>} : memref<16x768xf32, #tpu.memory_space<vmem>>, vector<1x16xf32>,
        %get3A_476 = vector.shape_cast %get3A_475 : vector<1x16xf32> to vector<16xf32>
        %mul3A_477 = vector.broadcast %squeeze3A : f32 to vector<16xf32>
        %mul3A_478 = arith.mulf %get3A_476, %mul3A_477 : vector<16xf32>
        %get3A_479 = arith.index_cast %scan3A_280 : i32 to index
        %get3A_480 = arith.constant 192 : index
        %get3A_481 = tpu.vector_load %arg14[%get3A_479, %get3A_480] {strides = array<i32>} : memref<16x768xf32, #tpu.memory_space<vmem>>, vector<1x16xf32>,
        %get3A_482 = vector.shape_cast %get3A_481 : vector<1x16xf32> to vector<16xf32>
        %add3A_483 = arith.addf %mul3A_478, %get3A_482 : vector<16xf32>
        %swap3A_484 = arith.index_cast %scan3A_280 : i32 to index
        %swap3A_485 = arith.constant 192 : index
        %swap3A_486 = tpu.vector_load %arg10[%swap3A_484, %swap3A_485] {strides = array<i32>} : memref<16x768xf32, #tpu.memory_space<vmem>>, vector<1x16xf32>,
        %swap3A_487 = vector.shape_cast %swap3A_486 : vector<1x16xf32> to vector<16xf32>
        %swap3A_488 = vector.shape_cast %add3A_483 : vector<16xf32> to vector<1x16xf32>
        tpu.vector_store %arg10[%swap3A_484, %swap3A_485], %swap3A_488 {strides = array<i32>} : memref<16x768xf32, #tpu.memory_space<vmem>>, vector<1x16xf32>,
        %get3A_489 = arith.index_cast %scan3A_280 : i32 to index
        %get3A_490 = arith.constant 208 : index
        %get3A_491 = tpu.vector_load %arg10[%get3A_489, %get3A_490] {strides = array<i32>} : memref<16x768xf32, #tpu.memory_space<vmem>>, vector<1x16xf32>,
        %get3A_492 = vector.shape_cast %get3A_491 : vector<1x16xf32> to vector<16xf32>
        %mul3A_493 = vector.broadcast %squeeze3A : f32 to vector<16xf32>
        %mul3A_494 = arith.mulf %get3A_492, %mul3A_493 : vector<16xf32>
        %get3A_495 = arith.index_cast %scan3A_280 : i32 to index
        %get3A_496 = arith.constant 208 : index
        %get3A_497 = tpu.vector_load %arg14[%get3A_495, %get3A_496] {strides = array<i32>} : memref<16x768xf32, #tpu.memory_space<vmem>>, vector<1x16xf32>,
        %get3A_498 = vector.shape_cast %get3A_497 : vector<1x16xf32> to vector<16xf32>
        %add3A_499 = arith.addf %mul3A_494, %get3A_498 : vector<16xf32>
        %swap3A_500 = arith.index_cast %scan3A_280 : i32 to index
        %swap3A_501 = arith.constant 208 : index
        %swap3A_502 = tpu.vector_load %arg10[%swap3A_500, %swap3A_501] {strides = array<i32>} : memref<16x768xf32, #tpu.memory_space<vmem>>, vector<1x16xf32>,
        %swap3A_503 = vector.shape_cast %swap3A_502 : vector<1x16xf32> to vector<16xf32>
        %swap3A_504 = vector.shape_cast %add3A_499 : vector<16xf32> to vector<1x16xf32>
        tpu.vector_store %arg10[%swap3A_500, %swap3A_501], %swap3A_504 {strides = array<i32>} : memref<16x768xf32, #tpu.memory_space<vmem>>, vector<1x16xf32>,
        %get3A_505 = arith.index_cast %scan3A_280 : i32 to index
        %get3A_506 = arith.constant 224 : index
        %get3A_507 = tpu.vector_load %arg10[%get3A_505, %get3A_506] {strides = array<i32>} : memref<16x768xf32, #tpu.memory_space<vmem>>, vector<1x16xf32>,
        %get3A_508 = vector.shape_cast %get3A_507 : vector<1x16xf32> to vector<16xf32>
        %mul3A_509 = vector.broadcast %squeeze3A : f32 to vector<16xf32>
        %mul3A_510 = arith.mulf %get3A_508, %mul3A_509 : vector<16xf32>
        %get3A_511 = arith.index_cast %scan3A_280 : i32 to index
        %get3A_512 = arith.constant 224 : index
        %get3A_513 = tpu.vector_load %arg14[%get3A_511, %get3A_512] {strides = array<i32>} : memref<16x768xf32, #tpu.memory_space<vmem>>, vector<1x16xf32>,
        %get3A_514 = vector.shape_cast %get3A_513 : vector<1x16xf32> to vector<16xf32>
        %add3A_515 = arith.addf %mul3A_510, %get3A_514 : vector<16xf32>
        %swap3A_516 = arith.index_cast %scan3A_280 : i32 to index
        %swap3A_517 = arith.constant 224 : index
        %swap3A_518 = tpu.vector_load %arg10[%swap3A_516, %swap3A_517] {strides = array<i32>} : memref<16x768xf32, #tpu.memory_space<vmem>>, vector<1x16xf32>,
        %swap3A_519 = vector.shape_cast %swap3A_518 : vector<1x16xf32> to vector<16xf32>
        %swap3A_520 = vector.shape_cast %add3A_515 : vector<16xf32> to vector<1x16xf32>
        tpu.vector_store %arg10[%swap3A_516, %swap3A_517], %swap3A_520 {strides = array<i32>} : memref<16x768xf32, #tpu.memory_space<vmem>>, vector<1x16xf32>,
        %get3A_521 = arith.index_cast %scan3A_280 : i32 to index
        %get3A_522 = arith.constant 240 : index
        %get3A_523 = tpu.vector_load %arg10[%get3A_521, %get3A_522] {strides = array<i32>} : memref<16x768xf32, #tpu.memory_space<vmem>>, vector<1x16xf32>,
        %get3A_524 = vector.shape_cast %get3A_523 : vector<1x16xf32> to vector<16xf32>
        %mul3A_525 = vector.broadcast %squeeze3A : f32 to vector<16xf32>
        %mul3A_526 = arith.mulf %get3A_524, %mul3A_525 : vector<16xf32>
        %get3A_527 = arith.index_cast %scan3A_280 : i32 to index
        %get3A_528 = arith.constant 240 : index
        %get3A_529 = tpu.vector_load %arg14[%get3A_527, %get3A_528] {strides = array<i32>} : memref<16x768xf32, #tpu.memory_space<vmem>>, vector<1x16xf32>,
        %get3A_530 = vector.shape_cast %get3A_529 : vector<1x16xf32> to vector<16xf32>
        %add3A_531 = arith.addf %mul3A_526, %get3A_530 : vector<16xf32>
        %swap3A_532 = arith.index_cast %scan3A_280 : i32 to index
        %swap3A_533 = arith.constant 240 : index
        %swap3A_534 = tpu.vector_load %arg10[%swap3A_532, %swap3A_533] {strides = array<i32>} : memref<16x768xf32, #tpu.memory_space<vmem>>, vector<1x16xf32>,
        %swap3A_535 = vector.shape_cast %swap3A_534 : vector<1x16xf32> to vector<16xf32>
        %swap3A_536 = vector.shape_cast %add3A_531 : vector<16xf32> to vector<1x16xf32>
        tpu.vector_store %arg10[%swap3A_532, %swap3A_533], %swap3A_536 {strides = array<i32>} : memref<16x768xf32, #tpu.memory_space<vmem>>, vector<1x16xf32>,
        %get3A_537 = arith.index_cast %scan3A_280 : i32 to index
        %get3A_538 = arith.constant 256 : index
        %get3A_539 = tpu.vector_load %arg10[%get3A_537, %get3A_538] {strides = array<i32>} : memref<16x768xf32, #tpu.memory_space<vmem>>, vector<1x16xf32>,
        %get3A_540 = vector.shape_cast %get3A_539 : vector<1x16xf32> to vector<16xf32>
        %mul3A_541 = vector.broadcast %squeeze3A : f32 to vector<16xf32>
        %mul3A_542 = arith.mulf %get3A_540, %mul3A_541 : vector<16xf32>
        %get3A_543 = arith.index_cast %scan3A_280 : i32 to index
        %get3A_544 = arith.constant 256 : index
        %get3A_545 = tpu.vector_load %arg14[%get3A_543, %get3A_544] {strides = array<i32>} : memref<16x768xf32, #tpu.memory_space<vmem>>, vector<1x16xf32>,
        %get3A_546 = vector.shape_cast %get3A_545 : vector<1x16xf32> to vector<16xf32>
        %add3A_547 = arith.addf %mul3A_542, %get3A_546 : vector<16xf32>
        %swap3A_548 = arith.index_cast %scan3A_280 : i32 to index
        %swap3A_549 = arith.constant 256 : index
        %swap3A_550 = tpu.vector_load %arg10[%swap3A_548, %swap3A_549] {strides = array<i32>} : memref<16x768xf32, #tpu.memory_space<vmem>>, vector<1x16xf32>,
        %swap3A_551 = vector.shape_cast %swap3A_550 : vector<1x16xf32> to vector<16xf32>
        %swap3A_552 = vector.shape_cast %add3A_547 : vector<16xf32> to vector<1x16xf32>
        tpu.vector_store %arg10[%swap3A_548, %swap3A_549], %swap3A_552 {strides = array<i32>} : memref<16x768xf32, #tpu.memory_space<vmem>>, vector<1x16xf32>,
        %get3A_553 = arith.index_cast %scan3A_280 : i32 to index
        %get3A_554 = arith.constant 272 : index
        %get3A_555 = tpu.vector_load %arg10[%get3A_553, %get3A_554] {strides = array<i32>} : memref<16x768xf32, #tpu.memory_space<vmem>>, vector<1x16xf32>,
        %get3A_556 = vector.shape_cast %get3A_555 : vector<1x16xf32> to vector<16xf32>
        %mul3A_557 = vector.broadcast %squeeze3A : f32 to vector<16xf32>
        %mul3A_558 = arith.mulf %get3A_556, %mul3A_557 : vector<16xf32>
        %get3A_559 = arith.index_cast %scan3A_280 : i32 to index
        %get3A_560 = arith.constant 272 : index
        %get3A_561 = tpu.vector_load %arg14[%get3A_559, %get3A_560] {strides = array<i32>} : memref<16x768xf32, #tpu.memory_space<vmem>>, vector<1x16xf32>,
        %get3A_562 = vector.shape_cast %get3A_561 : vector<1x16xf32> to vector<16xf32>
        %add3A_563 = arith.addf %mul3A_558, %get3A_562 : vector<16xf32>
        %swap3A_564 = arith.index_cast %scan3A_280 : i32 to index
        %swap3A_565 = arith.constant 272 : index
        %swap3A_566 = tpu.vector_load %arg10[%swap3A_564, %swap3A_565] {strides = array<i32>} : memref<16x768xf32, #tpu.memory_space<vmem>>, vector<1x16xf32>,
        %swap3A_567 = vector.shape_cast %swap3A_566 : vector<1x16xf32> to vector<16xf32>
        %swap3A_568 = vector.shape_cast %add3A_563 : vector<16xf32> to vector<1x16xf32>
        tpu.vector_store %arg10[%swap3A_564, %swap3A_565], %swap3A_568 {strides = array<i32>} : memref<16x768xf32, #tpu.memory_space<vmem>>, vector<1x16xf32>,
        %get3A_569 = arith.index_cast %scan3A_280 : i32 to index
        %get3A_570 = arith.constant 288 : index
        %get3A_571 = tpu.vector_load %arg10[%get3A_569, %get3A_570] {strides = array<i32>} : memref<16x768xf32, #tpu.memory_space<vmem>>, vector<1x16xf32>,
        %get3A_572 = vector.shape_cast %get3A_571 : vector<1x16xf32> to vector<16xf32>
        %mul3A_573 = vector.broadcast %squeeze3A : f32 to vector<16xf32>
        %mul3A_574 = arith.mulf %get3A_572, %mul3A_573 : vector<16xf32>
        %get3A_575 = arith.index_cast %scan3A_280 : i32 to index
        %get3A_576 = arith.constant 288 : index
        %get3A_577 = tpu.vector_load %arg14[%get3A_575, %get3A_576] {strides = array<i32>} : memref<16x768xf32, #tpu.memory_space<vmem>>, vector<1x16xf32>,
        %get3A_578 = vector.shape_cast %get3A_577 : vector<1x16xf32> to vector<16xf32>
        %add3A_579 = arith.addf %mul3A_574, %get3A_578 : vector<16xf32>
        %swap3A_580 = arith.index_cast %scan3A_280 : i32 to index
        %swap3A_581 = arith.constant 288 : index
        %swap3A_582 = tpu.vector_load %arg10[%swap3A_580, %swap3A_581] {strides = array<i32>} : memref<16x768xf32, #tpu.memory_space<vmem>>, vector<1x16xf32>,
        %swap3A_583 = vector.shape_cast %swap3A_582 : vector<1x16xf32> to vector<16xf32>
        %swap3A_584 = vector.shape_cast %add3A_579 : vector<16xf32> to vector<1x16xf32>
        tpu.vector_store %arg10[%swap3A_580, %swap3A_581], %swap3A_584 {strides = array<i32>} : memref<16x768xf32, #tpu.memory_space<vmem>>, vector<1x16xf32>,
        %get3A_585 = arith.index_cast %scan3A_280 : i32 to index
        %get3A_586 = arith.constant 304 : index
        %get3A_587 = tpu.vector_load %arg10[%get3A_585, %get3A_586] {strides = array<i32>} : memref<16x768xf32, #tpu.memory_space<vmem>>, vector<1x16xf32>,
        %get3A_588 = vector.shape_cast %get3A_587 : vector<1x16xf32> to vector<16xf32>
        %mul3A_589 = vector.broadcast %squeeze3A : f32 to vector<16xf32>
        %mul3A_590 = arith.mulf %get3A_588, %mul3A_589 : vector<16xf32>
        %get3A_591 = arith.index_cast %scan3A_280 : i32 to index
        %get3A_592 = arith.constant 304 : index
        %get3A_593 = tpu.vector_load %arg14[%get3A_591, %get3A_592] {strides = array<i32>} : memref<16x768xf32, #tpu.memory_space<vmem>>, vector<1x16xf32>,
        %get3A_594 = vector.shape_cast %get3A_593 : vector<1x16xf32> to vector<16xf32>
        %add3A_595 = arith.addf %mul3A_590, %get3A_594 : vector<16xf32>
        %swap3A_596 = arith.index_cast %scan3A_280 : i32 to index
        %swap3A_597 = arith.constant 304 : index
        %swap3A_598 = tpu.vector_load %arg10[%swap3A_596, %swap3A_597] {strides = array<i32>} : memref<16x768xf32, #tpu.memory_space<vmem>>, vector<1x16xf32>,
        %swap3A_599 = vector.shape_cast %swap3A_598 : vector<1x16xf32> to vector<16xf32>
        %swap3A_600 = vector.shape_cast %add3A_595 : vector<16xf32> to vector<1x16xf32>
        tpu.vector_store %arg10[%swap3A_596, %swap3A_597], %swap3A_600 {strides = array<i32>} : memref<16x768xf32, #tpu.memory_space<vmem>>, vector<1x16xf32>,
        %get3A_601 = arith.index_cast %scan3A_280 : i32 to index
        %get3A_602 = arith.constant 320 : index
        %get3A_603 = tpu.vector_load %arg10[%get3A_601, %get3A_602] {strides = array<i32>} : memref<16x768xf32, #tpu.memory_space<vmem>>, vector<1x16xf32>,
        %get3A_604 = vector.shape_cast %get3A_603 : vector<1x16xf32> to vector<16xf32>
        %mul3A_605 = vector.broadcast %squeeze3A : f32 to vector<16xf32>
        %mul3A_606 = arith.mulf %get3A_604, %mul3A_605 : vector<16xf32>
        %get3A_607 = arith.index_cast %scan3A_280 : i32 to index
        %get3A_608 = arith.constant 320 : index
        %get3A_609 = tpu.vector_load %arg14[%get3A_607, %get3A_608] {strides = array<i32>} : memref<16x768xf32, #tpu.memory_space<vmem>>, vector<1x16xf32>,
        %get3A_610 = vector.shape_cast %get3A_609 : vector<1x16xf32> to vector<16xf32>
        %add3A_611 = arith.addf %mul3A_606, %get3A_610 : vector<16xf32>
        %swap3A_612 = arith.index_cast %scan3A_280 : i32 to index
        %swap3A_613 = arith.constant 320 : index
        %swap3A_614 = tpu.vector_load %arg10[%swap3A_612, %swap3A_613] {strides = array<i32>} : memref<16x768xf32, #tpu.memory_space<vmem>>, vector<1x16xf32>,
        %swap3A_615 = vector.shape_cast %swap3A_614 : vector<1x16xf32> to vector<16xf32>
        %swap3A_616 = vector.shape_cast %add3A_611 : vector<16xf32> to vector<1x16xf32>
        tpu.vector_store %arg10[%swap3A_612, %swap3A_613], %swap3A_616 {strides = array<i32>} : memref<16x768xf32, #tpu.memory_space<vmem>>, vector<1x16xf32>,
        %get3A_617 = arith.index_cast %scan3A_280 : i32 to index
        %get3A_618 = arith.constant 336 : index
        %get3A_619 = tpu.vector_load %arg10[%get3A_617, %get3A_618] {strides = array<i32>} : memref<16x768xf32, #tpu.memory_space<vmem>>, vector<1x16xf32>,
        %get3A_620 = vector.shape_cast %get3A_619 : vector<1x16xf32> to vector<16xf32>
        %mul3A_621 = vector.broadcast %squeeze3A : f32 to vector<16xf32>
        %mul3A_622 = arith.mulf %get3A_620, %mul3A_621 : vector<16xf32>
        %get3A_623 = arith.index_cast %scan3A_280 : i32 to index
        %get3A_624 = arith.constant 336 : index
        %get3A_625 = tpu.vector_load %arg14[%get3A_623, %get3A_624] {strides = array<i32>} : memref<16x768xf32, #tpu.memory_space<vmem>>, vector<1x16xf32>,
        %get3A_626 = vector.shape_cast %get3A_625 : vector<1x16xf32> to vector<16xf32>
        %add3A_627 = arith.addf %mul3A_622, %get3A_626 : vector<16xf32>
        %swap3A_628 = arith.index_cast %scan3A_280 : i32 to index
        %swap3A_629 = arith.constant 336 : index
        %swap3A_630 = tpu.vector_load %arg10[%swap3A_628, %swap3A_629] {strides = array<i32>} : memref<16x768xf32, #tpu.memory_space<vmem>>, vector<1x16xf32>,
        %swap3A_631 = vector.shape_cast %swap3A_630 : vector<1x16xf32> to vector<16xf32>
        %swap3A_632 = vector.shape_cast %add3A_627 : vector<16xf32> to vector<1x16xf32>
        tpu.vector_store %arg10[%swap3A_628, %swap3A_629], %swap3A_632 {strides = array<i32>} : memref<16x768xf32, #tpu.memory_space<vmem>>, vector<1x16xf32>,
        %get3A_633 = arith.index_cast %scan3A_280 : i32 to index
        %get3A_634 = arith.constant 352 : index
        %get3A_635 = tpu.vector_load %arg10[%get3A_633, %get3A_634] {strides = array<i32>} : memref<16x768xf32, #tpu.memory_space<vmem>>, vector<1x16xf32>,
        %get3A_636 = vector.shape_cast %get3A_635 : vector<1x16xf32> to vector<16xf32>
        %mul3A_637 = vector.broadcast %squeeze3A : f32 to vector<16xf32>
        %mul3A_638 = arith.mulf %get3A_636, %mul3A_637 : vector<16xf32>
        %get3A_639 = arith.index_cast %scan3A_280 : i32 to index
        %get3A_640 = arith.constant 352 : index
        %get3A_641 = tpu.vector_load %arg14[%get3A_639, %get3A_640] {strides = array<i32>} : memref<16x768xf32, #tpu.memory_space<vmem>>, vector<1x16xf32>,
        %get3A_642 = vector.shape_cast %get3A_641 : vector<1x16xf32> to vector<16xf32>
        %add3A_643 = arith.addf %mul3A_638, %get3A_642 : vector<16xf32>
        %swap3A_644 = arith.index_cast %scan3A_280 : i32 to index
        %swap3A_645 = arith.constant 352 : index
        %swap3A_646 = tpu.vector_load %arg10[%swap3A_644, %swap3A_645] {strides = array<i32>} : memref<16x768xf32, #tpu.memory_space<vmem>>, vector<1x16xf32>,
        %swap3A_647 = vector.shape_cast %swap3A_646 : vector<1x16xf32> to vector<16xf32>
        %swap3A_648 = vector.shape_cast %add3A_643 : vector<16xf32> to vector<1x16xf32>
        tpu.vector_store %arg10[%swap3A_644, %swap3A_645], %swap3A_648 {strides = array<i32>} : memref<16x768xf32, #tpu.memory_space<vmem>>, vector<1x16xf32>,
        %get3A_649 = arith.index_cast %scan3A_280 : i32 to index
        %get3A_650 = arith.constant 368 : index
        %get3A_651 = tpu.vector_load %arg10[%get3A_649, %get3A_650] {strides = array<i32>} : memref<16x768xf32, #tpu.memory_space<vmem>>, vector<1x16xf32>,
        %get3A_652 = vector.shape_cast %get3A_651 : vector<1x16xf32> to vector<16xf32>
        %mul3A_653 = vector.broadcast %squeeze3A : f32 to vector<16xf32>
        %mul3A_654 = arith.mulf %get3A_652, %mul3A_653 : vector<16xf32>
        %get3A_655 = arith.index_cast %scan3A_280 : i32 to index
        %get3A_656 = arith.constant 368 : index
        %get3A_657 = tpu.vector_load %arg14[%get3A_655, %get3A_656] {strides = array<i32>} : memref<16x768xf32, #tpu.memory_space<vmem>>, vector<1x16xf32>,
        %get3A_658 = vector.shape_cast %get3A_657 : vector<1x16xf32> to vector<16xf32>
        %add3A_659 = arith.addf %mul3A_654, %get3A_658 : vector<16xf32>
        %swap3A_660 = arith.index_cast %scan3A_280 : i32 to index
        %swap3A_661 = arith.constant 368 : index
        %swap3A_662 = tpu.vector_load %arg10[%swap3A_660, %swap3A_661] {strides = array<i32>} : memref<16x768xf32, #tpu.memory_space<vmem>>, vector<1x16xf32>,
        %swap3A_663 = vector.shape_cast %swap3A_662 : vector<1x16xf32> to vector<16xf32>
        %swap3A_664 = vector.shape_cast %add3A_659 : vector<16xf32> to vector<1x16xf32>
        tpu.vector_store %arg10[%swap3A_660, %swap3A_661], %swap3A_664 {strides = array<i32>} : memref<16x768xf32, #tpu.memory_space<vmem>>, vector<1x16xf32>,
        %get3A_665 = arith.index_cast %scan3A_280 : i32 to index
        %get3A_666 = arith.constant 384 : index
        %get3A_667 = tpu.vector_load %arg10[%get3A_665, %get3A_666] {strides = array<i32>} : memref<16x768xf32, #tpu.memory_space<vmem>>, vector<1x16xf32>,
        %get3A_668 = vector.shape_cast %get3A_667 : vector<1x16xf32> to vector<16xf32>
        %mul3A_669 = vector.broadcast %squeeze3A : f32 to vector<16xf32>
        %mul3A_670 = arith.mulf %get3A_668, %mul3A_669 : vector<16xf32>
        %get3A_671 = arith.index_cast %scan3A_280 : i32 to index
        %get3A_672 = arith.constant 384 : index
        %get3A_673 = tpu.vector_load %arg14[%get3A_671, %get3A_672] {strides = array<i32>} : memref<16x768xf32, #tpu.memory_space<vmem>>, vector<1x16xf32>,
        %get3A_674 = vector.shape_cast %get3A_673 : vector<1x16xf32> to vector<16xf32>
        %add3A_675 = arith.addf %mul3A_670, %get3A_674 : vector<16xf32>
        %swap3A_676 = arith.index_cast %scan3A_280 : i32 to index
        %swap3A_677 = arith.constant 384 : index
        %swap3A_678 = tpu.vector_load %arg10[%swap3A_676, %swap3A_677] {strides = array<i32>} : memref<16x768xf32, #tpu.memory_space<vmem>>, vector<1x16xf32>,
        %swap3A_679 = vector.shape_cast %swap3A_678 : vector<1x16xf32> to vector<16xf32>
        %swap3A_680 = vector.shape_cast %add3A_675 : vector<16xf32> to vector<1x16xf32>
        tpu.vector_store %arg10[%swap3A_676, %swap3A_677], %swap3A_680 {strides = array<i32>} : memref<16x768xf32, #tpu.memory_space<vmem>>, vector<1x16xf32>,
        %get3A_681 = arith.index_cast %scan3A_280 : i32 to index
        %get3A_682 = arith.constant 400 : index
        %get3A_683 = tpu.vector_load %arg10[%get3A_681, %get3A_682] {strides = array<i32>} : memref<16x768xf32, #tpu.memory_space<vmem>>, vector<1x16xf32>,
        %get3A_684 = vector.shape_cast %get3A_683 : vector<1x16xf32> to vector<16xf32>
        %mul3A_685 = vector.broadcast %squeeze3A : f32 to vector<16xf32>
        %mul3A_686 = arith.mulf %get3A_684, %mul3A_685 : vector<16xf32>
        %get3A_687 = arith.index_cast %scan3A_280 : i32 to index
        %get3A_688 = arith.constant 400 : index
        %get3A_689 = tpu.vector_load %arg14[%get3A_687, %get3A_688] {strides = array<i32>} : memref<16x768xf32, #tpu.memory_space<vmem>>, vector<1x16xf32>,
        %get3A_690 = vector.shape_cast %get3A_689 : vector<1x16xf32> to vector<16xf32>
        %add3A_691 = arith.addf %mul3A_686, %get3A_690 : vector<16xf32>
        %swap3A_692 = arith.index_cast %scan3A_280 : i32 to index
        %swap3A_693 = arith.constant 400 : index
        %swap3A_694 = tpu.vector_load %arg10[%swap3A_692, %swap3A_693] {strides = array<i32>} : memref<16x768xf32, #tpu.memory_space<vmem>>, vector<1x16xf32>,
        %swap3A_695 = vector.shape_cast %swap3A_694 : vector<1x16xf32> to vector<16xf32>
        %swap3A_696 = vector.shape_cast %add3A_691 : vector<16xf32> to vector<1x16xf32>
        tpu.vector_store %arg10[%swap3A_692, %swap3A_693], %swap3A_696 {strides = array<i32>} : memref<16x768xf32, #tpu.memory_space<vmem>>, vector<1x16xf32>,
        %get3A_697 = arith.index_cast %scan3A_280 : i32 to index
        %get3A_698 = arith.constant 416 : index
        %get3A_699 = tpu.vector_load %arg10[%get3A_697, %get3A_698] {strides = array<i32>} : memref<16x768xf32, #tpu.memory_space<vmem>>, vector<1x16xf32>,
        %get3A_700 = vector.shape_cast %get3A_699 : vector<1x16xf32> to vector<16xf32>
        %mul3A_701 = vector.broadcast %squeeze3A : f32 to vector<16xf32>
        %mul3A_702 = arith.mulf %get3A_700, %mul3A_701 : vector<16xf32>
        %get3A_703 = arith.index_cast %scan3A_280 : i32 to index
        %get3A_704 = arith.constant 416 : index
        %get3A_705 = tpu.vector_load %arg14[%get3A_703, %get3A_704] {strides = array<i32>} : memref<16x768xf32, #tpu.memory_space<vmem>>, vector<1x16xf32>,
        %get3A_706 = vector.shape_cast %get3A_705 : vector<1x16xf32> to vector<16xf32>
        %add3A_707 = arith.addf %mul3A_702, %get3A_706 : vector<16xf32>
        %swap3A_708 = arith.index_cast %scan3A_280 : i32 to index
        %swap3A_709 = arith.constant 416 : index
        %swap3A_710 = tpu.vector_load %arg10[%swap3A_708, %swap3A_709] {strides = array<i32>} : memref<16x768xf32, #tpu.memory_space<vmem>>, vector<1x16xf32>,
        %swap3A_711 = vector.shape_cast %swap3A_710 : vector<1x16xf32> to vector<16xf32>
        %swap3A_712 = vector.shape_cast %add3A_707 : vector<16xf32> to vector<1x16xf32>
        tpu.vector_store %arg10[%swap3A_708, %swap3A_709], %swap3A_712 {strides = array<i32>} : memref<16x768xf32, #tpu.memory_space<vmem>>, vector<1x16xf32>,
        %get3A_713 = arith.index_cast %scan3A_280 : i32 to index
        %get3A_714 = arith.constant 432 : index
        %get3A_715 = tpu.vector_load %arg10[%get3A_713, %get3A_714] {strides = array<i32>} : memref<16x768xf32, #tpu.memory_space<vmem>>, vector<1x16xf32>,
        %get3A_716 = vector.shape_cast %get3A_715 : vector<1x16xf32> to vector<16xf32>
        %mul3A_717 = vector.broadcast %squeeze3A : f32 to vector<16xf32>
        %mul3A_718 = arith.mulf %get3A_716, %mul3A_717 : vector<16xf32>
        %get3A_719 = arith.index_cast %scan3A_280 : i32 to index
        %get3A_720 = arith.constant 432 : index
        %get3A_721 = tpu.vector_load %arg14[%get3A_719, %get3A_720] {strides = array<i32>} : memref<16x768xf32, #tpu.memory_space<vmem>>, vector<1x16xf32>,
        %get3A_722 = vector.shape_cast %get3A_721 : vector<1x16xf32> to vector<16xf32>
        %add3A_723 = arith.addf %mul3A_718, %get3A_722 : vector<16xf32>
        %swap3A_724 = arith.index_cast %scan3A_280 : i32 to index
        %swap3A_725 = arith.constant 432 : index
        %swap3A_726 = tpu.vector_load %arg10[%swap3A_724, %swap3A_725] {strides = array<i32>} : memref<16x768xf32, #tpu.memory_space<vmem>>, vector<1x16xf32>,
        %swap3A_727 = vector.shape_cast %swap3A_726 : vector<1x16xf32> to vector<16xf32>
        %swap3A_728 = vector.shape_cast %add3A_723 : vector<16xf32> to vector<1x16xf32>
        tpu.vector_store %arg10[%swap3A_724, %swap3A_725], %swap3A_728 {strides = array<i32>} : memref<16x768xf32, #tpu.memory_space<vmem>>, vector<1x16xf32>,
        %get3A_729 = arith.index_cast %scan3A_280 : i32 to index
        %get3A_730 = arith.constant 448 : index
        %get3A_731 = tpu.vector_load %arg10[%get3A_729, %get3A_730] {strides = array<i32>} : memref<16x768xf32, #tpu.memory_space<vmem>>, vector<1x16xf32>,
        %get3A_732 = vector.shape_cast %get3A_731 : vector<1x16xf32> to vector<16xf32>
        %mul3A_733 = vector.broadcast %squeeze3A : f32 to vector<16xf32>
        %mul3A_734 = arith.mulf %get3A_732, %mul3A_733 : vector<16xf32>
        %get3A_735 = arith.index_cast %scan3A_280 : i32 to index
        %get3A_736 = arith.constant 448 : index
        %get3A_737 = tpu.vector_load %arg14[%get3A_735, %get3A_736] {strides = array<i32>} : memref<16x768xf32, #tpu.memory_space<vmem>>, vector<1x16xf32>,
        %get3A_738 = vector.shape_cast %get3A_737 : vector<1x16xf32> to vector<16xf32>
        %add3A_739 = arith.addf %mul3A_734, %get3A_738 : vector<16xf32>
        %swap3A_740 = arith.index_cast %scan3A_280 : i32 to index
        %swap3A_741 = arith.constant 448 : index
        %swap3A_742 = tpu.vector_load %arg10[%swap3A_740, %swap3A_741] {strides = array<i32>} : memref<16x768xf32, #tpu.memory_space<vmem>>, vector<1x16xf32>,
        %swap3A_743 = vector.shape_cast %swap3A_742 : vector<1x16xf32> to vector<16xf32>
        %swap3A_744 = vector.shape_cast %add3A_739 : vector<16xf32> to vector<1x16xf32>
        tpu.vector_store %arg10[%swap3A_740, %swap3A_741], %swap3A_744 {strides = array<i32>} : memref<16x768xf32, #tpu.memory_space<vmem>>, vector<1x16xf32>,
        %get3A_745 = arith.index_cast %scan3A_280 : i32 to index
        %get3A_746 = arith.constant 464 : index
        %get3A_747 = tpu.vector_load %arg10[%get3A_745, %get3A_746] {strides = array<i32>} : memref<16x768xf32, #tpu.memory_space<vmem>>, vector<1x16xf32>,
        %get3A_748 = vector.shape_cast %get3A_747 : vector<1x16xf32> to vector<16xf32>
        %mul3A_749 = vector.broadcast %squeeze3A : f32 to vector<16xf32>
        %mul3A_750 = arith.mulf %get3A_748, %mul3A_749 : vector<16xf32>
        %get3A_751 = arith.index_cast %scan3A_280 : i32 to index
        %get3A_752 = arith.constant 464 : index
        %get3A_753 = tpu.vector_load %arg14[%get3A_751, %get3A_752] {strides = array<i32>} : memref<16x768xf32, #tpu.memory_space<vmem>>, vector<1x16xf32>,
        %get3A_754 = vector.shape_cast %get3A_753 : vector<1x16xf32> to vector<16xf32>
        %add3A_755 = arith.addf %mul3A_750, %get3A_754 : vector<16xf32>
        %swap3A_756 = arith.index_cast %scan3A_280 : i32 to index
        %swap3A_757 = arith.constant 464 : index
        %swap3A_758 = tpu.vector_load %arg10[%swap3A_756, %swap3A_757] {strides = array<i32>} : memref<16x768xf32, #tpu.memory_space<vmem>>, vector<1x16xf32>,
        %swap3A_759 = vector.shape_cast %swap3A_758 : vector<1x16xf32> to vector<16xf32>
        %swap3A_760 = vector.shape_cast %add3A_755 : vector<16xf32> to vector<1x16xf32>
        tpu.vector_store %arg10[%swap3A_756, %swap3A_757], %swap3A_760 {strides = array<i32>} : memref<16x768xf32, #tpu.memory_space<vmem>>, vector<1x16xf32>,
        %get3A_761 = arith.index_cast %scan3A_280 : i32 to index
        %get3A_762 = arith.constant 480 : index
        %get3A_763 = tpu.vector_load %arg10[%get3A_761, %get3A_762] {strides = array<i32>} : memref<16x768xf32, #tpu.memory_space<vmem>>, vector<1x16xf32>,
        %get3A_764 = vector.shape_cast %get3A_763 : vector<1x16xf32> to vector<16xf32>
        %mul3A_765 = vector.broadcast %squeeze3A : f32 to vector<16xf32>
        %mul3A_766 = arith.mulf %get3A_764, %mul3A_765 : vector<16xf32>
        %get3A_767 = arith.index_cast %scan3A_280 : i32 to index
        %get3A_768 = arith.constant 480 : index
        %get3A_769 = tpu.vector_load %arg14[%get3A_767, %get3A_768] {strides = array<i32>} : memref<16x768xf32, #tpu.memory_space<vmem>>, vector<1x16xf32>,
        %get3A_770 = vector.shape_cast %get3A_769 : vector<1x16xf32> to vector<16xf32>
        %add3A_771 = arith.addf %mul3A_766, %get3A_770 : vector<16xf32>
        %swap3A_772 = arith.index_cast %scan3A_280 : i32 to index
        %swap3A_773 = arith.constant 480 : index
        %swap3A_774 = tpu.vector_load %arg10[%swap3A_772, %swap3A_773] {strides = array<i32>} : memref<16x768xf32, #tpu.memory_space<vmem>>, vector<1x16xf32>,
        %swap3A_775 = vector.shape_cast %swap3A_774 : vector<1x16xf32> to vector<16xf32>
        %swap3A_776 = vector.shape_cast %add3A_771 : vector<16xf32> to vector<1x16xf32>
        tpu.vector_store %arg10[%swap3A_772, %swap3A_773], %swap3A_776 {strides = array<i32>} : memref<16x768xf32, #tpu.memory_space<vmem>>, vector<1x16xf32>,
        %get3A_777 = arith.index_cast %scan3A_280 : i32 to index
        %get3A_778 = arith.constant 496 : index
        %get3A_779 = tpu.vector_load %arg10[%get3A_777, %get3A_778] {strides = array<i32>} : memref<16x768xf32, #tpu.memory_space<vmem>>, vector<1x16xf32>,
        %get3A_780 = vector.shape_cast %get3A_779 : vector<1x16xf32> to vector<16xf32>
        %mul3A_781 = vector.broadcast %squeeze3A : f32 to vector<16xf32>
        %mul3A_782 = arith.mulf %get3A_780, %mul3A_781 : vector<16xf32>
        %get3A_783 = arith.index_cast %scan3A_280 : i32 to index
        %get3A_784 = arith.constant 496 : index
        %get3A_785 = tpu.vector_load %arg14[%get3A_783, %get3A_784] {strides = array<i32>} : memref<16x768xf32, #tpu.memory_space<vmem>>, vector<1x16xf32>,
        %get3A_786 = vector.shape_cast %get3A_785 : vector<1x16xf32> to vector<16xf32>
        %add3A_787 = arith.addf %mul3A_782, %get3A_786 : vector<16xf32>
        %swap3A_788 = arith.index_cast %scan3A_280 : i32 to index
        %swap3A_789 = arith.constant 496 : index
        %swap3A_790 = tpu.vector_load %arg10[%swap3A_788, %swap3A_789] {strides = array<i32>} : memref<16x768xf32, #tpu.memory_space<vmem>>, vector<1x16xf32>,
        %swap3A_791 = vector.shape_cast %swap3A_790 : vector<1x16xf32> to vector<16xf32>
        %swap3A_792 = vector.shape_cast %add3A_787 : vector<16xf32> to vector<1x16xf32>
        tpu.vector_store %arg10[%swap3A_788, %swap3A_789], %swap3A_792 {strides = array<i32>} : memref<16x768xf32, #tpu.memory_space<vmem>>, vector<1x16xf32>,
        %get3A_793 = arith.index_cast %scan3A_280 : i32 to index
        %get3A_794 = arith.constant 512 : index
        %get3A_795 = tpu.vector_load %arg10[%get3A_793, %get3A_794] {strides = array<i32>} : memref<16x768xf32, #tpu.memory_space<vmem>>, vector<1x16xf32>,
        %get3A_796 = vector.shape_cast %get3A_795 : vector<1x16xf32> to vector<16xf32>
        %mul3A_797 = vector.broadcast %squeeze3A : f32 to vector<16xf32>
        %mul3A_798 = arith.mulf %get3A_796, %mul3A_797 : vector<16xf32>
        %get3A_799 = arith.index_cast %scan3A_280 : i32 to index
        %get3A_800 = arith.constant 512 : index
        %get3A_801 = tpu.vector_load %arg14[%get3A_799, %get3A_800] {strides = array<i32>} : memref<16x768xf32, #tpu.memory_space<vmem>>, vector<1x16xf32>,
        %get3A_802 = vector.shape_cast %get3A_801 : vector<1x16xf32> to vector<16xf32>
        %add3A_803 = arith.addf %mul3A_798, %get3A_802 : vector<16xf32>
        %swap3A_804 = arith.index_cast %scan3A_280 : i32 to index
        %swap3A_805 = arith.constant 512 : index
        %swap3A_806 = tpu.vector_load %arg10[%swap3A_804, %swap3A_805] {strides = array<i32>} : memref<16x768xf32, #tpu.memory_space<vmem>>, vector<1x16xf32>,
        %swap3A_807 = vector.shape_cast %swap3A_806 : vector<1x16xf32> to vector<16xf32>
        %swap3A_808 = vector.shape_cast %add3A_803 : vector<16xf32> to vector<1x16xf32>
        tpu.vector_store %arg10[%swap3A_804, %swap3A_805], %swap3A_808 {strides = array<i32>} : memref<16x768xf32, #tpu.memory_space<vmem>>, vector<1x16xf32>,
        %get3A_809 = arith.index_cast %scan3A_280 : i32 to index
        %get3A_810 = arith.constant 528 : index
        %get3A_811 = tpu.vector_load %arg10[%get3A_809, %get3A_810] {strides = array<i32>} : memref<16x768xf32, #tpu.memory_space<vmem>>, vector<1x16xf32>,
        %get3A_812 = vector.shape_cast %get3A_811 : vector<1x16xf32> to vector<16xf32>
        %mul3A_813 = vector.broadcast %squeeze3A : f32 to vector<16xf32>
        %mul3A_814 = arith.mulf %get3A_812, %mul3A_813 : vector<16xf32>
        %get3A_815 = arith.index_cast %scan3A_280 : i32 to index
        %get3A_816 = arith.constant 528 : index
        %get3A_817 = tpu.vector_load %arg14[%get3A_815, %get3A_816] {strides = array<i32>} : memref<16x768xf32, #tpu.memory_space<vmem>>, vector<1x16xf32>,
        %get3A_818 = vector.shape_cast %get3A_817 : vector<1x16xf32> to vector<16xf32>
        %add3A_819 = arith.addf %mul3A_814, %get3A_818 : vector<16xf32>
        %swap3A_820 = arith.index_cast %scan3A_280 : i32 to index
        %swap3A_821 = arith.constant 528 : index
        %swap3A_822 = tpu.vector_load %arg10[%swap3A_820, %swap3A_821] {strides = array<i32>} : memref<16x768xf32, #tpu.memory_space<vmem>>, vector<1x16xf32>,
        %swap3A_823 = vector.shape_cast %swap3A_822 : vector<1x16xf32> to vector<16xf32>
        %swap3A_824 = vector.shape_cast %add3A_819 : vector<16xf32> to vector<1x16xf32>
        tpu.vector_store %arg10[%swap3A_820, %swap3A_821], %swap3A_824 {strides = array<i32>} : memref<16x768xf32, #tpu.memory_space<vmem>>, vector<1x16xf32>,
        %get3A_825 = arith.index_cast %scan3A_280 : i32 to index
        %get3A_826 = arith.constant 544 : index
        %get3A_827 = tpu.vector_load %arg10[%get3A_825, %get3A_826] {strides = array<i32>} : memref<16x768xf32, #tpu.memory_space<vmem>>, vector<1x16xf32>,
        %get3A_828 = vector.shape_cast %get3A_827 : vector<1x16xf32> to vector<16xf32>
        %mul3A_829 = vector.broadcast %squeeze3A : f32 to vector<16xf32>
        %mul3A_830 = arith.mulf %get3A_828, %mul3A_829 : vector<16xf32>
        %get3A_831 = arith.index_cast %scan3A_280 : i32 to index
        %get3A_832 = arith.constant 544 : index
        %get3A_833 = tpu.vector_load %arg14[%get3A_831, %get3A_832] {strides = array<i32>} : memref<16x768xf32, #tpu.memory_space<vmem>>, vector<1x16xf32>,
        %get3A_834 = vector.shape_cast %get3A_833 : vector<1x16xf32> to vector<16xf32>
        %add3A_835 = arith.addf %mul3A_830, %get3A_834 : vector<16xf32>
        %swap3A_836 = arith.index_cast %scan3A_280 : i32 to index
        %swap3A_837 = arith.constant 544 : index
        %swap3A_838 = tpu.vector_load %arg10[%swap3A_836, %swap3A_837] {strides = array<i32>} : memref<16x768xf32, #tpu.memory_space<vmem>>, vector<1x16xf32>,
        %swap3A_839 = vector.shape_cast %swap3A_838 : vector<1x16xf32> to vector<16xf32>
        %swap3A_840 = vector.shape_cast %add3A_835 : vector<16xf32> to vector<1x16xf32>
        tpu.vector_store %arg10[%swap3A_836, %swap3A_837], %swap3A_840 {strides = array<i32>} : memref<16x768xf32, #tpu.memory_space<vmem>>, vector<1x16xf32>,
        %get3A_841 = arith.index_cast %scan3A_280 : i32 to index
        %get3A_842 = arith.constant 560 : index
        %get3A_843 = tpu.vector_load %arg10[%get3A_841, %get3A_842] {strides = array<i32>} : memref<16x768xf32, #tpu.memory_space<vmem>>, vector<1x16xf32>,
        %get3A_844 = vector.shape_cast %get3A_843 : vector<1x16xf32> to vector<16xf32>
        %mul3A_845 = vector.broadcast %squeeze3A : f32 to vector<16xf32>
        %mul3A_846 = arith.mulf %get3A_844, %mul3A_845 : vector<16xf32>
        %get3A_847 = arith.index_cast %scan3A_280 : i32 to index
        %get3A_848 = arith.constant 560 : index
        %get3A_849 = tpu.vector_load %arg14[%get3A_847, %get3A_848] {strides = array<i32>} : memref<16x768xf32, #tpu.memory_space<vmem>>, vector<1x16xf32>,
        %get3A_850 = vector.shape_cast %get3A_849 : vector<1x16xf32> to vector<16xf32>
        %add3A_851 = arith.addf %mul3A_846, %get3A_850 : vector<16xf32>
        %swap3A_852 = arith.index_cast %scan3A_280 : i32 to index
        %swap3A_853 = arith.constant 560 : index
        %swap3A_854 = tpu.vector_load %arg10[%swap3A_852, %swap3A_853] {strides = array<i32>} : memref<16x768xf32, #tpu.memory_space<vmem>>, vector<1x16xf32>,
        %swap3A_855 = vector.shape_cast %swap3A_854 : vector<1x16xf32> to vector<16xf32>
        %swap3A_856 = vector.shape_cast %add3A_851 : vector<16xf32> to vector<1x16xf32>
        tpu.vector_store %arg10[%swap3A_852, %swap3A_853], %swap3A_856 {strides = array<i32>} : memref<16x768xf32, #tpu.memory_space<vmem>>, vector<1x16xf32>,
        %get3A_857 = arith.index_cast %scan3A_280 : i32 to index
        %get3A_858 = arith.constant 576 : index
        %get3A_859 = tpu.vector_load %arg10[%get3A_857, %get3A_858] {strides = array<i32>} : memref<16x768xf32, #tpu.memory_space<vmem>>, vector<1x16xf32>,
        %get3A_860 = vector.shape_cast %get3A_859 : vector<1x16xf32> to vector<16xf32>
        %mul3A_861 = vector.broadcast %squeeze3A : f32 to vector<16xf32>
        %mul3A_862 = arith.mulf %get3A_860, %mul3A_861 : vector<16xf32>
        %get3A_863 = arith.index_cast %scan3A_280 : i32 to index
        %get3A_864 = arith.constant 576 : index
        %get3A_865 = tpu.vector_load %arg14[%get3A_863, %get3A_864] {strides = array<i32>} : memref<16x768xf32, #tpu.memory_space<vmem>>, vector<1x16xf32>,
        %get3A_866 = vector.shape_cast %get3A_865 : vector<1x16xf32> to vector<16xf32>
        %add3A_867 = arith.addf %mul3A_862, %get3A_866 : vector<16xf32>
        %swap3A_868 = arith.index_cast %scan3A_280 : i32 to index
        %swap3A_869 = arith.constant 576 : index
        %swap3A_870 = tpu.vector_load %arg10[%swap3A_868, %swap3A_869] {strides = array<i32>} : memref<16x768xf32, #tpu.memory_space<vmem>>, vector<1x16xf32>,
        %swap3A_871 = vector.shape_cast %swap3A_870 : vector<1x16xf32> to vector<16xf32>
        %swap3A_872 = vector.shape_cast %add3A_867 : vector<16xf32> to vector<1x16xf32>
        tpu.vector_store %arg10[%swap3A_868, %swap3A_869], %swap3A_872 {strides = array<i32>} : memref<16x768xf32, #tpu.memory_space<vmem>>, vector<1x16xf32>,
        %get3A_873 = arith.index_cast %scan3A_280 : i32 to index
        %get3A_874 = arith.constant 592 : index
        %get3A_875 = tpu.vector_load %arg10[%get3A_873, %get3A_874] {strides = array<i32>} : memref<16x768xf32, #tpu.memory_space<vmem>>, vector<1x16xf32>,
        %get3A_876 = vector.shape_cast %get3A_875 : vector<1x16xf32> to vector<16xf32>
        %mul3A_877 = vector.broadcast %squeeze3A : f32 to vector<16xf32>
        %mul3A_878 = arith.mulf %get3A_876, %mul3A_877 : vector<16xf32>
        %get3A_879 = arith.index_cast %scan3A_280 : i32 to index
        %get3A_880 = arith.constant 592 : index
        %get3A_881 = tpu.vector_load %arg14[%get3A_879, %get3A_880] {strides = array<i32>} : memref<16x768xf32, #tpu.memory_space<vmem>>, vector<1x16xf32>,
        %get3A_882 = vector.shape_cast %get3A_881 : vector<1x16xf32> to vector<16xf32>
        %add3A_883 = arith.addf %mul3A_878, %get3A_882 : vector<16xf32>
        %swap3A_884 = arith.index_cast %scan3A_280 : i32 to index
        %swap3A_885 = arith.constant 592 : index
        %swap3A_886 = tpu.vector_load %arg10[%swap3A_884, %swap3A_885] {strides = array<i32>} : memref<16x768xf32, #tpu.memory_space<vmem>>, vector<1x16xf32>,
        %swap3A_887 = vector.shape_cast %swap3A_886 : vector<1x16xf32> to vector<16xf32>
        %swap3A_888 = vector.shape_cast %add3A_883 : vector<16xf32> to vector<1x16xf32>
        tpu.vector_store %arg10[%swap3A_884, %swap3A_885], %swap3A_888 {strides = array<i32>} : memref<16x768xf32, #tpu.memory_space<vmem>>, vector<1x16xf32>,
        %get3A_889 = arith.index_cast %scan3A_280 : i32 to index
        %get3A_890 = arith.constant 608 : index
        %get3A_891 = tpu.vector_load %arg10[%get3A_889, %get3A_890] {strides = array<i32>} : memref<16x768xf32, #tpu.memory_space<vmem>>, vector<1x16xf32>,
        %get3A_892 = vector.shape_cast %get3A_891 : vector<1x16xf32> to vector<16xf32>
        %mul3A_893 = vector.broadcast %squeeze3A : f32 to vector<16xf32>
        %mul3A_894 = arith.mulf %get3A_892, %mul3A_893 : vector<16xf32>
        %get3A_895 = arith.index_cast %scan3A_280 : i32 to index
        %get3A_896 = arith.constant 608 : index
        %get3A_897 = tpu.vector_load %arg14[%get3A_895, %get3A_896] {strides = array<i32>} : memref<16x768xf32, #tpu.memory_space<vmem>>, vector<1x16xf32>,
        %get3A_898 = vector.shape_cast %get3A_897 : vector<1x16xf32> to vector<16xf32>
        %add3A_899 = arith.addf %mul3A_894, %get3A_898 : vector<16xf32>
        %swap3A_900 = arith.index_cast %scan3A_280 : i32 to index
        %swap3A_901 = arith.constant 608 : index
        %swap3A_902 = tpu.vector_load %arg10[%swap3A_900, %swap3A_901] {strides = array<i32>} : memref<16x768xf32, #tpu.memory_space<vmem>>, vector<1x16xf32>,
        %swap3A_903 = vector.shape_cast %swap3A_902 : vector<1x16xf32> to vector<16xf32>
        %swap3A_904 = vector.shape_cast %add3A_899 : vector<16xf32> to vector<1x16xf32>
        tpu.vector_store %arg10[%swap3A_900, %swap3A_901], %swap3A_904 {strides = array<i32>} : memref<16x768xf32, #tpu.memory_space<vmem>>, vector<1x16xf32>,
        %get3A_905 = arith.index_cast %scan3A_280 : i32 to index
        %get3A_906 = arith.constant 624 : index
        %get3A_907 = tpu.vector_load %arg10[%get3A_905, %get3A_906] {strides = array<i32>} : memref<16x768xf32, #tpu.memory_space<vmem>>, vector<1x16xf32>,
        %get3A_908 = vector.shape_cast %get3A_907 : vector<1x16xf32> to vector<16xf32>
        %mul3A_909 = vector.broadcast %squeeze3A : f32 to vector<16xf32>
        %mul3A_910 = arith.mulf %get3A_908, %mul3A_909 : vector<16xf32>
        %get3A_911 = arith.index_cast %scan3A_280 : i32 to index
        %get3A_912 = arith.constant 624 : index
        %get3A_913 = tpu.vector_load %arg14[%get3A_911, %get3A_912] {strides = array<i32>} : memref<16x768xf32, #tpu.memory_space<vmem>>, vector<1x16xf32>,
        %get3A_914 = vector.shape_cast %get3A_913 : vector<1x16xf32> to vector<16xf32>
        %add3A_915 = arith.addf %mul3A_910, %get3A_914 : vector<16xf32>
        %swap3A_916 = arith.index_cast %scan3A_280 : i32 to index
        %swap3A_917 = arith.constant 624 : index
        %swap3A_918 = tpu.vector_load %arg10[%swap3A_916, %swap3A_917] {strides = array<i32>} : memref<16x768xf32, #tpu.memory_space<vmem>>, vector<1x16xf32>,
        %swap3A_919 = vector.shape_cast %swap3A_918 : vector<1x16xf32> to vector<16xf32>
        %swap3A_920 = vector.shape_cast %add3A_915 : vector<16xf32> to vector<1x16xf32>
        tpu.vector_store %arg10[%swap3A_916, %swap3A_917], %swap3A_920 {strides = array<i32>} : memref<16x768xf32, #tpu.memory_space<vmem>>, vector<1x16xf32>,
        %get3A_921 = arith.index_cast %scan3A_280 : i32 to index
        %get3A_922 = arith.constant 640 : index
        %get3A_923 = tpu.vector_load %arg10[%get3A_921, %get3A_922] {strides = array<i32>} : memref<16x768xf32, #tpu.memory_space<vmem>>, vector<1x16xf32>,
        %get3A_924 = vector.shape_cast %get3A_923 : vector<1x16xf32> to vector<16xf32>
        %mul3A_925 = vector.broadcast %squeeze3A : f32 to vector<16xf32>
        %mul3A_926 = arith.mulf %get3A_924, %mul3A_925 : vector<16xf32>
        %get3A_927 = arith.index_cast %scan3A_280 : i32 to index
        %get3A_928 = arith.constant 640 : index
        %get3A_929 = tpu.vector_load %arg14[%get3A_927, %get3A_928] {strides = array<i32>} : memref<16x768xf32, #tpu.memory_space<vmem>>, vector<1x16xf32>,
        %get3A_930 = vector.shape_cast %get3A_929 : vector<1x16xf32> to vector<16xf32>
        %add3A_931 = arith.addf %mul3A_926, %get3A_930 : vector<16xf32>
        %swap3A_932 = arith.index_cast %scan3A_280 : i32 to index
        %swap3A_933 = arith.constant 640 : index
        %swap3A_934 = tpu.vector_load %arg10[%swap3A_932, %swap3A_933] {strides = array<i32>} : memref<16x768xf32, #tpu.memory_space<vmem>>, vector<1x16xf32>,
        %swap3A_935 = vector.shape_cast %swap3A_934 : vector<1x16xf32> to vector<16xf32>
        %swap3A_936 = vector.shape_cast %add3A_931 : vector<16xf32> to vector<1x16xf32>
        tpu.vector_store %arg10[%swap3A_932, %swap3A_933], %swap3A_936 {strides = array<i32>} : memref<16x768xf32, #tpu.memory_space<vmem>>, vector<1x16xf32>,
        %get3A_937 = arith.index_cast %scan3A_280 : i32 to index
        %get3A_938 = arith.constant 656 : index
        %get3A_939 = tpu.vector_load %arg10[%get3A_937, %get3A_938] {strides = array<i32>} : memref<16x768xf32, #tpu.memory_space<vmem>>, vector<1x16xf32>,
        %get3A_940 = vector.shape_cast %get3A_939 : vector<1x16xf32> to vector<16xf32>
        %mul3A_941 = vector.broadcast %squeeze3A : f32 to vector<16xf32>
        %mul3A_942 = arith.mulf %get3A_940, %mul3A_941 : vector<16xf32>
        %get3A_943 = arith.index_cast %scan3A_280 : i32 to index
        %get3A_944 = arith.constant 656 : index
        %get3A_945 = tpu.vector_load %arg14[%get3A_943, %get3A_944] {strides = array<i32>} : memref<16x768xf32, #tpu.memory_space<vmem>>, vector<1x16xf32>,
        %get3A_946 = vector.shape_cast %get3A_945 : vector<1x16xf32> to vector<16xf32>
        %add3A_947 = arith.addf %mul3A_942, %get3A_946 : vector<16xf32>
        %swap3A_948 = arith.index_cast %scan3A_280 : i32 to index
        %swap3A_949 = arith.constant 656 : index
        %swap3A_950 = tpu.vector_load %arg10[%swap3A_948, %swap3A_949] {strides = array<i32>} : memref<16x768xf32, #tpu.memory_space<vmem>>, vector<1x16xf32>,
        %swap3A_951 = vector.shape_cast %swap3A_950 : vector<1x16xf32> to vector<16xf32>
        %swap3A_952 = vector.shape_cast %add3A_947 : vector<16xf32> to vector<1x16xf32>
        tpu.vector_store %arg10[%swap3A_948, %swap3A_949], %swap3A_952 {strides = array<i32>} : memref<16x768xf32, #tpu.memory_space<vmem>>, vector<1x16xf32>,
        %get3A_953 = arith.index_cast %scan3A_280 : i32 to index
        %get3A_954 = arith.constant 672 : index
        %get3A_955 = tpu.vector_load %arg10[%get3A_953, %get3A_954] {strides = array<i32>} : memref<16x768xf32, #tpu.memory_space<vmem>>, vector<1x16xf32>,
        %get3A_956 = vector.shape_cast %get3A_955 : vector<1x16xf32> to vector<16xf32>
        %mul3A_957 = vector.broadcast %squeeze3A : f32 to vector<16xf32>
        %mul3A_958 = arith.mulf %get3A_956, %mul3A_957 : vector<16xf32>
        %get3A_959 = arith.index_cast %scan3A_280 : i32 to index
        %get3A_960 = arith.constant 672 : index
        %get3A_961 = tpu.vector_load %arg14[%get3A_959, %get3A_960] {strides = array<i32>} : memref<16x768xf32, #tpu.memory_space<vmem>>, vector<1x16xf32>,
        %get3A_962 = vector.shape_cast %get3A_961 : vector<1x16xf32> to vector<16xf32>
        %add3A_963 = arith.addf %mul3A_958, %get3A_962 : vector<16xf32>
        %swap3A_964 = arith.index_cast %scan3A_280 : i32 to index
        %swap3A_965 = arith.constant 672 : index
        %swap3A_966 = tpu.vector_load %arg10[%swap3A_964, %swap3A_965] {strides = array<i32>} : memref<16x768xf32, #tpu.memory_space<vmem>>, vector<1x16xf32>,
        %swap3A_967 = vector.shape_cast %swap3A_966 : vector<1x16xf32> to vector<16xf32>
        %swap3A_968 = vector.shape_cast %add3A_963 : vector<16xf32> to vector<1x16xf32>
        tpu.vector_store %arg10[%swap3A_964, %swap3A_965], %swap3A_968 {strides = array<i32>} : memref<16x768xf32, #tpu.memory_space<vmem>>, vector<1x16xf32>,
        %get3A_969 = arith.index_cast %scan3A_280 : i32 to index
        %get3A_970 = arith.constant 688 : index
        %get3A_971 = tpu.vector_load %arg10[%get3A_969, %get3A_970] {strides = array<i32>} : memref<16x768xf32, #tpu.memory_space<vmem>>, vector<1x16xf32>,
        %get3A_972 = vector.shape_cast %get3A_971 : vector<1x16xf32> to vector<16xf32>
        %mul3A_973 = vector.broadcast %squeeze3A : f32 to vector<16xf32>
        %mul3A_974 = arith.mulf %get3A_972, %mul3A_973 : vector<16xf32>
        %get3A_975 = arith.index_cast %scan3A_280 : i32 to index
        %get3A_976 = arith.constant 688 : index
        %get3A_977 = tpu.vector_load %arg14[%get3A_975, %get3A_976] {strides = array<i32>} : memref<16x768xf32, #tpu.memory_space<vmem>>, vector<1x16xf32>,
        %get3A_978 = vector.shape_cast %get3A_977 : vector<1x16xf32> to vector<16xf32>
        %add3A_979 = arith.addf %mul3A_974, %get3A_978 : vector<16xf32>
        %swap3A_980 = arith.index_cast %scan3A_280 : i32 to index
        %swap3A_981 = arith.constant 688 : index
        %swap3A_982 = tpu.vector_load %arg10[%swap3A_980, %swap3A_981] {strides = array<i32>} : memref<16x768xf32, #tpu.memory_space<vmem>>, vector<1x16xf32>,
        %swap3A_983 = vector.shape_cast %swap3A_982 : vector<1x16xf32> to vector<16xf32>
        %swap3A_984 = vector.shape_cast %add3A_979 : vector<16xf32> to vector<1x16xf32>
        tpu.vector_store %arg10[%swap3A_980, %swap3A_981], %swap3A_984 {strides = array<i32>} : memref<16x768xf32, #tpu.memory_space<vmem>>, vector<1x16xf32>,
        %get3A_985 = arith.index_cast %scan3A_280 : i32 to index
        %get3A_986 = arith.constant 704 : index
        %get3A_987 = tpu.vector_load %arg10[%get3A_985, %get3A_986] {strides = array<i32>} : memref<16x768xf32, #tpu.memory_space<vmem>>, vector<1x16xf32>,
        %get3A_988 = vector.shape_cast %get3A_987 : vector<1x16xf32> to vector<16xf32>
        %mul3A_989 = vector.broadcast %squeeze3A : f32 to vector<16xf32>
        %mul3A_990 = arith.mulf %get3A_988, %mul3A_989 : vector<16xf32>
        %get3A_991 = arith.index_cast %scan3A_280 : i32 to index
        %get3A_992 = arith.constant 704 : index
        %get3A_993 = tpu.vector_load %arg14[%get3A_991, %get3A_992] {strides = array<i32>} : memref<16x768xf32, #tpu.memory_space<vmem>>, vector<1x16xf32>,
        %get3A_994 = vector.shape_cast %get3A_993 : vector<1x16xf32> to vector<16xf32>
        %add3A_995 = arith.addf %mul3A_990, %get3A_994 : vector<16xf32>
        %swap3A_996 = arith.index_cast %scan3A_280 : i32 to index
        %swap3A_997 = arith.constant 704 : index
        %swap3A_998 = tpu.vector_load %arg10[%swap3A_996, %swap3A_997] {strides = array<i32>} : memref<16x768xf32, #tpu.memory_space<vmem>>, vector<1x16xf32>,
        %swap3A_999 = vector.shape_cast %swap3A_998 : vector<1x16xf32> to vector<16xf32>
        %swap3A_1000 = vector.shape_cast %add3A_995 : vector<16xf32> to vector<1x16xf32>
        tpu.vector_store %arg10[%swap3A_996, %swap3A_997], %swap3A_1000 {strides = array<i32>} : memref<16x768xf32, #tpu.memory_space<vmem>>, vector<1x16xf32>,
        %get3A_1001 = arith.index_cast %scan3A_280 : i32 to index
        %get3A_1002 = arith.constant 720 : index
        %get3A_1003 = tpu.vector_load %arg10[%get3A_1001, %get3A_1002] {strides = array<i32>} : memref<16x768xf32, #tpu.memory_space<vmem>>, vector<1x16xf32>,
        %get3A_1004 = vector.shape_cast %get3A_1003 : vector<1x16xf32> to vector<16xf32>
        %mul3A_1005 = vector.broadcast %squeeze3A : f32 to vector<16xf32>
        %mul3A_1006 = arith.mulf %get3A_1004, %mul3A_1005 : vector<16xf32>
        %get3A_1007 = arith.index_cast %scan3A_280 : i32 to index
        %get3A_1008 = arith.constant 720 : index
        %get3A_1009 = tpu.vector_load %arg14[%get3A_1007, %get3A_1008] {strides = array<i32>} : memref<16x768xf32, #tpu.memory_space<vmem>>, vector<1x16xf32>,
        %get3A_1010 = vector.shape_cast %get3A_1009 : vector<1x16xf32> to vector<16xf32>
        %add3A_1011 = arith.addf %mul3A_1006, %get3A_1010 : vector<16xf32>
        %swap3A_1012 = arith.index_cast %scan3A_280 : i32 to index
        %swap3A_1013 = arith.constant 720 : index
        %swap3A_1014 = tpu.vector_load %arg10[%swap3A_1012, %swap3A_1013] {strides = array<i32>} : memref<16x768xf32, #tpu.memory_space<vmem>>, vector<1x16xf32>,
        %swap3A_1015 = vector.shape_cast %swap3A_1014 : vector<1x16xf32> to vector<16xf32>
        %swap3A_1016 = vector.shape_cast %add3A_1011 : vector<16xf32> to vector<1x16xf32>
        tpu.vector_store %arg10[%swap3A_1012, %swap3A_1013], %swap3A_1016 {strides = array<i32>} : memref<16x768xf32, #tpu.memory_space<vmem>>, vector<1x16xf32>,
        %get3A_1017 = arith.index_cast %scan3A_280 : i32 to index
        %get3A_1018 = arith.constant 736 : index
        %get3A_1019 = tpu.vector_load %arg10[%get3A_1017, %get3A_1018] {strides = array<i32>} : memref<16x768xf32, #tpu.memory_space<vmem>>, vector<1x16xf32>,
        %get3A_1020 = vector.shape_cast %get3A_1019 : vector<1x16xf32> to vector<16xf32>
        %mul3A_1021 = vector.broadcast %squeeze3A : f32 to vector<16xf32>
        %mul3A_1022 = arith.mulf %get3A_1020, %mul3A_1021 : vector<16xf32>
        %get3A_1023 = arith.index_cast %scan3A_280 : i32 to index
        %get3A_1024 = arith.constant 736 : index
        %get3A_1025 = tpu.vector_load %arg14[%get3A_1023, %get3A_1024] {strides = array<i32>} : memref<16x768xf32, #tpu.memory_space<vmem>>, vector<1x16xf32>,
        %get3A_1026 = vector.shape_cast %get3A_1025 : vector<1x16xf32> to vector<16xf32>
        %add3A_1027 = arith.addf %mul3A_1022, %get3A_1026 : vector<16xf32>
        %swap3A_1028 = arith.index_cast %scan3A_280 : i32 to index
        %swap3A_1029 = arith.constant 736 : index
        %swap3A_1030 = tpu.vector_load %arg10[%swap3A_1028, %swap3A_1029] {strides = array<i32>} : memref<16x768xf32, #tpu.memory_space<vmem>>, vector<1x16xf32>,
        %swap3A_1031 = vector.shape_cast %swap3A_1030 : vector<1x16xf32> to vector<16xf32>
        %swap3A_1032 = vector.shape_cast %add3A_1027 : vector<16xf32> to vector<1x16xf32>
        tpu.vector_store %arg10[%swap3A_1028, %swap3A_1029], %swap3A_1032 {strides = array<i32>} : memref<16x768xf32, #tpu.memory_space<vmem>>, vector<1x16xf32>,
        %get3A_1033 = arith.index_cast %scan3A_280 : i32 to index
        %get3A_1034 = arith.constant 752 : index
        %get3A_1035 = tpu.vector_load %arg10[%get3A_1033, %get3A_1034] {strides = array<i32>} : memref<16x768xf32, #tpu.memory_space<vmem>>, vector<1x16xf32>,
        %get3A_1036 = vector.shape_cast %get3A_1035 : vector<1x16xf32> to vector<16xf32>
        %mul3A_1037 = vector.broadcast %squeeze3A : f32 to vector<16xf32>
        %mul3A_1038 = arith.mulf %get3A_1036, %mul3A_1037 : vector<16xf32>
        %get3A_1039 = arith.index_cast %scan3A_280 : i32 to index
        %get3A_1040 = arith.constant 752 : index
        %get3A_1041 = tpu.vector_load %arg14[%get3A_1039, %get3A_1040] {strides = array<i32>} : memref<16x768xf32, #tpu.memory_space<vmem>>, vector<1x16xf32>,
        %get3A_1042 = vector.shape_cast %get3A_1041 : vector<1x16xf32> to vector<16xf32>
        %add3A_1043 = arith.addf %mul3A_1038, %get3A_1042 : vector<16xf32>
        %swap3A_1044 = arith.index_cast %scan3A_280 : i32 to index
        %swap3A_1045 = arith.constant 752 : index
        %swap3A_1046 = tpu.vector_load %arg10[%swap3A_1044, %swap3A_1045] {strides = array<i32>} : memref<16x768xf32, #tpu.memory_space<vmem>>, vector<1x16xf32>,
        %swap3A_1047 = vector.shape_cast %swap3A_1046 : vector<1x16xf32> to vector<16xf32>
        %swap3A_1048 = vector.shape_cast %add3A_1043 : vector<16xf32> to vector<1x16xf32>
        tpu.vector_store %arg10[%swap3A_1044, %swap3A_1045], %swap3A_1048 {strides = array<i32>} : memref<16x768xf32, #tpu.memory_space<vmem>>, vector<1x16xf32>,
        %scan3A_1049 = arith.constant 0 : i32
        scf.yield %scan3A_1049 : i32
      }
      %scan3A_112 = arith.constant 16 : i32
      %mul3A_113 = arith.constant 16 : i32
      %mul3A_114 = arith.muli %add3A_75, %mul3A_113 : i32
      %add3A_115 = arith.addi %mul3A_6, %mul3A_114 : i32
      %dma_start3A_116 = arith.constant 0 : i32
      %dma_start3A_117 = tpu.memref_slice %arg7[%add3A_115, %dma_start3A_116] : memref<65536x768xf32, #tpu.memory_space<hbm>> -> memref<16x768xf32, #tpu.memory_space<hbm>>
      %dma_start3A_118 = arith.constant 0 : i32
      %dma_start3A_119 = tpu.memref_slice %arg7[%add3A_115, %dma_start3A_118] : memref<65536x768xf32, #tpu.memory_space<hbm>> -> memref<16x768xf32, #tpu.memory_space<hbm>>
      tpu.enqueue_dma source(%arg10 : memref<16x768xf32, #tpu.memory_space<vmem>>) target(%dma_start3A_119 : memref<16x768xf32, #tpu.memory_space<hbm>>) target_semaphore(%arg26 : memref<!tpu.dma_semaphore, #tpu.memory_space<semaphore_mem>>)
      %mul3A_120 = arith.constant 4 : i32
      %mul3A_121 = arith.muli %mul3A_120, %scan3A_70 : i32
      %add3A_122 = arith.constant 1 : i32
      %add3A_123 = arith.addi %mul3A_121, %add3A_122 : i32
      %ge3A_124 = arith.constant 2 : i32
      %ge3A_125 = arith.cmpi sge, %add3A_123, %ge3A_124 : i32
      %le3A_126 = arith.constant 125 : i32
      %le3A_127 = arith.cmpi sle, %add3A_123, %le3A_126 : i32
      %and3A_128 = arith.andi %ge3A_125, %le3A_127 : i1
      %convert_element_type3A_129 = arith.extui %and3A_128 : i1 to i32
      %cond3A_130 = arith.constant 0 : i32
      %cond3A_131 = arith.cmpi ne, %convert_element_type3A_129, %cond3A_130 : i32
      scf.if %cond3A_131 {
        %dma_wait3A_280 = arith.constant 0 : i32
        %dma_wait3A_281 = tpu.memref_slice %arg7[%mul3A_6, %dma_wait3A_280] : memref<65536x768xf32, #tpu.memory_space<hbm>> -> memref<16x768xf32, #tpu.memory_space<hbm>>
        %dma_wait3A_282 = arith.constant 0 : i32
        %dma_wait3A_283 = tpu.memref_slice %arg7[%mul3A_6, %dma_wait3A_282] : memref<65536x768xf32, #tpu.memory_space<hbm>> -> memref<16x768xf32, #tpu.memory_space<hbm>>
        tpu.wait_dma2 semaphore(%arg29 : memref<!tpu.dma_semaphore, #tpu.memory_space<semaphore_mem>>) src(%arg13 : memref<16x768xf32, #tpu.memory_space<vmem>>) dst(%dma_wait3A_283 : memref<16x768xf32, #tpu.memory_space<hbm>>)
      } else {
      }
      %le3A_132 = arith.constant 125 : i32
      %le3A_133 = arith.cmpi sle, %add3A_123, %le3A_132 : i32
      %convert_element_type3A_134 = arith.extui %le3A_133 : i1 to i32
      %cond3A_135 = arith.constant 0 : i32
      %cond3A_136 = arith.cmpi ne, %convert_element_type3A_134, %cond3A_135 : i32
      scf.if %cond3A_136 {
        %add3A_280 = arith.constant 2 : i32
        %add3A_281 = arith.addi %add3A_123, %add3A_280 : i32
        %jit3A = arith.constant 8 : i32
        %div3A = arith.divsi %add3A_281, %jit3A : i32
        %sign3A = arith.constant 0 : i32
        %sign3A_282 = arith.cmpi sgt, %add3A_281, %sign3A : i32
        %sign3A_283 = arith.extui %sign3A_282 : i1 to i32
        %sign3A_284 = arith.constant 0 : i32
        %sign3A_285 = arith.cmpi slt, %add3A_281, %sign3A_284 : i32
        %sign3A_286 = arith.extui %sign3A_285 : i1 to i32
        %sign3A_287 = arith.subi %sign3A_283, %sign3A_286 : i32
        %sign3A_288 = arith.constant 0 : i32
        %sign3A_289 = arith.cmpi sgt, %jit3A, %sign3A_288 : i32
        %sign3A_290 = arith.extui %sign3A_289 : i1 to i32
        %sign3A_291 = arith.constant 0 : i32
        %sign3A_292 = arith.cmpi slt, %jit3A, %sign3A_291 : i32
        %sign3A_293 = arith.extui %sign3A_292 : i1 to i32
        %sign3A_294 = arith.subi %sign3A_290, %sign3A_293 : i32
        %ne3A = arith.cmpi ne, %sign3A_287, %sign3A_294 : i32
        %rem3A_295 = arith.remsi %add3A_281, %jit3A : i32
        %ne3A_296 = arith.constant 0 : i32
        %ne3A_297 = arith.cmpi ne, %rem3A_295, %ne3A_296 : i32
        %and3A_298 = arith.andi %ne3A, %ne3A_297 : i1
        %sub3A = arith.constant 1 : i32
        %sub3A_299 = arith.subi %div3A, %sub3A : i32
        %select_n3A = arith.select %and3A_298, %sub3A_299, %div3A : i32
        %rem3A_300 = arith.constant 8 : i32
        %rem3A_301 = arith.remsi %add3A_281, %rem3A_300 : i32
        %mul3A_302 = arith.constant 16 : i32
        %mul3A_303 = arith.muli %rem3A_301, %mul3A_302 : i32
        %dma_start3A_304 = tpu.memref_slice %arg8[%select_n3A, %mul3A_303] : memref<16x128xi32, #tpu.memory_space<vmem>> -> memref<1x16xi32, #tpu.memory_space<vmem>>
        %dma_start3A_305 = tpu.memref_squeeze %dma_start3A_304 : memref<1x16xi32, #tpu.memory_space<vmem>> -> memref<16xi32, #tpu.memory_space<vmem>>
        %dma_start3A_306 = arith.constant 0 : i32
        %dma_start3A_307 = arith.constant 0 : i32
        %dma_start3A_308 = tpu.memref_slice %arg4[%dma_start3A_306, %dma_start3A_307] : memref<30522x768xf32, #tpu.memory_space<hbm>> -> memref<30522x768xf32, #tpu.memory_space<hbm>>
        tpu.enqueue_indirect_dma source(%dma_start3A_308 : memref<30522x768xf32, #tpu.memory_space<hbm>>) target(%arg13 : memref<16x768xf32, #tpu.memory_space<vmem>>) offsets(%dma_start3A_305 : memref<16xi32, #tpu.memory_space<vmem>>) semaphore(%arg21 : memref<!tpu.dma_semaphore, #tpu.memory_space<semaphore_mem>>)
        %jit3A_309 = arith.constant 8 : i32
        %div3A_310 = arith.divsi %add3A_281, %jit3A_309 : i32
        %sign3A_311 = arith.constant 0 : i32
        %sign3A_312 = arith.cmpi sgt, %add3A_281, %sign3A_311 : i32
        %sign3A_313 = arith.extui %sign3A_312 : i1 to i32
        %sign3A_314 = arith.constant 0 : i32
        %sign3A_315 = arith.cmpi slt, %add3A_281, %sign3A_314 : i32
        %sign3A_316 = arith.extui %sign3A_315 : i1 to i32
        %sign3A_317 = arith.subi %sign3A_313, %sign3A_316 : i32
        %sign3A_318 = arith.constant 0 : i32
        %sign3A_319 = arith.cmpi sgt, %jit3A_309, %sign3A_318 : i32
        %sign3A_320 = arith.extui %sign3A_319 : i1 to i32
        %sign3A_321 = arith.constant 0 : i32
        %sign3A_322 = arith.cmpi slt, %jit3A_309, %sign3A_321 : i32
        %sign3A_323 = arith.extui %sign3A_322 : i1 to i32
        %sign3A_324 = arith.subi %sign3A_320, %sign3A_323 : i32
        %ne3A_325 = arith.cmpi ne, %sign3A_317, %sign3A_324 : i32
        %rem3A_326 = arith.remsi %add3A_281, %jit3A_309 : i32
        %ne3A_327 = arith.constant 0 : i32
        %ne3A_328 = arith.cmpi ne, %rem3A_326, %ne3A_327 : i32
        %and3A_329 = arith.andi %ne3A_325, %ne3A_328 : i1
        %sub3A_330 = arith.constant 1 : i32
        %sub3A_331 = arith.subi %div3A_310, %sub3A_330 : i32
        %select_n3A_332 = arith.select %and3A_329, %sub3A_331, %div3A_310 : i32
        %rem3A_333 = arith.constant 8 : i32
        %rem3A_334 = arith.remsi %add3A_281, %rem3A_333 : i32
        %mul3A_335 = arith.constant 16 : i32
        %mul3A_336 = arith.muli %rem3A_334, %mul3A_335 : i32
        %dma_start3A_337 = tpu.memref_slice %arg9[%select_n3A_332, %mul3A_336] : memref<16x128xi32, #tpu.memory_space<vmem>> -> memref<1x16xi32, #tpu.memory_space<vmem>>
        %dma_start3A_338 = tpu.memref_squeeze %dma_start3A_337 : memref<1x16xi32, #tpu.memory_space<vmem>> -> memref<16xi32, #tpu.memory_space<vmem>>
        %dma_start3A_339 = arith.constant 0 : i32
        %dma_start3A_340 = arith.constant 0 : i32
        %dma_start3A_341 = tpu.memref_slice %arg5[%dma_start3A_339, %dma_start3A_340] : memref<1536x768xf32, #tpu.memory_space<hbm>> -> memref<1536x768xf32, #tpu.memory_space<hbm>>
        tpu.enqueue_indirect_dma source(%dma_start3A_341 : memref<1536x768xf32, #tpu.memory_space<hbm>>) target(%arg17 : memref<16x768xf32, #tpu.memory_space<vmem>>) offsets(%dma_start3A_338 : memref<16xi32, #tpu.memory_space<vmem>>) semaphore(%arg25 : memref<!tpu.dma_semaphore, #tpu.memory_space<semaphore_mem>>)
      } else {
      }
      %rem3A_137 = arith.constant 0 : i32
      %rem3A_138 = arith.constant 8 : i32
      %rem3A_139 = arith.remsi %rem3A_137, %rem3A_138 : i32
      %mul3A_140 = arith.constant 16 : i32
      %mul3A_141 = arith.muli %rem3A_139, %mul3A_140 : i32
      %dma_wait3A_142 = arith.constant 0 : i32
      %dma_wait3A_143 = tpu.memref_slice %arg8[%dma_wait3A_142, %mul3A_141] : memref<16x128xi32, #tpu.memory_space<vmem>> -> memref<1x16xi32, #tpu.memory_space<vmem>>
      %dma_wait3A_144 = tpu.memref_squeeze %dma_wait3A_143 : memref<1x16xi32, #tpu.memory_space<vmem>> -> memref<16xi32, #tpu.memory_space<vmem>>
      %dma_wait3A_145 = arith.constant 0 : i32
      %dma_wait3A_146 = arith.constant 0 : i32
      %dma_wait3A_147 = tpu.memref_slice %arg4[%dma_wait3A_145, %dma_wait3A_146] : memref<30522x768xf32, #tpu.memory_space<hbm>> -> memref<30522x768xf32, #tpu.memory_space<hbm>>
      tpu.wait_indirect_dma semaphore(%arg19 : memref<!tpu.dma_semaphore, #tpu.memory_space<semaphore_mem>>) src(%dma_wait3A_147 : memref<30522x768xf32, #tpu.memory_space<hbm>>) dst(%arg11 : memref<16x768xf32, #tpu.memory_space<vmem>>)
      %rem3A_148 = arith.constant 0 : i32
      %rem3A_149 = arith.constant 8 : i32
      %rem3A_150 = arith.remsi %rem3A_148, %rem3A_149 : i32
      %mul3A_151 = arith.constant 16 : i32
      %mul3A_152 = arith.muli %rem3A_150, %mul3A_151 : i32
      %dma_wait3A_153 = arith.constant 0 : i32
      %dma_wait3A_154 = tpu.memref_slice %arg9[%dma_wait3A_153, %mul3A_152] : memref<16x128xi32, #tpu.memory_space<vmem>> -> memref<1x16xi32, #tpu.memory_space<vmem>>
      %dma_wait3A_155 = tpu.memref_squeeze %dma_wait3A_154 : memref<1x16xi32, #tpu.memory_space<vmem>> -> memref<16xi32, #tpu.memory_space<vmem>>
      %dma_wait3A_156 = arith.constant 0 : i32
      %dma_wait3A_157 = arith.constant 0 : i32
      %dma_wait3A_158 = tpu.memref_slice %arg5[%dma_wait3A_156, %dma_wait3A_157] : memref<1536x768xf32, #tpu.memory_space<hbm>> -> memref<1536x768xf32, #tpu.memory_space<hbm>>
      tpu.wait_indirect_dma semaphore(%arg23 : memref<!tpu.dma_semaphore, #tpu.memory_space<semaphore_mem>>) src(%dma_wait3A_158 : memref<1536x768xf32, #tpu.memory_space<hbm>>) dst(%arg15 : memref<16x768xf32, #tpu.memory_space<vmem>>)
      %scan3A_159 = arith.constant 0 : i32
      %scan3A_160 = arith.constant 0 : i32
      %scan3A_161 = arith.constant 16 : i32
      %scan3A_162 = arith.addi %scan3A_160, %scan3A_161 : i32
      %scan3A_163 = arith.constant 1 : i32
      %scan3A_164 = scf.for %scan3A_280 = %scan3A_160 to %scan3A_162 step %scan3A_163 iter_args(%scan3A_281 = %scan3A_159) -> (i32)  : i32 {
        %get3A_282 = arith.index_cast %scan3A_280 : i32 to index
        %get3A_283 = arith.constant 0 : index
        %get3A_284 = tpu.vector_load %arg11[%get3A_282, %get3A_283] {strides = array<i32>} : memref<16x768xf32, #tpu.memory_space<vmem>>, vector<1x16xf32>,
        %get3A_285 = vector.shape_cast %get3A_284 : vector<1x16xf32> to vector<16xf32>
        %mul3A_286 = vector.broadcast %squeeze3A : f32 to vector<16xf32>
        %mul3A_287 = arith.mulf %get3A_285, %mul3A_286 : vector<16xf32>
        %get3A_288 = arith.index_cast %scan3A_280 : i32 to index
        %get3A_289 = arith.constant 0 : index
        %get3A_290 = tpu.vector_load %arg15[%get3A_288, %get3A_289] {strides = array<i32>} : memref<16x768xf32, #tpu.memory_space<vmem>>, vector<1x16xf32>,
        %get3A_291 = vector.shape_cast %get3A_290 : vector<1x16xf32> to vector<16xf32>
        %add3A_292 = arith.addf %mul3A_287, %get3A_291 : vector<16xf32>
        %swap3A = arith.index_cast %scan3A_280 : i32 to index
        %swap3A_293 = arith.constant 0 : index
        %swap3A_294 = tpu.vector_load %arg11[%swap3A, %swap3A_293] {strides = array<i32>} : memref<16x768xf32, #tpu.memory_space<vmem>>, vector<1x16xf32>,
        %swap3A_295 = vector.shape_cast %swap3A_294 : vector<1x16xf32> to vector<16xf32>
        %swap3A_296 = vector.shape_cast %add3A_292 : vector<16xf32> to vector<1x16xf32>
        tpu.vector_store %arg11[%swap3A, %swap3A_293], %swap3A_296 {strides = array<i32>} : memref<16x768xf32, #tpu.memory_space<vmem>>, vector<1x16xf32>,
        %get3A_297 = arith.index_cast %scan3A_280 : i32 to index
        %get3A_298 = arith.constant 16 : index
        %get3A_299 = tpu.vector_load %arg11[%get3A_297, %get3A_298] {strides = array<i32>} : memref<16x768xf32, #tpu.memory_space<vmem>>, vector<1x16xf32>,
        %get3A_300 = vector.shape_cast %get3A_299 : vector<1x16xf32> to vector<16xf32>
        %mul3A_301 = vector.broadcast %squeeze3A : f32 to vector<16xf32>
        %mul3A_302 = arith.mulf %get3A_300, %mul3A_301 : vector<16xf32>
        %get3A_303 = arith.index_cast %scan3A_280 : i32 to index
        %get3A_304 = arith.constant 16 : index
        %get3A_305 = tpu.vector_load %arg15[%get3A_303, %get3A_304] {strides = array<i32>} : memref<16x768xf32, #tpu.memory_space<vmem>>, vector<1x16xf32>,
        %get3A_306 = vector.shape_cast %get3A_305 : vector<1x16xf32> to vector<16xf32>
        %add3A_307 = arith.addf %mul3A_302, %get3A_306 : vector<16xf32>
        %swap3A_308 = arith.index_cast %scan3A_280 : i32 to index
        %swap3A_309 = arith.constant 16 : index
        %swap3A_310 = tpu.vector_load %arg11[%swap3A_308, %swap3A_309] {strides = array<i32>} : memref<16x768xf32, #tpu.memory_space<vmem>>, vector<1x16xf32>,
        %swap3A_311 = vector.shape_cast %swap3A_310 : vector<1x16xf32> to vector<16xf32>
        %swap3A_312 = vector.shape_cast %add3A_307 : vector<16xf32> to vector<1x16xf32>
        tpu.vector_store %arg11[%swap3A_308, %swap3A_309], %swap3A_312 {strides = array<i32>} : memref<16x768xf32, #tpu.memory_space<vmem>>, vector<1x16xf32>,
        %get3A_313 = arith.index_cast %scan3A_280 : i32 to index
        %get3A_314 = arith.constant 32 : index
        %get3A_315 = tpu.vector_load %arg11[%get3A_313, %get3A_314] {strides = array<i32>} : memref<16x768xf32, #tpu.memory_space<vmem>>, vector<1x16xf32>,
        %get3A_316 = vector.shape_cast %get3A_315 : vector<1x16xf32> to vector<16xf32>
        %mul3A_317 = vector.broadcast %squeeze3A : f32 to vector<16xf32>
        %mul3A_318 = arith.mulf %get3A_316, %mul3A_317 : vector<16xf32>
        %get3A_319 = arith.index_cast %scan3A_280 : i32 to index
        %get3A_320 = arith.constant 32 : index
        %get3A_321 = tpu.vector_load %arg15[%get3A_319, %get3A_320] {strides = array<i32>} : memref<16x768xf32, #tpu.memory_space<vmem>>, vector<1x16xf32>,
        %get3A_322 = vector.shape_cast %get3A_321 : vector<1x16xf32> to vector<16xf32>
        %add3A_323 = arith.addf %mul3A_318, %get3A_322 : vector<16xf32>
        %swap3A_324 = arith.index_cast %scan3A_280 : i32 to index
        %swap3A_325 = arith.constant 32 : index
        %swap3A_326 = tpu.vector_load %arg11[%swap3A_324, %swap3A_325] {strides = array<i32>} : memref<16x768xf32, #tpu.memory_space<vmem>>, vector<1x16xf32>,
        %swap3A_327 = vector.shape_cast %swap3A_326 : vector<1x16xf32> to vector<16xf32>
        %swap3A_328 = vector.shape_cast %add3A_323 : vector<16xf32> to vector<1x16xf32>
        tpu.vector_store %arg11[%swap3A_324, %swap3A_325], %swap3A_328 {strides = array<i32>} : memref<16x768xf32, #tpu.memory_space<vmem>>, vector<1x16xf32>,
        %get3A_329 = arith.index_cast %scan3A_280 : i32 to index
        %get3A_330 = arith.constant 48 : index
        %get3A_331 = tpu.vector_load %arg11[%get3A_329, %get3A_330] {strides = array<i32>} : memref<16x768xf32, #tpu.memory_space<vmem>>, vector<1x16xf32>,
        %get3A_332 = vector.shape_cast %get3A_331 : vector<1x16xf32> to vector<16xf32>
        %mul3A_333 = vector.broadcast %squeeze3A : f32 to vector<16xf32>
        %mul3A_334 = arith.mulf %get3A_332, %mul3A_333 : vector<16xf32>
        %get3A_335 = arith.index_cast %scan3A_280 : i32 to index
        %get3A_336 = arith.constant 48 : index
        %get3A_337 = tpu.vector_load %arg15[%get3A_335, %get3A_336] {strides = array<i32>} : memref<16x768xf32, #tpu.memory_space<vmem>>, vector<1x16xf32>,
        %get3A_338 = vector.shape_cast %get3A_337 : vector<1x16xf32> to vector<16xf32>
        %add3A_339 = arith.addf %mul3A_334, %get3A_338 : vector<16xf32>
        %swap3A_340 = arith.index_cast %scan3A_280 : i32 to index
        %swap3A_341 = arith.constant 48 : index
        %swap3A_342 = tpu.vector_load %arg11[%swap3A_340, %swap3A_341] {strides = array<i32>} : memref<16x768xf32, #tpu.memory_space<vmem>>, vector<1x16xf32>,
        %swap3A_343 = vector.shape_cast %swap3A_342 : vector<1x16xf32> to vector<16xf32>
        %swap3A_344 = vector.shape_cast %add3A_339 : vector<16xf32> to vector<1x16xf32>
        tpu.vector_store %arg11[%swap3A_340, %swap3A_341], %swap3A_344 {strides = array<i32>} : memref<16x768xf32, #tpu.memory_space<vmem>>, vector<1x16xf32>,
        %get3A_345 = arith.index_cast %scan3A_280 : i32 to index
        %get3A_346 = arith.constant 64 : index
        %get3A_347 = tpu.vector_load %arg11[%get3A_345, %get3A_346] {strides = array<i32>} : memref<16x768xf32, #tpu.memory_space<vmem>>, vector<1x16xf32>,
        %get3A_348 = vector.shape_cast %get3A_347 : vector<1x16xf32> to vector<16xf32>
        %mul3A_349 = vector.broadcast %squeeze3A : f32 to vector<16xf32>
        %mul3A_350 = arith.mulf %get3A_348, %mul3A_349 : vector<16xf32>
        %get3A_351 = arith.index_cast %scan3A_280 : i32 to index
        %get3A_352 = arith.constant 64 : index
        %get3A_353 = tpu.vector_load %arg15[%get3A_351, %get3A_352] {strides = array<i32>} : memref<16x768xf32, #tpu.memory_space<vmem>>, vector<1x16xf32>,
        %get3A_354 = vector.shape_cast %get3A_353 : vector<1x16xf32> to vector<16xf32>
        %add3A_355 = arith.addf %mul3A_350, %get3A_354 : vector<16xf32>
        %swap3A_356 = arith.index_cast %scan3A_280 : i32 to index
        %swap3A_357 = arith.constant 64 : index
        %swap3A_358 = tpu.vector_load %arg11[%swap3A_356, %swap3A_357] {strides = array<i32>} : memref<16x768xf32, #tpu.memory_space<vmem>>, vector<1x16xf32>,
        %swap3A_359 = vector.shape_cast %swap3A_358 : vector<1x16xf32> to vector<16xf32>
        %swap3A_360 = vector.shape_cast %add3A_355 : vector<16xf32> to vector<1x16xf32>
        tpu.vector_store %arg11[%swap3A_356, %swap3A_357], %swap3A_360 {strides = array<i32>} : memref<16x768xf32, #tpu.memory_space<vmem>>, vector<1x16xf32>,
        %get3A_361 = arith.index_cast %scan3A_280 : i32 to index
        %get3A_362 = arith.constant 80 : index
        %get3A_363 = tpu.vector_load %arg11[%get3A_361, %get3A_362] {strides = array<i32>} : memref<16x768xf32, #tpu.memory_space<vmem>>, vector<1x16xf32>,
        %get3A_364 = vector.shape_cast %get3A_363 : vector<1x16xf32> to vector<16xf32>
        %mul3A_365 = vector.broadcast %squeeze3A : f32 to vector<16xf32>
        %mul3A_366 = arith.mulf %get3A_364, %mul3A_365 : vector<16xf32>
        %get3A_367 = arith.index_cast %scan3A_280 : i32 to index
        %get3A_368 = arith.constant 80 : index
        %get3A_369 = tpu.vector_load %arg15[%get3A_367, %get3A_368] {strides = array<i32>} : memref<16x768xf32, #tpu.memory_space<vmem>>, vector<1x16xf32>,
        %get3A_370 = vector.shape_cast %get3A_369 : vector<1x16xf32> to vector<16xf32>
        %add3A_371 = arith.addf %mul3A_366, %get3A_370 : vector<16xf32>
        %swap3A_372 = arith.index_cast %scan3A_280 : i32 to index
        %swap3A_373 = arith.constant 80 : index
        %swap3A_374 = tpu.vector_load %arg11[%swap3A_372, %swap3A_373] {strides = array<i32>} : memref<16x768xf32, #tpu.memory_space<vmem>>, vector<1x16xf32>,
        %swap3A_375 = vector.shape_cast %swap3A_374 : vector<1x16xf32> to vector<16xf32>
        %swap3A_376 = vector.shape_cast %add3A_371 : vector<16xf32> to vector<1x16xf32>
        tpu.vector_store %arg11[%swap3A_372, %swap3A_373], %swap3A_376 {strides = array<i32>} : memref<16x768xf32, #tpu.memory_space<vmem>>, vector<1x16xf32>,
        %get3A_377 = arith.index_cast %scan3A_280 : i32 to index
        %get3A_378 = arith.constant 96 : index
        %get3A_379 = tpu.vector_load %arg11[%get3A_377, %get3A_378] {strides = array<i32>} : memref<16x768xf32, #tpu.memory_space<vmem>>, vector<1x16xf32>,
        %get3A_380 = vector.shape_cast %get3A_379 : vector<1x16xf32> to vector<16xf32>
        %mul3A_381 = vector.broadcast %squeeze3A : f32 to vector<16xf32>
        %mul3A_382 = arith.mulf %get3A_380, %mul3A_381 : vector<16xf32>
        %get3A_383 = arith.index_cast %scan3A_280 : i32 to index
        %get3A_384 = arith.constant 96 : index
        %get3A_385 = tpu.vector_load %arg15[%get3A_383, %get3A_384] {strides = array<i32>} : memref<16x768xf32, #tpu.memory_space<vmem>>, vector<1x16xf32>,
        %get3A_386 = vector.shape_cast %get3A_385 : vector<1x16xf32> to vector<16xf32>
        %add3A_387 = arith.addf %mul3A_382, %get3A_386 : vector<16xf32>
        %swap3A_388 = arith.index_cast %scan3A_280 : i32 to index
        %swap3A_389 = arith.constant 96 : index
        %swap3A_390 = tpu.vector_load %arg11[%swap3A_388, %swap3A_389] {strides = array<i32>} : memref<16x768xf32, #tpu.memory_space<vmem>>, vector<1x16xf32>,
        %swap3A_391 = vector.shape_cast %swap3A_390 : vector<1x16xf32> to vector<16xf32>
        %swap3A_392 = vector.shape_cast %add3A_387 : vector<16xf32> to vector<1x16xf32>
        tpu.vector_store %arg11[%swap3A_388, %swap3A_389], %swap3A_392 {strides = array<i32>} : memref<16x768xf32, #tpu.memory_space<vmem>>, vector<1x16xf32>,
        %get3A_393 = arith.index_cast %scan3A_280 : i32 to index
        %get3A_394 = arith.constant 112 : index
        %get3A_395 = tpu.vector_load %arg11[%get3A_393, %get3A_394] {strides = array<i32>} : memref<16x768xf32, #tpu.memory_space<vmem>>, vector<1x16xf32>,
        %get3A_396 = vector.shape_cast %get3A_395 : vector<1x16xf32> to vector<16xf32>
        %mul3A_397 = vector.broadcast %squeeze3A : f32 to vector<16xf32>
        %mul3A_398 = arith.mulf %get3A_396, %mul3A_397 : vector<16xf32>
        %get3A_399 = arith.index_cast %scan3A_280 : i32 to index
        %get3A_400 = arith.constant 112 : index
        %get3A_401 = tpu.vector_load %arg15[%get3A_399, %get3A_400] {strides = array<i32>} : memref<16x768xf32, #tpu.memory_space<vmem>>, vector<1x16xf32>,
        %get3A_402 = vector.shape_cast %get3A_401 : vector<1x16xf32> to vector<16xf32>
        %add3A_403 = arith.addf %mul3A_398, %get3A_402 : vector<16xf32>
        %swap3A_404 = arith.index_cast %scan3A_280 : i32 to index
        %swap3A_405 = arith.constant 112 : index
        %swap3A_406 = tpu.vector_load %arg11[%swap3A_404, %swap3A_405] {strides = array<i32>} : memref<16x768xf32, #tpu.memory_space<vmem>>, vector<1x16xf32>,
        %swap3A_407 = vector.shape_cast %swap3A_406 : vector<1x16xf32> to vector<16xf32>
        %swap3A_408 = vector.shape_cast %add3A_403 : vector<16xf32> to vector<1x16xf32>
        tpu.vector_store %arg11[%swap3A_404, %swap3A_405], %swap3A_408 {strides = array<i32>} : memref<16x768xf32, #tpu.memory_space<vmem>>, vector<1x16xf32>,
        %get3A_409 = arith.index_cast %scan3A_280 : i32 to index
        %get3A_410 = arith.constant 128 : index
        %get3A_411 = tpu.vector_load %arg11[%get3A_409, %get3A_410] {strides = array<i32>} : memref<16x768xf32, #tpu.memory_space<vmem>>, vector<1x16xf32>,
        %get3A_412 = vector.shape_cast %get3A_411 : vector<1x16xf32> to vector<16xf32>
        %mul3A_413 = vector.broadcast %squeeze3A : f32 to vector<16xf32>
        %mul3A_414 = arith.mulf %get3A_412, %mul3A_413 : vector<16xf32>
        %get3A_415 = arith.index_cast %scan3A_280 : i32 to index
        %get3A_416 = arith.constant 128 : index
        %get3A_417 = tpu.vector_load %arg15[%get3A_415, %get3A_416] {strides = array<i32>} : memref<16x768xf32, #tpu.memory_space<vmem>>, vector<1x16xf32>,
        %get3A_418 = vector.shape_cast %get3A_417 : vector<1x16xf32> to vector<16xf32>
        %add3A_419 = arith.addf %mul3A_414, %get3A_418 : vector<16xf32>
        %swap3A_420 = arith.index_cast %scan3A_280 : i32 to index
        %swap3A_421 = arith.constant 128 : index
        %swap3A_422 = tpu.vector_load %arg11[%swap3A_420, %swap3A_421] {strides = array<i32>} : memref<16x768xf32, #tpu.memory_space<vmem>>, vector<1x16xf32>,
        %swap3A_423 = vector.shape_cast %swap3A_422 : vector<1x16xf32> to vector<16xf32>
        %swap3A_424 = vector.shape_cast %add3A_419 : vector<16xf32> to vector<1x16xf32>
        tpu.vector_store %arg11[%swap3A_420, %swap3A_421], %swap3A_424 {strides = array<i32>} : memref<16x768xf32, #tpu.memory_space<vmem>>, vector<1x16xf32>,
        %get3A_425 = arith.index_cast %scan3A_280 : i32 to index
        %get3A_426 = arith.constant 144 : index
        %get3A_427 = tpu.vector_load %arg11[%get3A_425, %get3A_426] {strides = array<i32>} : memref<16x768xf32, #tpu.memory_space<vmem>>, vector<1x16xf32>,
        %get3A_428 = vector.shape_cast %get3A_427 : vector<1x16xf32> to vector<16xf32>
        %mul3A_429 = vector.broadcast %squeeze3A : f32 to vector<16xf32>
        %mul3A_430 = arith.mulf %get3A_428, %mul3A_429 : vector<16xf32>
        %get3A_431 = arith.index_cast %scan3A_280 : i32 to index
        %get3A_432 = arith.constant 144 : index
        %get3A_433 = tpu.vector_load %arg15[%get3A_431, %get3A_432] {strides = array<i32>} : memref<16x768xf32, #tpu.memory_space<vmem>>, vector<1x16xf32>,
        %get3A_434 = vector.shape_cast %get3A_433 : vector<1x16xf32> to vector<16xf32>
        %add3A_435 = arith.addf %mul3A_430, %get3A_434 : vector<16xf32>
        %swap3A_436 = arith.index_cast %scan3A_280 : i32 to index
        %swap3A_437 = arith.constant 144 : index
        %swap3A_438 = tpu.vector_load %arg11[%swap3A_436, %swap3A_437] {strides = array<i32>} : memref<16x768xf32, #tpu.memory_space<vmem>>, vector<1x16xf32>,
        %swap3A_439 = vector.shape_cast %swap3A_438 : vector<1x16xf32> to vector<16xf32>
        %swap3A_440 = vector.shape_cast %add3A_435 : vector<16xf32> to vector<1x16xf32>
        tpu.vector_store %arg11[%swap3A_436, %swap3A_437], %swap3A_440 {strides = array<i32>} : memref<16x768xf32, #tpu.memory_space<vmem>>, vector<1x16xf32>,
        %get3A_441 = arith.index_cast %scan3A_280 : i32 to index
        %get3A_442 = arith.constant 160 : index
        %get3A_443 = tpu.vector_load %arg11[%get3A_441, %get3A_442] {strides = array<i32>} : memref<16x768xf32, #tpu.memory_space<vmem>>, vector<1x16xf32>,
        %get3A_444 = vector.shape_cast %get3A_443 : vector<1x16xf32> to vector<16xf32>
        %mul3A_445 = vector.broadcast %squeeze3A : f32 to vector<16xf32>
        %mul3A_446 = arith.mulf %get3A_444, %mul3A_445 : vector<16xf32>
        %get3A_447 = arith.index_cast %scan3A_280 : i32 to index
        %get3A_448 = arith.constant 160 : index
        %get3A_449 = tpu.vector_load %arg15[%get3A_447, %get3A_448] {strides = array<i32>} : memref<16x768xf32, #tpu.memory_space<vmem>>, vector<1x16xf32>,
        %get3A_450 = vector.shape_cast %get3A_449 : vector<1x16xf32> to vector<16xf32>
        %add3A_451 = arith.addf %mul3A_446, %get3A_450 : vector<16xf32>
        %swap3A_452 = arith.index_cast %scan3A_280 : i32 to index
        %swap3A_453 = arith.constant 160 : index
        %swap3A_454 = tpu.vector_load %arg11[%swap3A_452, %swap3A_453] {strides = array<i32>} : memref<16x768xf32, #tpu.memory_space<vmem>>, vector<1x16xf32>,
        %swap3A_455 = vector.shape_cast %swap3A_454 : vector<1x16xf32> to vector<16xf32>
        %swap3A_456 = vector.shape_cast %add3A_451 : vector<16xf32> to vector<1x16xf32>
        tpu.vector_store %arg11[%swap3A_452, %swap3A_453], %swap3A_456 {strides = array<i32>} : memref<16x768xf32, #tpu.memory_space<vmem>>, vector<1x16xf32>,
        %get3A_457 = arith.index_cast %scan3A_280 : i32 to index
        %get3A_458 = arith.constant 176 : index
        %get3A_459 = tpu.vector_load %arg11[%get3A_457, %get3A_458] {strides = array<i32>} : memref<16x768xf32, #tpu.memory_space<vmem>>, vector<1x16xf32>,
        %get3A_460 = vector.shape_cast %get3A_459 : vector<1x16xf32> to vector<16xf32>
        %mul3A_461 = vector.broadcast %squeeze3A : f32 to vector<16xf32>
        %mul3A_462 = arith.mulf %get3A_460, %mul3A_461 : vector<16xf32>
        %get3A_463 = arith.index_cast %scan3A_280 : i32 to index
        %get3A_464 = arith.constant 176 : index
        %get3A_465 = tpu.vector_load %arg15[%get3A_463, %get3A_464] {strides = array<i32>} : memref<16x768xf32, #tpu.memory_space<vmem>>, vector<1x16xf32>,
        %get3A_466 = vector.shape_cast %get3A_465 : vector<1x16xf32> to vector<16xf32>
        %add3A_467 = arith.addf %mul3A_462, %get3A_466 : vector<16xf32>
        %swap3A_468 = arith.index_cast %scan3A_280 : i32 to index
        %swap3A_469 = arith.constant 176 : index
        %swap3A_470 = tpu.vector_load %arg11[%swap3A_468, %swap3A_469] {strides = array<i32>} : memref<16x768xf32, #tpu.memory_space<vmem>>, vector<1x16xf32>,
        %swap3A_471 = vector.shape_cast %swap3A_470 : vector<1x16xf32> to vector<16xf32>
        %swap3A_472 = vector.shape_cast %add3A_467 : vector<16xf32> to vector<1x16xf32>
        tpu.vector_store %arg11[%swap3A_468, %swap3A_469], %swap3A_472 {strides = array<i32>} : memref<16x768xf32, #tpu.memory_space<vmem>>, vector<1x16xf32>,
        %get3A_473 = arith.index_cast %scan3A_280 : i32 to index
        %get3A_474 = arith.constant 192 : index
        %get3A_475 = tpu.vector_load %arg11[%get3A_473, %get3A_474] {strides = array<i32>} : memref<16x768xf32, #tpu.memory_space<vmem>>, vector<1x16xf32>,
        %get3A_476 = vector.shape_cast %get3A_475 : vector<1x16xf32> to vector<16xf32>
        %mul3A_477 = vector.broadcast %squeeze3A : f32 to vector<16xf32>
        %mul3A_478 = arith.mulf %get3A_476, %mul3A_477 : vector<16xf32>
        %get3A_479 = arith.index_cast %scan3A_280 : i32 to index
        %get3A_480 = arith.constant 192 : index
        %get3A_481 = tpu.vector_load %arg15[%get3A_479, %get3A_480] {strides = array<i32>} : memref<16x768xf32, #tpu.memory_space<vmem>>, vector<1x16xf32>,
        %get3A_482 = vector.shape_cast %get3A_481 : vector<1x16xf32> to vector<16xf32>
        %add3A_483 = arith.addf %mul3A_478, %get3A_482 : vector<16xf32>
        %swap3A_484 = arith.index_cast %scan3A_280 : i32 to index
        %swap3A_485 = arith.constant 192 : index
        %swap3A_486 = tpu.vector_load %arg11[%swap3A_484, %swap3A_485] {strides = array<i32>} : memref<16x768xf32, #tpu.memory_space<vmem>>, vector<1x16xf32>,
        %swap3A_487 = vector.shape_cast %swap3A_486 : vector<1x16xf32> to vector<16xf32>
        %swap3A_488 = vector.shape_cast %add3A_483 : vector<16xf32> to vector<1x16xf32>
        tpu.vector_store %arg11[%swap3A_484, %swap3A_485], %swap3A_488 {strides = array<i32>} : memref<16x768xf32, #tpu.memory_space<vmem>>, vector<1x16xf32>,
        %get3A_489 = arith.index_cast %scan3A_280 : i32 to index
        %get3A_490 = arith.constant 208 : index
        %get3A_491 = tpu.vector_load %arg11[%get3A_489, %get3A_490] {strides = array<i32>} : memref<16x768xf32, #tpu.memory_space<vmem>>, vector<1x16xf32>,
        %get3A_492 = vector.shape_cast %get3A_491 : vector<1x16xf32> to vector<16xf32>
        %mul3A_493 = vector.broadcast %squeeze3A : f32 to vector<16xf32>
        %mul3A_494 = arith.mulf %get3A_492, %mul3A_493 : vector<16xf32>
        %get3A_495 = arith.index_cast %scan3A_280 : i32 to index
        %get3A_496 = arith.constant 208 : index
        %get3A_497 = tpu.vector_load %arg15[%get3A_495, %get3A_496] {strides = array<i32>} : memref<16x768xf32, #tpu.memory_space<vmem>>, vector<1x16xf32>,
        %get3A_498 = vector.shape_cast %get3A_497 : vector<1x16xf32> to vector<16xf32>
        %add3A_499 = arith.addf %mul3A_494, %get3A_498 : vector<16xf32>
        %swap3A_500 = arith.index_cast %scan3A_280 : i32 to index
        %swap3A_501 = arith.constant 208 : index
        %swap3A_502 = tpu.vector_load %arg11[%swap3A_500, %swap3A_501] {strides = array<i32>} : memref<16x768xf32, #tpu.memory_space<vmem>>, vector<1x16xf32>,
        %swap3A_503 = vector.shape_cast %swap3A_502 : vector<1x16xf32> to vector<16xf32>
        %swap3A_504 = vector.shape_cast %add3A_499 : vector<16xf32> to vector<1x16xf32>
        tpu.vector_store %arg11[%swap3A_500, %swap3A_501], %swap3A_504 {strides = array<i32>} : memref<16x768xf32, #tpu.memory_space<vmem>>, vector<1x16xf32>,
        %get3A_505 = arith.index_cast %scan3A_280 : i32 to index
        %get3A_506 = arith.constant 224 : index
        %get3A_507 = tpu.vector_load %arg11[%get3A_505, %get3A_506] {strides = array<i32>} : memref<16x768xf32, #tpu.memory_space<vmem>>, vector<1x16xf32>,
        %get3A_508 = vector.shape_cast %get3A_507 : vector<1x16xf32> to vector<16xf32>
        %mul3A_509 = vector.broadcast %squeeze3A : f32 to vector<16xf32>
        %mul3A_510 = arith.mulf %get3A_508, %mul3A_509 : vector<16xf32>
        %get3A_511 = arith.index_cast %scan3A_280 : i32 to index
        %get3A_512 = arith.constant 224 : index
        %get3A_513 = tpu.vector_load %arg15[%get3A_511, %get3A_512] {strides = array<i32>} : memref<16x768xf32, #tpu.memory_space<vmem>>, vector<1x16xf32>,
        %get3A_514 = vector.shape_cast %get3A_513 : vector<1x16xf32> to vector<16xf32>
        %add3A_515 = arith.addf %mul3A_510, %get3A_514 : vector<16xf32>
        %swap3A_516 = arith.index_cast %scan3A_280 : i32 to index
        %swap3A_517 = arith.constant 224 : index
        %swap3A_518 = tpu.vector_load %arg11[%swap3A_516, %swap3A_517] {strides = array<i32>} : memref<16x768xf32, #tpu.memory_space<vmem>>, vector<1x16xf32>,
        %swap3A_519 = vector.shape_cast %swap3A_518 : vector<1x16xf32> to vector<16xf32>
        %swap3A_520 = vector.shape_cast %add3A_515 : vector<16xf32> to vector<1x16xf32>
        tpu.vector_store %arg11[%swap3A_516, %swap3A_517], %swap3A_520 {strides = array<i32>} : memref<16x768xf32, #tpu.memory_space<vmem>>, vector<1x16xf32>,
        %get3A_521 = arith.index_cast %scan3A_280 : i32 to index
        %get3A_522 = arith.constant 240 : index
        %get3A_523 = tpu.vector_load %arg11[%get3A_521, %get3A_522] {strides = array<i32>} : memref<16x768xf32, #tpu.memory_space<vmem>>, vector<1x16xf32>,
        %get3A_524 = vector.shape_cast %get3A_523 : vector<1x16xf32> to vector<16xf32>
        %mul3A_525 = vector.broadcast %squeeze3A : f32 to vector<16xf32>
        %mul3A_526 = arith.mulf %get3A_524, %mul3A_525 : vector<16xf32>
        %get3A_527 = arith.index_cast %scan3A_280 : i32 to index
        %get3A_528 = arith.constant 240 : index
        %get3A_529 = tpu.vector_load %arg15[%get3A_527, %get3A_528] {strides = array<i32>} : memref<16x768xf32, #tpu.memory_space<vmem>>, vector<1x16xf32>,
        %get3A_530 = vector.shape_cast %get3A_529 : vector<1x16xf32> to vector<16xf32>
        %add3A_531 = arith.addf %mul3A_526, %get3A_530 : vector<16xf32>
        %swap3A_532 = arith.index_cast %scan3A_280 : i32 to index
        %swap3A_533 = arith.constant 240 : index
        %swap3A_534 = tpu.vector_load %arg11[%swap3A_532, %swap3A_533] {strides = array<i32>} : memref<16x768xf32, #tpu.memory_space<vmem>>, vector<1x16xf32>,
        %swap3A_535 = vector.shape_cast %swap3A_534 : vector<1x16xf32> to vector<16xf32>
        %swap3A_536 = vector.shape_cast %add3A_531 : vector<16xf32> to vector<1x16xf32>
        tpu.vector_store %arg11[%swap3A_532, %swap3A_533], %swap3A_536 {strides = array<i32>} : memref<16x768xf32, #tpu.memory_space<vmem>>, vector<1x16xf32>,
        %get3A_537 = arith.index_cast %scan3A_280 : i32 to index
        %get3A_538 = arith.constant 256 : index
        %get3A_539 = tpu.vector_load %arg11[%get3A_537, %get3A_538] {strides = array<i32>} : memref<16x768xf32, #tpu.memory_space<vmem>>, vector<1x16xf32>,
        %get3A_540 = vector.shape_cast %get3A_539 : vector<1x16xf32> to vector<16xf32>
        %mul3A_541 = vector.broadcast %squeeze3A : f32 to vector<16xf32>
        %mul3A_542 = arith.mulf %get3A_540, %mul3A_541 : vector<16xf32>
        %get3A_543 = arith.index_cast %scan3A_280 : i32 to index
        %get3A_544 = arith.constant 256 : index
        %get3A_545 = tpu.vector_load %arg15[%get3A_543, %get3A_544] {strides = array<i32>} : memref<16x768xf32, #tpu.memory_space<vmem>>, vector<1x16xf32>,
        %get3A_546 = vector.shape_cast %get3A_545 : vector<1x16xf32> to vector<16xf32>
        %add3A_547 = arith.addf %mul3A_542, %get3A_546 : vector<16xf32>
        %swap3A_548 = arith.index_cast %scan3A_280 : i32 to index
        %swap3A_549 = arith.constant 256 : index
        %swap3A_550 = tpu.vector_load %arg11[%swap3A_548, %swap3A_549] {strides = array<i32>} : memref<16x768xf32, #tpu.memory_space<vmem>>, vector<1x16xf32>,
        %swap3A_551 = vector.shape_cast %swap3A_550 : vector<1x16xf32> to vector<16xf32>
        %swap3A_552 = vector.shape_cast %add3A_547 : vector<16xf32> to vector<1x16xf32>
        tpu.vector_store %arg11[%swap3A_548, %swap3A_549], %swap3A_552 {strides = array<i32>} : memref<16x768xf32, #tpu.memory_space<vmem>>, vector<1x16xf32>,
        %get3A_553 = arith.index_cast %scan3A_280 : i32 to index
        %get3A_554 = arith.constant 272 : index
        %get3A_555 = tpu.vector_load %arg11[%get3A_553, %get3A_554] {strides = array<i32>} : memref<16x768xf32, #tpu.memory_space<vmem>>, vector<1x16xf32>,
        %get3A_556 = vector.shape_cast %get3A_555 : vector<1x16xf32> to vector<16xf32>
        %mul3A_557 = vector.broadcast %squeeze3A : f32 to vector<16xf32>
        %mul3A_558 = arith.mulf %get3A_556, %mul3A_557 : vector<16xf32>
        %get3A_559 = arith.index_cast %scan3A_280 : i32 to index
        %get3A_560 = arith.constant 272 : index
        %get3A_561 = tpu.vector_load %arg15[%get3A_559, %get3A_560] {strides = array<i32>} : memref<16x768xf32, #tpu.memory_space<vmem>>, vector<1x16xf32>,
        %get3A_562 = vector.shape_cast %get3A_561 : vector<1x16xf32> to vector<16xf32>
        %add3A_563 = arith.addf %mul3A_558, %get3A_562 : vector<16xf32>
        %swap3A_564 = arith.index_cast %scan3A_280 : i32 to index
        %swap3A_565 = arith.constant 272 : index
        %swap3A_566 = tpu.vector_load %arg11[%swap3A_564, %swap3A_565] {strides = array<i32>} : memref<16x768xf32, #tpu.memory_space<vmem>>, vector<1x16xf32>,
        %swap3A_567 = vector.shape_cast %swap3A_566 : vector<1x16xf32> to vector<16xf32>
        %swap3A_568 = vector.shape_cast %add3A_563 : vector<16xf32> to vector<1x16xf32>
        tpu.vector_store %arg11[%swap3A_564, %swap3A_565], %swap3A_568 {strides = array<i32>} : memref<16x768xf32, #tpu.memory_space<vmem>>, vector<1x16xf32>,
        %get3A_569 = arith.index_cast %scan3A_280 : i32 to index
        %get3A_570 = arith.constant 288 : index
        %get3A_571 = tpu.vector_load %arg11[%get3A_569, %get3A_570] {strides = array<i32>} : memref<16x768xf32, #tpu.memory_space<vmem>>, vector<1x16xf32>,
        %get3A_572 = vector.shape_cast %get3A_571 : vector<1x16xf32> to vector<16xf32>
        %mul3A_573 = vector.broadcast %squeeze3A : f32 to vector<16xf32>
        %mul3A_574 = arith.mulf %get3A_572, %mul3A_573 : vector<16xf32>
        %get3A_575 = arith.index_cast %scan3A_280 : i32 to index
        %get3A_576 = arith.constant 288 : index
        %get3A_577 = tpu.vector_load %arg15[%get3A_575, %get3A_576] {strides = array<i32>} : memref<16x768xf32, #tpu.memory_space<vmem>>, vector<1x16xf32>,
        %get3A_578 = vector.shape_cast %get3A_577 : vector<1x16xf32> to vector<16xf32>
        %add3A_579 = arith.addf %mul3A_574, %get3A_578 : vector<16xf32>
        %swap3A_580 = arith.index_cast %scan3A_280 : i32 to index
        %swap3A_581 = arith.constant 288 : index
        %swap3A_582 = tpu.vector_load %arg11[%swap3A_580, %swap3A_581] {strides = array<i32>} : memref<16x768xf32, #tpu.memory_space<vmem>>, vector<1x16xf32>,
        %swap3A_583 = vector.shape_cast %swap3A_582 : vector<1x16xf32> to vector<16xf32>
        %swap3A_584 = vector.shape_cast %add3A_579 : vector<16xf32> to vector<1x16xf32>
        tpu.vector_store %arg11[%swap3A_580, %swap3A_581], %swap3A_584 {strides = array<i32>} : memref<16x768xf32, #tpu.memory_space<vmem>>, vector<1x16xf32>,
        %get3A_585 = arith.index_cast %scan3A_280 : i32 to index
        %get3A_586 = arith.constant 304 : index
        %get3A_587 = tpu.vector_load %arg11[%get3A_585, %get3A_586] {strides = array<i32>} : memref<16x768xf32, #tpu.memory_space<vmem>>, vector<1x16xf32>,
        %get3A_588 = vector.shape_cast %get3A_587 : vector<1x16xf32> to vector<16xf32>
        %mul3A_589 = vector.broadcast %squeeze3A : f32 to vector<16xf32>
        %mul3A_590 = arith.mulf %get3A_588, %mul3A_589 : vector<16xf32>
        %get3A_591 = arith.index_cast %scan3A_280 : i32 to index
        %get3A_592 = arith.constant 304 : index
        %get3A_593 = tpu.vector_load %arg15[%get3A_591, %get3A_592] {strides = array<i32>} : memref<16x768xf32, #tpu.memory_space<vmem>>, vector<1x16xf32>,
        %get3A_594 = vector.shape_cast %get3A_593 : vector<1x16xf32> to vector<16xf32>
        %add3A_595 = arith.addf %mul3A_590, %get3A_594 : vector<16xf32>
        %swap3A_596 = arith.index_cast %scan3A_280 : i32 to index
        %swap3A_597 = arith.constant 304 : index
        %swap3A_598 = tpu.vector_load %arg11[%swap3A_596, %swap3A_597] {strides = array<i32>} : memref<16x768xf32, #tpu.memory_space<vmem>>, vector<1x16xf32>,
        %swap3A_599 = vector.shape_cast %swap3A_598 : vector<1x16xf32> to vector<16xf32>
        %swap3A_600 = vector.shape_cast %add3A_595 : vector<16xf32> to vector<1x16xf32>
        tpu.vector_store %arg11[%swap3A_596, %swap3A_597], %swap3A_600 {strides = array<i32>} : memref<16x768xf32, #tpu.memory_space<vmem>>, vector<1x16xf32>,
        %get3A_601 = arith.index_cast %scan3A_280 : i32 to index
        %get3A_602 = arith.constant 320 : index
        %get3A_603 = tpu.vector_load %arg11[%get3A_601, %get3A_602] {strides = array<i32>} : memref<16x768xf32, #tpu.memory_space<vmem>>, vector<1x16xf32>,
        %get3A_604 = vector.shape_cast %get3A_603 : vector<1x16xf32> to vector<16xf32>
        %mul3A_605 = vector.broadcast %squeeze3A : f32 to vector<16xf32>
        %mul3A_606 = arith.mulf %get3A_604, %mul3A_605 : vector<16xf32>
        %get3A_607 = arith.index_cast %scan3A_280 : i32 to index
        %get3A_608 = arith.constant 320 : index
        %get3A_609 = tpu.vector_load %arg15[%get3A_607, %get3A_608] {strides = array<i32>} : memref<16x768xf32, #tpu.memory_space<vmem>>, vector<1x16xf32>,
        %get3A_610 = vector.shape_cast %get3A_609 : vector<1x16xf32> to vector<16xf32>
        %add3A_611 = arith.addf %mul3A_606, %get3A_610 : vector<16xf32>
        %swap3A_612 = arith.index_cast %scan3A_280 : i32 to index
        %swap3A_613 = arith.constant 320 : index
        %swap3A_614 = tpu.vector_load %arg11[%swap3A_612, %swap3A_613] {strides = array<i32>} : memref<16x768xf32, #tpu.memory_space<vmem>>, vector<1x16xf32>,
        %swap3A_615 = vector.shape_cast %swap3A_614 : vector<1x16xf32> to vector<16xf32>
        %swap3A_616 = vector.shape_cast %add3A_611 : vector<16xf32> to vector<1x16xf32>
        tpu.vector_store %arg11[%swap3A_612, %swap3A_613], %swap3A_616 {strides = array<i32>} : memref<16x768xf32, #tpu.memory_space<vmem>>, vector<1x16xf32>,
        %get3A_617 = arith.index_cast %scan3A_280 : i32 to index
        %get3A_618 = arith.constant 336 : index
        %get3A_619 = tpu.vector_load %arg11[%get3A_617, %get3A_618] {strides = array<i32>} : memref<16x768xf32, #tpu.memory_space<vmem>>, vector<1x16xf32>,
        %get3A_620 = vector.shape_cast %get3A_619 : vector<1x16xf32> to vector<16xf32>
        %mul3A_621 = vector.broadcast %squeeze3A : f32 to vector<16xf32>
        %mul3A_622 = arith.mulf %get3A_620, %mul3A_621 : vector<16xf32>
        %get3A_623 = arith.index_cast %scan3A_280 : i32 to index
        %get3A_624 = arith.constant 336 : index
        %get3A_625 = tpu.vector_load %arg15[%get3A_623, %get3A_624] {strides = array<i32>} : memref<16x768xf32, #tpu.memory_space<vmem>>, vector<1x16xf32>,
        %get3A_626 = vector.shape_cast %get3A_625 : vector<1x16xf32> to vector<16xf32>
        %add3A_627 = arith.addf %mul3A_622, %get3A_626 : vector<16xf32>
        %swap3A_628 = arith.index_cast %scan3A_280 : i32 to index
        %swap3A_629 = arith.constant 336 : index
        %swap3A_630 = tpu.vector_load %arg11[%swap3A_628, %swap3A_629] {strides = array<i32>} : memref<16x768xf32, #tpu.memory_space<vmem>>, vector<1x16xf32>,
        %swap3A_631 = vector.shape_cast %swap3A_630 : vector<1x16xf32> to vector<16xf32>
        %swap3A_632 = vector.shape_cast %add3A_627 : vector<16xf32> to vector<1x16xf32>
        tpu.vector_store %arg11[%swap3A_628, %swap3A_629], %swap3A_632 {strides = array<i32>} : memref<16x768xf32, #tpu.memory_space<vmem>>, vector<1x16xf32>,
        %get3A_633 = arith.index_cast %scan3A_280 : i32 to index
        %get3A_634 = arith.constant 352 : index
        %get3A_635 = tpu.vector_load %arg11[%get3A_633, %get3A_634] {strides = array<i32>} : memref<16x768xf32, #tpu.memory_space<vmem>>, vector<1x16xf32>,
        %get3A_636 = vector.shape_cast %get3A_635 : vector<1x16xf32> to vector<16xf32>
        %mul3A_637 = vector.broadcast %squeeze3A : f32 to vector<16xf32>
        %mul3A_638 = arith.mulf %get3A_636, %mul3A_637 : vector<16xf32>
        %get3A_639 = arith.index_cast %scan3A_280 : i32 to index
        %get3A_640 = arith.constant 352 : index
        %get3A_641 = tpu.vector_load %arg15[%get3A_639, %get3A_640] {strides = array<i32>} : memref<16x768xf32, #tpu.memory_space<vmem>>, vector<1x16xf32>,
        %get3A_642 = vector.shape_cast %get3A_641 : vector<1x16xf32> to vector<16xf32>
        %add3A_643 = arith.addf %mul3A_638, %get3A_642 : vector<16xf32>
        %swap3A_644 = arith.index_cast %scan3A_280 : i32 to index
        %swap3A_645 = arith.constant 352 : index
        %swap3A_646 = tpu.vector_load %arg11[%swap3A_644, %swap3A_645] {strides = array<i32>} : memref<16x768xf32, #tpu.memory_space<vmem>>, vector<1x16xf32>,
        %swap3A_647 = vector.shape_cast %swap3A_646 : vector<1x16xf32> to vector<16xf32>
        %swap3A_648 = vector.shape_cast %add3A_643 : vector<16xf32> to vector<1x16xf32>
        tpu.vector_store %arg11[%swap3A_644, %swap3A_645], %swap3A_648 {strides = array<i32>} : memref<16x768xf32, #tpu.memory_space<vmem>>, vector<1x16xf32>,
        %get3A_649 = arith.index_cast %scan3A_280 : i32 to index
        %get3A_650 = arith.constant 368 : index
        %get3A_651 = tpu.vector_load %arg11[%get3A_649, %get3A_650] {strides = array<i32>} : memref<16x768xf32, #tpu.memory_space<vmem>>, vector<1x16xf32>,
        %get3A_652 = vector.shape_cast %get3A_651 : vector<1x16xf32> to vector<16xf32>
        %mul3A_653 = vector.broadcast %squeeze3A : f32 to vector<16xf32>
        %mul3A_654 = arith.mulf %get3A_652, %mul3A_653 : vector<16xf32>
        %get3A_655 = arith.index_cast %scan3A_280 : i32 to index
        %get3A_656 = arith.constant 368 : index
        %get3A_657 = tpu.vector_load %arg15[%get3A_655, %get3A_656] {strides = array<i32>} : memref<16x768xf32, #tpu.memory_space<vmem>>, vector<1x16xf32>,
        %get3A_658 = vector.shape_cast %get3A_657 : vector<1x16xf32> to vector<16xf32>
        %add3A_659 = arith.addf %mul3A_654, %get3A_658 : vector<16xf32>
        %swap3A_660 = arith.index_cast %scan3A_280 : i32 to index
        %swap3A_661 = arith.constant 368 : index
        %swap3A_662 = tpu.vector_load %arg11[%swap3A_660, %swap3A_661] {strides = array<i32>} : memref<16x768xf32, #tpu.memory_space<vmem>>, vector<1x16xf32>,
        %swap3A_663 = vector.shape_cast %swap3A_662 : vector<1x16xf32> to vector<16xf32>
        %swap3A_664 = vector.shape_cast %add3A_659 : vector<16xf32> to vector<1x16xf32>
        tpu.vector_store %arg11[%swap3A_660, %swap3A_661], %swap3A_664 {strides = array<i32>} : memref<16x768xf32, #tpu.memory_space<vmem>>, vector<1x16xf32>,
        %get3A_665 = arith.index_cast %scan3A_280 : i32 to index
        %get3A_666 = arith.constant 384 : index
        %get3A_667 = tpu.vector_load %arg11[%get3A_665, %get3A_666] {strides = array<i32>} : memref<16x768xf32, #tpu.memory_space<vmem>>, vector<1x16xf32>,
        %get3A_668 = vector.shape_cast %get3A_667 : vector<1x16xf32> to vector<16xf32>
        %mul3A_669 = vector.broadcast %squeeze3A : f32 to vector<16xf32>
        %mul3A_670 = arith.mulf %get3A_668, %mul3A_669 : vector<16xf32>
        %get3A_671 = arith.index_cast %scan3A_280 : i32 to index
        %get3A_672 = arith.constant 384 : index
        %get3A_673 = tpu.vector_load %arg15[%get3A_671, %get3A_672] {strides = array<i32>} : memref<16x768xf32, #tpu.memory_space<vmem>>, vector<1x16xf32>,
        %get3A_674 = vector.shape_cast %get3A_673 : vector<1x16xf32> to vector<16xf32>
        %add3A_675 = arith.addf %mul3A_670, %get3A_674 : vector<16xf32>
        %swap3A_676 = arith.index_cast %scan3A_280 : i32 to index
        %swap3A_677 = arith.constant 384 : index
        %swap3A_678 = tpu.vector_load %arg11[%swap3A_676, %swap3A_677] {strides = array<i32>} : memref<16x768xf32, #tpu.memory_space<vmem>>, vector<1x16xf32>,
        %swap3A_679 = vector.shape_cast %swap3A_678 : vector<1x16xf32> to vector<16xf32>
        %swap3A_680 = vector.shape_cast %add3A_675 : vector<16xf32> to vector<1x16xf32>
        tpu.vector_store %arg11[%swap3A_676, %swap3A_677], %swap3A_680 {strides = array<i32>} : memref<16x768xf32, #tpu.memory_space<vmem>>, vector<1x16xf32>,
        %get3A_681 = arith.index_cast %scan3A_280 : i32 to index
        %get3A_682 = arith.constant 400 : index
        %get3A_683 = tpu.vector_load %arg11[%get3A_681, %get3A_682] {strides = array<i32>} : memref<16x768xf32, #tpu.memory_space<vmem>>, vector<1x16xf32>,
        %get3A_684 = vector.shape_cast %get3A_683 : vector<1x16xf32> to vector<16xf32>
        %mul3A_685 = vector.broadcast %squeeze3A : f32 to vector<16xf32>
        %mul3A_686 = arith.mulf %get3A_684, %mul3A_685 : vector<16xf32>
        %get3A_687 = arith.index_cast %scan3A_280 : i32 to index
        %get3A_688 = arith.constant 400 : index
        %get3A_689 = tpu.vector_load %arg15[%get3A_687, %get3A_688] {strides = array<i32>} : memref<16x768xf32, #tpu.memory_space<vmem>>, vector<1x16xf32>,
        %get3A_690 = vector.shape_cast %get3A_689 : vector<1x16xf32> to vector<16xf32>
        %add3A_691 = arith.addf %mul3A_686, %get3A_690 : vector<16xf32>
        %swap3A_692 = arith.index_cast %scan3A_280 : i32 to index
        %swap3A_693 = arith.constant 400 : index
        %swap3A_694 = tpu.vector_load %arg11[%swap3A_692, %swap3A_693] {strides = array<i32>} : memref<16x768xf32, #tpu.memory_space<vmem>>, vector<1x16xf32>,
        %swap3A_695 = vector.shape_cast %swap3A_694 : vector<1x16xf32> to vector<16xf32>
        %swap3A_696 = vector.shape_cast %add3A_691 : vector<16xf32> to vector<1x16xf32>
        tpu.vector_store %arg11[%swap3A_692, %swap3A_693], %swap3A_696 {strides = array<i32>} : memref<16x768xf32, #tpu.memory_space<vmem>>, vector<1x16xf32>,
        %get3A_697 = arith.index_cast %scan3A_280 : i32 to index
        %get3A_698 = arith.constant 416 : index
        %get3A_699 = tpu.vector_load %arg11[%get3A_697, %get3A_698] {strides = array<i32>} : memref<16x768xf32, #tpu.memory_space<vmem>>, vector<1x16xf32>,
        %get3A_700 = vector.shape_cast %get3A_699 : vector<1x16xf32> to vector<16xf32>
        %mul3A_701 = vector.broadcast %squeeze3A : f32 to vector<16xf32>
        %mul3A_702 = arith.mulf %get3A_700, %mul3A_701 : vector<16xf32>
        %get3A_703 = arith.index_cast %scan3A_280 : i32 to index
        %get3A_704 = arith.constant 416 : index
        %get3A_705 = tpu.vector_load %arg15[%get3A_703, %get3A_704] {strides = array<i32>} : memref<16x768xf32, #tpu.memory_space<vmem>>, vector<1x16xf32>,
        %get3A_706 = vector.shape_cast %get3A_705 : vector<1x16xf32> to vector<16xf32>
        %add3A_707 = arith.addf %mul3A_702, %get3A_706 : vector<16xf32>
        %swap3A_708 = arith.index_cast %scan3A_280 : i32 to index
        %swap3A_709 = arith.constant 416 : index
        %swap3A_710 = tpu.vector_load %arg11[%swap3A_708, %swap3A_709] {strides = array<i32>} : memref<16x768xf32, #tpu.memory_space<vmem>>, vector<1x16xf32>,
        %swap3A_711 = vector.shape_cast %swap3A_710 : vector<1x16xf32> to vector<16xf32>
        %swap3A_712 = vector.shape_cast %add3A_707 : vector<16xf32> to vector<1x16xf32>
        tpu.vector_store %arg11[%swap3A_708, %swap3A_709], %swap3A_712 {strides = array<i32>} : memref<16x768xf32, #tpu.memory_space<vmem>>, vector<1x16xf32>,
        %get3A_713 = arith.index_cast %scan3A_280 : i32 to index
        %get3A_714 = arith.constant 432 : index
        %get3A_715 = tpu.vector_load %arg11[%get3A_713, %get3A_714] {strides = array<i32>} : memref<16x768xf32, #tpu.memory_space<vmem>>, vector<1x16xf32>,
        %get3A_716 = vector.shape_cast %get3A_715 : vector<1x16xf32> to vector<16xf32>
        %mul3A_717 = vector.broadcast %squeeze3A : f32 to vector<16xf32>
        %mul3A_718 = arith.mulf %get3A_716, %mul3A_717 : vector<16xf32>
        %get3A_719 = arith.index_cast %scan3A_280 : i32 to index
        %get3A_720 = arith.constant 432 : index
        %get3A_721 = tpu.vector_load %arg15[%get3A_719, %get3A_720] {strides = array<i32>} : memref<16x768xf32, #tpu.memory_space<vmem>>, vector<1x16xf32>,
        %get3A_722 = vector.shape_cast %get3A_721 : vector<1x16xf32> to vector<16xf32>
        %add3A_723 = arith.addf %mul3A_718, %get3A_722 : vector<16xf32>
        %swap3A_724 = arith.index_cast %scan3A_280 : i32 to index
        %swap3A_725 = arith.constant 432 : index
        %swap3A_726 = tpu.vector_load %arg11[%swap3A_724, %swap3A_725] {strides = array<i32>} : memref<16x768xf32, #tpu.memory_space<vmem>>, vector<1x16xf32>,
        %swap3A_727 = vector.shape_cast %swap3A_726 : vector<1x16xf32> to vector<16xf32>
        %swap3A_728 = vector.shape_cast %add3A_723 : vector<16xf32> to vector<1x16xf32>
        tpu.vector_store %arg11[%swap3A_724, %swap3A_725], %swap3A_728 {strides = array<i32>} : memref<16x768xf32, #tpu.memory_space<vmem>>, vector<1x16xf32>,
        %get3A_729 = arith.index_cast %scan3A_280 : i32 to index
        %get3A_730 = arith.constant 448 : index
        %get3A_731 = tpu.vector_load %arg11[%get3A_729, %get3A_730] {strides = array<i32>} : memref<16x768xf32, #tpu.memory_space<vmem>>, vector<1x16xf32>,
        %get3A_732 = vector.shape_cast %get3A_731 : vector<1x16xf32> to vector<16xf32>
        %mul3A_733 = vector.broadcast %squeeze3A : f32 to vector<16xf32>
        %mul3A_734 = arith.mulf %get3A_732, %mul3A_733 : vector<16xf32>
        %get3A_735 = arith.index_cast %scan3A_280 : i32 to index
        %get3A_736 = arith.constant 448 : index
        %get3A_737 = tpu.vector_load %arg15[%get3A_735, %get3A_736] {strides = array<i32>} : memref<16x768xf32, #tpu.memory_space<vmem>>, vector<1x16xf32>,
        %get3A_738 = vector.shape_cast %get3A_737 : vector<1x16xf32> to vector<16xf32>
        %add3A_739 = arith.addf %mul3A_734, %get3A_738 : vector<16xf32>
        %swap3A_740 = arith.index_cast %scan3A_280 : i32 to index
        %swap3A_741 = arith.constant 448 : index
        %swap3A_742 = tpu.vector_load %arg11[%swap3A_740, %swap3A_741] {strides = array<i32>} : memref<16x768xf32, #tpu.memory_space<vmem>>, vector<1x16xf32>,
        %swap3A_743 = vector.shape_cast %swap3A_742 : vector<1x16xf32> to vector<16xf32>
        %swap3A_744 = vector.shape_cast %add3A_739 : vector<16xf32> to vector<1x16xf32>
        tpu.vector_store %arg11[%swap3A_740, %swap3A_741], %swap3A_744 {strides = array<i32>} : memref<16x768xf32, #tpu.memory_space<vmem>>, vector<1x16xf32>,
        %get3A_745 = arith.index_cast %scan3A_280 : i32 to index
        %get3A_746 = arith.constant 464 : index
        %get3A_747 = tpu.vector_load %arg11[%get3A_745, %get3A_746] {strides = array<i32>} : memref<16x768xf32, #tpu.memory_space<vmem>>, vector<1x16xf32>,
        %get3A_748 = vector.shape_cast %get3A_747 : vector<1x16xf32> to vector<16xf32>
        %mul3A_749 = vector.broadcast %squeeze3A : f32 to vector<16xf32>
        %mul3A_750 = arith.mulf %get3A_748, %mul3A_749 : vector<16xf32>
        %get3A_751 = arith.index_cast %scan3A_280 : i32 to index
        %get3A_752 = arith.constant 464 : index
        %get3A_753 = tpu.vector_load %arg15[%get3A_751, %get3A_752] {strides = array<i32>} : memref<16x768xf32, #tpu.memory_space<vmem>>, vector<1x16xf32>,
        %get3A_754 = vector.shape_cast %get3A_753 : vector<1x16xf32> to vector<16xf32>
        %add3A_755 = arith.addf %mul3A_750, %get3A_754 : vector<16xf32>
        %swap3A_756 = arith.index_cast %scan3A_280 : i32 to index
        %swap3A_757 = arith.constant 464 : index
        %swap3A_758 = tpu.vector_load %arg11[%swap3A_756, %swap3A_757] {strides = array<i32>} : memref<16x768xf32, #tpu.memory_space<vmem>>, vector<1x16xf32>,
        %swap3A_759 = vector.shape_cast %swap3A_758 : vector<1x16xf32> to vector<16xf32>
        %swap3A_760 = vector.shape_cast %add3A_755 : vector<16xf32> to vector<1x16xf32>
        tpu.vector_store %arg11[%swap3A_756, %swap3A_757], %swap3A_760 {strides = array<i32>} : memref<16x768xf32, #tpu.memory_space<vmem>>, vector<1x16xf32>,
        %get3A_761 = arith.index_cast %scan3A_280 : i32 to index
        %get3A_762 = arith.constant 480 : index
        %get3A_763 = tpu.vector_load %arg11[%get3A_761, %get3A_762] {strides = array<i32>} : memref<16x768xf32, #tpu.memory_space<vmem>>, vector<1x16xf32>,
        %get3A_764 = vector.shape_cast %get3A_763 : vector<1x16xf32> to vector<16xf32>
        %mul3A_765 = vector.broadcast %squeeze3A : f32 to vector<16xf32>
        %mul3A_766 = arith.mulf %get3A_764, %mul3A_765 : vector<16xf32>
        %get3A_767 = arith.index_cast %scan3A_280 : i32 to index
        %get3A_768 = arith.constant 480 : index
        %get3A_769 = tpu.vector_load %arg15[%get3A_767, %get3A_768] {strides = array<i32>} : memref<16x768xf32, #tpu.memory_space<vmem>>, vector<1x16xf32>,
        %get3A_770 = vector.shape_cast %get3A_769 : vector<1x16xf32> to vector<16xf32>
        %add3A_771 = arith.addf %mul3A_766, %get3A_770 : vector<16xf32>
        %swap3A_772 = arith.index_cast %scan3A_280 : i32 to index
        %swap3A_773 = arith.constant 480 : index
        %swap3A_774 = tpu.vector_load %arg11[%swap3A_772, %swap3A_773] {strides = array<i32>} : memref<16x768xf32, #tpu.memory_space<vmem>>, vector<1x16xf32>,
        %swap3A_775 = vector.shape_cast %swap3A_774 : vector<1x16xf32> to vector<16xf32>
        %swap3A_776 = vector.shape_cast %add3A_771 : vector<16xf32> to vector<1x16xf32>
        tpu.vector_store %arg11[%swap3A_772, %swap3A_773], %swap3A_776 {strides = array<i32>} : memref<16x768xf32, #tpu.memory_space<vmem>>, vector<1x16xf32>,
        %get3A_777 = arith.index_cast %scan3A_280 : i32 to index
        %get3A_778 = arith.constant 496 : index
        %get3A_779 = tpu.vector_load %arg11[%get3A_777, %get3A_778] {strides = array<i32>} : memref<16x768xf32, #tpu.memory_space<vmem>>, vector<1x16xf32>,
        %get3A_780 = vector.shape_cast %get3A_779 : vector<1x16xf32> to vector<16xf32>
        %mul3A_781 = vector.broadcast %squeeze3A : f32 to vector<16xf32>
        %mul3A_782 = arith.mulf %get3A_780, %mul3A_781 : vector<16xf32>
        %get3A_783 = arith.index_cast %scan3A_280 : i32 to index
        %get3A_784 = arith.constant 496 : index
        %get3A_785 = tpu.vector_load %arg15[%get3A_783, %get3A_784] {strides = array<i32>} : memref<16x768xf32, #tpu.memory_space<vmem>>, vector<1x16xf32>,
        %get3A_786 = vector.shape_cast %get3A_785 : vector<1x16xf32> to vector<16xf32>
        %add3A_787 = arith.addf %mul3A_782, %get3A_786 : vector<16xf32>
        %swap3A_788 = arith.index_cast %scan3A_280 : i32 to index
        %swap3A_789 = arith.constant 496 : index
        %swap3A_790 = tpu.vector_load %arg11[%swap3A_788, %swap3A_789] {strides = array<i32>} : memref<16x768xf32, #tpu.memory_space<vmem>>, vector<1x16xf32>,
        %swap3A_791 = vector.shape_cast %swap3A_790 : vector<1x16xf32> to vector<16xf32>
        %swap3A_792 = vector.shape_cast %add3A_787 : vector<16xf32> to vector<1x16xf32>
        tpu.vector_store %arg11[%swap3A_788, %swap3A_789], %swap3A_792 {strides = array<i32>} : memref<16x768xf32, #tpu.memory_space<vmem>>, vector<1x16xf32>,
        %get3A_793 = arith.index_cast %scan3A_280 : i32 to index
        %get3A_794 = arith.constant 512 : index
        %get3A_795 = tpu.vector_load %arg11[%get3A_793, %get3A_794] {strides = array<i32>} : memref<16x768xf32, #tpu.memory_space<vmem>>, vector<1x16xf32>,
        %get3A_796 = vector.shape_cast %get3A_795 : vector<1x16xf32> to vector<16xf32>
        %mul3A_797 = vector.broadcast %squeeze3A : f32 to vector<16xf32>
        %mul3A_798 = arith.mulf %get3A_796, %mul3A_797 : vector<16xf32>
        %get3A_799 = arith.index_cast %scan3A_280 : i32 to index
        %get3A_800 = arith.constant 512 : index
        %get3A_801 = tpu.vector_load %arg15[%get3A_799, %get3A_800] {strides = array<i32>} : memref<16x768xf32, #tpu.memory_space<vmem>>, vector<1x16xf32>,
        %get3A_802 = vector.shape_cast %get3A_801 : vector<1x16xf32> to vector<16xf32>
        %add3A_803 = arith.addf %mul3A_798, %get3A_802 : vector<16xf32>
        %swap3A_804 = arith.index_cast %scan3A_280 : i32 to index
        %swap3A_805 = arith.constant 512 : index
        %swap3A_806 = tpu.vector_load %arg11[%swap3A_804, %swap3A_805] {strides = array<i32>} : memref<16x768xf32, #tpu.memory_space<vmem>>, vector<1x16xf32>,
        %swap3A_807 = vector.shape_cast %swap3A_806 : vector<1x16xf32> to vector<16xf32>
        %swap3A_808 = vector.shape_cast %add3A_803 : vector<16xf32> to vector<1x16xf32>
        tpu.vector_store %arg11[%swap3A_804, %swap3A_805], %swap3A_808 {strides = array<i32>} : memref<16x768xf32, #tpu.memory_space<vmem>>, vector<1x16xf32>,
        %get3A_809 = arith.index_cast %scan3A_280 : i32 to index
        %get3A_810 = arith.constant 528 : index
        %get3A_811 = tpu.vector_load %arg11[%get3A_809, %get3A_810] {strides = array<i32>} : memref<16x768xf32, #tpu.memory_space<vmem>>, vector<1x16xf32>,
        %get3A_812 = vector.shape_cast %get3A_811 : vector<1x16xf32> to vector<16xf32>
        %mul3A_813 = vector.broadcast %squeeze3A : f32 to vector<16xf32>
        %mul3A_814 = arith.mulf %get3A_812, %mul3A_813 : vector<16xf32>
        %get3A_815 = arith.index_cast %scan3A_280 : i32 to index
        %get3A_816 = arith.constant 528 : index
        %get3A_817 = tpu.vector_load %arg15[%get3A_815, %get3A_816] {strides = array<i32>} : memref<16x768xf32, #tpu.memory_space<vmem>>, vector<1x16xf32>,
        %get3A_818 = vector.shape_cast %get3A_817 : vector<1x16xf32> to vector<16xf32>
        %add3A_819 = arith.addf %mul3A_814, %get3A_818 : vector<16xf32>
        %swap3A_820 = arith.index_cast %scan3A_280 : i32 to index
        %swap3A_821 = arith.constant 528 : index
        %swap3A_822 = tpu.vector_load %arg11[%swap3A_820, %swap3A_821] {strides = array<i32>} : memref<16x768xf32, #tpu.memory_space<vmem>>, vector<1x16xf32>,
        %swap3A_823 = vector.shape_cast %swap3A_822 : vector<1x16xf32> to vector<16xf32>
        %swap3A_824 = vector.shape_cast %add3A_819 : vector<16xf32> to vector<1x16xf32>
        tpu.vector_store %arg11[%swap3A_820, %swap3A_821], %swap3A_824 {strides = array<i32>} : memref<16x768xf32, #tpu.memory_space<vmem>>, vector<1x16xf32>,
        %get3A_825 = arith.index_cast %scan3A_280 : i32 to index
        %get3A_826 = arith.constant 544 : index
        %get3A_827 = tpu.vector_load %arg11[%get3A_825, %get3A_826] {strides = array<i32>} : memref<16x768xf32, #tpu.memory_space<vmem>>, vector<1x16xf32>,
        %get3A_828 = vector.shape_cast %get3A_827 : vector<1x16xf32> to vector<16xf32>
        %mul3A_829 = vector.broadcast %squeeze3A : f32 to vector<16xf32>
        %mul3A_830 = arith.mulf %get3A_828, %mul3A_829 : vector<16xf32>
        %get3A_831 = arith.index_cast %scan3A_280 : i32 to index
        %get3A_832 = arith.constant 544 : index
        %get3A_833 = tpu.vector_load %arg15[%get3A_831, %get3A_832] {strides = array<i32>} : memref<16x768xf32, #tpu.memory_space<vmem>>, vector<1x16xf32>,
        %get3A_834 = vector.shape_cast %get3A_833 : vector<1x16xf32> to vector<16xf32>
        %add3A_835 = arith.addf %mul3A_830, %get3A_834 : vector<16xf32>
        %swap3A_836 = arith.index_cast %scan3A_280 : i32 to index
        %swap3A_837 = arith.constant 544 : index
        %swap3A_838 = tpu.vector_load %arg11[%swap3A_836, %swap3A_837] {strides = array<i32>} : memref<16x768xf32, #tpu.memory_space<vmem>>, vector<1x16xf32>,
        %swap3A_839 = vector.shape_cast %swap3A_838 : vector<1x16xf32> to vector<16xf32>
        %swap3A_840 = vector.shape_cast %add3A_835 : vector<16xf32> to vector<1x16xf32>
        tpu.vector_store %arg11[%swap3A_836, %swap3A_837], %swap3A_840 {strides = array<i32>} : memref<16x768xf32, #tpu.memory_space<vmem>>, vector<1x16xf32>,
        %get3A_841 = arith.index_cast %scan3A_280 : i32 to index
        %get3A_842 = arith.constant 560 : index
        %get3A_843 = tpu.vector_load %arg11[%get3A_841, %get3A_842] {strides = array<i32>} : memref<16x768xf32, #tpu.memory_space<vmem>>, vector<1x16xf32>,
        %get3A_844 = vector.shape_cast %get3A_843 : vector<1x16xf32> to vector<16xf32>
        %mul3A_845 = vector.broadcast %squeeze3A : f32 to vector<16xf32>
        %mul3A_846 = arith.mulf %get3A_844, %mul3A_845 : vector<16xf32>
        %get3A_847 = arith.index_cast %scan3A_280 : i32 to index
        %get3A_848 = arith.constant 560 : index
        %get3A_849 = tpu.vector_load %arg15[%get3A_847, %get3A_848] {strides = array<i32>} : memref<16x768xf32, #tpu.memory_space<vmem>>, vector<1x16xf32>,
        %get3A_850 = vector.shape_cast %get3A_849 : vector<1x16xf32> to vector<16xf32>
        %add3A_851 = arith.addf %mul3A_846, %get3A_850 : vector<16xf32>
        %swap3A_852 = arith.index_cast %scan3A_280 : i32 to index
        %swap3A_853 = arith.constant 560 : index
        %swap3A_854 = tpu.vector_load %arg11[%swap3A_852, %swap3A_853] {strides = array<i32>} : memref<16x768xf32, #tpu.memory_space<vmem>>, vector<1x16xf32>,
        %swap3A_855 = vector.shape_cast %swap3A_854 : vector<1x16xf32> to vector<16xf32>
        %swap3A_856 = vector.shape_cast %add3A_851 : vector<16xf32> to vector<1x16xf32>
        tpu.vector_store %arg11[%swap3A_852, %swap3A_853], %swap3A_856 {strides = array<i32>} : memref<16x768xf32, #tpu.memory_space<vmem>>, vector<1x16xf32>,
        %get3A_857 = arith.index_cast %scan3A_280 : i32 to index
        %get3A_858 = arith.constant 576 : index
        %get3A_859 = tpu.vector_load %arg11[%get3A_857, %get3A_858] {strides = array<i32>} : memref<16x768xf32, #tpu.memory_space<vmem>>, vector<1x16xf32>,
        %get3A_860 = vector.shape_cast %get3A_859 : vector<1x16xf32> to vector<16xf32>
        %mul3A_861 = vector.broadcast %squeeze3A : f32 to vector<16xf32>
        %mul3A_862 = arith.mulf %get3A_860, %mul3A_861 : vector<16xf32>
        %get3A_863 = arith.index_cast %scan3A_280 : i32 to index
        %get3A_864 = arith.constant 576 : index
        %get3A_865 = tpu.vector_load %arg15[%get3A_863, %get3A_864] {strides = array<i32>} : memref<16x768xf32, #tpu.memory_space<vmem>>, vector<1x16xf32>,
        %get3A_866 = vector.shape_cast %get3A_865 : vector<1x16xf32> to vector<16xf32>
        %add3A_867 = arith.addf %mul3A_862, %get3A_866 : vector<16xf32>
        %swap3A_868 = arith.index_cast %scan3A_280 : i32 to index
        %swap3A_869 = arith.constant 576 : index
        %swap3A_870 = tpu.vector_load %arg11[%swap3A_868, %swap3A_869] {strides = array<i32>} : memref<16x768xf32, #tpu.memory_space<vmem>>, vector<1x16xf32>,
        %swap3A_871 = vector.shape_cast %swap3A_870 : vector<1x16xf32> to vector<16xf32>
        %swap3A_872 = vector.shape_cast %add3A_867 : vector<16xf32> to vector<1x16xf32>
        tpu.vector_store %arg11[%swap3A_868, %swap3A_869], %swap3A_872 {strides = array<i32>} : memref<16x768xf32, #tpu.memory_space<vmem>>, vector<1x16xf32>,
        %get3A_873 = arith.index_cast %scan3A_280 : i32 to index
        %get3A_874 = arith.constant 592 : index
        %get3A_875 = tpu.vector_load %arg11[%get3A_873, %get3A_874] {strides = array<i32>} : memref<16x768xf32, #tpu.memory_space<vmem>>, vector<1x16xf32>,
        %get3A_876 = vector.shape_cast %get3A_875 : vector<1x16xf32> to vector<16xf32>
        %mul3A_877 = vector.broadcast %squeeze3A : f32 to vector<16xf32>
        %mul3A_878 = arith.mulf %get3A_876, %mul3A_877 : vector<16xf32>
        %get3A_879 = arith.index_cast %scan3A_280 : i32 to index
        %get3A_880 = arith.constant 592 : index
        %get3A_881 = tpu.vector_load %arg15[%get3A_879, %get3A_880] {strides = array<i32>} : memref<16x768xf32, #tpu.memory_space<vmem>>, vector<1x16xf32>,
        %get3A_882 = vector.shape_cast %get3A_881 : vector<1x16xf32> to vector<16xf32>
        %add3A_883 = arith.addf %mul3A_878, %get3A_882 : vector<16xf32>
        %swap3A_884 = arith.index_cast %scan3A_280 : i32 to index
        %swap3A_885 = arith.constant 592 : index
        %swap3A_886 = tpu.vector_load %arg11[%swap3A_884, %swap3A_885] {strides = array<i32>} : memref<16x768xf32, #tpu.memory_space<vmem>>, vector<1x16xf32>,
        %swap3A_887 = vector.shape_cast %swap3A_886 : vector<1x16xf32> to vector<16xf32>
        %swap3A_888 = vector.shape_cast %add3A_883 : vector<16xf32> to vector<1x16xf32>
        tpu.vector_store %arg11[%swap3A_884, %swap3A_885], %swap3A_888 {strides = array<i32>} : memref<16x768xf32, #tpu.memory_space<vmem>>, vector<1x16xf32>,
        %get3A_889 = arith.index_cast %scan3A_280 : i32 to index
        %get3A_890 = arith.constant 608 : index
        %get3A_891 = tpu.vector_load %arg11[%get3A_889, %get3A_890] {strides = array<i32>} : memref<16x768xf32, #tpu.memory_space<vmem>>, vector<1x16xf32>,
        %get3A_892 = vector.shape_cast %get3A_891 : vector<1x16xf32> to vector<16xf32>
        %mul3A_893 = vector.broadcast %squeeze3A : f32 to vector<16xf32>
        %mul3A_894 = arith.mulf %get3A_892, %mul3A_893 : vector<16xf32>
        %get3A_895 = arith.index_cast %scan3A_280 : i32 to index
        %get3A_896 = arith.constant 608 : index
        %get3A_897 = tpu.vector_load %arg15[%get3A_895, %get3A_896] {strides = array<i32>} : memref<16x768xf32, #tpu.memory_space<vmem>>, vector<1x16xf32>,
        %get3A_898 = vector.shape_cast %get3A_897 : vector<1x16xf32> to vector<16xf32>
        %add3A_899 = arith.addf %mul3A_894, %get3A_898 : vector<16xf32>
        %swap3A_900 = arith.index_cast %scan3A_280 : i32 to index
        %swap3A_901 = arith.constant 608 : index
        %swap3A_902 = tpu.vector_load %arg11[%swap3A_900, %swap3A_901] {strides = array<i32>} : memref<16x768xf32, #tpu.memory_space<vmem>>, vector<1x16xf32>,
        %swap3A_903 = vector.shape_cast %swap3A_902 : vector<1x16xf32> to vector<16xf32>
        %swap3A_904 = vector.shape_cast %add3A_899 : vector<16xf32> to vector<1x16xf32>
        tpu.vector_store %arg11[%swap3A_900, %swap3A_901], %swap3A_904 {strides = array<i32>} : memref<16x768xf32, #tpu.memory_space<vmem>>, vector<1x16xf32>,
        %get3A_905 = arith.index_cast %scan3A_280 : i32 to index
        %get3A_906 = arith.constant 624 : index
        %get3A_907 = tpu.vector_load %arg11[%get3A_905, %get3A_906] {strides = array<i32>} : memref<16x768xf32, #tpu.memory_space<vmem>>, vector<1x16xf32>,
        %get3A_908 = vector.shape_cast %get3A_907 : vector<1x16xf32> to vector<16xf32>
        %mul3A_909 = vector.broadcast %squeeze3A : f32 to vector<16xf32>
        %mul3A_910 = arith.mulf %get3A_908, %mul3A_909 : vector<16xf32>
        %get3A_911 = arith.index_cast %scan3A_280 : i32 to index
        %get3A_912 = arith.constant 624 : index
        %get3A_913 = tpu.vector_load %arg15[%get3A_911, %get3A_912] {strides = array<i32>} : memref<16x768xf32, #tpu.memory_space<vmem>>, vector<1x16xf32>,
        %get3A_914 = vector.shape_cast %get3A_913 : vector<1x16xf32> to vector<16xf32>
        %add3A_915 = arith.addf %mul3A_910, %get3A_914 : vector<16xf32>
        %swap3A_916 = arith.index_cast %scan3A_280 : i32 to index
        %swap3A_917 = arith.constant 624 : index
        %swap3A_918 = tpu.vector_load %arg11[%swap3A_916, %swap3A_917] {strides = array<i32>} : memref<16x768xf32, #tpu.memory_space<vmem>>, vector<1x16xf32>,
        %swap3A_919 = vector.shape_cast %swap3A_918 : vector<1x16xf32> to vector<16xf32>
        %swap3A_920 = vector.shape_cast %add3A_915 : vector<16xf32> to vector<1x16xf32>
        tpu.vector_store %arg11[%swap3A_916, %swap3A_917], %swap3A_920 {strides = array<i32>} : memref<16x768xf32, #tpu.memory_space<vmem>>, vector<1x16xf32>,
        %get3A_921 = arith.index_cast %scan3A_280 : i32 to index
        %get3A_922 = arith.constant 640 : index
        %get3A_923 = tpu.vector_load %arg11[%get3A_921, %get3A_922] {strides = array<i32>} : memref<16x768xf32, #tpu.memory_space<vmem>>, vector<1x16xf32>,
        %get3A_924 = vector.shape_cast %get3A_923 : vector<1x16xf32> to vector<16xf32>
        %mul3A_925 = vector.broadcast %squeeze3A : f32 to vector<16xf32>
        %mul3A_926 = arith.mulf %get3A_924, %mul3A_925 : vector<16xf32>
        %get3A_927 = arith.index_cast %scan3A_280 : i32 to index
        %get3A_928 = arith.constant 640 : index
        %get3A_929 = tpu.vector_load %arg15[%get3A_927, %get3A_928] {strides = array<i32>} : memref<16x768xf32, #tpu.memory_space<vmem>>, vector<1x16xf32>,
        %get3A_930 = vector.shape_cast %get3A_929 : vector<1x16xf32> to vector<16xf32>
        %add3A_931 = arith.addf %mul3A_926, %get3A_930 : vector<16xf32>
        %swap3A_932 = arith.index_cast %scan3A_280 : i32 to index
        %swap3A_933 = arith.constant 640 : index
        %swap3A_934 = tpu.vector_load %arg11[%swap3A_932, %swap3A_933] {strides = array<i32>} : memref<16x768xf32, #tpu.memory_space<vmem>>, vector<1x16xf32>,
        %swap3A_935 = vector.shape_cast %swap3A_934 : vector<1x16xf32> to vector<16xf32>
        %swap3A_936 = vector.shape_cast %add3A_931 : vector<16xf32> to vector<1x16xf32>
        tpu.vector_store %arg11[%swap3A_932, %swap3A_933], %swap3A_936 {strides = array<i32>} : memref<16x768xf32, #tpu.memory_space<vmem>>, vector<1x16xf32>,
        %get3A_937 = arith.index_cast %scan3A_280 : i32 to index
        %get3A_938 = arith.constant 656 : index
        %get3A_939 = tpu.vector_load %arg11[%get3A_937, %get3A_938] {strides = array<i32>} : memref<16x768xf32, #tpu.memory_space<vmem>>, vector<1x16xf32>,
        %get3A_940 = vector.shape_cast %get3A_939 : vector<1x16xf32> to vector<16xf32>
        %mul3A_941 = vector.broadcast %squeeze3A : f32 to vector<16xf32>
        %mul3A_942 = arith.mulf %get3A_940, %mul3A_941 : vector<16xf32>
        %get3A_943 = arith.index_cast %scan3A_280 : i32 to index
        %get3A_944 = arith.constant 656 : index
        %get3A_945 = tpu.vector_load %arg15[%get3A_943, %get3A_944] {strides = array<i32>} : memref<16x768xf32, #tpu.memory_space<vmem>>, vector<1x16xf32>,
        %get3A_946 = vector.shape_cast %get3A_945 : vector<1x16xf32> to vector<16xf32>
        %add3A_947 = arith.addf %mul3A_942, %get3A_946 : vector<16xf32>
        %swap3A_948 = arith.index_cast %scan3A_280 : i32 to index
        %swap3A_949 = arith.constant 656 : index
        %swap3A_950 = tpu.vector_load %arg11[%swap3A_948, %swap3A_949] {strides = array<i32>} : memref<16x768xf32, #tpu.memory_space<vmem>>, vector<1x16xf32>,
        %swap3A_951 = vector.shape_cast %swap3A_950 : vector<1x16xf32> to vector<16xf32>
        %swap3A_952 = vector.shape_cast %add3A_947 : vector<16xf32> to vector<1x16xf32>
        tpu.vector_store %arg11[%swap3A_948, %swap3A_949], %swap3A_952 {strides = array<i32>} : memref<16x768xf32, #tpu.memory_space<vmem>>, vector<1x16xf32>,
        %get3A_953 = arith.index_cast %scan3A_280 : i32 to index
        %get3A_954 = arith.constant 672 : index
        %get3A_955 = tpu.vector_load %arg11[%get3A_953, %get3A_954] {strides = array<i32>} : memref<16x768xf32, #tpu.memory_space<vmem>>, vector<1x16xf32>,
        %get3A_956 = vector.shape_cast %get3A_955 : vector<1x16xf32> to vector<16xf32>
        %mul3A_957 = vector.broadcast %squeeze3A : f32 to vector<16xf32>
        %mul3A_958 = arith.mulf %get3A_956, %mul3A_957 : vector<16xf32>
        %get3A_959 = arith.index_cast %scan3A_280 : i32 to index
        %get3A_960 = arith.constant 672 : index
        %get3A_961 = tpu.vector_load %arg15[%get3A_959, %get3A_960] {strides = array<i32>} : memref<16x768xf32, #tpu.memory_space<vmem>>, vector<1x16xf32>,
        %get3A_962 = vector.shape_cast %get3A_961 : vector<1x16xf32> to vector<16xf32>
        %add3A_963 = arith.addf %mul3A_958, %get3A_962 : vector<16xf32>
        %swap3A_964 = arith.index_cast %scan3A_280 : i32 to index
        %swap3A_965 = arith.constant 672 : index
        %swap3A_966 = tpu.vector_load %arg11[%swap3A_964, %swap3A_965] {strides = array<i32>} : memref<16x768xf32, #tpu.memory_space<vmem>>, vector<1x16xf32>,
        %swap3A_967 = vector.shape_cast %swap3A_966 : vector<1x16xf32> to vector<16xf32>
        %swap3A_968 = vector.shape_cast %add3A_963 : vector<16xf32> to vector<1x16xf32>
        tpu.vector_store %arg11[%swap3A_964, %swap3A_965], %swap3A_968 {strides = array<i32>} : memref<16x768xf32, #tpu.memory_space<vmem>>, vector<1x16xf32>,
        %get3A_969 = arith.index_cast %scan3A_280 : i32 to index
        %get3A_970 = arith.constant 688 : index
        %get3A_971 = tpu.vector_load %arg11[%get3A_969, %get3A_970] {strides = array<i32>} : memref<16x768xf32, #tpu.memory_space<vmem>>, vector<1x16xf32>,
        %get3A_972 = vector.shape_cast %get3A_971 : vector<1x16xf32> to vector<16xf32>
        %mul3A_973 = vector.broadcast %squeeze3A : f32 to vector<16xf32>
        %mul3A_974 = arith.mulf %get3A_972, %mul3A_973 : vector<16xf32>
        %get3A_975 = arith.index_cast %scan3A_280 : i32 to index
        %get3A_976 = arith.constant 688 : index
        %get3A_977 = tpu.vector_load %arg15[%get3A_975, %get3A_976] {strides = array<i32>} : memref<16x768xf32, #tpu.memory_space<vmem>>, vector<1x16xf32>,
        %get3A_978 = vector.shape_cast %get3A_977 : vector<1x16xf32> to vector<16xf32>
        %add3A_979 = arith.addf %mul3A_974, %get3A_978 : vector<16xf32>
        %swap3A_980 = arith.index_cast %scan3A_280 : i32 to index
        %swap3A_981 = arith.constant 688 : index
        %swap3A_982 = tpu.vector_load %arg11[%swap3A_980, %swap3A_981] {strides = array<i32>} : memref<16x768xf32, #tpu.memory_space<vmem>>, vector<1x16xf32>,
        %swap3A_983 = vector.shape_cast %swap3A_982 : vector<1x16xf32> to vector<16xf32>
        %swap3A_984 = vector.shape_cast %add3A_979 : vector<16xf32> to vector<1x16xf32>
        tpu.vector_store %arg11[%swap3A_980, %swap3A_981], %swap3A_984 {strides = array<i32>} : memref<16x768xf32, #tpu.memory_space<vmem>>, vector<1x16xf32>,
        %get3A_985 = arith.index_cast %scan3A_280 : i32 to index
        %get3A_986 = arith.constant 704 : index
        %get3A_987 = tpu.vector_load %arg11[%get3A_985, %get3A_986] {strides = array<i32>} : memref<16x768xf32, #tpu.memory_space<vmem>>, vector<1x16xf32>,
        %get3A_988 = vector.shape_cast %get3A_987 : vector<1x16xf32> to vector<16xf32>
        %mul3A_989 = vector.broadcast %squeeze3A : f32 to vector<16xf32>
        %mul3A_990 = arith.mulf %get3A_988, %mul3A_989 : vector<16xf32>
        %get3A_991 = arith.index_cast %scan3A_280 : i32 to index
        %get3A_992 = arith.constant 704 : index
        %get3A_993 = tpu.vector_load %arg15[%get3A_991, %get3A_992] {strides = array<i32>} : memref<16x768xf32, #tpu.memory_space<vmem>>, vector<1x16xf32>,
        %get3A_994 = vector.shape_cast %get3A_993 : vector<1x16xf32> to vector<16xf32>
        %add3A_995 = arith.addf %mul3A_990, %get3A_994 : vector<16xf32>
        %swap3A_996 = arith.index_cast %scan3A_280 : i32 to index
        %swap3A_997 = arith.constant 704 : index
        %swap3A_998 = tpu.vector_load %arg11[%swap3A_996, %swap3A_997] {strides = array<i32>} : memref<16x768xf32, #tpu.memory_space<vmem>>, vector<1x16xf32>,
        %swap3A_999 = vector.shape_cast %swap3A_998 : vector<1x16xf32> to vector<16xf32>
        %swap3A_1000 = vector.shape_cast %add3A_995 : vector<16xf32> to vector<1x16xf32>
        tpu.vector_store %arg11[%swap3A_996, %swap3A_997], %swap3A_1000 {strides = array<i32>} : memref<16x768xf32, #tpu.memory_space<vmem>>, vector<1x16xf32>,
        %get3A_1001 = arith.index_cast %scan3A_280 : i32 to index
        %get3A_1002 = arith.constant 720 : index
        %get3A_1003 = tpu.vector_load %arg11[%get3A_1001, %get3A_1002] {strides = array<i32>} : memref<16x768xf32, #tpu.memory_space<vmem>>, vector<1x16xf32>,
        %get3A_1004 = vector.shape_cast %get3A_1003 : vector<1x16xf32> to vector<16xf32>
        %mul3A_1005 = vector.broadcast %squeeze3A : f32 to vector<16xf32>
        %mul3A_1006 = arith.mulf %get3A_1004, %mul3A_1005 : vector<16xf32>
        %get3A_1007 = arith.index_cast %scan3A_280 : i32 to index
        %get3A_1008 = arith.constant 720 : index
        %get3A_1009 = tpu.vector_load %arg15[%get3A_1007, %get3A_1008] {strides = array<i32>} : memref<16x768xf32, #tpu.memory_space<vmem>>, vector<1x16xf32>,
        %get3A_1010 = vector.shape_cast %get3A_1009 : vector<1x16xf32> to vector<16xf32>
        %add3A_1011 = arith.addf %mul3A_1006, %get3A_1010 : vector<16xf32>
        %swap3A_1012 = arith.index_cast %scan3A_280 : i32 to index
        %swap3A_1013 = arith.constant 720 : index
        %swap3A_1014 = tpu.vector_load %arg11[%swap3A_1012, %swap3A_1013] {strides = array<i32>} : memref<16x768xf32, #tpu.memory_space<vmem>>, vector<1x16xf32>,
        %swap3A_1015 = vector.shape_cast %swap3A_1014 : vector<1x16xf32> to vector<16xf32>
        %swap3A_1016 = vector.shape_cast %add3A_1011 : vector<16xf32> to vector<1x16xf32>
        tpu.vector_store %arg11[%swap3A_1012, %swap3A_1013], %swap3A_1016 {strides = array<i32>} : memref<16x768xf32, #tpu.memory_space<vmem>>, vector<1x16xf32>,
        %get3A_1017 = arith.index_cast %scan3A_280 : i32 to index
        %get3A_1018 = arith.constant 736 : index
        %get3A_1019 = tpu.vector_load %arg11[%get3A_1017, %get3A_1018] {strides = array<i32>} : memref<16x768xf32, #tpu.memory_space<vmem>>, vector<1x16xf32>,
        %get3A_1020 = vector.shape_cast %get3A_1019 : vector<1x16xf32> to vector<16xf32>
        %mul3A_1021 = vector.broadcast %squeeze3A : f32 to vector<16xf32>
        %mul3A_1022 = arith.mulf %get3A_1020, %mul3A_1021 : vector<16xf32>
        %get3A_1023 = arith.index_cast %scan3A_280 : i32 to index
        %get3A_1024 = arith.constant 736 : index
        %get3A_1025 = tpu.vector_load %arg15[%get3A_1023, %get3A_1024] {strides = array<i32>} : memref<16x768xf32, #tpu.memory_space<vmem>>, vector<1x16xf32>,
        %get3A_1026 = vector.shape_cast %get3A_1025 : vector<1x16xf32> to vector<16xf32>
        %add3A_1027 = arith.addf %mul3A_1022, %get3A_1026 : vector<16xf32>
        %swap3A_1028 = arith.index_cast %scan3A_280 : i32 to index
        %swap3A_1029 = arith.constant 736 : index
        %swap3A_1030 = tpu.vector_load %arg11[%swap3A_1028, %swap3A_1029] {strides = array<i32>} : memref<16x768xf32, #tpu.memory_space<vmem>>, vector<1x16xf32>,
        %swap3A_1031 = vector.shape_cast %swap3A_1030 : vector<1x16xf32> to vector<16xf32>
        %swap3A_1032 = vector.shape_cast %add3A_1027 : vector<16xf32> to vector<1x16xf32>
        tpu.vector_store %arg11[%swap3A_1028, %swap3A_1029], %swap3A_1032 {strides = array<i32>} : memref<16x768xf32, #tpu.memory_space<vmem>>, vector<1x16xf32>,
        %get3A_1033 = arith.index_cast %scan3A_280 : i32 to index
        %get3A_1034 = arith.constant 752 : index
        %get3A_1035 = tpu.vector_load %arg11[%get3A_1033, %get3A_1034] {strides = array<i32>} : memref<16x768xf32, #tpu.memory_space<vmem>>, vector<1x16xf32>,
        %get3A_1036 = vector.shape_cast %get3A_1035 : vector<1x16xf32> to vector<16xf32>
        %mul3A_1037 = vector.broadcast %squeeze3A : f32 to vector<16xf32>
        %mul3A_1038 = arith.mulf %get3A_1036, %mul3A_1037 : vector<16xf32>
        %get3A_1039 = arith.index_cast %scan3A_280 : i32 to index
        %get3A_1040 = arith.constant 752 : index
        %get3A_1041 = tpu.vector_load %arg15[%get3A_1039, %get3A_1040] {strides = array<i32>} : memref<16x768xf32, #tpu.memory_space<vmem>>, vector<1x16xf32>,
        %get3A_1042 = vector.shape_cast %get3A_1041 : vector<1x16xf32> to vector<16xf32>
        %add3A_1043 = arith.addf %mul3A_1038, %get3A_1042 : vector<16xf32>
        %swap3A_1044 = arith.index_cast %scan3A_280 : i32 to index
        %swap3A_1045 = arith.constant 752 : index
        %swap3A_1046 = tpu.vector_load %arg11[%swap3A_1044, %swap3A_1045] {strides = array<i32>} : memref<16x768xf32, #tpu.memory_space<vmem>>, vector<1x16xf32>,
        %swap3A_1047 = vector.shape_cast %swap3A_1046 : vector<1x16xf32> to vector<16xf32>
        %swap3A_1048 = vector.shape_cast %add3A_1043 : vector<16xf32> to vector<1x16xf32>
        tpu.vector_store %arg11[%swap3A_1044, %swap3A_1045], %swap3A_1048 {strides = array<i32>} : memref<16x768xf32, #tpu.memory_space<vmem>>, vector<1x16xf32>,
        %scan3A_1049 = arith.constant 0 : i32
        scf.yield %scan3A_1049 : i32
      }
      %scan3A_165 = arith.constant 16 : i32
      %mul3A_166 = arith.constant 16 : i32
      %mul3A_167 = arith.muli %add3A_123, %mul3A_166 : i32
      %add3A_168 = arith.addi %mul3A_6, %mul3A_167 : i32
      %dma_start3A_169 = arith.constant 0 : i32
      %dma_start3A_170 = tpu.memref_slice %arg7[%add3A_168, %dma_start3A_169] : memref<65536x768xf32, #tpu.memory_space<hbm>> -> memref<16x768xf32, #tpu.memory_space<hbm>>
      %dma_start3A_171 = arith.constant 0 : i32
      %dma_start3A_172 = tpu.memref_slice %arg7[%add3A_168, %dma_start3A_171] : memref<65536x768xf32, #tpu.memory_space<hbm>> -> memref<16x768xf32, #tpu.memory_space<hbm>>
      tpu.enqueue_dma source(%arg11 : memref<16x768xf32, #tpu.memory_space<vmem>>) target(%dma_start3A_172 : memref<16x768xf32, #tpu.memory_space<hbm>>) target_semaphore(%arg27 : memref<!tpu.dma_semaphore, #tpu.memory_space<semaphore_mem>>)
      %mul3A_173 = arith.constant 4 : i32
      %mul3A_174 = arith.muli %mul3A_173, %scan3A_70 : i32
      %add3A_175 = arith.constant 2 : i32
      %add3A_176 = arith.addi %mul3A_174, %add3A_175 : i32
      %ge3A_177 = arith.constant 2 : i32
      %ge3A_178 = arith.cmpi sge, %add3A_176, %ge3A_177 : i32
      %le3A_179 = arith.constant 125 : i32
      %le3A_180 = arith.cmpi sle, %add3A_176, %le3A_179 : i32
      %and3A_181 = arith.andi %ge3A_178, %le3A_180 : i1
      %convert_element_type3A_182 = arith.extui %and3A_181 : i1 to i32
      %cond3A_183 = arith.constant 0 : i32
      %cond3A_184 = arith.cmpi ne, %convert_element_type3A_182, %cond3A_183 : i32
      scf.if %cond3A_184 {
        %dma_wait3A_280 = arith.constant 0 : i32
        %dma_wait3A_281 = tpu.memref_slice %arg7[%mul3A_6, %dma_wait3A_280] : memref<65536x768xf32, #tpu.memory_space<hbm>> -> memref<16x768xf32, #tpu.memory_space<hbm>>
        %dma_wait3A_282 = arith.constant 0 : i32
        %dma_wait3A_283 = tpu.memref_slice %arg7[%mul3A_6, %dma_wait3A_282] : memref<65536x768xf32, #tpu.memory_space<hbm>> -> memref<16x768xf32, #tpu.memory_space<hbm>>
        tpu.wait_dma2 semaphore(%arg26 : memref<!tpu.dma_semaphore, #tpu.memory_space<semaphore_mem>>) src(%arg10 : memref<16x768xf32, #tpu.memory_space<vmem>>) dst(%dma_wait3A_283 : memref<16x768xf32, #tpu.memory_space<hbm>>)
      } else {
      }
      %le3A_185 = arith.constant 125 : i32
      %le3A_186 = arith.cmpi sle, %add3A_176, %le3A_185 : i32
      %convert_element_type3A_187 = arith.extui %le3A_186 : i1 to i32
      %cond3A_188 = arith.constant 0 : i32
      %cond3A_189 = arith.cmpi ne, %convert_element_type3A_187, %cond3A_188 : i32
      scf.if %cond3A_189 {
        %add3A_280 = arith.constant 2 : i32
        %add3A_281 = arith.addi %add3A_176, %add3A_280 : i32
        %jit3A = arith.constant 8 : i32
        %div3A = arith.divsi %add3A_281, %jit3A : i32
        %sign3A = arith.constant 0 : i32
        %sign3A_282 = arith.cmpi sgt, %add3A_281, %sign3A : i32
        %sign3A_283 = arith.extui %sign3A_282 : i1 to i32
        %sign3A_284 = arith.constant 0 : i32
        %sign3A_285 = arith.cmpi slt, %add3A_281, %sign3A_284 : i32
        %sign3A_286 = arith.extui %sign3A_285 : i1 to i32
        %sign3A_287 = arith.subi %sign3A_283, %sign3A_286 : i32
        %sign3A_288 = arith.constant 0 : i32
        %sign3A_289 = arith.cmpi sgt, %jit3A, %sign3A_288 : i32
        %sign3A_290 = arith.extui %sign3A_289 : i1 to i32
        %sign3A_291 = arith.constant 0 : i32
        %sign3A_292 = arith.cmpi slt, %jit3A, %sign3A_291 : i32
        %sign3A_293 = arith.extui %sign3A_292 : i1 to i32
        %sign3A_294 = arith.subi %sign3A_290, %sign3A_293 : i32
        %ne3A = arith.cmpi ne, %sign3A_287, %sign3A_294 : i32
        %rem3A_295 = arith.remsi %add3A_281, %jit3A : i32
        %ne3A_296 = arith.constant 0 : i32
        %ne3A_297 = arith.cmpi ne, %rem3A_295, %ne3A_296 : i32
        %and3A_298 = arith.andi %ne3A, %ne3A_297 : i1
        %sub3A = arith.constant 1 : i32
        %sub3A_299 = arith.subi %div3A, %sub3A : i32
        %select_n3A = arith.select %and3A_298, %sub3A_299, %div3A : i32
        %rem3A_300 = arith.constant 8 : i32
        %rem3A_301 = arith.remsi %add3A_281, %rem3A_300 : i32
        %mul3A_302 = arith.constant 16 : i32
        %mul3A_303 = arith.muli %rem3A_301, %mul3A_302 : i32
        %dma_start3A_304 = tpu.memref_slice %arg8[%select_n3A, %mul3A_303] : memref<16x128xi32, #tpu.memory_space<vmem>> -> memref<1x16xi32, #tpu.memory_space<vmem>>
        %dma_start3A_305 = tpu.memref_squeeze %dma_start3A_304 : memref<1x16xi32, #tpu.memory_space<vmem>> -> memref<16xi32, #tpu.memory_space<vmem>>
        %dma_start3A_306 = arith.constant 0 : i32
        %dma_start3A_307 = arith.constant 0 : i32
        %dma_start3A_308 = tpu.memref_slice %arg4[%dma_start3A_306, %dma_start3A_307] : memref<30522x768xf32, #tpu.memory_space<hbm>> -> memref<30522x768xf32, #tpu.memory_space<hbm>>
        tpu.enqueue_indirect_dma source(%dma_start3A_308 : memref<30522x768xf32, #tpu.memory_space<hbm>>) target(%arg10 : memref<16x768xf32, #tpu.memory_space<vmem>>) offsets(%dma_start3A_305 : memref<16xi32, #tpu.memory_space<vmem>>) semaphore(%arg18 : memref<!tpu.dma_semaphore, #tpu.memory_space<semaphore_mem>>)
        %jit3A_309 = arith.constant 8 : i32
        %div3A_310 = arith.divsi %add3A_281, %jit3A_309 : i32
        %sign3A_311 = arith.constant 0 : i32
        %sign3A_312 = arith.cmpi sgt, %add3A_281, %sign3A_311 : i32
        %sign3A_313 = arith.extui %sign3A_312 : i1 to i32
        %sign3A_314 = arith.constant 0 : i32
        %sign3A_315 = arith.cmpi slt, %add3A_281, %sign3A_314 : i32
        %sign3A_316 = arith.extui %sign3A_315 : i1 to i32
        %sign3A_317 = arith.subi %sign3A_313, %sign3A_316 : i32
        %sign3A_318 = arith.constant 0 : i32
        %sign3A_319 = arith.cmpi sgt, %jit3A_309, %sign3A_318 : i32
        %sign3A_320 = arith.extui %sign3A_319 : i1 to i32
        %sign3A_321 = arith.constant 0 : i32
        %sign3A_322 = arith.cmpi slt, %jit3A_309, %sign3A_321 : i32
        %sign3A_323 = arith.extui %sign3A_322 : i1 to i32
        %sign3A_324 = arith.subi %sign3A_320, %sign3A_323 : i32
        %ne3A_325 = arith.cmpi ne, %sign3A_317, %sign3A_324 : i32
        %rem3A_326 = arith.remsi %add3A_281, %jit3A_309 : i32
        %ne3A_327 = arith.constant 0 : i32
        %ne3A_328 = arith.cmpi ne, %rem3A_326, %ne3A_327 : i32
        %and3A_329 = arith.andi %ne3A_325, %ne3A_328 : i1
        %sub3A_330 = arith.constant 1 : i32
        %sub3A_331 = arith.subi %div3A_310, %sub3A_330 : i32
        %select_n3A_332 = arith.select %and3A_329, %sub3A_331, %div3A_310 : i32
        %rem3A_333 = arith.constant 8 : i32
        %rem3A_334 = arith.remsi %add3A_281, %rem3A_333 : i32
        %mul3A_335 = arith.constant 16 : i32
        %mul3A_336 = arith.muli %rem3A_334, %mul3A_335 : i32
        %dma_start3A_337 = tpu.memref_slice %arg9[%select_n3A_332, %mul3A_336] : memref<16x128xi32, #tpu.memory_space<vmem>> -> memref<1x16xi32, #tpu.memory_space<vmem>>
        %dma_start3A_338 = tpu.memref_squeeze %dma_start3A_337 : memref<1x16xi32, #tpu.memory_space<vmem>> -> memref<16xi32, #tpu.memory_space<vmem>>
        %dma_start3A_339 = arith.constant 0 : i32
        %dma_start3A_340 = arith.constant 0 : i32
        %dma_start3A_341 = tpu.memref_slice %arg5[%dma_start3A_339, %dma_start3A_340] : memref<1536x768xf32, #tpu.memory_space<hbm>> -> memref<1536x768xf32, #tpu.memory_space<hbm>>
        tpu.enqueue_indirect_dma source(%dma_start3A_341 : memref<1536x768xf32, #tpu.memory_space<hbm>>) target(%arg14 : memref<16x768xf32, #tpu.memory_space<vmem>>) offsets(%dma_start3A_338 : memref<16xi32, #tpu.memory_space<vmem>>) semaphore(%arg22 : memref<!tpu.dma_semaphore, #tpu.memory_space<semaphore_mem>>)
      } else {
      }
      %rem3A_190 = arith.constant 0 : i32
      %rem3A_191 = arith.constant 8 : i32
      %rem3A_192 = arith.remsi %rem3A_190, %rem3A_191 : i32
      %mul3A_193 = arith.constant 16 : i32
      %mul3A_194 = arith.muli %rem3A_192, %mul3A_193 : i32
      %dma_wait3A_195 = arith.constant 0 : i32
      %dma_wait3A_196 = tpu.memref_slice %arg8[%dma_wait3A_195, %mul3A_194] : memref<16x128xi32, #tpu.memory_space<vmem>> -> memref<1x16xi32, #tpu.memory_space<vmem>>
      %dma_wait3A_197 = tpu.memref_squeeze %dma_wait3A_196 : memref<1x16xi32, #tpu.memory_space<vmem>> -> memref<16xi32, #tpu.memory_space<vmem>>
      %dma_wait3A_198 = arith.constant 0 : i32
      %dma_wait3A_199 = arith.constant 0 : i32
      %dma_wait3A_200 = tpu.memref_slice %arg4[%dma_wait3A_198, %dma_wait3A_199] : memref<30522x768xf32, #tpu.memory_space<hbm>> -> memref<30522x768xf32, #tpu.memory_space<hbm>>
      tpu.wait_indirect_dma semaphore(%arg20 : memref<!tpu.dma_semaphore, #tpu.memory_space<semaphore_mem>>) src(%dma_wait3A_200 : memref<30522x768xf32, #tpu.memory_space<hbm>>) dst(%arg12 : memref<16x768xf32, #tpu.memory_space<vmem>>)
      %rem3A_201 = arith.constant 0 : i32
      %rem3A_202 = arith.constant 8 : i32
      %rem3A_203 = arith.remsi %rem3A_201, %rem3A_202 : i32
      %mul3A_204 = arith.constant 16 : i32
      %mul3A_205 = arith.muli %rem3A_203, %mul3A_204 : i32
      %dma_wait3A_206 = arith.constant 0 : i32
      %dma_wait3A_207 = tpu.memref_slice %arg9[%dma_wait3A_206, %mul3A_205] : memref<16x128xi32, #tpu.memory_space<vmem>> -> memref<1x16xi32, #tpu.memory_space<vmem>>
      %dma_wait3A_208 = tpu.memref_squeeze %dma_wait3A_207 : memref<1x16xi32, #tpu.memory_space<vmem>> -> memref<16xi32, #tpu.memory_space<vmem>>
      %dma_wait3A_209 = arith.constant 0 : i32
      %dma_wait3A_210 = arith.constant 0 : i32
      %dma_wait3A_211 = tpu.memref_slice %arg5[%dma_wait3A_209, %dma_wait3A_210] : memref<1536x768xf32, #tpu.memory_space<hbm>> -> memref<1536x768xf32, #tpu.memory_space<hbm>>
      tpu.wait_indirect_dma semaphore(%arg24 : memref<!tpu.dma_semaphore, #tpu.memory_space<semaphore_mem>>) src(%dma_wait3A_211 : memref<1536x768xf32, #tpu.memory_space<hbm>>) dst(%arg16 : memref<16x768xf32, #tpu.memory_space<vmem>>)
      %scan3A_212 = arith.constant 0 : i32
      %scan3A_213 = arith.constant 0 : i32
      %scan3A_214 = arith.constant 16 : i32
      %scan3A_215 = arith.addi %scan3A_213, %scan3A_214 : i32
      %scan3A_216 = arith.constant 1 : i32
      %scan3A_217 = scf.for %scan3A_280 = %scan3A_213 to %scan3A_215 step %scan3A_216 iter_args(%scan3A_281 = %scan3A_212) -> (i32)  : i32 {
        %get3A_282 = arith.index_cast %scan3A_280 : i32 to index
        %get3A_283 = arith.constant 0 : index
        %get3A_284 = tpu.vector_load %arg12[%get3A_282, %get3A_283] {strides = array<i32>} : memref<16x768xf32, #tpu.memory_space<vmem>>, vector<1x16xf32>,
        %get3A_285 = vector.shape_cast %get3A_284 : vector<1x16xf32> to vector<16xf32>
        %mul3A_286 = vector.broadcast %squeeze3A : f32 to vector<16xf32>
        %mul3A_287 = arith.mulf %get3A_285, %mul3A_286 : vector<16xf32>
        %get3A_288 = arith.index_cast %scan3A_280 : i32 to index
        %get3A_289 = arith.constant 0 : index
        %get3A_290 = tpu.vector_load %arg16[%get3A_288, %get3A_289] {strides = array<i32>} : memref<16x768xf32, #tpu.memory_space<vmem>>, vector<1x16xf32>,
        %get3A_291 = vector.shape_cast %get3A_290 : vector<1x16xf32> to vector<16xf32>
        %add3A_292 = arith.addf %mul3A_287, %get3A_291 : vector<16xf32>
        %swap3A = arith.index_cast %scan3A_280 : i32 to index
        %swap3A_293 = arith.constant 0 : index
        %swap3A_294 = tpu.vector_load %arg12[%swap3A, %swap3A_293] {strides = array<i32>} : memref<16x768xf32, #tpu.memory_space<vmem>>, vector<1x16xf32>,
        %swap3A_295 = vector.shape_cast %swap3A_294 : vector<1x16xf32> to vector<16xf32>
        %swap3A_296 = vector.shape_cast %add3A_292 : vector<16xf32> to vector<1x16xf32>
        tpu.vector_store %arg12[%swap3A, %swap3A_293], %swap3A_296 {strides = array<i32>} : memref<16x768xf32, #tpu.memory_space<vmem>>, vector<1x16xf32>,
        %get3A_297 = arith.index_cast %scan3A_280 : i32 to index
        %get3A_298 = arith.constant 16 : index
        %get3A_299 = tpu.vector_load %arg12[%get3A_297, %get3A_298] {strides = array<i32>} : memref<16x768xf32, #tpu.memory_space<vmem>>, vector<1x16xf32>,
        %get3A_300 = vector.shape_cast %get3A_299 : vector<1x16xf32> to vector<16xf32>
        %mul3A_301 = vector.broadcast %squeeze3A : f32 to vector<16xf32>
        %mul3A_302 = arith.mulf %get3A_300, %mul3A_301 : vector<16xf32>
        %get3A_303 = arith.index_cast %scan3A_280 : i32 to index
        %get3A_304 = arith.constant 16 : index
        %get3A_305 = tpu.vector_load %arg16[%get3A_303, %get3A_304] {strides = array<i32>} : memref<16x768xf32, #tpu.memory_space<vmem>>, vector<1x16xf32>,
        %get3A_306 = vector.shape_cast %get3A_305 : vector<1x16xf32> to vector<16xf32>
        %add3A_307 = arith.addf %mul3A_302, %get3A_306 : vector<16xf32>
        %swap3A_308 = arith.index_cast %scan3A_280 : i32 to index
        %swap3A_309 = arith.constant 16 : index
        %swap3A_310 = tpu.vector_load %arg12[%swap3A_308, %swap3A_309] {strides = array<i32>} : memref<16x768xf32, #tpu.memory_space<vmem>>, vector<1x16xf32>,
        %swap3A_311 = vector.shape_cast %swap3A_310 : vector<1x16xf32> to vector<16xf32>
        %swap3A_312 = vector.shape_cast %add3A_307 : vector<16xf32> to vector<1x16xf32>
        tpu.vector_store %arg12[%swap3A_308, %swap3A_309], %swap3A_312 {strides = array<i32>} : memref<16x768xf32, #tpu.memory_space<vmem>>, vector<1x16xf32>,
        %get3A_313 = arith.index_cast %scan3A_280 : i32 to index
        %get3A_314 = arith.constant 32 : index
        %get3A_315 = tpu.vector_load %arg12[%get3A_313, %get3A_314] {strides = array<i32>} : memref<16x768xf32, #tpu.memory_space<vmem>>, vector<1x16xf32>,
        %get3A_316 = vector.shape_cast %get3A_315 : vector<1x16xf32> to vector<16xf32>
        %mul3A_317 = vector.broadcast %squeeze3A : f32 to vector<16xf32>
        %mul3A_318 = arith.mulf %get3A_316, %mul3A_317 : vector<16xf32>
        %get3A_319 = arith.index_cast %scan3A_280 : i32 to index
        %get3A_320 = arith.constant 32 : index
        %get3A_321 = tpu.vector_load %arg16[%get3A_319, %get3A_320] {strides = array<i32>} : memref<16x768xf32, #tpu.memory_space<vmem>>, vector<1x16xf32>,
        %get3A_322 = vector.shape_cast %get3A_321 : vector<1x16xf32> to vector<16xf32>
        %add3A_323 = arith.addf %mul3A_318, %get3A_322 : vector<16xf32>
        %swap3A_324 = arith.index_cast %scan3A_280 : i32 to index
        %swap3A_325 = arith.constant 32 : index
        %swap3A_326 = tpu.vector_load %arg12[%swap3A_324, %swap3A_325] {strides = array<i32>} : memref<16x768xf32, #tpu.memory_space<vmem>>, vector<1x16xf32>,
        %swap3A_327 = vector.shape_cast %swap3A_326 : vector<1x16xf32> to vector<16xf32>
        %swap3A_328 = vector.shape_cast %add3A_323 : vector<16xf32> to vector<1x16xf32>
        tpu.vector_store %arg12[%swap3A_324, %swap3A_325], %swap3A_328 {strides = array<i32>} : memref<16x768xf32, #tpu.memory_space<vmem>>, vector<1x16xf32>,
        %get3A_329 = arith.index_cast %scan3A_280 : i32 to index
        %get3A_330 = arith.constant 48 : index
        %get3A_331 = tpu.vector_load %arg12[%get3A_329, %get3A_330] {strides = array<i32>} : memref<16x768xf32, #tpu.memory_space<vmem>>, vector<1x16xf32>,
        %get3A_332 = vector.shape_cast %get3A_331 : vector<1x16xf32> to vector<16xf32>
        %mul3A_333 = vector.broadcast %squeeze3A : f32 to vector<16xf32>
        %mul3A_334 = arith.mulf %get3A_332, %mul3A_333 : vector<16xf32>
        %get3A_335 = arith.index_cast %scan3A_280 : i32 to index
        %get3A_336 = arith.constant 48 : index
        %get3A_337 = tpu.vector_load %arg16[%get3A_335, %get3A_336] {strides = array<i32>} : memref<16x768xf32, #tpu.memory_space<vmem>>, vector<1x16xf32>,
        %get3A_338 = vector.shape_cast %get3A_337 : vector<1x16xf32> to vector<16xf32>
        %add3A_339 = arith.addf %mul3A_334, %get3A_338 : vector<16xf32>
        %swap3A_340 = arith.index_cast %scan3A_280 : i32 to index
        %swap3A_341 = arith.constant 48 : index
        %swap3A_342 = tpu.vector_load %arg12[%swap3A_340, %swap3A_341] {strides = array<i32>} : memref<16x768xf32, #tpu.memory_space<vmem>>, vector<1x16xf32>,
        %swap3A_343 = vector.shape_cast %swap3A_342 : vector<1x16xf32> to vector<16xf32>
        %swap3A_344 = vector.shape_cast %add3A_339 : vector<16xf32> to vector<1x16xf32>
        tpu.vector_store %arg12[%swap3A_340, %swap3A_341], %swap3A_344 {strides = array<i32>} : memref<16x768xf32, #tpu.memory_space<vmem>>, vector<1x16xf32>,
        %get3A_345 = arith.index_cast %scan3A_280 : i32 to index
        %get3A_346 = arith.constant 64 : index
        %get3A_347 = tpu.vector_load %arg12[%get3A_345, %get3A_346] {strides = array<i32>} : memref<16x768xf32, #tpu.memory_space<vmem>>, vector<1x16xf32>,
        %get3A_348 = vector.shape_cast %get3A_347 : vector<1x16xf32> to vector<16xf32>
        %mul3A_349 = vector.broadcast %squeeze3A : f32 to vector<16xf32>
        %mul3A_350 = arith.mulf %get3A_348, %mul3A_349 : vector<16xf32>
        %get3A_351 = arith.index_cast %scan3A_280 : i32 to index
        %get3A_352 = arith.constant 64 : index
        %get3A_353 = tpu.vector_load %arg16[%get3A_351, %get3A_352] {strides = array<i32>} : memref<16x768xf32, #tpu.memory_space<vmem>>, vector<1x16xf32>,
        %get3A_354 = vector.shape_cast %get3A_353 : vector<1x16xf32> to vector<16xf32>
        %add3A_355 = arith.addf %mul3A_350, %get3A_354 : vector<16xf32>
        %swap3A_356 = arith.index_cast %scan3A_280 : i32 to index
        %swap3A_357 = arith.constant 64 : index
        %swap3A_358 = tpu.vector_load %arg12[%swap3A_356, %swap3A_357] {strides = array<i32>} : memref<16x768xf32, #tpu.memory_space<vmem>>, vector<1x16xf32>,
        %swap3A_359 = vector.shape_cast %swap3A_358 : vector<1x16xf32> to vector<16xf32>
        %swap3A_360 = vector.shape_cast %add3A_355 : vector<16xf32> to vector<1x16xf32>
        tpu.vector_store %arg12[%swap3A_356, %swap3A_357], %swap3A_360 {strides = array<i32>} : memref<16x768xf32, #tpu.memory_space<vmem>>, vector<1x16xf32>,
        %get3A_361 = arith.index_cast %scan3A_280 : i32 to index
        %get3A_362 = arith.constant 80 : index
        %get3A_363 = tpu.vector_load %arg12[%get3A_361, %get3A_362] {strides = array<i32>} : memref<16x768xf32, #tpu.memory_space<vmem>>, vector<1x16xf32>,
        %get3A_364 = vector.shape_cast %get3A_363 : vector<1x16xf32> to vector<16xf32>
        %mul3A_365 = vector.broadcast %squeeze3A : f32 to vector<16xf32>
        %mul3A_366 = arith.mulf %get3A_364, %mul3A_365 : vector<16xf32>
        %get3A_367 = arith.index_cast %scan3A_280 : i32 to index
        %get3A_368 = arith.constant 80 : index
        %get3A_369 = tpu.vector_load %arg16[%get3A_367, %get3A_368] {strides = array<i32>} : memref<16x768xf32, #tpu.memory_space<vmem>>, vector<1x16xf32>,
        %get3A_370 = vector.shape_cast %get3A_369 : vector<1x16xf32> to vector<16xf32>
        %add3A_371 = arith.addf %mul3A_366, %get3A_370 : vector<16xf32>
        %swap3A_372 = arith.index_cast %scan3A_280 : i32 to index
        %swap3A_373 = arith.constant 80 : index
        %swap3A_374 = tpu.vector_load %arg12[%swap3A_372, %swap3A_373] {strides = array<i32>} : memref<16x768xf32, #tpu.memory_space<vmem>>, vector<1x16xf32>,
        %swap3A_375 = vector.shape_cast %swap3A_374 : vector<1x16xf32> to vector<16xf32>
        %swap3A_376 = vector.shape_cast %add3A_371 : vector<16xf32> to vector<1x16xf32>
        tpu.vector_store %arg12[%swap3A_372, %swap3A_373], %swap3A_376 {strides = array<i32>} : memref<16x768xf32, #tpu.memory_space<vmem>>, vector<1x16xf32>,
        %get3A_377 = arith.index_cast %scan3A_280 : i32 to index
        %get3A_378 = arith.constant 96 : index
        %get3A_379 = tpu.vector_load %arg12[%get3A_377, %get3A_378] {strides = array<i32>} : memref<16x768xf32, #tpu.memory_space<vmem>>, vector<1x16xf32>,
        %get3A_380 = vector.shape_cast %get3A_379 : vector<1x16xf32> to vector<16xf32>
        %mul3A_381 = vector.broadcast %squeeze3A : f32 to vector<16xf32>
        %mul3A_382 = arith.mulf %get3A_380, %mul3A_381 : vector<16xf32>
        %get3A_383 = arith.index_cast %scan3A_280 : i32 to index
        %get3A_384 = arith.constant 96 : index
        %get3A_385 = tpu.vector_load %arg16[%get3A_383, %get3A_384] {strides = array<i32>} : memref<16x768xf32, #tpu.memory_space<vmem>>, vector<1x16xf32>,
        %get3A_386 = vector.shape_cast %get3A_385 : vector<1x16xf32> to vector<16xf32>
        %add3A_387 = arith.addf %mul3A_382, %get3A_386 : vector<16xf32>
        %swap3A_388 = arith.index_cast %scan3A_280 : i32 to index
        %swap3A_389 = arith.constant 96 : index
        %swap3A_390 = tpu.vector_load %arg12[%swap3A_388, %swap3A_389] {strides = array<i32>} : memref<16x768xf32, #tpu.memory_space<vmem>>, vector<1x16xf32>,
        %swap3A_391 = vector.shape_cast %swap3A_390 : vector<1x16xf32> to vector<16xf32>
        %swap3A_392 = vector.shape_cast %add3A_387 : vector<16xf32> to vector<1x16xf32>
        tpu.vector_store %arg12[%swap3A_388, %swap3A_389], %swap3A_392 {strides = array<i32>} : memref<16x768xf32, #tpu.memory_space<vmem>>, vector<1x16xf32>,
        %get3A_393 = arith.index_cast %scan3A_280 : i32 to index
        %get3A_394 = arith.constant 112 : index
        %get3A_395 = tpu.vector_load %arg12[%get3A_393, %get3A_394] {strides = array<i32>} : memref<16x768xf32, #tpu.memory_space<vmem>>, vector<1x16xf32>,
        %get3A_396 = vector.shape_cast %get3A_395 : vector<1x16xf32> to vector<16xf32>
        %mul3A_397 = vector.broadcast %squeeze3A : f32 to vector<16xf32>
        %mul3A_398 = arith.mulf %get3A_396, %mul3A_397 : vector<16xf32>
        %get3A_399 = arith.index_cast %scan3A_280 : i32 to index
        %get3A_400 = arith.constant 112 : index
        %get3A_401 = tpu.vector_load %arg16[%get3A_399, %get3A_400] {strides = array<i32>} : memref<16x768xf32, #tpu.memory_space<vmem>>, vector<1x16xf32>,
        %get3A_402 = vector.shape_cast %get3A_401 : vector<1x16xf32> to vector<16xf32>
        %add3A_403 = arith.addf %mul3A_398, %get3A_402 : vector<16xf32>
        %swap3A_404 = arith.index_cast %scan3A_280 : i32 to index
        %swap3A_405 = arith.constant 112 : index
        %swap3A_406 = tpu.vector_load %arg12[%swap3A_404, %swap3A_405] {strides = array<i32>} : memref<16x768xf32, #tpu.memory_space<vmem>>, vector<1x16xf32>,
        %swap3A_407 = vector.shape_cast %swap3A_406 : vector<1x16xf32> to vector<16xf32>
        %swap3A_408 = vector.shape_cast %add3A_403 : vector<16xf32> to vector<1x16xf32>
        tpu.vector_store %arg12[%swap3A_404, %swap3A_405], %swap3A_408 {strides = array<i32>} : memref<16x768xf32, #tpu.memory_space<vmem>>, vector<1x16xf32>,
        %get3A_409 = arith.index_cast %scan3A_280 : i32 to index
        %get3A_410 = arith.constant 128 : index
        %get3A_411 = tpu.vector_load %arg12[%get3A_409, %get3A_410] {strides = array<i32>} : memref<16x768xf32, #tpu.memory_space<vmem>>, vector<1x16xf32>,
        %get3A_412 = vector.shape_cast %get3A_411 : vector<1x16xf32> to vector<16xf32>
        %mul3A_413 = vector.broadcast %squeeze3A : f32 to vector<16xf32>
        %mul3A_414 = arith.mulf %get3A_412, %mul3A_413 : vector<16xf32>
        %get3A_415 = arith.index_cast %scan3A_280 : i32 to index
        %get3A_416 = arith.constant 128 : index
        %get3A_417 = tpu.vector_load %arg16[%get3A_415, %get3A_416] {strides = array<i32>} : memref<16x768xf32, #tpu.memory_space<vmem>>, vector<1x16xf32>,
        %get3A_418 = vector.shape_cast %get3A_417 : vector<1x16xf32> to vector<16xf32>
        %add3A_419 = arith.addf %mul3A_414, %get3A_418 : vector<16xf32>
        %swap3A_420 = arith.index_cast %scan3A_280 : i32 to index
        %swap3A_421 = arith.constant 128 : index
        %swap3A_422 = tpu.vector_load %arg12[%swap3A_420, %swap3A_421] {strides = array<i32>} : memref<16x768xf32, #tpu.memory_space<vmem>>, vector<1x16xf32>,
        %swap3A_423 = vector.shape_cast %swap3A_422 : vector<1x16xf32> to vector<16xf32>
        %swap3A_424 = vector.shape_cast %add3A_419 : vector<16xf32> to vector<1x16xf32>
        tpu.vector_store %arg12[%swap3A_420, %swap3A_421], %swap3A_424 {strides = array<i32>} : memref<16x768xf32, #tpu.memory_space<vmem>>, vector<1x16xf32>,
        %get3A_425 = arith.index_cast %scan3A_280 : i32 to index
        %get3A_426 = arith.constant 144 : index
        %get3A_427 = tpu.vector_load %arg12[%get3A_425, %get3A_426] {strides = array<i32>} : memref<16x768xf32, #tpu.memory_space<vmem>>, vector<1x16xf32>,
        %get3A_428 = vector.shape_cast %get3A_427 : vector<1x16xf32> to vector<16xf32>
        %mul3A_429 = vector.broadcast %squeeze3A : f32 to vector<16xf32>
        %mul3A_430 = arith.mulf %get3A_428, %mul3A_429 : vector<16xf32>
        %get3A_431 = arith.index_cast %scan3A_280 : i32 to index
        %get3A_432 = arith.constant 144 : index
        %get3A_433 = tpu.vector_load %arg16[%get3A_431, %get3A_432] {strides = array<i32>} : memref<16x768xf32, #tpu.memory_space<vmem>>, vector<1x16xf32>,
        %get3A_434 = vector.shape_cast %get3A_433 : vector<1x16xf32> to vector<16xf32>
        %add3A_435 = arith.addf %mul3A_430, %get3A_434 : vector<16xf32>
        %swap3A_436 = arith.index_cast %scan3A_280 : i32 to index
        %swap3A_437 = arith.constant 144 : index
        %swap3A_438 = tpu.vector_load %arg12[%swap3A_436, %swap3A_437] {strides = array<i32>} : memref<16x768xf32, #tpu.memory_space<vmem>>, vector<1x16xf32>,
        %swap3A_439 = vector.shape_cast %swap3A_438 : vector<1x16xf32> to vector<16xf32>
        %swap3A_440 = vector.shape_cast %add3A_435 : vector<16xf32> to vector<1x16xf32>
        tpu.vector_store %arg12[%swap3A_436, %swap3A_437], %swap3A_440 {strides = array<i32>} : memref<16x768xf32, #tpu.memory_space<vmem>>, vector<1x16xf32>,
        %get3A_441 = arith.index_cast %scan3A_280 : i32 to index
        %get3A_442 = arith.constant 160 : index
        %get3A_443 = tpu.vector_load %arg12[%get3A_441, %get3A_442] {strides = array<i32>} : memref<16x768xf32, #tpu.memory_space<vmem>>, vector<1x16xf32>,
        %get3A_444 = vector.shape_cast %get3A_443 : vector<1x16xf32> to vector<16xf32>
        %mul3A_445 = vector.broadcast %squeeze3A : f32 to vector<16xf32>
        %mul3A_446 = arith.mulf %get3A_444, %mul3A_445 : vector<16xf32>
        %get3A_447 = arith.index_cast %scan3A_280 : i32 to index
        %get3A_448 = arith.constant 160 : index
        %get3A_449 = tpu.vector_load %arg16[%get3A_447, %get3A_448] {strides = array<i32>} : memref<16x768xf32, #tpu.memory_space<vmem>>, vector<1x16xf32>,
        %get3A_450 = vector.shape_cast %get3A_449 : vector<1x16xf32> to vector<16xf32>
        %add3A_451 = arith.addf %mul3A_446, %get3A_450 : vector<16xf32>
        %swap3A_452 = arith.index_cast %scan3A_280 : i32 to index
        %swap3A_453 = arith.constant 160 : index
        %swap3A_454 = tpu.vector_load %arg12[%swap3A_452, %swap3A_453] {strides = array<i32>} : memref<16x768xf32, #tpu.memory_space<vmem>>, vector<1x16xf32>,
        %swap3A_455 = vector.shape_cast %swap3A_454 : vector<1x16xf32> to vector<16xf32>
        %swap3A_456 = vector.shape_cast %add3A_451 : vector<16xf32> to vector<1x16xf32>
        tpu.vector_store %arg12[%swap3A_452, %swap3A_453], %swap3A_456 {strides = array<i32>} : memref<16x768xf32, #tpu.memory_space<vmem>>, vector<1x16xf32>,
        %get3A_457 = arith.index_cast %scan3A_280 : i32 to index
        %get3A_458 = arith.constant 176 : index
        %get3A_459 = tpu.vector_load %arg12[%get3A_457, %get3A_458] {strides = array<i32>} : memref<16x768xf32, #tpu.memory_space<vmem>>, vector<1x16xf32>,
        %get3A_460 = vector.shape_cast %get3A_459 : vector<1x16xf32> to vector<16xf32>
        %mul3A_461 = vector.broadcast %squeeze3A : f32 to vector<16xf32>
        %mul3A_462 = arith.mulf %get3A_460, %mul3A_461 : vector<16xf32>
        %get3A_463 = arith.index_cast %scan3A_280 : i32 to index
        %get3A_464 = arith.constant 176 : index
        %get3A_465 = tpu.vector_load %arg16[%get3A_463, %get3A_464] {strides = array<i32>} : memref<16x768xf32, #tpu.memory_space<vmem>>, vector<1x16xf32>,
        %get3A_466 = vector.shape_cast %get3A_465 : vector<1x16xf32> to vector<16xf32>
        %add3A_467 = arith.addf %mul3A_462, %get3A_466 : vector<16xf32>
        %swap3A_468 = arith.index_cast %scan3A_280 : i32 to index
        %swap3A_469 = arith.constant 176 : index
        %swap3A_470 = tpu.vector_load %arg12[%swap3A_468, %swap3A_469] {strides = array<i32>} : memref<16x768xf32, #tpu.memory_space<vmem>>, vector<1x16xf32>,
        %swap3A_471 = vector.shape_cast %swap3A_470 : vector<1x16xf32> to vector<16xf32>
        %swap3A_472 = vector.shape_cast %add3A_467 : vector<16xf32> to vector<1x16xf32>
        tpu.vector_store %arg12[%swap3A_468, %swap3A_469], %swap3A_472 {strides = array<i32>} : memref<16x768xf32, #tpu.memory_space<vmem>>, vector<1x16xf32>,
        %get3A_473 = arith.index_cast %scan3A_280 : i32 to index
        %get3A_474 = arith.constant 192 : index
        %get3A_475 = tpu.vector_load %arg12[%get3A_473, %get3A_474] {strides = array<i32>} : memref<16x768xf32, #tpu.memory_space<vmem>>, vector<1x16xf32>,
        %get3A_476 = vector.shape_cast %get3A_475 : vector<1x16xf32> to vector<16xf32>
        %mul3A_477 = vector.broadcast %squeeze3A : f32 to vector<16xf32>
        %mul3A_478 = arith.mulf %get3A_476, %mul3A_477 : vector<16xf32>
        %get3A_479 = arith.index_cast %scan3A_280 : i32 to index
        %get3A_480 = arith.constant 192 : index
        %get3A_481 = tpu.vector_load %arg16[%get3A_479, %get3A_480] {strides = array<i32>} : memref<16x768xf32, #tpu.memory_space<vmem>>, vector<1x16xf32>,
        %get3A_482 = vector.shape_cast %get3A_481 : vector<1x16xf32> to vector<16xf32>
        %add3A_483 = arith.addf %mul3A_478, %get3A_482 : vector<16xf32>
        %swap3A_484 = arith.index_cast %scan3A_280 : i32 to index
        %swap3A_485 = arith.constant 192 : index
        %swap3A_486 = tpu.vector_load %arg12[%swap3A_484, %swap3A_485] {strides = array<i32>} : memref<16x768xf32, #tpu.memory_space<vmem>>, vector<1x16xf32>,
        %swap3A_487 = vector.shape_cast %swap3A_486 : vector<1x16xf32> to vector<16xf32>
        %swap3A_488 = vector.shape_cast %add3A_483 : vector<16xf32> to vector<1x16xf32>
        tpu.vector_store %arg12[%swap3A_484, %swap3A_485], %swap3A_488 {strides = array<i32>} : memref<16x768xf32, #tpu.memory_space<vmem>>, vector<1x16xf32>,
        %get3A_489 = arith.index_cast %scan3A_280 : i32 to index
        %get3A_490 = arith.constant 208 : index
        %get3A_491 = tpu.vector_load %arg12[%get3A_489, %get3A_490] {strides = array<i32>} : memref<16x768xf32, #tpu.memory_space<vmem>>, vector<1x16xf32>,
        %get3A_492 = vector.shape_cast %get3A_491 : vector<1x16xf32> to vector<16xf32>
        %mul3A_493 = vector.broadcast %squeeze3A : f32 to vector<16xf32>
        %mul3A_494 = arith.mulf %get3A_492, %mul3A_493 : vector<16xf32>
        %get3A_495 = arith.index_cast %scan3A_280 : i32 to index
        %get3A_496 = arith.constant 208 : index
        %get3A_497 = tpu.vector_load %arg16[%get3A_495, %get3A_496] {strides = array<i32>} : memref<16x768xf32, #tpu.memory_space<vmem>>, vector<1x16xf32>,
        %get3A_498 = vector.shape_cast %get3A_497 : vector<1x16xf32> to vector<16xf32>
        %add3A_499 = arith.addf %mul3A_494, %get3A_498 : vector<16xf32>
        %swap3A_500 = arith.index_cast %scan3A_280 : i32 to index
        %swap3A_501 = arith.constant 208 : index
        %swap3A_502 = tpu.vector_load %arg12[%swap3A_500, %swap3A_501] {strides = array<i32>} : memref<16x768xf32, #tpu.memory_space<vmem>>, vector<1x16xf32>,
        %swap3A_503 = vector.shape_cast %swap3A_502 : vector<1x16xf32> to vector<16xf32>
        %swap3A_504 = vector.shape_cast %add3A_499 : vector<16xf32> to vector<1x16xf32>
        tpu.vector_store %arg12[%swap3A_500, %swap3A_501], %swap3A_504 {strides = array<i32>} : memref<16x768xf32, #tpu.memory_space<vmem>>, vector<1x16xf32>,
        %get3A_505 = arith.index_cast %scan3A_280 : i32 to index
        %get3A_506 = arith.constant 224 : index
        %get3A_507 = tpu.vector_load %arg12[%get3A_505, %get3A_506] {strides = array<i32>} : memref<16x768xf32, #tpu.memory_space<vmem>>, vector<1x16xf32>,
        %get3A_508 = vector.shape_cast %get3A_507 : vector<1x16xf32> to vector<16xf32>
        %mul3A_509 = vector.broadcast %squeeze3A : f32 to vector<16xf32>
        %mul3A_510 = arith.mulf %get3A_508, %mul3A_509 : vector<16xf32>
        %get3A_511 = arith.index_cast %scan3A_280 : i32 to index
        %get3A_512 = arith.constant 224 : index
        %get3A_513 = tpu.vector_load %arg16[%get3A_511, %get3A_512] {strides = array<i32>} : memref<16x768xf32, #tpu.memory_space<vmem>>, vector<1x16xf32>,
        %get3A_514 = vector.shape_cast %get3A_513 : vector<1x16xf32> to vector<16xf32>
        %add3A_515 = arith.addf %mul3A_510, %get3A_514 : vector<16xf32>
        %swap3A_516 = arith.index_cast %scan3A_280 : i32 to index
        %swap3A_517 = arith.constant 224 : index
        %swap3A_518 = tpu.vector_load %arg12[%swap3A_516, %swap3A_517] {strides = array<i32>} : memref<16x768xf32, #tpu.memory_space<vmem>>, vector<1x16xf32>,
        %swap3A_519 = vector.shape_cast %swap3A_518 : vector<1x16xf32> to vector<16xf32>
        %swap3A_520 = vector.shape_cast %add3A_515 : vector<16xf32> to vector<1x16xf32>
        tpu.vector_store %arg12[%swap3A_516, %swap3A_517], %swap3A_520 {strides = array<i32>} : memref<16x768xf32, #tpu.memory_space<vmem>>, vector<1x16xf32>,
        %get3A_521 = arith.index_cast %scan3A_280 : i32 to index
        %get3A_522 = arith.constant 240 : index
        %get3A_523 = tpu.vector_load %arg12[%get3A_521, %get3A_522] {strides = array<i32>} : memref<16x768xf32, #tpu.memory_space<vmem>>, vector<1x16xf32>,
        %get3A_524 = vector.shape_cast %get3A_523 : vector<1x16xf32> to vector<16xf32>
        %mul3A_525 = vector.broadcast %squeeze3A : f32 to vector<16xf32>
        %mul3A_526 = arith.mulf %get3A_524, %mul3A_525 : vector<16xf32>
        %get3A_527 = arith.index_cast %scan3A_280 : i32 to index
        %get3A_528 = arith.constant 240 : index
        %get3A_529 = tpu.vector_load %arg16[%get3A_527, %get3A_528] {strides = array<i32>} : memref<16x768xf32, #tpu.memory_space<vmem>>, vector<1x16xf32>,
        %get3A_530 = vector.shape_cast %get3A_529 : vector<1x16xf32> to vector<16xf32>
        %add3A_531 = arith.addf %mul3A_526, %get3A_530 : vector<16xf32>
        %swap3A_532 = arith.index_cast %scan3A_280 : i32 to index
        %swap3A_533 = arith.constant 240 : index
        %swap3A_534 = tpu.vector_load %arg12[%swap3A_532, %swap3A_533] {strides = array<i32>} : memref<16x768xf32, #tpu.memory_space<vmem>>, vector<1x16xf32>,
        %swap3A_535 = vector.shape_cast %swap3A_534 : vector<1x16xf32> to vector<16xf32>
        %swap3A_536 = vector.shape_cast %add3A_531 : vector<16xf32> to vector<1x16xf32>
        tpu.vector_store %arg12[%swap3A_532, %swap3A_533], %swap3A_536 {strides = array<i32>} : memref<16x768xf32, #tpu.memory_space<vmem>>, vector<1x16xf32>,
        %get3A_537 = arith.index_cast %scan3A_280 : i32 to index
        %get3A_538 = arith.constant 256 : index
        %get3A_539 = tpu.vector_load %arg12[%get3A_537, %get3A_538] {strides = array<i32>} : memref<16x768xf32, #tpu.memory_space<vmem>>, vector<1x16xf32>,
        %get3A_540 = vector.shape_cast %get3A_539 : vector<1x16xf32> to vector<16xf32>
        %mul3A_541 = vector.broadcast %squeeze3A : f32 to vector<16xf32>
        %mul3A_542 = arith.mulf %get3A_540, %mul3A_541 : vector<16xf32>
        %get3A_543 = arith.index_cast %scan3A_280 : i32 to index
        %get3A_544 = arith.constant 256 : index
        %get3A_545 = tpu.vector_load %arg16[%get3A_543, %get3A_544] {strides = array<i32>} : memref<16x768xf32, #tpu.memory_space<vmem>>, vector<1x16xf32>,
        %get3A_546 = vector.shape_cast %get3A_545 : vector<1x16xf32> to vector<16xf32>
        %add3A_547 = arith.addf %mul3A_542, %get3A_546 : vector<16xf32>
        %swap3A_548 = arith.index_cast %scan3A_280 : i32 to index
        %swap3A_549 = arith.constant 256 : index
        %swap3A_550 = tpu.vector_load %arg12[%swap3A_548, %swap3A_549] {strides = array<i32>} : memref<16x768xf32, #tpu.memory_space<vmem>>, vector<1x16xf32>,
        %swap3A_551 = vector.shape_cast %swap3A_550 : vector<1x16xf32> to vector<16xf32>
        %swap3A_552 = vector.shape_cast %add3A_547 : vector<16xf32> to vector<1x16xf32>
        tpu.vector_store %arg12[%swap3A_548, %swap3A_549], %swap3A_552 {strides = array<i32>} : memref<16x768xf32, #tpu.memory_space<vmem>>, vector<1x16xf32>,
        %get3A_553 = arith.index_cast %scan3A_280 : i32 to index
        %get3A_554 = arith.constant 272 : index
        %get3A_555 = tpu.vector_load %arg12[%get3A_553, %get3A_554] {strides = array<i32>} : memref<16x768xf32, #tpu.memory_space<vmem>>, vector<1x16xf32>,
        %get3A_556 = vector.shape_cast %get3A_555 : vector<1x16xf32> to vector<16xf32>
        %mul3A_557 = vector.broadcast %squeeze3A : f32 to vector<16xf32>
        %mul3A_558 = arith.mulf %get3A_556, %mul3A_557 : vector<16xf32>
        %get3A_559 = arith.index_cast %scan3A_280 : i32 to index
        %get3A_560 = arith.constant 272 : index
        %get3A_561 = tpu.vector_load %arg16[%get3A_559, %get3A_560] {strides = array<i32>} : memref<16x768xf32, #tpu.memory_space<vmem>>, vector<1x16xf32>,
        %get3A_562 = vector.shape_cast %get3A_561 : vector<1x16xf32> to vector<16xf32>
        %add3A_563 = arith.addf %mul3A_558, %get3A_562 : vector<16xf32>
        %swap3A_564 = arith.index_cast %scan3A_280 : i32 to index
        %swap3A_565 = arith.constant 272 : index
        %swap3A_566 = tpu.vector_load %arg12[%swap3A_564, %swap3A_565] {strides = array<i32>} : memref<16x768xf32, #tpu.memory_space<vmem>>, vector<1x16xf32>,
        %swap3A_567 = vector.shape_cast %swap3A_566 : vector<1x16xf32> to vector<16xf32>
        %swap3A_568 = vector.shape_cast %add3A_563 : vector<16xf32> to vector<1x16xf32>
        tpu.vector_store %arg12[%swap3A_564, %swap3A_565], %swap3A_568 {strides = array<i32>} : memref<16x768xf32, #tpu.memory_space<vmem>>, vector<1x16xf32>,
        %get3A_569 = arith.index_cast %scan3A_280 : i32 to index
        %get3A_570 = arith.constant 288 : index
        %get3A_571 = tpu.vector_load %arg12[%get3A_569, %get3A_570] {strides = array<i32>} : memref<16x768xf32, #tpu.memory_space<vmem>>, vector<1x16xf32>,
        %get3A_572 = vector.shape_cast %get3A_571 : vector<1x16xf32> to vector<16xf32>
        %mul3A_573 = vector.broadcast %squeeze3A : f32 to vector<16xf32>
        %mul3A_574 = arith.mulf %get3A_572, %mul3A_573 : vector<16xf32>
        %get3A_575 = arith.index_cast %scan3A_280 : i32 to index
        %get3A_576 = arith.constant 288 : index
        %get3A_577 = tpu.vector_load %arg16[%get3A_575, %get3A_576] {strides = array<i32>} : memref<16x768xf32, #tpu.memory_space<vmem>>, vector<1x16xf32>,
        %get3A_578 = vector.shape_cast %get3A_577 : vector<1x16xf32> to vector<16xf32>
        %add3A_579 = arith.addf %mul3A_574, %get3A_578 : vector<16xf32>
        %swap3A_580 = arith.index_cast %scan3A_280 : i32 to index
        %swap3A_581 = arith.constant 288 : index
        %swap3A_582 = tpu.vector_load %arg12[%swap3A_580, %swap3A_581] {strides = array<i32>} : memref<16x768xf32, #tpu.memory_space<vmem>>, vector<1x16xf32>,
        %swap3A_583 = vector.shape_cast %swap3A_582 : vector<1x16xf32> to vector<16xf32>
        %swap3A_584 = vector.shape_cast %add3A_579 : vector<16xf32> to vector<1x16xf32>
        tpu.vector_store %arg12[%swap3A_580, %swap3A_581], %swap3A_584 {strides = array<i32>} : memref<16x768xf32, #tpu.memory_space<vmem>>, vector<1x16xf32>,
        %get3A_585 = arith.index_cast %scan3A_280 : i32 to index
        %get3A_586 = arith.constant 304 : index
        %get3A_587 = tpu.vector_load %arg12[%get3A_585, %get3A_586] {strides = array<i32>} : memref<16x768xf32, #tpu.memory_space<vmem>>, vector<1x16xf32>,
        %get3A_588 = vector.shape_cast %get3A_587 : vector<1x16xf32> to vector<16xf32>
        %mul3A_589 = vector.broadcast %squeeze3A : f32 to vector<16xf32>
        %mul3A_590 = arith.mulf %get3A_588, %mul3A_589 : vector<16xf32>
        %get3A_591 = arith.index_cast %scan3A_280 : i32 to index
        %get3A_592 = arith.constant 304 : index
        %get3A_593 = tpu.vector_load %arg16[%get3A_591, %get3A_592] {strides = array<i32>} : memref<16x768xf32, #tpu.memory_space<vmem>>, vector<1x16xf32>,
        %get3A_594 = vector.shape_cast %get3A_593 : vector<1x16xf32> to vector<16xf32>
        %add3A_595 = arith.addf %mul3A_590, %get3A_594 : vector<16xf32>
        %swap3A_596 = arith.index_cast %scan3A_280 : i32 to index
        %swap3A_597 = arith.constant 304 : index
        %swap3A_598 = tpu.vector_load %arg12[%swap3A_596, %swap3A_597] {strides = array<i32>} : memref<16x768xf32, #tpu.memory_space<vmem>>, vector<1x16xf32>,
        %swap3A_599 = vector.shape_cast %swap3A_598 : vector<1x16xf32> to vector<16xf32>
        %swap3A_600 = vector.shape_cast %add3A_595 : vector<16xf32> to vector<1x16xf32>
        tpu.vector_store %arg12[%swap3A_596, %swap3A_597], %swap3A_600 {strides = array<i32>} : memref<16x768xf32, #tpu.memory_space<vmem>>, vector<1x16xf32>,
        %get3A_601 = arith.index_cast %scan3A_280 : i32 to index
        %get3A_602 = arith.constant 320 : index
        %get3A_603 = tpu.vector_load %arg12[%get3A_601, %get3A_602] {strides = array<i32>} : memref<16x768xf32, #tpu.memory_space<vmem>>, vector<1x16xf32>,
        %get3A_604 = vector.shape_cast %get3A_603 : vector<1x16xf32> to vector<16xf32>
        %mul3A_605 = vector.broadcast %squeeze3A : f32 to vector<16xf32>
        %mul3A_606 = arith.mulf %get3A_604, %mul3A_605 : vector<16xf32>
        %get3A_607 = arith.index_cast %scan3A_280 : i32 to index
        %get3A_608 = arith.constant 320 : index
        %get3A_609 = tpu.vector_load %arg16[%get3A_607, %get3A_608] {strides = array<i32>} : memref<16x768xf32, #tpu.memory_space<vmem>>, vector<1x16xf32>,
        %get3A_610 = vector.shape_cast %get3A_609 : vector<1x16xf32> to vector<16xf32>
        %add3A_611 = arith.addf %mul3A_606, %get3A_610 : vector<16xf32>
        %swap3A_612 = arith.index_cast %scan3A_280 : i32 to index
        %swap3A_613 = arith.constant 320 : index
        %swap3A_614 = tpu.vector_load %arg12[%swap3A_612, %swap3A_613] {strides = array<i32>} : memref<16x768xf32, #tpu.memory_space<vmem>>, vector<1x16xf32>,
        %swap3A_615 = vector.shape_cast %swap3A_614 : vector<1x16xf32> to vector<16xf32>
        %swap3A_616 = vector.shape_cast %add3A_611 : vector<16xf32> to vector<1x16xf32>
        tpu.vector_store %arg12[%swap3A_612, %swap3A_613], %swap3A_616 {strides = array<i32>} : memref<16x768xf32, #tpu.memory_space<vmem>>, vector<1x16xf32>,
        %get3A_617 = arith.index_cast %scan3A_280 : i32 to index
        %get3A_618 = arith.constant 336 : index
        %get3A_619 = tpu.vector_load %arg12[%get3A_617, %get3A_618] {strides = array<i32>} : memref<16x768xf32, #tpu.memory_space<vmem>>, vector<1x16xf32>,
        %get3A_620 = vector.shape_cast %get3A_619 : vector<1x16xf32> to vector<16xf32>
        %mul3A_621 = vector.broadcast %squeeze3A : f32 to vector<16xf32>
        %mul3A_622 = arith.mulf %get3A_620, %mul3A_621 : vector<16xf32>
        %get3A_623 = arith.index_cast %scan3A_280 : i32 to index
        %get3A_624 = arith.constant 336 : index
        %get3A_625 = tpu.vector_load %arg16[%get3A_623, %get3A_624] {strides = array<i32>} : memref<16x768xf32, #tpu.memory_space<vmem>>, vector<1x16xf32>,
        %get3A_626 = vector.shape_cast %get3A_625 : vector<1x16xf32> to vector<16xf32>
        %add3A_627 = arith.addf %mul3A_622, %get3A_626 : vector<16xf32>
        %swap3A_628 = arith.index_cast %scan3A_280 : i32 to index
        %swap3A_629 = arith.constant 336 : index
        %swap3A_630 = tpu.vector_load %arg12[%swap3A_628, %swap3A_629] {strides = array<i32>} : memref<16x768xf32, #tpu.memory_space<vmem>>, vector<1x16xf32>,
        %swap3A_631 = vector.shape_cast %swap3A_630 : vector<1x16xf32> to vector<16xf32>
        %swap3A_632 = vector.shape_cast %add3A_627 : vector<16xf32> to vector<1x16xf32>
        tpu.vector_store %arg12[%swap3A_628, %swap3A_629], %swap3A_632 {strides = array<i32>} : memref<16x768xf32, #tpu.memory_space<vmem>>, vector<1x16xf32>,
        %get3A_633 = arith.index_cast %scan3A_280 : i32 to index
        %get3A_634 = arith.constant 352 : index
        %get3A_635 = tpu.vector_load %arg12[%get3A_633, %get3A_634] {strides = array<i32>} : memref<16x768xf32, #tpu.memory_space<vmem>>, vector<1x16xf32>,
        %get3A_636 = vector.shape_cast %get3A_635 : vector<1x16xf32> to vector<16xf32>
        %mul3A_637 = vector.broadcast %squeeze3A : f32 to vector<16xf32>
        %mul3A_638 = arith.mulf %get3A_636, %mul3A_637 : vector<16xf32>
        %get3A_639 = arith.index_cast %scan3A_280 : i32 to index
        %get3A_640 = arith.constant 352 : index
        %get3A_641 = tpu.vector_load %arg16[%get3A_639, %get3A_640] {strides = array<i32>} : memref<16x768xf32, #tpu.memory_space<vmem>>, vector<1x16xf32>,
        %get3A_642 = vector.shape_cast %get3A_641 : vector<1x16xf32> to vector<16xf32>
        %add3A_643 = arith.addf %mul3A_638, %get3A_642 : vector<16xf32>
        %swap3A_644 = arith.index_cast %scan3A_280 : i32 to index
        %swap3A_645 = arith.constant 352 : index
        %swap3A_646 = tpu.vector_load %arg12[%swap3A_644, %swap3A_645] {strides = array<i32>} : memref<16x768xf32, #tpu.memory_space<vmem>>, vector<1x16xf32>,
        %swap3A_647 = vector.shape_cast %swap3A_646 : vector<1x16xf32> to vector<16xf32>
        %swap3A_648 = vector.shape_cast %add3A_643 : vector<16xf32> to vector<1x16xf32>
        tpu.vector_store %arg12[%swap3A_644, %swap3A_645], %swap3A_648 {strides = array<i32>} : memref<16x768xf32, #tpu.memory_space<vmem>>, vector<1x16xf32>,
        %get3A_649 = arith.index_cast %scan3A_280 : i32 to index
        %get3A_650 = arith.constant 368 : index
        %get3A_651 = tpu.vector_load %arg12[%get3A_649, %get3A_650] {strides = array<i32>} : memref<16x768xf32, #tpu.memory_space<vmem>>, vector<1x16xf32>,
        %get3A_652 = vector.shape_cast %get3A_651 : vector<1x16xf32> to vector<16xf32>
        %mul3A_653 = vector.broadcast %squeeze3A : f32 to vector<16xf32>
        %mul3A_654 = arith.mulf %get3A_652, %mul3A_653 : vector<16xf32>
        %get3A_655 = arith.index_cast %scan3A_280 : i32 to index
        %get3A_656 = arith.constant 368 : index
        %get3A_657 = tpu.vector_load %arg16[%get3A_655, %get3A_656] {strides = array<i32>} : memref<16x768xf32, #tpu.memory_space<vmem>>, vector<1x16xf32>,
        %get3A_658 = vector.shape_cast %get3A_657 : vector<1x16xf32> to vector<16xf32>
        %add3A_659 = arith.addf %mul3A_654, %get3A_658 : vector<16xf32>
        %swap3A_660 = arith.index_cast %scan3A_280 : i32 to index
        %swap3A_661 = arith.constant 368 : index
        %swap3A_662 = tpu.vector_load %arg12[%swap3A_660, %swap3A_661] {strides = array<i32>} : memref<16x768xf32, #tpu.memory_space<vmem>>, vector<1x16xf32>,
        %swap3A_663 = vector.shape_cast %swap3A_662 : vector<1x16xf32> to vector<16xf32>
        %swap3A_664 = vector.shape_cast %add3A_659 : vector<16xf32> to vector<1x16xf32>
        tpu.vector_store %arg12[%swap3A_660, %swap3A_661], %swap3A_664 {strides = array<i32>} : memref<16x768xf32, #tpu.memory_space<vmem>>, vector<1x16xf32>,
        %get3A_665 = arith.index_cast %scan3A_280 : i32 to index
        %get3A_666 = arith.constant 384 : index
        %get3A_667 = tpu.vector_load %arg12[%get3A_665, %get3A_666] {strides = array<i32>} : memref<16x768xf32, #tpu.memory_space<vmem>>, vector<1x16xf32>,
        %get3A_668 = vector.shape_cast %get3A_667 : vector<1x16xf32> to vector<16xf32>
        %mul3A_669 = vector.broadcast %squeeze3A : f32 to vector<16xf32>
        %mul3A_670 = arith.mulf %get3A_668, %mul3A_669 : vector<16xf32>
        %get3A_671 = arith.index_cast %scan3A_280 : i32 to index
        %get3A_672 = arith.constant 384 : index
        %get3A_673 = tpu.vector_load %arg16[%get3A_671, %get3A_672] {strides = array<i32>} : memref<16x768xf32, #tpu.memory_space<vmem>>, vector<1x16xf32>,
        %get3A_674 = vector.shape_cast %get3A_673 : vector<1x16xf32> to vector<16xf32>
        %add3A_675 = arith.addf %mul3A_670, %get3A_674 : vector<16xf32>
        %swap3A_676 = arith.index_cast %scan3A_280 : i32 to index
        %swap3A_677 = arith.constant 384 : index
        %swap3A_678 = tpu.vector_load %arg12[%swap3A_676, %swap3A_677] {strides = array<i32>} : memref<16x768xf32, #tpu.memory_space<vmem>>, vector<1x16xf32>,
        %swap3A_679 = vector.shape_cast %swap3A_678 : vector<1x16xf32> to vector<16xf32>
        %swap3A_680 = vector.shape_cast %add3A_675 : vector<16xf32> to vector<1x16xf32>
        tpu.vector_store %arg12[%swap3A_676, %swap3A_677], %swap3A_680 {strides = array<i32>} : memref<16x768xf32, #tpu.memory_space<vmem>>, vector<1x16xf32>,
        %get3A_681 = arith.index_cast %scan3A_280 : i32 to index
        %get3A_682 = arith.constant 400 : index
        %get3A_683 = tpu.vector_load %arg12[%get3A_681, %get3A_682] {strides = array<i32>} : memref<16x768xf32, #tpu.memory_space<vmem>>, vector<1x16xf32>,
        %get3A_684 = vector.shape_cast %get3A_683 : vector<1x16xf32> to vector<16xf32>
        %mul3A_685 = vector.broadcast %squeeze3A : f32 to vector<16xf32>
        %mul3A_686 = arith.mulf %get3A_684, %mul3A_685 : vector<16xf32>
        %get3A_687 = arith.index_cast %scan3A_280 : i32 to index
        %get3A_688 = arith.constant 400 : index
        %get3A_689 = tpu.vector_load %arg16[%get3A_687, %get3A_688] {strides = array<i32>} : memref<16x768xf32, #tpu.memory_space<vmem>>, vector<1x16xf32>,
        %get3A_690 = vector.shape_cast %get3A_689 : vector<1x16xf32> to vector<16xf32>
        %add3A_691 = arith.addf %mul3A_686, %get3A_690 : vector<16xf32>
        %swap3A_692 = arith.index_cast %scan3A_280 : i32 to index
        %swap3A_693 = arith.constant 400 : index
        %swap3A_694 = tpu.vector_load %arg12[%swap3A_692, %swap3A_693] {strides = array<i32>} : memref<16x768xf32, #tpu.memory_space<vmem>>, vector<1x16xf32>,
        %swap3A_695 = vector.shape_cast %swap3A_694 : vector<1x16xf32> to vector<16xf32>
        %swap3A_696 = vector.shape_cast %add3A_691 : vector<16xf32> to vector<1x16xf32>
        tpu.vector_store %arg12[%swap3A_692, %swap3A_693], %swap3A_696 {strides = array<i32>} : memref<16x768xf32, #tpu.memory_space<vmem>>, vector<1x16xf32>,
        %get3A_697 = arith.index_cast %scan3A_280 : i32 to index
        %get3A_698 = arith.constant 416 : index
        %get3A_699 = tpu.vector_load %arg12[%get3A_697, %get3A_698] {strides = array<i32>} : memref<16x768xf32, #tpu.memory_space<vmem>>, vector<1x16xf32>,
        %get3A_700 = vector.shape_cast %get3A_699 : vector<1x16xf32> to vector<16xf32>
        %mul3A_701 = vector.broadcast %squeeze3A : f32 to vector<16xf32>
        %mul3A_702 = arith.mulf %get3A_700, %mul3A_701 : vector<16xf32>
        %get3A_703 = arith.index_cast %scan3A_280 : i32 to index
        %get3A_704 = arith.constant 416 : index
        %get3A_705 = tpu.vector_load %arg16[%get3A_703, %get3A_704] {strides = array<i32>} : memref<16x768xf32, #tpu.memory_space<vmem>>, vector<1x16xf32>,
        %get3A_706 = vector.shape_cast %get3A_705 : vector<1x16xf32> to vector<16xf32>
        %add3A_707 = arith.addf %mul3A_702, %get3A_706 : vector<16xf32>
        %swap3A_708 = arith.index_cast %scan3A_280 : i32 to index
        %swap3A_709 = arith.constant 416 : index
        %swap3A_710 = tpu.vector_load %arg12[%swap3A_708, %swap3A_709] {strides = array<i32>} : memref<16x768xf32, #tpu.memory_space<vmem>>, vector<1x16xf32>,
        %swap3A_711 = vector.shape_cast %swap3A_710 : vector<1x16xf32> to vector<16xf32>
        %swap3A_712 = vector.shape_cast %add3A_707 : vector<16xf32> to vector<1x16xf32>
        tpu.vector_store %arg12[%swap3A_708, %swap3A_709], %swap3A_712 {strides = array<i32>} : memref<16x768xf32, #tpu.memory_space<vmem>>, vector<1x16xf32>,
        %get3A_713 = arith.index_cast %scan3A_280 : i32 to index
        %get3A_714 = arith.constant 432 : index
        %get3A_715 = tpu.vector_load %arg12[%get3A_713, %get3A_714] {strides = array<i32>} : memref<16x768xf32, #tpu.memory_space<vmem>>, vector<1x16xf32>,
        %get3A_716 = vector.shape_cast %get3A_715 : vector<1x16xf32> to vector<16xf32>
        %mul3A_717 = vector.broadcast %squeeze3A : f32 to vector<16xf32>
        %mul3A_718 = arith.mulf %get3A_716, %mul3A_717 : vector<16xf32>
        %get3A_719 = arith.index_cast %scan3A_280 : i32 to index
        %get3A_720 = arith.constant 432 : index
        %get3A_721 = tpu.vector_load %arg16[%get3A_719, %get3A_720] {strides = array<i32>} : memref<16x768xf32, #tpu.memory_space<vmem>>, vector<1x16xf32>,
        %get3A_722 = vector.shape_cast %get3A_721 : vector<1x16xf32> to vector<16xf32>
        %add3A_723 = arith.addf %mul3A_718, %get3A_722 : vector<16xf32>
        %swap3A_724 = arith.index_cast %scan3A_280 : i32 to index
        %swap3A_725 = arith.constant 432 : index
        %swap3A_726 = tpu.vector_load %arg12[%swap3A_724, %swap3A_725] {strides = array<i32>} : memref<16x768xf32, #tpu.memory_space<vmem>>, vector<1x16xf32>,
        %swap3A_727 = vector.shape_cast %swap3A_726 : vector<1x16xf32> to vector<16xf32>
        %swap3A_728 = vector.shape_cast %add3A_723 : vector<16xf32> to vector<1x16xf32>
        tpu.vector_store %arg12[%swap3A_724, %swap3A_725], %swap3A_728 {strides = array<i32>} : memref<16x768xf32, #tpu.memory_space<vmem>>, vector<1x16xf32>,
        %get3A_729 = arith.index_cast %scan3A_280 : i32 to index
        %get3A_730 = arith.constant 448 : index
        %get3A_731 = tpu.vector_load %arg12[%get3A_729, %get3A_730] {strides = array<i32>} : memref<16x768xf32, #tpu.memory_space<vmem>>, vector<1x16xf32>,
        %get3A_732 = vector.shape_cast %get3A_731 : vector<1x16xf32> to vector<16xf32>
        %mul3A_733 = vector.broadcast %squeeze3A : f32 to vector<16xf32>
        %mul3A_734 = arith.mulf %get3A_732, %mul3A_733 : vector<16xf32>
        %get3A_735 = arith.index_cast %scan3A_280 : i32 to index
        %get3A_736 = arith.constant 448 : index
        %get3A_737 = tpu.vector_load %arg16[%get3A_735, %get3A_736] {strides = array<i32>} : memref<16x768xf32, #tpu.memory_space<vmem>>, vector<1x16xf32>,
        %get3A_738 = vector.shape_cast %get3A_737 : vector<1x16xf32> to vector<16xf32>
        %add3A_739 = arith.addf %mul3A_734, %get3A_738 : vector<16xf32>
        %swap3A_740 = arith.index_cast %scan3A_280 : i32 to index
        %swap3A_741 = arith.constant 448 : index
        %swap3A_742 = tpu.vector_load %arg12[%swap3A_740, %swap3A_741] {strides = array<i32>} : memref<16x768xf32, #tpu.memory_space<vmem>>, vector<1x16xf32>,
        %swap3A_743 = vector.shape_cast %swap3A_742 : vector<1x16xf32> to vector<16xf32>
        %swap3A_744 = vector.shape_cast %add3A_739 : vector<16xf32> to vector<1x16xf32>
        tpu.vector_store %arg12[%swap3A_740, %swap3A_741], %swap3A_744 {strides = array<i32>} : memref<16x768xf32, #tpu.memory_space<vmem>>, vector<1x16xf32>,
        %get3A_745 = arith.index_cast %scan3A_280 : i32 to index
        %get3A_746 = arith.constant 464 : index
        %get3A_747 = tpu.vector_load %arg12[%get3A_745, %get3A_746] {strides = array<i32>} : memref<16x768xf32, #tpu.memory_space<vmem>>, vector<1x16xf32>,
        %get3A_748 = vector.shape_cast %get3A_747 : vector<1x16xf32> to vector<16xf32>
        %mul3A_749 = vector.broadcast %squeeze3A : f32 to vector<16xf32>
        %mul3A_750 = arith.mulf %get3A_748, %mul3A_749 : vector<16xf32>
        %get3A_751 = arith.index_cast %scan3A_280 : i32 to index
        %get3A_752 = arith.constant 464 : index
        %get3A_753 = tpu.vector_load %arg16[%get3A_751, %get3A_752] {strides = array<i32>} : memref<16x768xf32, #tpu.memory_space<vmem>>, vector<1x16xf32>,
        %get3A_754 = vector.shape_cast %get3A_753 : vector<1x16xf32> to vector<16xf32>
        %add3A_755 = arith.addf %mul3A_750, %get3A_754 : vector<16xf32>
        %swap3A_756 = arith.index_cast %scan3A_280 : i32 to index
        %swap3A_757 = arith.constant 464 : index
        %swap3A_758 = tpu.vector_load %arg12[%swap3A_756, %swap3A_757] {strides = array<i32>} : memref<16x768xf32, #tpu.memory_space<vmem>>, vector<1x16xf32>,
        %swap3A_759 = vector.shape_cast %swap3A_758 : vector<1x16xf32> to vector<16xf32>
        %swap3A_760 = vector.shape_cast %add3A_755 : vector<16xf32> to vector<1x16xf32>
        tpu.vector_store %arg12[%swap3A_756, %swap3A_757], %swap3A_760 {strides = array<i32>} : memref<16x768xf32, #tpu.memory_space<vmem>>, vector<1x16xf32>,
        %get3A_761 = arith.index_cast %scan3A_280 : i32 to index
        %get3A_762 = arith.constant 480 : index
        %get3A_763 = tpu.vector_load %arg12[%get3A_761, %get3A_762] {strides = array<i32>} : memref<16x768xf32, #tpu.memory_space<vmem>>, vector<1x16xf32>,
        %get3A_764 = vector.shape_cast %get3A_763 : vector<1x16xf32> to vector<16xf32>
        %mul3A_765 = vector.broadcast %squeeze3A : f32 to vector<16xf32>
        %mul3A_766 = arith.mulf %get3A_764, %mul3A_765 : vector<16xf32>
        %get3A_767 = arith.index_cast %scan3A_280 : i32 to index
        %get3A_768 = arith.constant 480 : index
        %get3A_769 = tpu.vector_load %arg16[%get3A_767, %get3A_768] {strides = array<i32>} : memref<16x768xf32, #tpu.memory_space<vmem>>, vector<1x16xf32>,
        %get3A_770 = vector.shape_cast %get3A_769 : vector<1x16xf32> to vector<16xf32>
        %add3A_771 = arith.addf %mul3A_766, %get3A_770 : vector<16xf32>
        %swap3A_772 = arith.index_cast %scan3A_280 : i32 to index
        %swap3A_773 = arith.constant 480 : index
        %swap3A_774 = tpu.vector_load %arg12[%swap3A_772, %swap3A_773] {strides = array<i32>} : memref<16x768xf32, #tpu.memory_space<vmem>>, vector<1x16xf32>,
        %swap3A_775 = vector.shape_cast %swap3A_774 : vector<1x16xf32> to vector<16xf32>
        %swap3A_776 = vector.shape_cast %add3A_771 : vector<16xf32> to vector<1x16xf32>
        tpu.vector_store %arg12[%swap3A_772, %swap3A_773], %swap3A_776 {strides = array<i32>} : memref<16x768xf32, #tpu.memory_space<vmem>>, vector<1x16xf32>,
        %get3A_777 = arith.index_cast %scan3A_280 : i32 to index
        %get3A_778 = arith.constant 496 : index
        %get3A_779 = tpu.vector_load %arg12[%get3A_777, %get3A_778] {strides = array<i32>} : memref<16x768xf32, #tpu.memory_space<vmem>>, vector<1x16xf32>,
        %get3A_780 = vector.shape_cast %get3A_779 : vector<1x16xf32> to vector<16xf32>
        %mul3A_781 = vector.broadcast %squeeze3A : f32 to vector<16xf32>
        %mul3A_782 = arith.mulf %get3A_780, %mul3A_781 : vector<16xf32>
        %get3A_783 = arith.index_cast %scan3A_280 : i32 to index
        %get3A_784 = arith.constant 496 : index
        %get3A_785 = tpu.vector_load %arg16[%get3A_783, %get3A_784] {strides = array<i32>} : memref<16x768xf32, #tpu.memory_space<vmem>>, vector<1x16xf32>,
        %get3A_786 = vector.shape_cast %get3A_785 : vector<1x16xf32> to vector<16xf32>
        %add3A_787 = arith.addf %mul3A_782, %get3A_786 : vector<16xf32>
        %swap3A_788 = arith.index_cast %scan3A_280 : i32 to index
        %swap3A_789 = arith.constant 496 : index
        %swap3A_790 = tpu.vector_load %arg12[%swap3A_788, %swap3A_789] {strides = array<i32>} : memref<16x768xf32, #tpu.memory_space<vmem>>, vector<1x16xf32>,
        %swap3A_791 = vector.shape_cast %swap3A_790 : vector<1x16xf32> to vector<16xf32>
        %swap3A_792 = vector.shape_cast %add3A_787 : vector<16xf32> to vector<1x16xf32>
        tpu.vector_store %arg12[%swap3A_788, %swap3A_789], %swap3A_792 {strides = array<i32>} : memref<16x768xf32, #tpu.memory_space<vmem>>, vector<1x16xf32>,
        %get3A_793 = arith.index_cast %scan3A_280 : i32 to index
        %get3A_794 = arith.constant 512 : index
        %get3A_795 = tpu.vector_load %arg12[%get3A_793, %get3A_794] {strides = array<i32>} : memref<16x768xf32, #tpu.memory_space<vmem>>, vector<1x16xf32>,
        %get3A_796 = vector.shape_cast %get3A_795 : vector<1x16xf32> to vector<16xf32>
        %mul3A_797 = vector.broadcast %squeeze3A : f32 to vector<16xf32>
        %mul3A_798 = arith.mulf %get3A_796, %mul3A_797 : vector<16xf32>
        %get3A_799 = arith.index_cast %scan3A_280 : i32 to index
        %get3A_800 = arith.constant 512 : index
        %get3A_801 = tpu.vector_load %arg16[%get3A_799, %get3A_800] {strides = array<i32>} : memref<16x768xf32, #tpu.memory_space<vmem>>, vector<1x16xf32>,
        %get3A_802 = vector.shape_cast %get3A_801 : vector<1x16xf32> to vector<16xf32>
        %add3A_803 = arith.addf %mul3A_798, %get3A_802 : vector<16xf32>
        %swap3A_804 = arith.index_cast %scan3A_280 : i32 to index
        %swap3A_805 = arith.constant 512 : index
        %swap3A_806 = tpu.vector_load %arg12[%swap3A_804, %swap3A_805] {strides = array<i32>} : memref<16x768xf32, #tpu.memory_space<vmem>>, vector<1x16xf32>,
        %swap3A_807 = vector.shape_cast %swap3A_806 : vector<1x16xf32> to vector<16xf32>
        %swap3A_808 = vector.shape_cast %add3A_803 : vector<16xf32> to vector<1x16xf32>
        tpu.vector_store %arg12[%swap3A_804, %swap3A_805], %swap3A_808 {strides = array<i32>} : memref<16x768xf32, #tpu.memory_space<vmem>>, vector<1x16xf32>,
        %get3A_809 = arith.index_cast %scan3A_280 : i32 to index
        %get3A_810 = arith.constant 528 : index
        %get3A_811 = tpu.vector_load %arg12[%get3A_809, %get3A_810] {strides = array<i32>} : memref<16x768xf32, #tpu.memory_space<vmem>>, vector<1x16xf32>,
        %get3A_812 = vector.shape_cast %get3A_811 : vector<1x16xf32> to vector<16xf32>
        %mul3A_813 = vector.broadcast %squeeze3A : f32 to vector<16xf32>
        %mul3A_814 = arith.mulf %get3A_812, %mul3A_813 : vector<16xf32>
        %get3A_815 = arith.index_cast %scan3A_280 : i32 to index
        %get3A_816 = arith.constant 528 : index
        %get3A_817 = tpu.vector_load %arg16[%get3A_815, %get3A_816] {strides = array<i32>} : memref<16x768xf32, #tpu.memory_space<vmem>>, vector<1x16xf32>,
        %get3A_818 = vector.shape_cast %get3A_817 : vector<1x16xf32> to vector<16xf32>
        %add3A_819 = arith.addf %mul3A_814, %get3A_818 : vector<16xf32>
        %swap3A_820 = arith.index_cast %scan3A_280 : i32 to index
        %swap3A_821 = arith.constant 528 : index
        %swap3A_822 = tpu.vector_load %arg12[%swap3A_820, %swap3A_821] {strides = array<i32>} : memref<16x768xf32, #tpu.memory_space<vmem>>, vector<1x16xf32>,
        %swap3A_823 = vector.shape_cast %swap3A_822 : vector<1x16xf32> to vector<16xf32>
        %swap3A_824 = vector.shape_cast %add3A_819 : vector<16xf32> to vector<1x16xf32>
        tpu.vector_store %arg12[%swap3A_820, %swap3A_821], %swap3A_824 {strides = array<i32>} : memref<16x768xf32, #tpu.memory_space<vmem>>, vector<1x16xf32>,
        %get3A_825 = arith.index_cast %scan3A_280 : i32 to index
        %get3A_826 = arith.constant 544 : index
        %get3A_827 = tpu.vector_load %arg12[%get3A_825, %get3A_826] {strides = array<i32>} : memref<16x768xf32, #tpu.memory_space<vmem>>, vector<1x16xf32>,
        %get3A_828 = vector.shape_cast %get3A_827 : vector<1x16xf32> to vector<16xf32>
        %mul3A_829 = vector.broadcast %squeeze3A : f32 to vector<16xf32>
        %mul3A_830 = arith.mulf %get3A_828, %mul3A_829 : vector<16xf32>
        %get3A_831 = arith.index_cast %scan3A_280 : i32 to index
        %get3A_832 = arith.constant 544 : index
        %get3A_833 = tpu.vector_load %arg16[%get3A_831, %get3A_832] {strides = array<i32>} : memref<16x768xf32, #tpu.memory_space<vmem>>, vector<1x16xf32>,
        %get3A_834 = vector.shape_cast %get3A_833 : vector<1x16xf32> to vector<16xf32>
        %add3A_835 = arith.addf %mul3A_830, %get3A_834 : vector<16xf32>
        %swap3A_836 = arith.index_cast %scan3A_280 : i32 to index
        %swap3A_837 = arith.constant 544 : index
        %swap3A_838 = tpu.vector_load %arg12[%swap3A_836, %swap3A_837] {strides = array<i32>} : memref<16x768xf32, #tpu.memory_space<vmem>>, vector<1x16xf32>,
        %swap3A_839 = vector.shape_cast %swap3A_838 : vector<1x16xf32> to vector<16xf32>
        %swap3A_840 = vector.shape_cast %add3A_835 : vector<16xf32> to vector<1x16xf32>
        tpu.vector_store %arg12[%swap3A_836, %swap3A_837], %swap3A_840 {strides = array<i32>} : memref<16x768xf32, #tpu.memory_space<vmem>>, vector<1x16xf32>,
        %get3A_841 = arith.index_cast %scan3A_280 : i32 to index
        %get3A_842 = arith.constant 560 : index
        %get3A_843 = tpu.vector_load %arg12[%get3A_841, %get3A_842] {strides = array<i32>} : memref<16x768xf32, #tpu.memory_space<vmem>>, vector<1x16xf32>,
        %get3A_844 = vector.shape_cast %get3A_843 : vector<1x16xf32> to vector<16xf32>
        %mul3A_845 = vector.broadcast %squeeze3A : f32 to vector<16xf32>
        %mul3A_846 = arith.mulf %get3A_844, %mul3A_845 : vector<16xf32>
        %get3A_847 = arith.index_cast %scan3A_280 : i32 to index
        %get3A_848 = arith.constant 560 : index
        %get3A_849 = tpu.vector_load %arg16[%get3A_847, %get3A_848] {strides = array<i32>} : memref<16x768xf32, #tpu.memory_space<vmem>>, vector<1x16xf32>,
        %get3A_850 = vector.shape_cast %get3A_849 : vector<1x16xf32> to vector<16xf32>
        %add3A_851 = arith.addf %mul3A_846, %get3A_850 : vector<16xf32>
        %swap3A_852 = arith.index_cast %scan3A_280 : i32 to index
        %swap3A_853 = arith.constant 560 : index
        %swap3A_854 = tpu.vector_load %arg12[%swap3A_852, %swap3A_853] {strides = array<i32>} : memref<16x768xf32, #tpu.memory_space<vmem>>, vector<1x16xf32>,
        %swap3A_855 = vector.shape_cast %swap3A_854 : vector<1x16xf32> to vector<16xf32>
        %swap3A_856 = vector.shape_cast %add3A_851 : vector<16xf32> to vector<1x16xf32>
        tpu.vector_store %arg12[%swap3A_852, %swap3A_853], %swap3A_856 {strides = array<i32>} : memref<16x768xf32, #tpu.memory_space<vmem>>, vector<1x16xf32>,
        %get3A_857 = arith.index_cast %scan3A_280 : i32 to index
        %get3A_858 = arith.constant 576 : index
        %get3A_859 = tpu.vector_load %arg12[%get3A_857, %get3A_858] {strides = array<i32>} : memref<16x768xf32, #tpu.memory_space<vmem>>, vector<1x16xf32>,
        %get3A_860 = vector.shape_cast %get3A_859 : vector<1x16xf32> to vector<16xf32>
        %mul3A_861 = vector.broadcast %squeeze3A : f32 to vector<16xf32>
        %mul3A_862 = arith.mulf %get3A_860, %mul3A_861 : vector<16xf32>
        %get3A_863 = arith.index_cast %scan3A_280 : i32 to index
        %get3A_864 = arith.constant 576 : index
        %get3A_865 = tpu.vector_load %arg16[%get3A_863, %get3A_864] {strides = array<i32>} : memref<16x768xf32, #tpu.memory_space<vmem>>, vector<1x16xf32>,
        %get3A_866 = vector.shape_cast %get3A_865 : vector<1x16xf32> to vector<16xf32>
        %add3A_867 = arith.addf %mul3A_862, %get3A_866 : vector<16xf32>
        %swap3A_868 = arith.index_cast %scan3A_280 : i32 to index
        %swap3A_869 = arith.constant 576 : index
        %swap3A_870 = tpu.vector_load %arg12[%swap3A_868, %swap3A_869] {strides = array<i32>} : memref<16x768xf32, #tpu.memory_space<vmem>>, vector<1x16xf32>,
        %swap3A_871 = vector.shape_cast %swap3A_870 : vector<1x16xf32> to vector<16xf32>
        %swap3A_872 = vector.shape_cast %add3A_867 : vector<16xf32> to vector<1x16xf32>
        tpu.vector_store %arg12[%swap3A_868, %swap3A_869], %swap3A_872 {strides = array<i32>} : memref<16x768xf32, #tpu.memory_space<vmem>>, vector<1x16xf32>,
        %get3A_873 = arith.index_cast %scan3A_280 : i32 to index
        %get3A_874 = arith.constant 592 : index
        %get3A_875 = tpu.vector_load %arg12[%get3A_873, %get3A_874] {strides = array<i32>} : memref<16x768xf32, #tpu.memory_space<vmem>>, vector<1x16xf32>,
        %get3A_876 = vector.shape_cast %get3A_875 : vector<1x16xf32> to vector<16xf32>
        %mul3A_877 = vector.broadcast %squeeze3A : f32 to vector<16xf32>
        %mul3A_878 = arith.mulf %get3A_876, %mul3A_877 : vector<16xf32>
        %get3A_879 = arith.index_cast %scan3A_280 : i32 to index
        %get3A_880 = arith.constant 592 : index
        %get3A_881 = tpu.vector_load %arg16[%get3A_879, %get3A_880] {strides = array<i32>} : memref<16x768xf32, #tpu.memory_space<vmem>>, vector<1x16xf32>,
        %get3A_882 = vector.shape_cast %get3A_881 : vector<1x16xf32> to vector<16xf32>
        %add3A_883 = arith.addf %mul3A_878, %get3A_882 : vector<16xf32>
        %swap3A_884 = arith.index_cast %scan3A_280 : i32 to index
        %swap3A_885 = arith.constant 592 : index
        %swap3A_886 = tpu.vector_load %arg12[%swap3A_884, %swap3A_885] {strides = array<i32>} : memref<16x768xf32, #tpu.memory_space<vmem>>, vector<1x16xf32>,
        %swap3A_887 = vector.shape_cast %swap3A_886 : vector<1x16xf32> to vector<16xf32>
        %swap3A_888 = vector.shape_cast %add3A_883 : vector<16xf32> to vector<1x16xf32>
        tpu.vector_store %arg12[%swap3A_884, %swap3A_885], %swap3A_888 {strides = array<i32>} : memref<16x768xf32, #tpu.memory_space<vmem>>, vector<1x16xf32>,
        %get3A_889 = arith.index_cast %scan3A_280 : i32 to index
        %get3A_890 = arith.constant 608 : index
        %get3A_891 = tpu.vector_load %arg12[%get3A_889, %get3A_890] {strides = array<i32>} : memref<16x768xf32, #tpu.memory_space<vmem>>, vector<1x16xf32>,
        %get3A_892 = vector.shape_cast %get3A_891 : vector<1x16xf32> to vector<16xf32>
        %mul3A_893 = vector.broadcast %squeeze3A : f32 to vector<16xf32>
        %mul3A_894 = arith.mulf %get3A_892, %mul3A_893 : vector<16xf32>
        %get3A_895 = arith.index_cast %scan3A_280 : i32 to index
        %get3A_896 = arith.constant 608 : index
        %get3A_897 = tpu.vector_load %arg16[%get3A_895, %get3A_896] {strides = array<i32>} : memref<16x768xf32, #tpu.memory_space<vmem>>, vector<1x16xf32>,
        %get3A_898 = vector.shape_cast %get3A_897 : vector<1x16xf32> to vector<16xf32>
        %add3A_899 = arith.addf %mul3A_894, %get3A_898 : vector<16xf32>
        %swap3A_900 = arith.index_cast %scan3A_280 : i32 to index
        %swap3A_901 = arith.constant 608 : index
        %swap3A_902 = tpu.vector_load %arg12[%swap3A_900, %swap3A_901] {strides = array<i32>} : memref<16x768xf32, #tpu.memory_space<vmem>>, vector<1x16xf32>,
        %swap3A_903 = vector.shape_cast %swap3A_902 : vector<1x16xf32> to vector<16xf32>
        %swap3A_904 = vector.shape_cast %add3A_899 : vector<16xf32> to vector<1x16xf32>
        tpu.vector_store %arg12[%swap3A_900, %swap3A_901], %swap3A_904 {strides = array<i32>} : memref<16x768xf32, #tpu.memory_space<vmem>>, vector<1x16xf32>,
        %get3A_905 = arith.index_cast %scan3A_280 : i32 to index
        %get3A_906 = arith.constant 624 : index
        %get3A_907 = tpu.vector_load %arg12[%get3A_905, %get3A_906] {strides = array<i32>} : memref<16x768xf32, #tpu.memory_space<vmem>>, vector<1x16xf32>,
        %get3A_908 = vector.shape_cast %get3A_907 : vector<1x16xf32> to vector<16xf32>
        %mul3A_909 = vector.broadcast %squeeze3A : f32 to vector<16xf32>
        %mul3A_910 = arith.mulf %get3A_908, %mul3A_909 : vector<16xf32>
        %get3A_911 = arith.index_cast %scan3A_280 : i32 to index
        %get3A_912 = arith.constant 624 : index
        %get3A_913 = tpu.vector_load %arg16[%get3A_911, %get3A_912] {strides = array<i32>} : memref<16x768xf32, #tpu.memory_space<vmem>>, vector<1x16xf32>,
        %get3A_914 = vector.shape_cast %get3A_913 : vector<1x16xf32> to vector<16xf32>
        %add3A_915 = arith.addf %mul3A_910, %get3A_914 : vector<16xf32>
        %swap3A_916 = arith.index_cast %scan3A_280 : i32 to index
        %swap3A_917 = arith.constant 624 : index
        %swap3A_918 = tpu.vector_load %arg12[%swap3A_916, %swap3A_917] {strides = array<i32>} : memref<16x768xf32, #tpu.memory_space<vmem>>, vector<1x16xf32>,
        %swap3A_919 = vector.shape_cast %swap3A_918 : vector<1x16xf32> to vector<16xf32>
        %swap3A_920 = vector.shape_cast %add3A_915 : vector<16xf32> to vector<1x16xf32>
        tpu.vector_store %arg12[%swap3A_916, %swap3A_917], %swap3A_920 {strides = array<i32>} : memref<16x768xf32, #tpu.memory_space<vmem>>, vector<1x16xf32>,
        %get3A_921 = arith.index_cast %scan3A_280 : i32 to index
        %get3A_922 = arith.constant 640 : index
        %get3A_923 = tpu.vector_load %arg12[%get3A_921, %get3A_922] {strides = array<i32>} : memref<16x768xf32, #tpu.memory_space<vmem>>, vector<1x16xf32>,
        %get3A_924 = vector.shape_cast %get3A_923 : vector<1x16xf32> to vector<16xf32>
        %mul3A_925 = vector.broadcast %squeeze3A : f32 to vector<16xf32>
        %mul3A_926 = arith.mulf %get3A_924, %mul3A_925 : vector<16xf32>
        %get3A_927 = arith.index_cast %scan3A_280 : i32 to index
        %get3A_928 = arith.constant 640 : index
        %get3A_929 = tpu.vector_load %arg16[%get3A_927, %get3A_928] {strides = array<i32>} : memref<16x768xf32, #tpu.memory_space<vmem>>, vector<1x16xf32>,
        %get3A_930 = vector.shape_cast %get3A_929 : vector<1x16xf32> to vector<16xf32>
        %add3A_931 = arith.addf %mul3A_926, %get3A_930 : vector<16xf32>
        %swap3A_932 = arith.index_cast %scan3A_280 : i32 to index
        %swap3A_933 = arith.constant 640 : index
        %swap3A_934 = tpu.vector_load %arg12[%swap3A_932, %swap3A_933] {strides = array<i32>} : memref<16x768xf32, #tpu.memory_space<vmem>>, vector<1x16xf32>,
        %swap3A_935 = vector.shape_cast %swap3A_934 : vector<1x16xf32> to vector<16xf32>
        %swap3A_936 = vector.shape_cast %add3A_931 : vector<16xf32> to vector<1x16xf32>
        tpu.vector_store %arg12[%swap3A_932, %swap3A_933], %swap3A_936 {strides = array<i32>} : memref<16x768xf32, #tpu.memory_space<vmem>>, vector<1x16xf32>,
        %get3A_937 = arith.index_cast %scan3A_280 : i32 to index
        %get3A_938 = arith.constant 656 : index
        %get3A_939 = tpu.vector_load %arg12[%get3A_937, %get3A_938] {strides = array<i32>} : memref<16x768xf32, #tpu.memory_space<vmem>>, vector<1x16xf32>,
        %get3A_940 = vector.shape_cast %get3A_939 : vector<1x16xf32> to vector<16xf32>
        %mul3A_941 = vector.broadcast %squeeze3A : f32 to vector<16xf32>
        %mul3A_942 = arith.mulf %get3A_940, %mul3A_941 : vector<16xf32>
        %get3A_943 = arith.index_cast %scan3A_280 : i32 to index
        %get3A_944 = arith.constant 656 : index
        %get3A_945 = tpu.vector_load %arg16[%get3A_943, %get3A_944] {strides = array<i32>} : memref<16x768xf32, #tpu.memory_space<vmem>>, vector<1x16xf32>,
        %get3A_946 = vector.shape_cast %get3A_945 : vector<1x16xf32> to vector<16xf32>
        %add3A_947 = arith.addf %mul3A_942, %get3A_946 : vector<16xf32>
        %swap3A_948 = arith.index_cast %scan3A_280 : i32 to index
        %swap3A_949 = arith.constant 656 : index
        %swap3A_950 = tpu.vector_load %arg12[%swap3A_948, %swap3A_949] {strides = array<i32>} : memref<16x768xf32, #tpu.memory_space<vmem>>, vector<1x16xf32>,
        %swap3A_951 = vector.shape_cast %swap3A_950 : vector<1x16xf32> to vector<16xf32>
        %swap3A_952 = vector.shape_cast %add3A_947 : vector<16xf32> to vector<1x16xf32>
        tpu.vector_store %arg12[%swap3A_948, %swap3A_949], %swap3A_952 {strides = array<i32>} : memref<16x768xf32, #tpu.memory_space<vmem>>, vector<1x16xf32>,
        %get3A_953 = arith.index_cast %scan3A_280 : i32 to index
        %get3A_954 = arith.constant 672 : index
        %get3A_955 = tpu.vector_load %arg12[%get3A_953, %get3A_954] {strides = array<i32>} : memref<16x768xf32, #tpu.memory_space<vmem>>, vector<1x16xf32>,
        %get3A_956 = vector.shape_cast %get3A_955 : vector<1x16xf32> to vector<16xf32>
        %mul3A_957 = vector.broadcast %squeeze3A : f32 to vector<16xf32>
        %mul3A_958 = arith.mulf %get3A_956, %mul3A_957 : vector<16xf32>
        %get3A_959 = arith.index_cast %scan3A_280 : i32 to index
        %get3A_960 = arith.constant 672 : index
        %get3A_961 = tpu.vector_load %arg16[%get3A_959, %get3A_960] {strides = array<i32>} : memref<16x768xf32, #tpu.memory_space<vmem>>, vector<1x16xf32>,
        %get3A_962 = vector.shape_cast %get3A_961 : vector<1x16xf32> to vector<16xf32>
        %add3A_963 = arith.addf %mul3A_958, %get3A_962 : vector<16xf32>
        %swap3A_964 = arith.index_cast %scan3A_280 : i32 to index
        %swap3A_965 = arith.constant 672 : index
        %swap3A_966 = tpu.vector_load %arg12[%swap3A_964, %swap3A_965] {strides = array<i32>} : memref<16x768xf32, #tpu.memory_space<vmem>>, vector<1x16xf32>,
        %swap3A_967 = vector.shape_cast %swap3A_966 : vector<1x16xf32> to vector<16xf32>
        %swap3A_968 = vector.shape_cast %add3A_963 : vector<16xf32> to vector<1x16xf32>
        tpu.vector_store %arg12[%swap3A_964, %swap3A_965], %swap3A_968 {strides = array<i32>} : memref<16x768xf32, #tpu.memory_space<vmem>>, vector<1x16xf32>,
        %get3A_969 = arith.index_cast %scan3A_280 : i32 to index
        %get3A_970 = arith.constant 688 : index
        %get3A_971 = tpu.vector_load %arg12[%get3A_969, %get3A_970] {strides = array<i32>} : memref<16x768xf32, #tpu.memory_space<vmem>>, vector<1x16xf32>,
        %get3A_972 = vector.shape_cast %get3A_971 : vector<1x16xf32> to vector<16xf32>
        %mul3A_973 = vector.broadcast %squeeze3A : f32 to vector<16xf32>
        %mul3A_974 = arith.mulf %get3A_972, %mul3A_973 : vector<16xf32>
        %get3A_975 = arith.index_cast %scan3A_280 : i32 to index
        %get3A_976 = arith.constant 688 : index
        %get3A_977 = tpu.vector_load %arg16[%get3A_975, %get3A_976] {strides = array<i32>} : memref<16x768xf32, #tpu.memory_space<vmem>>, vector<1x16xf32>,
        %get3A_978 = vector.shape_cast %get3A_977 : vector<1x16xf32> to vector<16xf32>
        %add3A_979 = arith.addf %mul3A_974, %get3A_978 : vector<16xf32>
        %swap3A_980 = arith.index_cast %scan3A_280 : i32 to index
        %swap3A_981 = arith.constant 688 : index
        %swap3A_982 = tpu.vector_load %arg12[%swap3A_980, %swap3A_981] {strides = array<i32>} : memref<16x768xf32, #tpu.memory_space<vmem>>, vector<1x16xf32>,
        %swap3A_983 = vector.shape_cast %swap3A_982 : vector<1x16xf32> to vector<16xf32>
        %swap3A_984 = vector.shape_cast %add3A_979 : vector<16xf32> to vector<1x16xf32>
        tpu.vector_store %arg12[%swap3A_980, %swap3A_981], %swap3A_984 {strides = array<i32>} : memref<16x768xf32, #tpu.memory_space<vmem>>, vector<1x16xf32>,
        %get3A_985 = arith.index_cast %scan3A_280 : i32 to index
        %get3A_986 = arith.constant 704 : index
        %get3A_987 = tpu.vector_load %arg12[%get3A_985, %get3A_986] {strides = array<i32>} : memref<16x768xf32, #tpu.memory_space<vmem>>, vector<1x16xf32>,
        %get3A_988 = vector.shape_cast %get3A_987 : vector<1x16xf32> to vector<16xf32>
        %mul3A_989 = vector.broadcast %squeeze3A : f32 to vector<16xf32>
        %mul3A_990 = arith.mulf %get3A_988, %mul3A_989 : vector<16xf32>
        %get3A_991 = arith.index_cast %scan3A_280 : i32 to index
        %get3A_992 = arith.constant 704 : index
        %get3A_993 = tpu.vector_load %arg16[%get3A_991, %get3A_992] {strides = array<i32>} : memref<16x768xf32, #tpu.memory_space<vmem>>, vector<1x16xf32>,
        %get3A_994 = vector.shape_cast %get3A_993 : vector<1x16xf32> to vector<16xf32>
        %add3A_995 = arith.addf %mul3A_990, %get3A_994 : vector<16xf32>
        %swap3A_996 = arith.index_cast %scan3A_280 : i32 to index
        %swap3A_997 = arith.constant 704 : index
        %swap3A_998 = tpu.vector_load %arg12[%swap3A_996, %swap3A_997] {strides = array<i32>} : memref<16x768xf32, #tpu.memory_space<vmem>>, vector<1x16xf32>,
        %swap3A_999 = vector.shape_cast %swap3A_998 : vector<1x16xf32> to vector<16xf32>
        %swap3A_1000 = vector.shape_cast %add3A_995 : vector<16xf32> to vector<1x16xf32>
        tpu.vector_store %arg12[%swap3A_996, %swap3A_997], %swap3A_1000 {strides = array<i32>} : memref<16x768xf32, #tpu.memory_space<vmem>>, vector<1x16xf32>,
        %get3A_1001 = arith.index_cast %scan3A_280 : i32 to index
        %get3A_1002 = arith.constant 720 : index
        %get3A_1003 = tpu.vector_load %arg12[%get3A_1001, %get3A_1002] {strides = array<i32>} : memref<16x768xf32, #tpu.memory_space<vmem>>, vector<1x16xf32>,
        %get3A_1004 = vector.shape_cast %get3A_1003 : vector<1x16xf32> to vector<16xf32>
        %mul3A_1005 = vector.broadcast %squeeze3A : f32 to vector<16xf32>
        %mul3A_1006 = arith.mulf %get3A_1004, %mul3A_1005 : vector<16xf32>
        %get3A_1007 = arith.index_cast %scan3A_280 : i32 to index
        %get3A_1008 = arith.constant 720 : index
        %get3A_1009 = tpu.vector_load %arg16[%get3A_1007, %get3A_1008] {strides = array<i32>} : memref<16x768xf32, #tpu.memory_space<vmem>>, vector<1x16xf32>,
        %get3A_1010 = vector.shape_cast %get3A_1009 : vector<1x16xf32> to vector<16xf32>
        %add3A_1011 = arith.addf %mul3A_1006, %get3A_1010 : vector<16xf32>
        %swap3A_1012 = arith.index_cast %scan3A_280 : i32 to index
        %swap3A_1013 = arith.constant 720 : index
        %swap3A_1014 = tpu.vector_load %arg12[%swap3A_1012, %swap3A_1013] {strides = array<i32>} : memref<16x768xf32, #tpu.memory_space<vmem>>, vector<1x16xf32>,
        %swap3A_1015 = vector.shape_cast %swap3A_1014 : vector<1x16xf32> to vector<16xf32>
        %swap3A_1016 = vector.shape_cast %add3A_1011 : vector<16xf32> to vector<1x16xf32>
        tpu.vector_store %arg12[%swap3A_1012, %swap3A_1013], %swap3A_1016 {strides = array<i32>} : memref<16x768xf32, #tpu.memory_space<vmem>>, vector<1x16xf32>,
        %get3A_1017 = arith.index_cast %scan3A_280 : i32 to index
        %get3A_1018 = arith.constant 736 : index
        %get3A_1019 = tpu.vector_load %arg12[%get3A_1017, %get3A_1018] {strides = array<i32>} : memref<16x768xf32, #tpu.memory_space<vmem>>, vector<1x16xf32>,
        %get3A_1020 = vector.shape_cast %get3A_1019 : vector<1x16xf32> to vector<16xf32>
        %mul3A_1021 = vector.broadcast %squeeze3A : f32 to vector<16xf32>
        %mul3A_1022 = arith.mulf %get3A_1020, %mul3A_1021 : vector<16xf32>
        %get3A_1023 = arith.index_cast %scan3A_280 : i32 to index
        %get3A_1024 = arith.constant 736 : index
        %get3A_1025 = tpu.vector_load %arg16[%get3A_1023, %get3A_1024] {strides = array<i32>} : memref<16x768xf32, #tpu.memory_space<vmem>>, vector<1x16xf32>,
        %get3A_1026 = vector.shape_cast %get3A_1025 : vector<1x16xf32> to vector<16xf32>
        %add3A_1027 = arith.addf %mul3A_1022, %get3A_1026 : vector<16xf32>
        %swap3A_1028 = arith.index_cast %scan3A_280 : i32 to index
        %swap3A_1029 = arith.constant 736 : index
        %swap3A_1030 = tpu.vector_load %arg12[%swap3A_1028, %swap3A_1029] {strides = array<i32>} : memref<16x768xf32, #tpu.memory_space<vmem>>, vector<1x16xf32>,
        %swap3A_1031 = vector.shape_cast %swap3A_1030 : vector<1x16xf32> to vector<16xf32>
        %swap3A_1032 = vector.shape_cast %add3A_1027 : vector<16xf32> to vector<1x16xf32>
        tpu.vector_store %arg12[%swap3A_1028, %swap3A_1029], %swap3A_1032 {strides = array<i32>} : memref<16x768xf32, #tpu.memory_space<vmem>>, vector<1x16xf32>,
        %get3A_1033 = arith.index_cast %scan3A_280 : i32 to index
        %get3A_1034 = arith.constant 752 : index
        %get3A_1035 = tpu.vector_load %arg12[%get3A_1033, %get3A_1034] {strides = array<i32>} : memref<16x768xf32, #tpu.memory_space<vmem>>, vector<1x16xf32>,
        %get3A_1036 = vector.shape_cast %get3A_1035 : vector<1x16xf32> to vector<16xf32>
        %mul3A_1037 = vector.broadcast %squeeze3A : f32 to vector<16xf32>
        %mul3A_1038 = arith.mulf %get3A_1036, %mul3A_1037 : vector<16xf32>
        %get3A_1039 = arith.index_cast %scan3A_280 : i32 to index
        %get3A_1040 = arith.constant 752 : index
        %get3A_1041 = tpu.vector_load %arg16[%get3A_1039, %get3A_1040] {strides = array<i32>} : memref<16x768xf32, #tpu.memory_space<vmem>>, vector<1x16xf32>,
        %get3A_1042 = vector.shape_cast %get3A_1041 : vector<1x16xf32> to vector<16xf32>
        %add3A_1043 = arith.addf %mul3A_1038, %get3A_1042 : vector<16xf32>
        %swap3A_1044 = arith.index_cast %scan3A_280 : i32 to index
        %swap3A_1045 = arith.constant 752 : index
        %swap3A_1046 = tpu.vector_load %arg12[%swap3A_1044, %swap3A_1045] {strides = array<i32>} : memref<16x768xf32, #tpu.memory_space<vmem>>, vector<1x16xf32>,
        %swap3A_1047 = vector.shape_cast %swap3A_1046 : vector<1x16xf32> to vector<16xf32>
        %swap3A_1048 = vector.shape_cast %add3A_1043 : vector<16xf32> to vector<1x16xf32>
        tpu.vector_store %arg12[%swap3A_1044, %swap3A_1045], %swap3A_1048 {strides = array<i32>} : memref<16x768xf32, #tpu.memory_space<vmem>>, vector<1x16xf32>,
        %scan3A_1049 = arith.constant 0 : i32
        scf.yield %scan3A_1049 : i32
      }
      %scan3A_218 = arith.constant 16 : i32
      %mul3A_219 = arith.constant 16 : i32
      %mul3A_220 = arith.muli %add3A_176, %mul3A_219 : i32
      %add3A_221 = arith.addi %mul3A_6, %mul3A_220 : i32
      %dma_start3A_222 = arith.constant 0 : i32
      %dma_start3A_223 = tpu.memref_slice %arg7[%add3A_221, %dma_start3A_222] : memref<65536x768xf32, #tpu.memory_space<hbm>> -> memref<16x768xf32, #tpu.memory_space<hbm>>
      %dma_start3A_224 = arith.constant 0 : i32
      %dma_start3A_225 = tpu.memref_slice %arg7[%add3A_221, %dma_start3A_224] : memref<65536x768xf32, #tpu.memory_space<hbm>> -> memref<16x768xf32, #tpu.memory_space<hbm>>
      tpu.enqueue_dma source(%arg12 : memref<16x768xf32, #tpu.memory_space<vmem>>) target(%dma_start3A_225 : memref<16x768xf32, #tpu.memory_space<hbm>>) target_semaphore(%arg28 : memref<!tpu.dma_semaphore, #tpu.memory_space<semaphore_mem>>)
      %mul3A_226 = arith.constant 4 : i32
      %mul3A_227 = arith.muli %mul3A_226, %scan3A_70 : i32
      %add3A_228 = arith.constant 3 : i32
      %add3A_229 = arith.addi %mul3A_227, %add3A_228 : i32
      %ge3A_230 = arith.constant 2 : i32
      %ge3A_231 = arith.cmpi sge, %add3A_229, %ge3A_230 : i32
      %le3A_232 = arith.constant 125 : i32
      %le3A_233 = arith.cmpi sle, %add3A_229, %le3A_232 : i32
      %and3A_234 = arith.andi %ge3A_231, %le3A_233 : i1
      %convert_element_type3A_235 = arith.extui %and3A_234 : i1 to i32
      %cond3A_236 = arith.constant 0 : i32
      %cond3A_237 = arith.cmpi ne, %convert_element_type3A_235, %cond3A_236 : i32
      scf.if %cond3A_237 {
        %dma_wait3A_280 = arith.constant 0 : i32
        %dma_wait3A_281 = tpu.memref_slice %arg7[%mul3A_6, %dma_wait3A_280] : memref<65536x768xf32, #tpu.memory_space<hbm>> -> memref<16x768xf32, #tpu.memory_space<hbm>>
        %dma_wait3A_282 = arith.constant 0 : i32
        %dma_wait3A_283 = tpu.memref_slice %arg7[%mul3A_6, %dma_wait3A_282] : memref<65536x768xf32, #tpu.memory_space<hbm>> -> memref<16x768xf32, #tpu.memory_space<hbm>>
        tpu.wait_dma2 semaphore(%arg27 : memref<!tpu.dma_semaphore, #tpu.memory_space<semaphore_mem>>) src(%arg11 : memref<16x768xf32, #tpu.memory_space<vmem>>) dst(%dma_wait3A_283 : memref<16x768xf32, #tpu.memory_space<hbm>>)
      } else {
      }
      %le3A_238 = arith.constant 125 : i32
      %le3A_239 = arith.cmpi sle, %add3A_229, %le3A_238 : i32
      %convert_element_type3A_240 = arith.extui %le3A_239 : i1 to i32
      %cond3A_241 = arith.constant 0 : i32
      %cond3A_242 = arith.cmpi ne, %convert_element_type3A_240, %cond3A_241 : i32
      scf.if %cond3A_242 {
        %add3A_280 = arith.constant 2 : i32
        %add3A_281 = arith.addi %add3A_229, %add3A_280 : i32
        %jit3A = arith.constant 8 : i32
        %div3A = arith.divsi %add3A_281, %jit3A : i32
        %sign3A = arith.constant 0 : i32
        %sign3A_282 = arith.cmpi sgt, %add3A_281, %sign3A : i32
        %sign3A_283 = arith.extui %sign3A_282 : i1 to i32
        %sign3A_284 = arith.constant 0 : i32
        %sign3A_285 = arith.cmpi slt, %add3A_281, %sign3A_284 : i32
        %sign3A_286 = arith.extui %sign3A_285 : i1 to i32
        %sign3A_287 = arith.subi %sign3A_283, %sign3A_286 : i32
        %sign3A_288 = arith.constant 0 : i32
        %sign3A_289 = arith.cmpi sgt, %jit3A, %sign3A_288 : i32
        %sign3A_290 = arith.extui %sign3A_289 : i1 to i32
        %sign3A_291 = arith.constant 0 : i32
        %sign3A_292 = arith.cmpi slt, %jit3A, %sign3A_291 : i32
        %sign3A_293 = arith.extui %sign3A_292 : i1 to i32
        %sign3A_294 = arith.subi %sign3A_290, %sign3A_293 : i32
        %ne3A = arith.cmpi ne, %sign3A_287, %sign3A_294 : i32
        %rem3A_295 = arith.remsi %add3A_281, %jit3A : i32
        %ne3A_296 = arith.constant 0 : i32
        %ne3A_297 = arith.cmpi ne, %rem3A_295, %ne3A_296 : i32
        %and3A_298 = arith.andi %ne3A, %ne3A_297 : i1
        %sub3A = arith.constant 1 : i32
        %sub3A_299 = arith.subi %div3A, %sub3A : i32
        %select_n3A = arith.select %and3A_298, %sub3A_299, %div3A : i32
        %rem3A_300 = arith.constant 8 : i32
        %rem3A_301 = arith.remsi %add3A_281, %rem3A_300 : i32
        %mul3A_302 = arith.constant 16 : i32
        %mul3A_303 = arith.muli %rem3A_301, %mul3A_302 : i32
        %dma_start3A_304 = tpu.memref_slice %arg8[%select_n3A, %mul3A_303] : memref<16x128xi32, #tpu.memory_space<vmem>> -> memref<1x16xi32, #tpu.memory_space<vmem>>
        %dma_start3A_305 = tpu.memref_squeeze %dma_start3A_304 : memref<1x16xi32, #tpu.memory_space<vmem>> -> memref<16xi32, #tpu.memory_space<vmem>>
        %dma_start3A_306 = arith.constant 0 : i32
        %dma_start3A_307 = arith.constant 0 : i32
        %dma_start3A_308 = tpu.memref_slice %arg4[%dma_start3A_306, %dma_start3A_307] : memref<30522x768xf32, #tpu.memory_space<hbm>> -> memref<30522x768xf32, #tpu.memory_space<hbm>>
        tpu.enqueue_indirect_dma source(%dma_start3A_308 : memref<30522x768xf32, #tpu.memory_space<hbm>>) target(%arg11 : memref<16x768xf32, #tpu.memory_space<vmem>>) offsets(%dma_start3A_305 : memref<16xi32, #tpu.memory_space<vmem>>) semaphore(%arg19 : memref<!tpu.dma_semaphore, #tpu.memory_space<semaphore_mem>>)
        %jit3A_309 = arith.constant 8 : i32
        %div3A_310 = arith.divsi %add3A_281, %jit3A_309 : i32
        %sign3A_311 = arith.constant 0 : i32
        %sign3A_312 = arith.cmpi sgt, %add3A_281, %sign3A_311 : i32
        %sign3A_313 = arith.extui %sign3A_312 : i1 to i32
        %sign3A_314 = arith.constant 0 : i32
        %sign3A_315 = arith.cmpi slt, %add3A_281, %sign3A_314 : i32
        %sign3A_316 = arith.extui %sign3A_315 : i1 to i32
        %sign3A_317 = arith.subi %sign3A_313, %sign3A_316 : i32
        %sign3A_318 = arith.constant 0 : i32
        %sign3A_319 = arith.cmpi sgt, %jit3A_309, %sign3A_318 : i32
        %sign3A_320 = arith.extui %sign3A_319 : i1 to i32
        %sign3A_321 = arith.constant 0 : i32
        %sign3A_322 = arith.cmpi slt, %jit3A_309, %sign3A_321 : i32
        %sign3A_323 = arith.extui %sign3A_322 : i1 to i32
        %sign3A_324 = arith.subi %sign3A_320, %sign3A_323 : i32
        %ne3A_325 = arith.cmpi ne, %sign3A_317, %sign3A_324 : i32
        %rem3A_326 = arith.remsi %add3A_281, %jit3A_309 : i32
        %ne3A_327 = arith.constant 0 : i32
        %ne3A_328 = arith.cmpi ne, %rem3A_326, %ne3A_327 : i32
        %and3A_329 = arith.andi %ne3A_325, %ne3A_328 : i1
        %sub3A_330 = arith.constant 1 : i32
        %sub3A_331 = arith.subi %div3A_310, %sub3A_330 : i32
        %select_n3A_332 = arith.select %and3A_329, %sub3A_331, %div3A_310 : i32
        %rem3A_333 = arith.constant 8 : i32
        %rem3A_334 = arith.remsi %add3A_281, %rem3A_333 : i32
        %mul3A_335 = arith.constant 16 : i32
        %mul3A_336 = arith.muli %rem3A_334, %mul3A_335 : i32
        %dma_start3A_337 = tpu.memref_slice %arg9[%select_n3A_332, %mul3A_336] : memref<16x128xi32, #tpu.memory_space<vmem>> -> memref<1x16xi32, #tpu.memory_space<vmem>>
        %dma_start3A_338 = tpu.memref_squeeze %dma_start3A_337 : memref<1x16xi32, #tpu.memory_space<vmem>> -> memref<16xi32, #tpu.memory_space<vmem>>
        %dma_start3A_339 = arith.constant 0 : i32
        %dma_start3A_340 = arith.constant 0 : i32
        %dma_start3A_341 = tpu.memref_slice %arg5[%dma_start3A_339, %dma_start3A_340] : memref<1536x768xf32, #tpu.memory_space<hbm>> -> memref<1536x768xf32, #tpu.memory_space<hbm>>
        tpu.enqueue_indirect_dma source(%dma_start3A_341 : memref<1536x768xf32, #tpu.memory_space<hbm>>) target(%arg15 : memref<16x768xf32, #tpu.memory_space<vmem>>) offsets(%dma_start3A_338 : memref<16xi32, #tpu.memory_space<vmem>>) semaphore(%arg23 : memref<!tpu.dma_semaphore, #tpu.memory_space<semaphore_mem>>)
      } else {
      }
      %rem3A_243 = arith.constant 0 : i32
      %rem3A_244 = arith.constant 8 : i32
      %rem3A_245 = arith.remsi %rem3A_243, %rem3A_244 : i32
      %mul3A_246 = arith.constant 16 : i32
      %mul3A_247 = arith.muli %rem3A_245, %mul3A_246 : i32
      %dma_wait3A_248 = arith.constant 0 : i32
      %dma_wait3A_249 = tpu.memref_slice %arg8[%dma_wait3A_248, %mul3A_247] : memref<16x128xi32, #tpu.memory_space<vmem>> -> memref<1x16xi32, #tpu.memory_space<vmem>>
      %dma_wait3A_250 = tpu.memref_squeeze %dma_wait3A_249 : memref<1x16xi32, #tpu.memory_space<vmem>> -> memref<16xi32, #tpu.memory_space<vmem>>
      %dma_wait3A_251 = arith.constant 0 : i32
      %dma_wait3A_252 = arith.constant 0 : i32
      %dma_wait3A_253 = tpu.memref_slice %arg4[%dma_wait3A_251, %dma_wait3A_252] : memref<30522x768xf32, #tpu.memory_space<hbm>> -> memref<30522x768xf32, #tpu.memory_space<hbm>>
      tpu.wait_indirect_dma semaphore(%arg21 : memref<!tpu.dma_semaphore, #tpu.memory_space<semaphore_mem>>) src(%dma_wait3A_253 : memref<30522x768xf32, #tpu.memory_space<hbm>>) dst(%arg13 : memref<16x768xf32, #tpu.memory_space<vmem>>)
      %rem3A_254 = arith.constant 0 : i32
      %rem3A_255 = arith.constant 8 : i32
      %rem3A_256 = arith.remsi %rem3A_254, %rem3A_255 : i32
      %mul3A_257 = arith.constant 16 : i32
      %mul3A_258 = arith.muli %rem3A_256, %mul3A_257 : i32
      %dma_wait3A_259 = arith.constant 0 : i32
      %dma_wait3A_260 = tpu.memref_slice %arg9[%dma_wait3A_259, %mul3A_258] : memref<16x128xi32, #tpu.memory_space<vmem>> -> memref<1x16xi32, #tpu.memory_space<vmem>>
      %dma_wait3A_261 = tpu.memref_squeeze %dma_wait3A_260 : memref<1x16xi32, #tpu.memory_space<vmem>> -> memref<16xi32, #tpu.memory_space<vmem>>
      %dma_wait3A_262 = arith.constant 0 : i32
      %dma_wait3A_263 = arith.constant 0 : i32
      %dma_wait3A_264 = tpu.memref_slice %arg5[%dma_wait3A_262, %dma_wait3A_263] : memref<1536x768xf32, #tpu.memory_space<hbm>> -> memref<1536x768xf32, #tpu.memory_space<hbm>>
      tpu.wait_indirect_dma semaphore(%arg25 : memref<!tpu.dma_semaphore, #tpu.memory_space<semaphore_mem>>) src(%dma_wait3A_264 : memref<1536x768xf32, #tpu.memory_space<hbm>>) dst(%arg17 : memref<16x768xf32, #tpu.memory_space<vmem>>)
      %scan3A_265 = arith.constant 0 : i32
      %scan3A_266 = arith.constant 0 : i32
      %scan3A_267 = arith.constant 16 : i32
      %scan3A_268 = arith.addi %scan3A_266, %scan3A_267 : i32
      %scan3A_269 = arith.constant 1 : i32
      %scan3A_270 = scf.for %scan3A_280 = %scan3A_266 to %scan3A_268 step %scan3A_269 iter_args(%scan3A_281 = %scan3A_265) -> (i32)  : i32 {
        %get3A_282 = arith.index_cast %scan3A_280 : i32 to index
        %get3A_283 = arith.constant 0 : index
        %get3A_284 = tpu.vector_load %arg13[%get3A_282, %get3A_283] {strides = array<i32>} : memref<16x768xf32, #tpu.memory_space<vmem>>, vector<1x16xf32>,
        %get3A_285 = vector.shape_cast %get3A_284 : vector<1x16xf32> to vector<16xf32>
        %mul3A_286 = vector.broadcast %squeeze3A : f32 to vector<16xf32>
        %mul3A_287 = arith.mulf %get3A_285, %mul3A_286 : vector<16xf32>
        %get3A_288 = arith.index_cast %scan3A_280 : i32 to index
        %get3A_289 = arith.constant 0 : index
        %get3A_290 = tpu.vector_load %arg17[%get3A_288, %get3A_289] {strides = array<i32>} : memref<16x768xf32, #tpu.memory_space<vmem>>, vector<1x16xf32>,
        %get3A_291 = vector.shape_cast %get3A_290 : vector<1x16xf32> to vector<16xf32>
        %add3A_292 = arith.addf %mul3A_287, %get3A_291 : vector<16xf32>
        %swap3A = arith.index_cast %scan3A_280 : i32 to index
        %swap3A_293 = arith.constant 0 : index
        %swap3A_294 = tpu.vector_load %arg13[%swap3A, %swap3A_293] {strides = array<i32>} : memref<16x768xf32, #tpu.memory_space<vmem>>, vector<1x16xf32>,
        %swap3A_295 = vector.shape_cast %swap3A_294 : vector<1x16xf32> to vector<16xf32>
        %swap3A_296 = vector.shape_cast %add3A_292 : vector<16xf32> to vector<1x16xf32>
        tpu.vector_store %arg13[%swap3A, %swap3A_293], %swap3A_296 {strides = array<i32>} : memref<16x768xf32, #tpu.memory_space<vmem>>, vector<1x16xf32>,
        %get3A_297 = arith.index_cast %scan3A_280 : i32 to index
        %get3A_298 = arith.constant 16 : index
        %get3A_299 = tpu.vector_load %arg13[%get3A_297, %get3A_298] {strides = array<i32>} : memref<16x768xf32, #tpu.memory_space<vmem>>, vector<1x16xf32>,
        %get3A_300 = vector.shape_cast %get3A_299 : vector<1x16xf32> to vector<16xf32>
        %mul3A_301 = vector.broadcast %squeeze3A : f32 to vector<16xf32>
        %mul3A_302 = arith.mulf %get3A_300, %mul3A_301 : vector<16xf32>
        %get3A_303 = arith.index_cast %scan3A_280 : i32 to index
        %get3A_304 = arith.constant 16 : index
        %get3A_305 = tpu.vector_load %arg17[%get3A_303, %get3A_304] {strides = array<i32>} : memref<16x768xf32, #tpu.memory_space<vmem>>, vector<1x16xf32>,
        %get3A_306 = vector.shape_cast %get3A_305 : vector<1x16xf32> to vector<16xf32>
        %add3A_307 = arith.addf %mul3A_302, %get3A_306 : vector<16xf32>
        %swap3A_308 = arith.index_cast %scan3A_280 : i32 to index
        %swap3A_309 = arith.constant 16 : index
        %swap3A_310 = tpu.vector_load %arg13[%swap3A_308, %swap3A_309] {strides = array<i32>} : memref<16x768xf32, #tpu.memory_space<vmem>>, vector<1x16xf32>,
        %swap3A_311 = vector.shape_cast %swap3A_310 : vector<1x16xf32> to vector<16xf32>
        %swap3A_312 = vector.shape_cast %add3A_307 : vector<16xf32> to vector<1x16xf32>
        tpu.vector_store %arg13[%swap3A_308, %swap3A_309], %swap3A_312 {strides = array<i32>} : memref<16x768xf32, #tpu.memory_space<vmem>>, vector<1x16xf32>,
        %get3A_313 = arith.index_cast %scan3A_280 : i32 to index
        %get3A_314 = arith.constant 32 : index
        %get3A_315 = tpu.vector_load %arg13[%get3A_313, %get3A_314] {strides = array<i32>} : memref<16x768xf32, #tpu.memory_space<vmem>>, vector<1x16xf32>,
        %get3A_316 = vector.shape_cast %get3A_315 : vector<1x16xf32> to vector<16xf32>
        %mul3A_317 = vector.broadcast %squeeze3A : f32 to vector<16xf32>
        %mul3A_318 = arith.mulf %get3A_316, %mul3A_317 : vector<16xf32>
        %get3A_319 = arith.index_cast %scan3A_280 : i32 to index
        %get3A_320 = arith.constant 32 : index
        %get3A_321 = tpu.vector_load %arg17[%get3A_319, %get3A_320] {strides = array<i32>} : memref<16x768xf32, #tpu.memory_space<vmem>>, vector<1x16xf32>,
        %get3A_322 = vector.shape_cast %get3A_321 : vector<1x16xf32> to vector<16xf32>
        %add3A_323 = arith.addf %mul3A_318, %get3A_322 : vector<16xf32>
        %swap3A_324 = arith.index_cast %scan3A_280 : i32 to index
        %swap3A_325 = arith.constant 32 : index
        %swap3A_326 = tpu.vector_load %arg13[%swap3A_324, %swap3A_325] {strides = array<i32>} : memref<16x768xf32, #tpu.memory_space<vmem>>, vector<1x16xf32>,
        %swap3A_327 = vector.shape_cast %swap3A_326 : vector<1x16xf32> to vector<16xf32>
        %swap3A_328 = vector.shape_cast %add3A_323 : vector<16xf32> to vector<1x16xf32>
        tpu.vector_store %arg13[%swap3A_324, %swap3A_325], %swap3A_328 {strides = array<i32>} : memref<16x768xf32, #tpu.memory_space<vmem>>, vector<1x16xf32>,
        %get3A_329 = arith.index_cast %scan3A_280 : i32 to index
        %get3A_330 = arith.constant 48 : index
        %get3A_331 = tpu.vector_load %arg13[%get3A_329, %get3A_330] {strides = array<i32>} : memref<16x768xf32, #tpu.memory_space<vmem>>, vector<1x16xf32>,
        %get3A_332 = vector.shape_cast %get3A_331 : vector<1x16xf32> to vector<16xf32>
        %mul3A_333 = vector.broadcast %squeeze3A : f32 to vector<16xf32>
        %mul3A_334 = arith.mulf %get3A_332, %mul3A_333 : vector<16xf32>
        %get3A_335 = arith.index_cast %scan3A_280 : i32 to index
        %get3A_336 = arith.constant 48 : index
        %get3A_337 = tpu.vector_load %arg17[%get3A_335, %get3A_336] {strides = array<i32>} : memref<16x768xf32, #tpu.memory_space<vmem>>, vector<1x16xf32>,
        %get3A_338 = vector.shape_cast %get3A_337 : vector<1x16xf32> to vector<16xf32>
        %add3A_339 = arith.addf %mul3A_334, %get3A_338 : vector<16xf32>
        %swap3A_340 = arith.index_cast %scan3A_280 : i32 to index
        %swap3A_341 = arith.constant 48 : index
        %swap3A_342 = tpu.vector_load %arg13[%swap3A_340, %swap3A_341] {strides = array<i32>} : memref<16x768xf32, #tpu.memory_space<vmem>>, vector<1x16xf32>,
        %swap3A_343 = vector.shape_cast %swap3A_342 : vector<1x16xf32> to vector<16xf32>
        %swap3A_344 = vector.shape_cast %add3A_339 : vector<16xf32> to vector<1x16xf32>
        tpu.vector_store %arg13[%swap3A_340, %swap3A_341], %swap3A_344 {strides = array<i32>} : memref<16x768xf32, #tpu.memory_space<vmem>>, vector<1x16xf32>,
        %get3A_345 = arith.index_cast %scan3A_280 : i32 to index
        %get3A_346 = arith.constant 64 : index
        %get3A_347 = tpu.vector_load %arg13[%get3A_345, %get3A_346] {strides = array<i32>} : memref<16x768xf32, #tpu.memory_space<vmem>>, vector<1x16xf32>,
        %get3A_348 = vector.shape_cast %get3A_347 : vector<1x16xf32> to vector<16xf32>
        %mul3A_349 = vector.broadcast %squeeze3A : f32 to vector<16xf32>
        %mul3A_350 = arith.mulf %get3A_348, %mul3A_349 : vector<16xf32>
        %get3A_351 = arith.index_cast %scan3A_280 : i32 to index
        %get3A_352 = arith.constant 64 : index
        %get3A_353 = tpu.vector_load %arg17[%get3A_351, %get3A_352] {strides = array<i32>} : memref<16x768xf32, #tpu.memory_space<vmem>>, vector<1x16xf32>,
        %get3A_354 = vector.shape_cast %get3A_353 : vector<1x16xf32> to vector<16xf32>
        %add3A_355 = arith.addf %mul3A_350, %get3A_354 : vector<16xf32>
        %swap3A_356 = arith.index_cast %scan3A_280 : i32 to index
        %swap3A_357 = arith.constant 64 : index
        %swap3A_358 = tpu.vector_load %arg13[%swap3A_356, %swap3A_357] {strides = array<i32>} : memref<16x768xf32, #tpu.memory_space<vmem>>, vector<1x16xf32>,
        %swap3A_359 = vector.shape_cast %swap3A_358 : vector<1x16xf32> to vector<16xf32>
        %swap3A_360 = vector.shape_cast %add3A_355 : vector<16xf32> to vector<1x16xf32>
        tpu.vector_store %arg13[%swap3A_356, %swap3A_357], %swap3A_360 {strides = array<i32>} : memref<16x768xf32, #tpu.memory_space<vmem>>, vector<1x16xf32>,
        %get3A_361 = arith.index_cast %scan3A_280 : i32 to index
        %get3A_362 = arith.constant 80 : index
        %get3A_363 = tpu.vector_load %arg13[%get3A_361, %get3A_362] {strides = array<i32>} : memref<16x768xf32, #tpu.memory_space<vmem>>, vector<1x16xf32>,
        %get3A_364 = vector.shape_cast %get3A_363 : vector<1x16xf32> to vector<16xf32>
        %mul3A_365 = vector.broadcast %squeeze3A : f32 to vector<16xf32>
        %mul3A_366 = arith.mulf %get3A_364, %mul3A_365 : vector<16xf32>
        %get3A_367 = arith.index_cast %scan3A_280 : i32 to index
        %get3A_368 = arith.constant 80 : index
        %get3A_369 = tpu.vector_load %arg17[%get3A_367, %get3A_368] {strides = array<i32>} : memref<16x768xf32, #tpu.memory_space<vmem>>, vector<1x16xf32>,
        %get3A_370 = vector.shape_cast %get3A_369 : vector<1x16xf32> to vector<16xf32>
        %add3A_371 = arith.addf %mul3A_366, %get3A_370 : vector<16xf32>
        %swap3A_372 = arith.index_cast %scan3A_280 : i32 to index
        %swap3A_373 = arith.constant 80 : index
        %swap3A_374 = tpu.vector_load %arg13[%swap3A_372, %swap3A_373] {strides = array<i32>} : memref<16x768xf32, #tpu.memory_space<vmem>>, vector<1x16xf32>,
        %swap3A_375 = vector.shape_cast %swap3A_374 : vector<1x16xf32> to vector<16xf32>
        %swap3A_376 = vector.shape_cast %add3A_371 : vector<16xf32> to vector<1x16xf32>
        tpu.vector_store %arg13[%swap3A_372, %swap3A_373], %swap3A_376 {strides = array<i32>} : memref<16x768xf32, #tpu.memory_space<vmem>>, vector<1x16xf32>,
        %get3A_377 = arith.index_cast %scan3A_280 : i32 to index
        %get3A_378 = arith.constant 96 : index
        %get3A_379 = tpu.vector_load %arg13[%get3A_377, %get3A_378] {strides = array<i32>} : memref<16x768xf32, #tpu.memory_space<vmem>>, vector<1x16xf32>,
        %get3A_380 = vector.shape_cast %get3A_379 : vector<1x16xf32> to vector<16xf32>
        %mul3A_381 = vector.broadcast %squeeze3A : f32 to vector<16xf32>
        %mul3A_382 = arith.mulf %get3A_380, %mul3A_381 : vector<16xf32>
        %get3A_383 = arith.index_cast %scan3A_280 : i32 to index
        %get3A_384 = arith.constant 96 : index
        %get3A_385 = tpu.vector_load %arg17[%get3A_383, %get3A_384] {strides = array<i32>} : memref<16x768xf32, #tpu.memory_space<vmem>>, vector<1x16xf32>,
        %get3A_386 = vector.shape_cast %get3A_385 : vector<1x16xf32> to vector<16xf32>
        %add3A_387 = arith.addf %mul3A_382, %get3A_386 : vector<16xf32>
        %swap3A_388 = arith.index_cast %scan3A_280 : i32 to index
        %swap3A_389 = arith.constant 96 : index
        %swap3A_390 = tpu.vector_load %arg13[%swap3A_388, %swap3A_389] {strides = array<i32>} : memref<16x768xf32, #tpu.memory_space<vmem>>, vector<1x16xf32>,
        %swap3A_391 = vector.shape_cast %swap3A_390 : vector<1x16xf32> to vector<16xf32>
        %swap3A_392 = vector.shape_cast %add3A_387 : vector<16xf32> to vector<1x16xf32>
        tpu.vector_store %arg13[%swap3A_388, %swap3A_389], %swap3A_392 {strides = array<i32>} : memref<16x768xf32, #tpu.memory_space<vmem>>, vector<1x16xf32>,
        %get3A_393 = arith.index_cast %scan3A_280 : i32 to index
        %get3A_394 = arith.constant 112 : index
        %get3A_395 = tpu.vector_load %arg13[%get3A_393, %get3A_394] {strides = array<i32>} : memref<16x768xf32, #tpu.memory_space<vmem>>, vector<1x16xf32>,
        %get3A_396 = vector.shape_cast %get3A_395 : vector<1x16xf32> to vector<16xf32>
        %mul3A_397 = vector.broadcast %squeeze3A : f32 to vector<16xf32>
        %mul3A_398 = arith.mulf %get3A_396, %mul3A_397 : vector<16xf32>
        %get3A_399 = arith.index_cast %scan3A_280 : i32 to index
        %get3A_400 = arith.constant 112 : index
        %get3A_401 = tpu.vector_load %arg17[%get3A_399, %get3A_400] {strides = array<i32>} : memref<16x768xf32, #tpu.memory_space<vmem>>, vector<1x16xf32>,
        %get3A_402 = vector.shape_cast %get3A_401 : vector<1x16xf32> to vector<16xf32>
        %add3A_403 = arith.addf %mul3A_398, %get3A_402 : vector<16xf32>
        %swap3A_404 = arith.index_cast %scan3A_280 : i32 to index
        %swap3A_405 = arith.constant 112 : index
        %swap3A_406 = tpu.vector_load %arg13[%swap3A_404, %swap3A_405] {strides = array<i32>} : memref<16x768xf32, #tpu.memory_space<vmem>>, vector<1x16xf32>,
        %swap3A_407 = vector.shape_cast %swap3A_406 : vector<1x16xf32> to vector<16xf32>
        %swap3A_408 = vector.shape_cast %add3A_403 : vector<16xf32> to vector<1x16xf32>
        tpu.vector_store %arg13[%swap3A_404, %swap3A_405], %swap3A_408 {strides = array<i32>} : memref<16x768xf32, #tpu.memory_space<vmem>>, vector<1x16xf32>,
        %get3A_409 = arith.index_cast %scan3A_280 : i32 to index
        %get3A_410 = arith.constant 128 : index
        %get3A_411 = tpu.vector_load %arg13[%get3A_409, %get3A_410] {strides = array<i32>} : memref<16x768xf32, #tpu.memory_space<vmem>>, vector<1x16xf32>,
        %get3A_412 = vector.shape_cast %get3A_411 : vector<1x16xf32> to vector<16xf32>
        %mul3A_413 = vector.broadcast %squeeze3A : f32 to vector<16xf32>
        %mul3A_414 = arith.mulf %get3A_412, %mul3A_413 : vector<16xf32>
        %get3A_415 = arith.index_cast %scan3A_280 : i32 to index
        %get3A_416 = arith.constant 128 : index
        %get3A_417 = tpu.vector_load %arg17[%get3A_415, %get3A_416] {strides = array<i32>} : memref<16x768xf32, #tpu.memory_space<vmem>>, vector<1x16xf32>,
        %get3A_418 = vector.shape_cast %get3A_417 : vector<1x16xf32> to vector<16xf32>
        %add3A_419 = arith.addf %mul3A_414, %get3A_418 : vector<16xf32>
        %swap3A_420 = arith.index_cast %scan3A_280 : i32 to index
        %swap3A_421 = arith.constant 128 : index
        %swap3A_422 = tpu.vector_load %arg13[%swap3A_420, %swap3A_421] {strides = array<i32>} : memref<16x768xf32, #tpu.memory_space<vmem>>, vector<1x16xf32>,
        %swap3A_423 = vector.shape_cast %swap3A_422 : vector<1x16xf32> to vector<16xf32>
        %swap3A_424 = vector.shape_cast %add3A_419 : vector<16xf32> to vector<1x16xf32>
        tpu.vector_store %arg13[%swap3A_420, %swap3A_421], %swap3A_424 {strides = array<i32>} : memref<16x768xf32, #tpu.memory_space<vmem>>, vector<1x16xf32>,
        %get3A_425 = arith.index_cast %scan3A_280 : i32 to index
        %get3A_426 = arith.constant 144 : index
        %get3A_427 = tpu.vector_load %arg13[%get3A_425, %get3A_426] {strides = array<i32>} : memref<16x768xf32, #tpu.memory_space<vmem>>, vector<1x16xf32>,
        %get3A_428 = vector.shape_cast %get3A_427 : vector<1x16xf32> to vector<16xf32>
        %mul3A_429 = vector.broadcast %squeeze3A : f32 to vector<16xf32>
        %mul3A_430 = arith.mulf %get3A_428, %mul3A_429 : vector<16xf32>
        %get3A_431 = arith.index_cast %scan3A_280 : i32 to index
        %get3A_432 = arith.constant 144 : index
        %get3A_433 = tpu.vector_load %arg17[%get3A_431, %get3A_432] {strides = array<i32>} : memref<16x768xf32, #tpu.memory_space<vmem>>, vector<1x16xf32>,
        %get3A_434 = vector.shape_cast %get3A_433 : vector<1x16xf32> to vector<16xf32>
        %add3A_435 = arith.addf %mul3A_430, %get3A_434 : vector<16xf32>
        %swap3A_436 = arith.index_cast %scan3A_280 : i32 to index
        %swap3A_437 = arith.constant 144 : index
        %swap3A_438 = tpu.vector_load %arg13[%swap3A_436, %swap3A_437] {strides = array<i32>} : memref<16x768xf32, #tpu.memory_space<vmem>>, vector<1x16xf32>,
        %swap3A_439 = vector.shape_cast %swap3A_438 : vector<1x16xf32> to vector<16xf32>
        %swap3A_440 = vector.shape_cast %add3A_435 : vector<16xf32> to vector<1x16xf32>
        tpu.vector_store %arg13[%swap3A_436, %swap3A_437], %swap3A_440 {strides = array<i32>} : memref<16x768xf32, #tpu.memory_space<vmem>>, vector<1x16xf32>,
        %get3A_441 = arith.index_cast %scan3A_280 : i32 to index
        %get3A_442 = arith.constant 160 : index
        %get3A_443 = tpu.vector_load %arg13[%get3A_441, %get3A_442] {strides = array<i32>} : memref<16x768xf32, #tpu.memory_space<vmem>>, vector<1x16xf32>,
        %get3A_444 = vector.shape_cast %get3A_443 : vector<1x16xf32> to vector<16xf32>
        %mul3A_445 = vector.broadcast %squeeze3A : f32 to vector<16xf32>
        %mul3A_446 = arith.mulf %get3A_444, %mul3A_445 : vector<16xf32>
        %get3A_447 = arith.index_cast %scan3A_280 : i32 to index
        %get3A_448 = arith.constant 160 : index
        %get3A_449 = tpu.vector_load %arg17[%get3A_447, %get3A_448] {strides = array<i32>} : memref<16x768xf32, #tpu.memory_space<vmem>>, vector<1x16xf32>,
        %get3A_450 = vector.shape_cast %get3A_449 : vector<1x16xf32> to vector<16xf32>
        %add3A_451 = arith.addf %mul3A_446, %get3A_450 : vector<16xf32>
        %swap3A_452 = arith.index_cast %scan3A_280 : i32 to index
        %swap3A_453 = arith.constant 160 : index
        %swap3A_454 = tpu.vector_load %arg13[%swap3A_452, %swap3A_453] {strides = array<i32>} : memref<16x768xf32, #tpu.memory_space<vmem>>, vector<1x16xf32>,
        %swap3A_455 = vector.shape_cast %swap3A_454 : vector<1x16xf32> to vector<16xf32>
        %swap3A_456 = vector.shape_cast %add3A_451 : vector<16xf32> to vector<1x16xf32>
        tpu.vector_store %arg13[%swap3A_452, %swap3A_453], %swap3A_456 {strides = array<i32>} : memref<16x768xf32, #tpu.memory_space<vmem>>, vector<1x16xf32>,
        %get3A_457 = arith.index_cast %scan3A_280 : i32 to index
        %get3A_458 = arith.constant 176 : index
        %get3A_459 = tpu.vector_load %arg13[%get3A_457, %get3A_458] {strides = array<i32>} : memref<16x768xf32, #tpu.memory_space<vmem>>, vector<1x16xf32>,
        %get3A_460 = vector.shape_cast %get3A_459 : vector<1x16xf32> to vector<16xf32>
        %mul3A_461 = vector.broadcast %squeeze3A : f32 to vector<16xf32>
        %mul3A_462 = arith.mulf %get3A_460, %mul3A_461 : vector<16xf32>
        %get3A_463 = arith.index_cast %scan3A_280 : i32 to index
        %get3A_464 = arith.constant 176 : index
        %get3A_465 = tpu.vector_load %arg17[%get3A_463, %get3A_464] {strides = array<i32>} : memref<16x768xf32, #tpu.memory_space<vmem>>, vector<1x16xf32>,
        %get3A_466 = vector.shape_cast %get3A_465 : vector<1x16xf32> to vector<16xf32>
        %add3A_467 = arith.addf %mul3A_462, %get3A_466 : vector<16xf32>
        %swap3A_468 = arith.index_cast %scan3A_280 : i32 to index
        %swap3A_469 = arith.constant 176 : index
        %swap3A_470 = tpu.vector_load %arg13[%swap3A_468, %swap3A_469] {strides = array<i32>} : memref<16x768xf32, #tpu.memory_space<vmem>>, vector<1x16xf32>,
        %swap3A_471 = vector.shape_cast %swap3A_470 : vector<1x16xf32> to vector<16xf32>
        %swap3A_472 = vector.shape_cast %add3A_467 : vector<16xf32> to vector<1x16xf32>
        tpu.vector_store %arg13[%swap3A_468, %swap3A_469], %swap3A_472 {strides = array<i32>} : memref<16x768xf32, #tpu.memory_space<vmem>>, vector<1x16xf32>,
        %get3A_473 = arith.index_cast %scan3A_280 : i32 to index
        %get3A_474 = arith.constant 192 : index
        %get3A_475 = tpu.vector_load %arg13[%get3A_473, %get3A_474] {strides = array<i32>} : memref<16x768xf32, #tpu.memory_space<vmem>>, vector<1x16xf32>,
        %get3A_476 = vector.shape_cast %get3A_475 : vector<1x16xf32> to vector<16xf32>
        %mul3A_477 = vector.broadcast %squeeze3A : f32 to vector<16xf32>
        %mul3A_478 = arith.mulf %get3A_476, %mul3A_477 : vector<16xf32>
        %get3A_479 = arith.index_cast %scan3A_280 : i32 to index
        %get3A_480 = arith.constant 192 : index
        %get3A_481 = tpu.vector_load %arg17[%get3A_479, %get3A_480] {strides = array<i32>} : memref<16x768xf32, #tpu.memory_space<vmem>>, vector<1x16xf32>,
        %get3A_482 = vector.shape_cast %get3A_481 : vector<1x16xf32> to vector<16xf32>
        %add3A_483 = arith.addf %mul3A_478, %get3A_482 : vector<16xf32>
        %swap3A_484 = arith.index_cast %scan3A_280 : i32 to index
        %swap3A_485 = arith.constant 192 : index
        %swap3A_486 = tpu.vector_load %arg13[%swap3A_484, %swap3A_485] {strides = array<i32>} : memref<16x768xf32, #tpu.memory_space<vmem>>, vector<1x16xf32>,
        %swap3A_487 = vector.shape_cast %swap3A_486 : vector<1x16xf32> to vector<16xf32>
        %swap3A_488 = vector.shape_cast %add3A_483 : vector<16xf32> to vector<1x16xf32>
        tpu.vector_store %arg13[%swap3A_484, %swap3A_485], %swap3A_488 {strides = array<i32>} : memref<16x768xf32, #tpu.memory_space<vmem>>, vector<1x16xf32>,
        %get3A_489 = arith.index_cast %scan3A_280 : i32 to index
        %get3A_490 = arith.constant 208 : index
        %get3A_491 = tpu.vector_load %arg13[%get3A_489, %get3A_490] {strides = array<i32>} : memref<16x768xf32, #tpu.memory_space<vmem>>, vector<1x16xf32>,
        %get3A_492 = vector.shape_cast %get3A_491 : vector<1x16xf32> to vector<16xf32>
        %mul3A_493 = vector.broadcast %squeeze3A : f32 to vector<16xf32>
        %mul3A_494 = arith.mulf %get3A_492, %mul3A_493 : vector<16xf32>
        %get3A_495 = arith.index_cast %scan3A_280 : i32 to index
        %get3A_496 = arith.constant 208 : index
        %get3A_497 = tpu.vector_load %arg17[%get3A_495, %get3A_496] {strides = array<i32>} : memref<16x768xf32, #tpu.memory_space<vmem>>, vector<1x16xf32>,
        %get3A_498 = vector.shape_cast %get3A_497 : vector<1x16xf32> to vector<16xf32>
        %add3A_499 = arith.addf %mul3A_494, %get3A_498 : vector<16xf32>
        %swap3A_500 = arith.index_cast %scan3A_280 : i32 to index
        %swap3A_501 = arith.constant 208 : index
        %swap3A_502 = tpu.vector_load %arg13[%swap3A_500, %swap3A_501] {strides = array<i32>} : memref<16x768xf32, #tpu.memory_space<vmem>>, vector<1x16xf32>,
        %swap3A_503 = vector.shape_cast %swap3A_502 : vector<1x16xf32> to vector<16xf32>
        %swap3A_504 = vector.shape_cast %add3A_499 : vector<16xf32> to vector<1x16xf32>
        tpu.vector_store %arg13[%swap3A_500, %swap3A_501], %swap3A_504 {strides = array<i32>} : memref<16x768xf32, #tpu.memory_space<vmem>>, vector<1x16xf32>,
        %get3A_505 = arith.index_cast %scan3A_280 : i32 to index
        %get3A_506 = arith.constant 224 : index
        %get3A_507 = tpu.vector_load %arg13[%get3A_505, %get3A_506] {strides = array<i32>} : memref<16x768xf32, #tpu.memory_space<vmem>>, vector<1x16xf32>,
        %get3A_508 = vector.shape_cast %get3A_507 : vector<1x16xf32> to vector<16xf32>
        %mul3A_509 = vector.broadcast %squeeze3A : f32 to vector<16xf32>
        %mul3A_510 = arith.mulf %get3A_508, %mul3A_509 : vector<16xf32>
        %get3A_511 = arith.index_cast %scan3A_280 : i32 to index
        %get3A_512 = arith.constant 224 : index
        %get3A_513 = tpu.vector_load %arg17[%get3A_511, %get3A_512] {strides = array<i32>} : memref<16x768xf32, #tpu.memory_space<vmem>>, vector<1x16xf32>,
        %get3A_514 = vector.shape_cast %get3A_513 : vector<1x16xf32> to vector<16xf32>
        %add3A_515 = arith.addf %mul3A_510, %get3A_514 : vector<16xf32>
        %swap3A_516 = arith.index_cast %scan3A_280 : i32 to index
        %swap3A_517 = arith.constant 224 : index
        %swap3A_518 = tpu.vector_load %arg13[%swap3A_516, %swap3A_517] {strides = array<i32>} : memref<16x768xf32, #tpu.memory_space<vmem>>, vector<1x16xf32>,
        %swap3A_519 = vector.shape_cast %swap3A_518 : vector<1x16xf32> to vector<16xf32>
        %swap3A_520 = vector.shape_cast %add3A_515 : vector<16xf32> to vector<1x16xf32>
        tpu.vector_store %arg13[%swap3A_516, %swap3A_517], %swap3A_520 {strides = array<i32>} : memref<16x768xf32, #tpu.memory_space<vmem>>, vector<1x16xf32>,
        %get3A_521 = arith.index_cast %scan3A_280 : i32 to index
        %get3A_522 = arith.constant 240 : index
        %get3A_523 = tpu.vector_load %arg13[%get3A_521, %get3A_522] {strides = array<i32>} : memref<16x768xf32, #tpu.memory_space<vmem>>, vector<1x16xf32>,
        %get3A_524 = vector.shape_cast %get3A_523 : vector<1x16xf32> to vector<16xf32>
        %mul3A_525 = vector.broadcast %squeeze3A : f32 to vector<16xf32>
        %mul3A_526 = arith.mulf %get3A_524, %mul3A_525 : vector<16xf32>
        %get3A_527 = arith.index_cast %scan3A_280 : i32 to index
        %get3A_528 = arith.constant 240 : index
        %get3A_529 = tpu.vector_load %arg17[%get3A_527, %get3A_528] {strides = array<i32>} : memref<16x768xf32, #tpu.memory_space<vmem>>, vector<1x16xf32>,
        %get3A_530 = vector.shape_cast %get3A_529 : vector<1x16xf32> to vector<16xf32>
        %add3A_531 = arith.addf %mul3A_526, %get3A_530 : vector<16xf32>
        %swap3A_532 = arith.index_cast %scan3A_280 : i32 to index
        %swap3A_533 = arith.constant 240 : index
        %swap3A_534 = tpu.vector_load %arg13[%swap3A_532, %swap3A_533] {strides = array<i32>} : memref<16x768xf32, #tpu.memory_space<vmem>>, vector<1x16xf32>,
        %swap3A_535 = vector.shape_cast %swap3A_534 : vector<1x16xf32> to vector<16xf32>
        %swap3A_536 = vector.shape_cast %add3A_531 : vector<16xf32> to vector<1x16xf32>
        tpu.vector_store %arg13[%swap3A_532, %swap3A_533], %swap3A_536 {strides = array<i32>} : memref<16x768xf32, #tpu.memory_space<vmem>>, vector<1x16xf32>,
        %get3A_537 = arith.index_cast %scan3A_280 : i32 to index
        %get3A_538 = arith.constant 256 : index
        %get3A_539 = tpu.vector_load %arg13[%get3A_537, %get3A_538] {strides = array<i32>} : memref<16x768xf32, #tpu.memory_space<vmem>>, vector<1x16xf32>,
        %get3A_540 = vector.shape_cast %get3A_539 : vector<1x16xf32> to vector<16xf32>
        %mul3A_541 = vector.broadcast %squeeze3A : f32 to vector<16xf32>
        %mul3A_542 = arith.mulf %get3A_540, %mul3A_541 : vector<16xf32>
        %get3A_543 = arith.index_cast %scan3A_280 : i32 to index
        %get3A_544 = arith.constant 256 : index
        %get3A_545 = tpu.vector_load %arg17[%get3A_543, %get3A_544] {strides = array<i32>} : memref<16x768xf32, #tpu.memory_space<vmem>>, vector<1x16xf32>,
        %get3A_546 = vector.shape_cast %get3A_545 : vector<1x16xf32> to vector<16xf32>
        %add3A_547 = arith.addf %mul3A_542, %get3A_546 : vector<16xf32>
        %swap3A_548 = arith.index_cast %scan3A_280 : i32 to index
        %swap3A_549 = arith.constant 256 : index
        %swap3A_550 = tpu.vector_load %arg13[%swap3A_548, %swap3A_549] {strides = array<i32>} : memref<16x768xf32, #tpu.memory_space<vmem>>, vector<1x16xf32>,
        %swap3A_551 = vector.shape_cast %swap3A_550 : vector<1x16xf32> to vector<16xf32>
        %swap3A_552 = vector.shape_cast %add3A_547 : vector<16xf32> to vector<1x16xf32>
        tpu.vector_store %arg13[%swap3A_548, %swap3A_549], %swap3A_552 {strides = array<i32>} : memref<16x768xf32, #tpu.memory_space<vmem>>, vector<1x16xf32>,
        %get3A_553 = arith.index_cast %scan3A_280 : i32 to index
        %get3A_554 = arith.constant 272 : index
        %get3A_555 = tpu.vector_load %arg13[%get3A_553, %get3A_554] {strides = array<i32>} : memref<16x768xf32, #tpu.memory_space<vmem>>, vector<1x16xf32>,
        %get3A_556 = vector.shape_cast %get3A_555 : vector<1x16xf32> to vector<16xf32>
        %mul3A_557 = vector.broadcast %squeeze3A : f32 to vector<16xf32>
        %mul3A_558 = arith.mulf %get3A_556, %mul3A_557 : vector<16xf32>
        %get3A_559 = arith.index_cast %scan3A_280 : i32 to index
        %get3A_560 = arith.constant 272 : index
        %get3A_561 = tpu.vector_load %arg17[%get3A_559, %get3A_560] {strides = array<i32>} : memref<16x768xf32, #tpu.memory_space<vmem>>, vector<1x16xf32>,
        %get3A_562 = vector.shape_cast %get3A_561 : vector<1x16xf32> to vector<16xf32>
        %add3A_563 = arith.addf %mul3A_558, %get3A_562 : vector<16xf32>
        %swap3A_564 = arith.index_cast %scan3A_280 : i32 to index
        %swap3A_565 = arith.constant 272 : index
        %swap3A_566 = tpu.vector_load %arg13[%swap3A_564, %swap3A_565] {strides = array<i32>} : memref<16x768xf32, #tpu.memory_space<vmem>>, vector<1x16xf32>,
        %swap3A_567 = vector.shape_cast %swap3A_566 : vector<1x16xf32> to vector<16xf32>
        %swap3A_568 = vector.shape_cast %add3A_563 : vector<16xf32> to vector<1x16xf32>
        tpu.vector_store %arg13[%swap3A_564, %swap3A_565], %swap3A_568 {strides = array<i32>} : memref<16x768xf32, #tpu.memory_space<vmem>>, vector<1x16xf32>,
        %get3A_569 = arith.index_cast %scan3A_280 : i32 to index
        %get3A_570 = arith.constant 288 : index
        %get3A_571 = tpu.vector_load %arg13[%get3A_569, %get3A_570] {strides = array<i32>} : memref<16x768xf32, #tpu.memory_space<vmem>>, vector<1x16xf32>,
        %get3A_572 = vector.shape_cast %get3A_571 : vector<1x16xf32> to vector<16xf32>
        %mul3A_573 = vector.broadcast %squeeze3A : f32 to vector<16xf32>
        %mul3A_574 = arith.mulf %get3A_572, %mul3A_573 : vector<16xf32>
        %get3A_575 = arith.index_cast %scan3A_280 : i32 to index
        %get3A_576 = arith.constant 288 : index
        %get3A_577 = tpu.vector_load %arg17[%get3A_575, %get3A_576] {strides = array<i32>} : memref<16x768xf32, #tpu.memory_space<vmem>>, vector<1x16xf32>,
        %get3A_578 = vector.shape_cast %get3A_577 : vector<1x16xf32> to vector<16xf32>
        %add3A_579 = arith.addf %mul3A_574, %get3A_578 : vector<16xf32>
        %swap3A_580 = arith.index_cast %scan3A_280 : i32 to index
        %swap3A_581 = arith.constant 288 : index
        %swap3A_582 = tpu.vector_load %arg13[%swap3A_580, %swap3A_581] {strides = array<i32>} : memref<16x768xf32, #tpu.memory_space<vmem>>, vector<1x16xf32>,
        %swap3A_583 = vector.shape_cast %swap3A_582 : vector<1x16xf32> to vector<16xf32>
        %swap3A_584 = vector.shape_cast %add3A_579 : vector<16xf32> to vector<1x16xf32>
        tpu.vector_store %arg13[%swap3A_580, %swap3A_581], %swap3A_584 {strides = array<i32>} : memref<16x768xf32, #tpu.memory_space<vmem>>, vector<1x16xf32>,
        %get3A_585 = arith.index_cast %scan3A_280 : i32 to index
        %get3A_586 = arith.constant 304 : index
        %get3A_587 = tpu.vector_load %arg13[%get3A_585, %get3A_586] {strides = array<i32>} : memref<16x768xf32, #tpu.memory_space<vmem>>, vector<1x16xf32>,
        %get3A_588 = vector.shape_cast %get3A_587 : vector<1x16xf32> to vector<16xf32>
        %mul3A_589 = vector.broadcast %squeeze3A : f32 to vector<16xf32>
        %mul3A_590 = arith.mulf %get3A_588, %mul3A_589 : vector<16xf32>
        %get3A_591 = arith.index_cast %scan3A_280 : i32 to index
        %get3A_592 = arith.constant 304 : index
        %get3A_593 = tpu.vector_load %arg17[%get3A_591, %get3A_592] {strides = array<i32>} : memref<16x768xf32, #tpu.memory_space<vmem>>, vector<1x16xf32>,
        %get3A_594 = vector.shape_cast %get3A_593 : vector<1x16xf32> to vector<16xf32>
        %add3A_595 = arith.addf %mul3A_590, %get3A_594 : vector<16xf32>
        %swap3A_596 = arith.index_cast %scan3A_280 : i32 to index
        %swap3A_597 = arith.constant 304 : index
        %swap3A_598 = tpu.vector_load %arg13[%swap3A_596, %swap3A_597] {strides = array<i32>} : memref<16x768xf32, #tpu.memory_space<vmem>>, vector<1x16xf32>,
        %swap3A_599 = vector.shape_cast %swap3A_598 : vector<1x16xf32> to vector<16xf32>
        %swap3A_600 = vector.shape_cast %add3A_595 : vector<16xf32> to vector<1x16xf32>
        tpu.vector_store %arg13[%swap3A_596, %swap3A_597], %swap3A_600 {strides = array<i32>} : memref<16x768xf32, #tpu.memory_space<vmem>>, vector<1x16xf32>,
        %get3A_601 = arith.index_cast %scan3A_280 : i32 to index
        %get3A_602 = arith.constant 320 : index
        %get3A_603 = tpu.vector_load %arg13[%get3A_601, %get3A_602] {strides = array<i32>} : memref<16x768xf32, #tpu.memory_space<vmem>>, vector<1x16xf32>,
        %get3A_604 = vector.shape_cast %get3A_603 : vector<1x16xf32> to vector<16xf32>
        %mul3A_605 = vector.broadcast %squeeze3A : f32 to vector<16xf32>
        %mul3A_606 = arith.mulf %get3A_604, %mul3A_605 : vector<16xf32>
        %get3A_607 = arith.index_cast %scan3A_280 : i32 to index
        %get3A_608 = arith.constant 320 : index
        %get3A_609 = tpu.vector_load %arg17[%get3A_607, %get3A_608] {strides = array<i32>} : memref<16x768xf32, #tpu.memory_space<vmem>>, vector<1x16xf32>,
        %get3A_610 = vector.shape_cast %get3A_609 : vector<1x16xf32> to vector<16xf32>
        %add3A_611 = arith.addf %mul3A_606, %get3A_610 : vector<16xf32>
        %swap3A_612 = arith.index_cast %scan3A_280 : i32 to index
        %swap3A_613 = arith.constant 320 : index
        %swap3A_614 = tpu.vector_load %arg13[%swap3A_612, %swap3A_613] {strides = array<i32>} : memref<16x768xf32, #tpu.memory_space<vmem>>, vector<1x16xf32>,
        %swap3A_615 = vector.shape_cast %swap3A_614 : vector<1x16xf32> to vector<16xf32>
        %swap3A_616 = vector.shape_cast %add3A_611 : vector<16xf32> to vector<1x16xf32>
        tpu.vector_store %arg13[%swap3A_612, %swap3A_613], %swap3A_616 {strides = array<i32>} : memref<16x768xf32, #tpu.memory_space<vmem>>, vector<1x16xf32>,
        %get3A_617 = arith.index_cast %scan3A_280 : i32 to index
        %get3A_618 = arith.constant 336 : index
        %get3A_619 = tpu.vector_load %arg13[%get3A_617, %get3A_618] {strides = array<i32>} : memref<16x768xf32, #tpu.memory_space<vmem>>, vector<1x16xf32>,
        %get3A_620 = vector.shape_cast %get3A_619 : vector<1x16xf32> to vector<16xf32>
        %mul3A_621 = vector.broadcast %squeeze3A : f32 to vector<16xf32>
        %mul3A_622 = arith.mulf %get3A_620, %mul3A_621 : vector<16xf32>
        %get3A_623 = arith.index_cast %scan3A_280 : i32 to index
        %get3A_624 = arith.constant 336 : index
        %get3A_625 = tpu.vector_load %arg17[%get3A_623, %get3A_624] {strides = array<i32>} : memref<16x768xf32, #tpu.memory_space<vmem>>, vector<1x16xf32>,
        %get3A_626 = vector.shape_cast %get3A_625 : vector<1x16xf32> to vector<16xf32>
        %add3A_627 = arith.addf %mul3A_622, %get3A_626 : vector<16xf32>
        %swap3A_628 = arith.index_cast %scan3A_280 : i32 to index
        %swap3A_629 = arith.constant 336 : index
        %swap3A_630 = tpu.vector_load %arg13[%swap3A_628, %swap3A_629] {strides = array<i32>} : memref<16x768xf32, #tpu.memory_space<vmem>>, vector<1x16xf32>,
        %swap3A_631 = vector.shape_cast %swap3A_630 : vector<1x16xf32> to vector<16xf32>
        %swap3A_632 = vector.shape_cast %add3A_627 : vector<16xf32> to vector<1x16xf32>
        tpu.vector_store %arg13[%swap3A_628, %swap3A_629], %swap3A_632 {strides = array<i32>} : memref<16x768xf32, #tpu.memory_space<vmem>>, vector<1x16xf32>,
        %get3A_633 = arith.index_cast %scan3A_280 : i32 to index
        %get3A_634 = arith.constant 352 : index
        %get3A_635 = tpu.vector_load %arg13[%get3A_633, %get3A_634] {strides = array<i32>} : memref<16x768xf32, #tpu.memory_space<vmem>>, vector<1x16xf32>,
        %get3A_636 = vector.shape_cast %get3A_635 : vector<1x16xf32> to vector<16xf32>
        %mul3A_637 = vector.broadcast %squeeze3A : f32 to vector<16xf32>
        %mul3A_638 = arith.mulf %get3A_636, %mul3A_637 : vector<16xf32>
        %get3A_639 = arith.index_cast %scan3A_280 : i32 to index
        %get3A_640 = arith.constant 352 : index
        %get3A_641 = tpu.vector_load %arg17[%get3A_639, %get3A_640] {strides = array<i32>} : memref<16x768xf32, #tpu.memory_space<vmem>>, vector<1x16xf32>,
        %get3A_642 = vector.shape_cast %get3A_641 : vector<1x16xf32> to vector<16xf32>
        %add3A_643 = arith.addf %mul3A_638, %get3A_642 : vector<16xf32>
        %swap3A_644 = arith.index_cast %scan3A_280 : i32 to index
        %swap3A_645 = arith.constant 352 : index
        %swap3A_646 = tpu.vector_load %arg13[%swap3A_644, %swap3A_645] {strides = array<i32>} : memref<16x768xf32, #tpu.memory_space<vmem>>, vector<1x16xf32>,
        %swap3A_647 = vector.shape_cast %swap3A_646 : vector<1x16xf32> to vector<16xf32>
        %swap3A_648 = vector.shape_cast %add3A_643 : vector<16xf32> to vector<1x16xf32>
        tpu.vector_store %arg13[%swap3A_644, %swap3A_645], %swap3A_648 {strides = array<i32>} : memref<16x768xf32, #tpu.memory_space<vmem>>, vector<1x16xf32>,
        %get3A_649 = arith.index_cast %scan3A_280 : i32 to index
        %get3A_650 = arith.constant 368 : index
        %get3A_651 = tpu.vector_load %arg13[%get3A_649, %get3A_650] {strides = array<i32>} : memref<16x768xf32, #tpu.memory_space<vmem>>, vector<1x16xf32>,
        %get3A_652 = vector.shape_cast %get3A_651 : vector<1x16xf32> to vector<16xf32>
        %mul3A_653 = vector.broadcast %squeeze3A : f32 to vector<16xf32>
        %mul3A_654 = arith.mulf %get3A_652, %mul3A_653 : vector<16xf32>
        %get3A_655 = arith.index_cast %scan3A_280 : i32 to index
        %get3A_656 = arith.constant 368 : index
        %get3A_657 = tpu.vector_load %arg17[%get3A_655, %get3A_656] {strides = array<i32>} : memref<16x768xf32, #tpu.memory_space<vmem>>, vector<1x16xf32>,
        %get3A_658 = vector.shape_cast %get3A_657 : vector<1x16xf32> to vector<16xf32>
        %add3A_659 = arith.addf %mul3A_654, %get3A_658 : vector<16xf32>
        %swap3A_660 = arith.index_cast %scan3A_280 : i32 to index
        %swap3A_661 = arith.constant 368 : index
        %swap3A_662 = tpu.vector_load %arg13[%swap3A_660, %swap3A_661] {strides = array<i32>} : memref<16x768xf32, #tpu.memory_space<vmem>>, vector<1x16xf32>,
        %swap3A_663 = vector.shape_cast %swap3A_662 : vector<1x16xf32> to vector<16xf32>
        %swap3A_664 = vector.shape_cast %add3A_659 : vector<16xf32> to vector<1x16xf32>
        tpu.vector_store %arg13[%swap3A_660, %swap3A_661], %swap3A_664 {strides = array<i32>} : memref<16x768xf32, #tpu.memory_space<vmem>>, vector<1x16xf32>,
        %get3A_665 = arith.index_cast %scan3A_280 : i32 to index
        %get3A_666 = arith.constant 384 : index
        %get3A_667 = tpu.vector_load %arg13[%get3A_665, %get3A_666] {strides = array<i32>} : memref<16x768xf32, #tpu.memory_space<vmem>>, vector<1x16xf32>,
        %get3A_668 = vector.shape_cast %get3A_667 : vector<1x16xf32> to vector<16xf32>
        %mul3A_669 = vector.broadcast %squeeze3A : f32 to vector<16xf32>
        %mul3A_670 = arith.mulf %get3A_668, %mul3A_669 : vector<16xf32>
        %get3A_671 = arith.index_cast %scan3A_280 : i32 to index
        %get3A_672 = arith.constant 384 : index
        %get3A_673 = tpu.vector_load %arg17[%get3A_671, %get3A_672] {strides = array<i32>} : memref<16x768xf32, #tpu.memory_space<vmem>>, vector<1x16xf32>,
        %get3A_674 = vector.shape_cast %get3A_673 : vector<1x16xf32> to vector<16xf32>
        %add3A_675 = arith.addf %mul3A_670, %get3A_674 : vector<16xf32>
        %swap3A_676 = arith.index_cast %scan3A_280 : i32 to index
        %swap3A_677 = arith.constant 384 : index
        %swap3A_678 = tpu.vector_load %arg13[%swap3A_676, %swap3A_677] {strides = array<i32>} : memref<16x768xf32, #tpu.memory_space<vmem>>, vector<1x16xf32>,
        %swap3A_679 = vector.shape_cast %swap3A_678 : vector<1x16xf32> to vector<16xf32>
        %swap3A_680 = vector.shape_cast %add3A_675 : vector<16xf32> to vector<1x16xf32>
        tpu.vector_store %arg13[%swap3A_676, %swap3A_677], %swap3A_680 {strides = array<i32>} : memref<16x768xf32, #tpu.memory_space<vmem>>, vector<1x16xf32>,
        %get3A_681 = arith.index_cast %scan3A_280 : i32 to index
        %get3A_682 = arith.constant 400 : index
        %get3A_683 = tpu.vector_load %arg13[%get3A_681, %get3A_682] {strides = array<i32>} : memref<16x768xf32, #tpu.memory_space<vmem>>, vector<1x16xf32>,
        %get3A_684 = vector.shape_cast %get3A_683 : vector<1x16xf32> to vector<16xf32>
        %mul3A_685 = vector.broadcast %squeeze3A : f32 to vector<16xf32>
        %mul3A_686 = arith.mulf %get3A_684, %mul3A_685 : vector<16xf32>
        %get3A_687 = arith.index_cast %scan3A_280 : i32 to index
        %get3A_688 = arith.constant 400 : index
        %get3A_689 = tpu.vector_load %arg17[%get3A_687, %get3A_688] {strides = array<i32>} : memref<16x768xf32, #tpu.memory_space<vmem>>, vector<1x16xf32>,
        %get3A_690 = vector.shape_cast %get3A_689 : vector<1x16xf32> to vector<16xf32>
        %add3A_691 = arith.addf %mul3A_686, %get3A_690 : vector<16xf32>
        %swap3A_692 = arith.index_cast %scan3A_280 : i32 to index
        %swap3A_693 = arith.constant 400 : index
        %swap3A_694 = tpu.vector_load %arg13[%swap3A_692, %swap3A_693] {strides = array<i32>} : memref<16x768xf32, #tpu.memory_space<vmem>>, vector<1x16xf32>,
        %swap3A_695 = vector.shape_cast %swap3A_694 : vector<1x16xf32> to vector<16xf32>
        %swap3A_696 = vector.shape_cast %add3A_691 : vector<16xf32> to vector<1x16xf32>
        tpu.vector_store %arg13[%swap3A_692, %swap3A_693], %swap3A_696 {strides = array<i32>} : memref<16x768xf32, #tpu.memory_space<vmem>>, vector<1x16xf32>,
        %get3A_697 = arith.index_cast %scan3A_280 : i32 to index
        %get3A_698 = arith.constant 416 : index
        %get3A_699 = tpu.vector_load %arg13[%get3A_697, %get3A_698] {strides = array<i32>} : memref<16x768xf32, #tpu.memory_space<vmem>>, vector<1x16xf32>,
        %get3A_700 = vector.shape_cast %get3A_699 : vector<1x16xf32> to vector<16xf32>
        %mul3A_701 = vector.broadcast %squeeze3A : f32 to vector<16xf32>
        %mul3A_702 = arith.mulf %get3A_700, %mul3A_701 : vector<16xf32>
        %get3A_703 = arith.index_cast %scan3A_280 : i32 to index
        %get3A_704 = arith.constant 416 : index
        %get3A_705 = tpu.vector_load %arg17[%get3A_703, %get3A_704] {strides = array<i32>} : memref<16x768xf32, #tpu.memory_space<vmem>>, vector<1x16xf32>,
        %get3A_706 = vector.shape_cast %get3A_705 : vector<1x16xf32> to vector<16xf32>
        %add3A_707 = arith.addf %mul3A_702, %get3A_706 : vector<16xf32>
        %swap3A_708 = arith.index_cast %scan3A_280 : i32 to index
        %swap3A_709 = arith.constant 416 : index
        %swap3A_710 = tpu.vector_load %arg13[%swap3A_708, %swap3A_709] {strides = array<i32>} : memref<16x768xf32, #tpu.memory_space<vmem>>, vector<1x16xf32>,
        %swap3A_711 = vector.shape_cast %swap3A_710 : vector<1x16xf32> to vector<16xf32>
        %swap3A_712 = vector.shape_cast %add3A_707 : vector<16xf32> to vector<1x16xf32>
        tpu.vector_store %arg13[%swap3A_708, %swap3A_709], %swap3A_712 {strides = array<i32>} : memref<16x768xf32, #tpu.memory_space<vmem>>, vector<1x16xf32>,
        %get3A_713 = arith.index_cast %scan3A_280 : i32 to index
        %get3A_714 = arith.constant 432 : index
        %get3A_715 = tpu.vector_load %arg13[%get3A_713, %get3A_714] {strides = array<i32>} : memref<16x768xf32, #tpu.memory_space<vmem>>, vector<1x16xf32>,
        %get3A_716 = vector.shape_cast %get3A_715 : vector<1x16xf32> to vector<16xf32>
        %mul3A_717 = vector.broadcast %squeeze3A : f32 to vector<16xf32>
        %mul3A_718 = arith.mulf %get3A_716, %mul3A_717 : vector<16xf32>
        %get3A_719 = arith.index_cast %scan3A_280 : i32 to index
        %get3A_720 = arith.constant 432 : index
        %get3A_721 = tpu.vector_load %arg17[%get3A_719, %get3A_720] {strides = array<i32>} : memref<16x768xf32, #tpu.memory_space<vmem>>, vector<1x16xf32>,
        %get3A_722 = vector.shape_cast %get3A_721 : vector<1x16xf32> to vector<16xf32>
        %add3A_723 = arith.addf %mul3A_718, %get3A_722 : vector<16xf32>
        %swap3A_724 = arith.index_cast %scan3A_280 : i32 to index
        %swap3A_725 = arith.constant 432 : index
        %swap3A_726 = tpu.vector_load %arg13[%swap3A_724, %swap3A_725] {strides = array<i32>} : memref<16x768xf32, #tpu.memory_space<vmem>>, vector<1x16xf32>,
        %swap3A_727 = vector.shape_cast %swap3A_726 : vector<1x16xf32> to vector<16xf32>
        %swap3A_728 = vector.shape_cast %add3A_723 : vector<16xf32> to vector<1x16xf32>
        tpu.vector_store %arg13[%swap3A_724, %swap3A_725], %swap3A_728 {strides = array<i32>} : memref<16x768xf32, #tpu.memory_space<vmem>>, vector<1x16xf32>,
        %get3A_729 = arith.index_cast %scan3A_280 : i32 to index
        %get3A_730 = arith.constant 448 : index
        %get3A_731 = tpu.vector_load %arg13[%get3A_729, %get3A_730] {strides = array<i32>} : memref<16x768xf32, #tpu.memory_space<vmem>>, vector<1x16xf32>,
        %get3A_732 = vector.shape_cast %get3A_731 : vector<1x16xf32> to vector<16xf32>
        %mul3A_733 = vector.broadcast %squeeze3A : f32 to vector<16xf32>
        %mul3A_734 = arith.mulf %get3A_732, %mul3A_733 : vector<16xf32>
        %get3A_735 = arith.index_cast %scan3A_280 : i32 to index
        %get3A_736 = arith.constant 448 : index
        %get3A_737 = tpu.vector_load %arg17[%get3A_735, %get3A_736] {strides = array<i32>} : memref<16x768xf32, #tpu.memory_space<vmem>>, vector<1x16xf32>,
        %get3A_738 = vector.shape_cast %get3A_737 : vector<1x16xf32> to vector<16xf32>
        %add3A_739 = arith.addf %mul3A_734, %get3A_738 : vector<16xf32>
        %swap3A_740 = arith.index_cast %scan3A_280 : i32 to index
        %swap3A_741 = arith.constant 448 : index
        %swap3A_742 = tpu.vector_load %arg13[%swap3A_740, %swap3A_741] {strides = array<i32>} : memref<16x768xf32, #tpu.memory_space<vmem>>, vector<1x16xf32>,
        %swap3A_743 = vector.shape_cast %swap3A_742 : vector<1x16xf32> to vector<16xf32>
        %swap3A_744 = vector.shape_cast %add3A_739 : vector<16xf32> to vector<1x16xf32>
        tpu.vector_store %arg13[%swap3A_740, %swap3A_741], %swap3A_744 {strides = array<i32>} : memref<16x768xf32, #tpu.memory_space<vmem>>, vector<1x16xf32>,
        %get3A_745 = arith.index_cast %scan3A_280 : i32 to index
        %get3A_746 = arith.constant 464 : index
        %get3A_747 = tpu.vector_load %arg13[%get3A_745, %get3A_746] {strides = array<i32>} : memref<16x768xf32, #tpu.memory_space<vmem>>, vector<1x16xf32>,
        %get3A_748 = vector.shape_cast %get3A_747 : vector<1x16xf32> to vector<16xf32>
        %mul3A_749 = vector.broadcast %squeeze3A : f32 to vector<16xf32>
        %mul3A_750 = arith.mulf %get3A_748, %mul3A_749 : vector<16xf32>
        %get3A_751 = arith.index_cast %scan3A_280 : i32 to index
        %get3A_752 = arith.constant 464 : index
        %get3A_753 = tpu.vector_load %arg17[%get3A_751, %get3A_752] {strides = array<i32>} : memref<16x768xf32, #tpu.memory_space<vmem>>, vector<1x16xf32>,
        %get3A_754 = vector.shape_cast %get3A_753 : vector<1x16xf32> to vector<16xf32>
        %add3A_755 = arith.addf %mul3A_750, %get3A_754 : vector<16xf32>
        %swap3A_756 = arith.index_cast %scan3A_280 : i32 to index
        %swap3A_757 = arith.constant 464 : index
        %swap3A_758 = tpu.vector_load %arg13[%swap3A_756, %swap3A_757] {strides = array<i32>} : memref<16x768xf32, #tpu.memory_space<vmem>>, vector<1x16xf32>,
        %swap3A_759 = vector.shape_cast %swap3A_758 : vector<1x16xf32> to vector<16xf32>
        %swap3A_760 = vector.shape_cast %add3A_755 : vector<16xf32> to vector<1x16xf32>
        tpu.vector_store %arg13[%swap3A_756, %swap3A_757], %swap3A_760 {strides = array<i32>} : memref<16x768xf32, #tpu.memory_space<vmem>>, vector<1x16xf32>,
        %get3A_761 = arith.index_cast %scan3A_280 : i32 to index
        %get3A_762 = arith.constant 480 : index
        %get3A_763 = tpu.vector_load %arg13[%get3A_761, %get3A_762] {strides = array<i32>} : memref<16x768xf32, #tpu.memory_space<vmem>>, vector<1x16xf32>,
        %get3A_764 = vector.shape_cast %get3A_763 : vector<1x16xf32> to vector<16xf32>
        %mul3A_765 = vector.broadcast %squeeze3A : f32 to vector<16xf32>
        %mul3A_766 = arith.mulf %get3A_764, %mul3A_765 : vector<16xf32>
        %get3A_767 = arith.index_cast %scan3A_280 : i32 to index
        %get3A_768 = arith.constant 480 : index
        %get3A_769 = tpu.vector_load %arg17[%get3A_767, %get3A_768] {strides = array<i32>} : memref<16x768xf32, #tpu.memory_space<vmem>>, vector<1x16xf32>,
        %get3A_770 = vector.shape_cast %get3A_769 : vector<1x16xf32> to vector<16xf32>
        %add3A_771 = arith.addf %mul3A_766, %get3A_770 : vector<16xf32>
        %swap3A_772 = arith.index_cast %scan3A_280 : i32 to index
        %swap3A_773 = arith.constant 480 : index
        %swap3A_774 = tpu.vector_load %arg13[%swap3A_772, %swap3A_773] {strides = array<i32>} : memref<16x768xf32, #tpu.memory_space<vmem>>, vector<1x16xf32>,
        %swap3A_775 = vector.shape_cast %swap3A_774 : vector<1x16xf32> to vector<16xf32>
        %swap3A_776 = vector.shape_cast %add3A_771 : vector<16xf32> to vector<1x16xf32>
        tpu.vector_store %arg13[%swap3A_772, %swap3A_773], %swap3A_776 {strides = array<i32>} : memref<16x768xf32, #tpu.memory_space<vmem>>, vector<1x16xf32>,
        %get3A_777 = arith.index_cast %scan3A_280 : i32 to index
        %get3A_778 = arith.constant 496 : index
        %get3A_779 = tpu.vector_load %arg13[%get3A_777, %get3A_778] {strides = array<i32>} : memref<16x768xf32, #tpu.memory_space<vmem>>, vector<1x16xf32>,
        %get3A_780 = vector.shape_cast %get3A_779 : vector<1x16xf32> to vector<16xf32>
        %mul3A_781 = vector.broadcast %squeeze3A : f32 to vector<16xf32>
        %mul3A_782 = arith.mulf %get3A_780, %mul3A_781 : vector<16xf32>
        %get3A_783 = arith.index_cast %scan3A_280 : i32 to index
        %get3A_784 = arith.constant 496 : index
        %get3A_785 = tpu.vector_load %arg17[%get3A_783, %get3A_784] {strides = array<i32>} : memref<16x768xf32, #tpu.memory_space<vmem>>, vector<1x16xf32>,
        %get3A_786 = vector.shape_cast %get3A_785 : vector<1x16xf32> to vector<16xf32>
        %add3A_787 = arith.addf %mul3A_782, %get3A_786 : vector<16xf32>
        %swap3A_788 = arith.index_cast %scan3A_280 : i32 to index
        %swap3A_789 = arith.constant 496 : index
        %swap3A_790 = tpu.vector_load %arg13[%swap3A_788, %swap3A_789] {strides = array<i32>} : memref<16x768xf32, #tpu.memory_space<vmem>>, vector<1x16xf32>,
        %swap3A_791 = vector.shape_cast %swap3A_790 : vector<1x16xf32> to vector<16xf32>
        %swap3A_792 = vector.shape_cast %add3A_787 : vector<16xf32> to vector<1x16xf32>
        tpu.vector_store %arg13[%swap3A_788, %swap3A_789], %swap3A_792 {strides = array<i32>} : memref<16x768xf32, #tpu.memory_space<vmem>>, vector<1x16xf32>,
        %get3A_793 = arith.index_cast %scan3A_280 : i32 to index
        %get3A_794 = arith.constant 512 : index
        %get3A_795 = tpu.vector_load %arg13[%get3A_793, %get3A_794] {strides = array<i32>} : memref<16x768xf32, #tpu.memory_space<vmem>>, vector<1x16xf32>,
        %get3A_796 = vector.shape_cast %get3A_795 : vector<1x16xf32> to vector<16xf32>
        %mul3A_797 = vector.broadcast %squeeze3A : f32 to vector<16xf32>
        %mul3A_798 = arith.mulf %get3A_796, %mul3A_797 : vector<16xf32>
        %get3A_799 = arith.index_cast %scan3A_280 : i32 to index
        %get3A_800 = arith.constant 512 : index
        %get3A_801 = tpu.vector_load %arg17[%get3A_799, %get3A_800] {strides = array<i32>} : memref<16x768xf32, #tpu.memory_space<vmem>>, vector<1x16xf32>,
        %get3A_802 = vector.shape_cast %get3A_801 : vector<1x16xf32> to vector<16xf32>
        %add3A_803 = arith.addf %mul3A_798, %get3A_802 : vector<16xf32>
        %swap3A_804 = arith.index_cast %scan3A_280 : i32 to index
        %swap3A_805 = arith.constant 512 : index
        %swap3A_806 = tpu.vector_load %arg13[%swap3A_804, %swap3A_805] {strides = array<i32>} : memref<16x768xf32, #tpu.memory_space<vmem>>, vector<1x16xf32>,
        %swap3A_807 = vector.shape_cast %swap3A_806 : vector<1x16xf32> to vector<16xf32>
        %swap3A_808 = vector.shape_cast %add3A_803 : vector<16xf32> to vector<1x16xf32>
        tpu.vector_store %arg13[%swap3A_804, %swap3A_805], %swap3A_808 {strides = array<i32>} : memref<16x768xf32, #tpu.memory_space<vmem>>, vector<1x16xf32>,
        %get3A_809 = arith.index_cast %scan3A_280 : i32 to index
        %get3A_810 = arith.constant 528 : index
        %get3A_811 = tpu.vector_load %arg13[%get3A_809, %get3A_810] {strides = array<i32>} : memref<16x768xf32, #tpu.memory_space<vmem>>, vector<1x16xf32>,
        %get3A_812 = vector.shape_cast %get3A_811 : vector<1x16xf32> to vector<16xf32>
        %mul3A_813 = vector.broadcast %squeeze3A : f32 to vector<16xf32>
        %mul3A_814 = arith.mulf %get3A_812, %mul3A_813 : vector<16xf32>
        %get3A_815 = arith.index_cast %scan3A_280 : i32 to index
        %get3A_816 = arith.constant 528 : index
        %get3A_817 = tpu.vector_load %arg17[%get3A_815, %get3A_816] {strides = array<i32>} : memref<16x768xf32, #tpu.memory_space<vmem>>, vector<1x16xf32>,
        %get3A_818 = vector.shape_cast %get3A_817 : vector<1x16xf32> to vector<16xf32>
        %add3A_819 = arith.addf %mul3A_814, %get3A_818 : vector<16xf32>
        %swap3A_820 = arith.index_cast %scan3A_280 : i32 to index
        %swap3A_821 = arith.constant 528 : index
        %swap3A_822 = tpu.vector_load %arg13[%swap3A_820, %swap3A_821] {strides = array<i32>} : memref<16x768xf32, #tpu.memory_space<vmem>>, vector<1x16xf32>,
        %swap3A_823 = vector.shape_cast %swap3A_822 : vector<1x16xf32> to vector<16xf32>
        %swap3A_824 = vector.shape_cast %add3A_819 : vector<16xf32> to vector<1x16xf32>
        tpu.vector_store %arg13[%swap3A_820, %swap3A_821], %swap3A_824 {strides = array<i32>} : memref<16x768xf32, #tpu.memory_space<vmem>>, vector<1x16xf32>,
        %get3A_825 = arith.index_cast %scan3A_280 : i32 to index
        %get3A_826 = arith.constant 544 : index
        %get3A_827 = tpu.vector_load %arg13[%get3A_825, %get3A_826] {strides = array<i32>} : memref<16x768xf32, #tpu.memory_space<vmem>>, vector<1x16xf32>,
        %get3A_828 = vector.shape_cast %get3A_827 : vector<1x16xf32> to vector<16xf32>
        %mul3A_829 = vector.broadcast %squeeze3A : f32 to vector<16xf32>
        %mul3A_830 = arith.mulf %get3A_828, %mul3A_829 : vector<16xf32>
        %get3A_831 = arith.index_cast %scan3A_280 : i32 to index
        %get3A_832 = arith.constant 544 : index
        %get3A_833 = tpu.vector_load %arg17[%get3A_831, %get3A_832] {strides = array<i32>} : memref<16x768xf32, #tpu.memory_space<vmem>>, vector<1x16xf32>,
        %get3A_834 = vector.shape_cast %get3A_833 : vector<1x16xf32> to vector<16xf32>
        %add3A_835 = arith.addf %mul3A_830, %get3A_834 : vector<16xf32>
        %swap3A_836 = arith.index_cast %scan3A_280 : i32 to index
        %swap3A_837 = arith.constant 544 : index
        %swap3A_838 = tpu.vector_load %arg13[%swap3A_836, %swap3A_837] {strides = array<i32>} : memref<16x768xf32, #tpu.memory_space<vmem>>, vector<1x16xf32>,
        %swap3A_839 = vector.shape_cast %swap3A_838 : vector<1x16xf32> to vector<16xf32>
        %swap3A_840 = vector.shape_cast %add3A_835 : vector<16xf32> to vector<1x16xf32>
        tpu.vector_store %arg13[%swap3A_836, %swap3A_837], %swap3A_840 {strides = array<i32>} : memref<16x768xf32, #tpu.memory_space<vmem>>, vector<1x16xf32>,
        %get3A_841 = arith.index_cast %scan3A_280 : i32 to index
        %get3A_842 = arith.constant 560 : index
        %get3A_843 = tpu.vector_load %arg13[%get3A_841, %get3A_842] {strides = array<i32>} : memref<16x768xf32, #tpu.memory_space<vmem>>, vector<1x16xf32>,
        %get3A_844 = vector.shape_cast %get3A_843 : vector<1x16xf32> to vector<16xf32>
        %mul3A_845 = vector.broadcast %squeeze3A : f32 to vector<16xf32>
        %mul3A_846 = arith.mulf %get3A_844, %mul3A_845 : vector<16xf32>
        %get3A_847 = arith.index_cast %scan3A_280 : i32 to index
        %get3A_848 = arith.constant 560 : index
        %get3A_849 = tpu.vector_load %arg17[%get3A_847, %get3A_848] {strides = array<i32>} : memref<16x768xf32, #tpu.memory_space<vmem>>, vector<1x16xf32>,
        %get3A_850 = vector.shape_cast %get3A_849 : vector<1x16xf32> to vector<16xf32>
        %add3A_851 = arith.addf %mul3A_846, %get3A_850 : vector<16xf32>
        %swap3A_852 = arith.index_cast %scan3A_280 : i32 to index
        %swap3A_853 = arith.constant 560 : index
        %swap3A_854 = tpu.vector_load %arg13[%swap3A_852, %swap3A_853] {strides = array<i32>} : memref<16x768xf32, #tpu.memory_space<vmem>>, vector<1x16xf32>,
        %swap3A_855 = vector.shape_cast %swap3A_854 : vector<1x16xf32> to vector<16xf32>
        %swap3A_856 = vector.shape_cast %add3A_851 : vector<16xf32> to vector<1x16xf32>
        tpu.vector_store %arg13[%swap3A_852, %swap3A_853], %swap3A_856 {strides = array<i32>} : memref<16x768xf32, #tpu.memory_space<vmem>>, vector<1x16xf32>,
        %get3A_857 = arith.index_cast %scan3A_280 : i32 to index
        %get3A_858 = arith.constant 576 : index
        %get3A_859 = tpu.vector_load %arg13[%get3A_857, %get3A_858] {strides = array<i32>} : memref<16x768xf32, #tpu.memory_space<vmem>>, vector<1x16xf32>,
        %get3A_860 = vector.shape_cast %get3A_859 : vector<1x16xf32> to vector<16xf32>
        %mul3A_861 = vector.broadcast %squeeze3A : f32 to vector<16xf32>
        %mul3A_862 = arith.mulf %get3A_860, %mul3A_861 : vector<16xf32>
        %get3A_863 = arith.index_cast %scan3A_280 : i32 to index
        %get3A_864 = arith.constant 576 : index
        %get3A_865 = tpu.vector_load %arg17[%get3A_863, %get3A_864] {strides = array<i32>} : memref<16x768xf32, #tpu.memory_space<vmem>>, vector<1x16xf32>,
        %get3A_866 = vector.shape_cast %get3A_865 : vector<1x16xf32> to vector<16xf32>
        %add3A_867 = arith.addf %mul3A_862, %get3A_866 : vector<16xf32>
        %swap3A_868 = arith.index_cast %scan3A_280 : i32 to index
        %swap3A_869 = arith.constant 576 : index
        %swap3A_870 = tpu.vector_load %arg13[%swap3A_868, %swap3A_869] {strides = array<i32>} : memref<16x768xf32, #tpu.memory_space<vmem>>, vector<1x16xf32>,
        %swap3A_871 = vector.shape_cast %swap3A_870 : vector<1x16xf32> to vector<16xf32>
        %swap3A_872 = vector.shape_cast %add3A_867 : vector<16xf32> to vector<1x16xf32>
        tpu.vector_store %arg13[%swap3A_868, %swap3A_869], %swap3A_872 {strides = array<i32>} : memref<16x768xf32, #tpu.memory_space<vmem>>, vector<1x16xf32>,
        %get3A_873 = arith.index_cast %scan3A_280 : i32 to index
        %get3A_874 = arith.constant 592 : index
        %get3A_875 = tpu.vector_load %arg13[%get3A_873, %get3A_874] {strides = array<i32>} : memref<16x768xf32, #tpu.memory_space<vmem>>, vector<1x16xf32>,
        %get3A_876 = vector.shape_cast %get3A_875 : vector<1x16xf32> to vector<16xf32>
        %mul3A_877 = vector.broadcast %squeeze3A : f32 to vector<16xf32>
        %mul3A_878 = arith.mulf %get3A_876, %mul3A_877 : vector<16xf32>
        %get3A_879 = arith.index_cast %scan3A_280 : i32 to index
        %get3A_880 = arith.constant 592 : index
        %get3A_881 = tpu.vector_load %arg17[%get3A_879, %get3A_880] {strides = array<i32>} : memref<16x768xf32, #tpu.memory_space<vmem>>, vector<1x16xf32>,
        %get3A_882 = vector.shape_cast %get3A_881 : vector<1x16xf32> to vector<16xf32>
        %add3A_883 = arith.addf %mul3A_878, %get3A_882 : vector<16xf32>
        %swap3A_884 = arith.index_cast %scan3A_280 : i32 to index
        %swap3A_885 = arith.constant 592 : index
        %swap3A_886 = tpu.vector_load %arg13[%swap3A_884, %swap3A_885] {strides = array<i32>} : memref<16x768xf32, #tpu.memory_space<vmem>>, vector<1x16xf32>,
        %swap3A_887 = vector.shape_cast %swap3A_886 : vector<1x16xf32> to vector<16xf32>
        %swap3A_888 = vector.shape_cast %add3A_883 : vector<16xf32> to vector<1x16xf32>
        tpu.vector_store %arg13[%swap3A_884, %swap3A_885], %swap3A_888 {strides = array<i32>} : memref<16x768xf32, #tpu.memory_space<vmem>>, vector<1x16xf32>,
        %get3A_889 = arith.index_cast %scan3A_280 : i32 to index
        %get3A_890 = arith.constant 608 : index
        %get3A_891 = tpu.vector_load %arg13[%get3A_889, %get3A_890] {strides = array<i32>} : memref<16x768xf32, #tpu.memory_space<vmem>>, vector<1x16xf32>,
        %get3A_892 = vector.shape_cast %get3A_891 : vector<1x16xf32> to vector<16xf32>
        %mul3A_893 = vector.broadcast %squeeze3A : f32 to vector<16xf32>
        %mul3A_894 = arith.mulf %get3A_892, %mul3A_893 : vector<16xf32>
        %get3A_895 = arith.index_cast %scan3A_280 : i32 to index
        %get3A_896 = arith.constant 608 : index
        %get3A_897 = tpu.vector_load %arg17[%get3A_895, %get3A_896] {strides = array<i32>} : memref<16x768xf32, #tpu.memory_space<vmem>>, vector<1x16xf32>,
        %get3A_898 = vector.shape_cast %get3A_897 : vector<1x16xf32> to vector<16xf32>
        %add3A_899 = arith.addf %mul3A_894, %get3A_898 : vector<16xf32>
        %swap3A_900 = arith.index_cast %scan3A_280 : i32 to index
        %swap3A_901 = arith.constant 608 : index
        %swap3A_902 = tpu.vector_load %arg13[%swap3A_900, %swap3A_901] {strides = array<i32>} : memref<16x768xf32, #tpu.memory_space<vmem>>, vector<1x16xf32>,
        %swap3A_903 = vector.shape_cast %swap3A_902 : vector<1x16xf32> to vector<16xf32>
        %swap3A_904 = vector.shape_cast %add3A_899 : vector<16xf32> to vector<1x16xf32>
        tpu.vector_store %arg13[%swap3A_900, %swap3A_901], %swap3A_904 {strides = array<i32>} : memref<16x768xf32, #tpu.memory_space<vmem>>, vector<1x16xf32>,
        %get3A_905 = arith.index_cast %scan3A_280 : i32 to index
        %get3A_906 = arith.constant 624 : index
        %get3A_907 = tpu.vector_load %arg13[%get3A_905, %get3A_906] {strides = array<i32>} : memref<16x768xf32, #tpu.memory_space<vmem>>, vector<1x16xf32>,
        %get3A_908 = vector.shape_cast %get3A_907 : vector<1x16xf32> to vector<16xf32>
        %mul3A_909 = vector.broadcast %squeeze3A : f32 to vector<16xf32>
        %mul3A_910 = arith.mulf %get3A_908, %mul3A_909 : vector<16xf32>
        %get3A_911 = arith.index_cast %scan3A_280 : i32 to index
        %get3A_912 = arith.constant 624 : index
        %get3A_913 = tpu.vector_load %arg17[%get3A_911, %get3A_912] {strides = array<i32>} : memref<16x768xf32, #tpu.memory_space<vmem>>, vector<1x16xf32>,
        %get3A_914 = vector.shape_cast %get3A_913 : vector<1x16xf32> to vector<16xf32>
        %add3A_915 = arith.addf %mul3A_910, %get3A_914 : vector<16xf32>
        %swap3A_916 = arith.index_cast %scan3A_280 : i32 to index
        %swap3A_917 = arith.constant 624 : index
        %swap3A_918 = tpu.vector_load %arg13[%swap3A_916, %swap3A_917] {strides = array<i32>} : memref<16x768xf32, #tpu.memory_space<vmem>>, vector<1x16xf32>,
        %swap3A_919 = vector.shape_cast %swap3A_918 : vector<1x16xf32> to vector<16xf32>
        %swap3A_920 = vector.shape_cast %add3A_915 : vector<16xf32> to vector<1x16xf32>
        tpu.vector_store %arg13[%swap3A_916, %swap3A_917], %swap3A_920 {strides = array<i32>} : memref<16x768xf32, #tpu.memory_space<vmem>>, vector<1x16xf32>,
        %get3A_921 = arith.index_cast %scan3A_280 : i32 to index
        %get3A_922 = arith.constant 640 : index
        %get3A_923 = tpu.vector_load %arg13[%get3A_921, %get3A_922] {strides = array<i32>} : memref<16x768xf32, #tpu.memory_space<vmem>>, vector<1x16xf32>,
        %get3A_924 = vector.shape_cast %get3A_923 : vector<1x16xf32> to vector<16xf32>
        %mul3A_925 = vector.broadcast %squeeze3A : f32 to vector<16xf32>
        %mul3A_926 = arith.mulf %get3A_924, %mul3A_925 : vector<16xf32>
        %get3A_927 = arith.index_cast %scan3A_280 : i32 to index
        %get3A_928 = arith.constant 640 : index
        %get3A_929 = tpu.vector_load %arg17[%get3A_927, %get3A_928] {strides = array<i32>} : memref<16x768xf32, #tpu.memory_space<vmem>>, vector<1x16xf32>,
        %get3A_930 = vector.shape_cast %get3A_929 : vector<1x16xf32> to vector<16xf32>
        %add3A_931 = arith.addf %mul3A_926, %get3A_930 : vector<16xf32>
        %swap3A_932 = arith.index_cast %scan3A_280 : i32 to index
        %swap3A_933 = arith.constant 640 : index
        %swap3A_934 = tpu.vector_load %arg13[%swap3A_932, %swap3A_933] {strides = array<i32>} : memref<16x768xf32, #tpu.memory_space<vmem>>, vector<1x16xf32>,
        %swap3A_935 = vector.shape_cast %swap3A_934 : vector<1x16xf32> to vector<16xf32>
        %swap3A_936 = vector.shape_cast %add3A_931 : vector<16xf32> to vector<1x16xf32>
        tpu.vector_store %arg13[%swap3A_932, %swap3A_933], %swap3A_936 {strides = array<i32>} : memref<16x768xf32, #tpu.memory_space<vmem>>, vector<1x16xf32>,
        %get3A_937 = arith.index_cast %scan3A_280 : i32 to index
        %get3A_938 = arith.constant 656 : index
        %get3A_939 = tpu.vector_load %arg13[%get3A_937, %get3A_938] {strides = array<i32>} : memref<16x768xf32, #tpu.memory_space<vmem>>, vector<1x16xf32>,
        %get3A_940 = vector.shape_cast %get3A_939 : vector<1x16xf32> to vector<16xf32>
        %mul3A_941 = vector.broadcast %squeeze3A : f32 to vector<16xf32>
        %mul3A_942 = arith.mulf %get3A_940, %mul3A_941 : vector<16xf32>
        %get3A_943 = arith.index_cast %scan3A_280 : i32 to index
        %get3A_944 = arith.constant 656 : index
        %get3A_945 = tpu.vector_load %arg17[%get3A_943, %get3A_944] {strides = array<i32>} : memref<16x768xf32, #tpu.memory_space<vmem>>, vector<1x16xf32>,
        %get3A_946 = vector.shape_cast %get3A_945 : vector<1x16xf32> to vector<16xf32>
        %add3A_947 = arith.addf %mul3A_942, %get3A_946 : vector<16xf32>
        %swap3A_948 = arith.index_cast %scan3A_280 : i32 to index
        %swap3A_949 = arith.constant 656 : index
        %swap3A_950 = tpu.vector_load %arg13[%swap3A_948, %swap3A_949] {strides = array<i32>} : memref<16x768xf32, #tpu.memory_space<vmem>>, vector<1x16xf32>,
        %swap3A_951 = vector.shape_cast %swap3A_950 : vector<1x16xf32> to vector<16xf32>
        %swap3A_952 = vector.shape_cast %add3A_947 : vector<16xf32> to vector<1x16xf32>
        tpu.vector_store %arg13[%swap3A_948, %swap3A_949], %swap3A_952 {strides = array<i32>} : memref<16x768xf32, #tpu.memory_space<vmem>>, vector<1x16xf32>,
        %get3A_953 = arith.index_cast %scan3A_280 : i32 to index
        %get3A_954 = arith.constant 672 : index
        %get3A_955 = tpu.vector_load %arg13[%get3A_953, %get3A_954] {strides = array<i32>} : memref<16x768xf32, #tpu.memory_space<vmem>>, vector<1x16xf32>,
        %get3A_956 = vector.shape_cast %get3A_955 : vector<1x16xf32> to vector<16xf32>
        %mul3A_957 = vector.broadcast %squeeze3A : f32 to vector<16xf32>
        %mul3A_958 = arith.mulf %get3A_956, %mul3A_957 : vector<16xf32>
        %get3A_959 = arith.index_cast %scan3A_280 : i32 to index
        %get3A_960 = arith.constant 672 : index
        %get3A_961 = tpu.vector_load %arg17[%get3A_959, %get3A_960] {strides = array<i32>} : memref<16x768xf32, #tpu.memory_space<vmem>>, vector<1x16xf32>,
        %get3A_962 = vector.shape_cast %get3A_961 : vector<1x16xf32> to vector<16xf32>
        %add3A_963 = arith.addf %mul3A_958, %get3A_962 : vector<16xf32>
        %swap3A_964 = arith.index_cast %scan3A_280 : i32 to index
        %swap3A_965 = arith.constant 672 : index
        %swap3A_966 = tpu.vector_load %arg13[%swap3A_964, %swap3A_965] {strides = array<i32>} : memref<16x768xf32, #tpu.memory_space<vmem>>, vector<1x16xf32>,
        %swap3A_967 = vector.shape_cast %swap3A_966 : vector<1x16xf32> to vector<16xf32>
        %swap3A_968 = vector.shape_cast %add3A_963 : vector<16xf32> to vector<1x16xf32>
        tpu.vector_store %arg13[%swap3A_964, %swap3A_965], %swap3A_968 {strides = array<i32>} : memref<16x768xf32, #tpu.memory_space<vmem>>, vector<1x16xf32>,
        %get3A_969 = arith.index_cast %scan3A_280 : i32 to index
        %get3A_970 = arith.constant 688 : index
        %get3A_971 = tpu.vector_load %arg13[%get3A_969, %get3A_970] {strides = array<i32>} : memref<16x768xf32, #tpu.memory_space<vmem>>, vector<1x16xf32>,
        %get3A_972 = vector.shape_cast %get3A_971 : vector<1x16xf32> to vector<16xf32>
        %mul3A_973 = vector.broadcast %squeeze3A : f32 to vector<16xf32>
        %mul3A_974 = arith.mulf %get3A_972, %mul3A_973 : vector<16xf32>
        %get3A_975 = arith.index_cast %scan3A_280 : i32 to index
        %get3A_976 = arith.constant 688 : index
        %get3A_977 = tpu.vector_load %arg17[%get3A_975, %get3A_976] {strides = array<i32>} : memref<16x768xf32, #tpu.memory_space<vmem>>, vector<1x16xf32>,
        %get3A_978 = vector.shape_cast %get3A_977 : vector<1x16xf32> to vector<16xf32>
        %add3A_979 = arith.addf %mul3A_974, %get3A_978 : vector<16xf32>
        %swap3A_980 = arith.index_cast %scan3A_280 : i32 to index
        %swap3A_981 = arith.constant 688 : index
        %swap3A_982 = tpu.vector_load %arg13[%swap3A_980, %swap3A_981] {strides = array<i32>} : memref<16x768xf32, #tpu.memory_space<vmem>>, vector<1x16xf32>,
        %swap3A_983 = vector.shape_cast %swap3A_982 : vector<1x16xf32> to vector<16xf32>
        %swap3A_984 = vector.shape_cast %add3A_979 : vector<16xf32> to vector<1x16xf32>
        tpu.vector_store %arg13[%swap3A_980, %swap3A_981], %swap3A_984 {strides = array<i32>} : memref<16x768xf32, #tpu.memory_space<vmem>>, vector<1x16xf32>,
        %get3A_985 = arith.index_cast %scan3A_280 : i32 to index
        %get3A_986 = arith.constant 704 : index
        %get3A_987 = tpu.vector_load %arg13[%get3A_985, %get3A_986] {strides = array<i32>} : memref<16x768xf32, #tpu.memory_space<vmem>>, vector<1x16xf32>,
        %get3A_988 = vector.shape_cast %get3A_987 : vector<1x16xf32> to vector<16xf32>
        %mul3A_989 = vector.broadcast %squeeze3A : f32 to vector<16xf32>
        %mul3A_990 = arith.mulf %get3A_988, %mul3A_989 : vector<16xf32>
        %get3A_991 = arith.index_cast %scan3A_280 : i32 to index
        %get3A_992 = arith.constant 704 : index
        %get3A_993 = tpu.vector_load %arg17[%get3A_991, %get3A_992] {strides = array<i32>} : memref<16x768xf32, #tpu.memory_space<vmem>>, vector<1x16xf32>,
        %get3A_994 = vector.shape_cast %get3A_993 : vector<1x16xf32> to vector<16xf32>
        %add3A_995 = arith.addf %mul3A_990, %get3A_994 : vector<16xf32>
        %swap3A_996 = arith.index_cast %scan3A_280 : i32 to index
        %swap3A_997 = arith.constant 704 : index
        %swap3A_998 = tpu.vector_load %arg13[%swap3A_996, %swap3A_997] {strides = array<i32>} : memref<16x768xf32, #tpu.memory_space<vmem>>, vector<1x16xf32>,
        %swap3A_999 = vector.shape_cast %swap3A_998 : vector<1x16xf32> to vector<16xf32>
        %swap3A_1000 = vector.shape_cast %add3A_995 : vector<16xf32> to vector<1x16xf32>
        tpu.vector_store %arg13[%swap3A_996, %swap3A_997], %swap3A_1000 {strides = array<i32>} : memref<16x768xf32, #tpu.memory_space<vmem>>, vector<1x16xf32>,
        %get3A_1001 = arith.index_cast %scan3A_280 : i32 to index
        %get3A_1002 = arith.constant 720 : index
        %get3A_1003 = tpu.vector_load %arg13[%get3A_1001, %get3A_1002] {strides = array<i32>} : memref<16x768xf32, #tpu.memory_space<vmem>>, vector<1x16xf32>,
        %get3A_1004 = vector.shape_cast %get3A_1003 : vector<1x16xf32> to vector<16xf32>
        %mul3A_1005 = vector.broadcast %squeeze3A : f32 to vector<16xf32>
        %mul3A_1006 = arith.mulf %get3A_1004, %mul3A_1005 : vector<16xf32>
        %get3A_1007 = arith.index_cast %scan3A_280 : i32 to index
        %get3A_1008 = arith.constant 720 : index
        %get3A_1009 = tpu.vector_load %arg17[%get3A_1007, %get3A_1008] {strides = array<i32>} : memref<16x768xf32, #tpu.memory_space<vmem>>, vector<1x16xf32>,
        %get3A_1010 = vector.shape_cast %get3A_1009 : vector<1x16xf32> to vector<16xf32>
        %add3A_1011 = arith.addf %mul3A_1006, %get3A_1010 : vector<16xf32>
        %swap3A_1012 = arith.index_cast %scan3A_280 : i32 to index
        %swap3A_1013 = arith.constant 720 : index
        %swap3A_1014 = tpu.vector_load %arg13[%swap3A_1012, %swap3A_1013] {strides = array<i32>} : memref<16x768xf32, #tpu.memory_space<vmem>>, vector<1x16xf32>,
        %swap3A_1015 = vector.shape_cast %swap3A_1014 : vector<1x16xf32> to vector<16xf32>
        %swap3A_1016 = vector.shape_cast %add3A_1011 : vector<16xf32> to vector<1x16xf32>
        tpu.vector_store %arg13[%swap3A_1012, %swap3A_1013], %swap3A_1016 {strides = array<i32>} : memref<16x768xf32, #tpu.memory_space<vmem>>, vector<1x16xf32>,
        %get3A_1017 = arith.index_cast %scan3A_280 : i32 to index
        %get3A_1018 = arith.constant 736 : index
        %get3A_1019 = tpu.vector_load %arg13[%get3A_1017, %get3A_1018] {strides = array<i32>} : memref<16x768xf32, #tpu.memory_space<vmem>>, vector<1x16xf32>,
        %get3A_1020 = vector.shape_cast %get3A_1019 : vector<1x16xf32> to vector<16xf32>
        %mul3A_1021 = vector.broadcast %squeeze3A : f32 to vector<16xf32>
        %mul3A_1022 = arith.mulf %get3A_1020, %mul3A_1021 : vector<16xf32>
        %get3A_1023 = arith.index_cast %scan3A_280 : i32 to index
        %get3A_1024 = arith.constant 736 : index
        %get3A_1025 = tpu.vector_load %arg17[%get3A_1023, %get3A_1024] {strides = array<i32>} : memref<16x768xf32, #tpu.memory_space<vmem>>, vector<1x16xf32>,
        %get3A_1026 = vector.shape_cast %get3A_1025 : vector<1x16xf32> to vector<16xf32>
        %add3A_1027 = arith.addf %mul3A_1022, %get3A_1026 : vector<16xf32>
        %swap3A_1028 = arith.index_cast %scan3A_280 : i32 to index
        %swap3A_1029 = arith.constant 736 : index
        %swap3A_1030 = tpu.vector_load %arg13[%swap3A_1028, %swap3A_1029] {strides = array<i32>} : memref<16x768xf32, #tpu.memory_space<vmem>>, vector<1x16xf32>,
        %swap3A_1031 = vector.shape_cast %swap3A_1030 : vector<1x16xf32> to vector<16xf32>
        %swap3A_1032 = vector.shape_cast %add3A_1027 : vector<16xf32> to vector<1x16xf32>
        tpu.vector_store %arg13[%swap3A_1028, %swap3A_1029], %swap3A_1032 {strides = array<i32>} : memref<16x768xf32, #tpu.memory_space<vmem>>, vector<1x16xf32>,
        %get3A_1033 = arith.index_cast %scan3A_280 : i32 to index
        %get3A_1034 = arith.constant 752 : index
        %get3A_1035 = tpu.vector_load %arg13[%get3A_1033, %get3A_1034] {strides = array<i32>} : memref<16x768xf32, #tpu.memory_space<vmem>>, vector<1x16xf32>,
        %get3A_1036 = vector.shape_cast %get3A_1035 : vector<1x16xf32> to vector<16xf32>
        %mul3A_1037 = vector.broadcast %squeeze3A : f32 to vector<16xf32>
        %mul3A_1038 = arith.mulf %get3A_1036, %mul3A_1037 : vector<16xf32>
        %get3A_1039 = arith.index_cast %scan3A_280 : i32 to index
        %get3A_1040 = arith.constant 752 : index
        %get3A_1041 = tpu.vector_load %arg17[%get3A_1039, %get3A_1040] {strides = array<i32>} : memref<16x768xf32, #tpu.memory_space<vmem>>, vector<1x16xf32>,
        %get3A_1042 = vector.shape_cast %get3A_1041 : vector<1x16xf32> to vector<16xf32>
        %add3A_1043 = arith.addf %mul3A_1038, %get3A_1042 : vector<16xf32>
        %swap3A_1044 = arith.index_cast %scan3A_280 : i32 to index
        %swap3A_1045 = arith.constant 752 : index
        %swap3A_1046 = tpu.vector_load %arg13[%swap3A_1044, %swap3A_1045] {strides = array<i32>} : memref<16x768xf32, #tpu.memory_space<vmem>>, vector<1x16xf32>,
        %swap3A_1047 = vector.shape_cast %swap3A_1046 : vector<1x16xf32> to vector<16xf32>
        %swap3A_1048 = vector.shape_cast %add3A_1043 : vector<16xf32> to vector<1x16xf32>
        tpu.vector_store %arg13[%swap3A_1044, %swap3A_1045], %swap3A_1048 {strides = array<i32>} : memref<16x768xf32, #tpu.memory_space<vmem>>, vector<1x16xf32>,
        %scan3A_1049 = arith.constant 0 : i32
        scf.yield %scan3A_1049 : i32
      }
      %scan3A_271 = arith.constant 16 : i32
      %mul3A_272 = arith.constant 16 : i32
      %mul3A_273 = arith.muli %add3A_229, %mul3A_272 : i32
      %add3A_274 = arith.addi %mul3A_6, %mul3A_273 : i32
      %dma_start3A_275 = arith.constant 0 : i32
      %dma_start3A_276 = tpu.memref_slice %arg7[%add3A_274, %dma_start3A_275] : memref<65536x768xf32, #tpu.memory_space<hbm>> -> memref<16x768xf32, #tpu.memory_space<hbm>>
      %dma_start3A_277 = arith.constant 0 : i32
      %dma_start3A_278 = tpu.memref_slice %arg7[%add3A_274, %dma_start3A_277] : memref<65536x768xf32, #tpu.memory_space<hbm>> -> memref<16x768xf32, #tpu.memory_space<hbm>>
      tpu.enqueue_dma source(%arg13 : memref<16x768xf32, #tpu.memory_space<vmem>>) target(%dma_start3A_278 : memref<16x768xf32, #tpu.memory_space<hbm>>) target_semaphore(%arg29 : memref<!tpu.dma_semaphore, #tpu.memory_space<semaphore_mem>>)
      %scan3A_279 = arith.constant 0 : i32
      scf.yield %scan3A_279 : i32
    }
    %scan3A_54 = arith.constant 32 : i32
    %dma_wait3A = arith.constant 0 : i32
    %dma_wait3A_55 = tpu.memref_slice %arg7[%mul3A_6, %dma_wait3A] : memref<65536x768xf32, #tpu.memory_space<hbm>> -> memref<16x768xf32, #tpu.memory_space<hbm>>
    %dma_wait3A_56 = arith.constant 0 : i32
    %dma_wait3A_57 = tpu.memref_slice %arg7[%mul3A_6, %dma_wait3A_56] : memref<65536x768xf32, #tpu.memory_space<hbm>> -> memref<16x768xf32, #tpu.memory_space<hbm>>
    tpu.wait_dma2 semaphore(%arg26 : memref<!tpu.dma_semaphore, #tpu.memory_space<semaphore_mem>>) src(%arg10 : memref<16x768xf32, #tpu.memory_space<vmem>>) dst(%dma_wait3A_57 : memref<16x768xf32, #tpu.memory_space<hbm>>)
    %dma_wait3A_58 = arith.constant 0 : i32
    %dma_wait3A_59 = tpu.memref_slice %arg7[%mul3A_6, %dma_wait3A_58] : memref<65536x768xf32, #tpu.memory_space<hbm>> -> memref<16x768xf32, #tpu.memory_space<hbm>>
    %dma_wait3A_60 = arith.constant 0 : i32
    %dma_wait3A_61 = tpu.memref_slice %arg7[%mul3A_6, %dma_wait3A_60] : memref<65536x768xf32, #tpu.memory_space<hbm>> -> memref<16x768xf32, #tpu.memory_space<hbm>>
    tpu.wait_dma2 semaphore(%arg27 : memref<!tpu.dma_semaphore, #tpu.memory_space<semaphore_mem>>) src(%arg11 : memref<16x768xf32, #tpu.memory_space<vmem>>) dst(%dma_wait3A_61 : memref<16x768xf32, #tpu.memory_space<hbm>>)
    %dma_wait3A_62 = arith.constant 0 : i32
    %dma_wait3A_63 = tpu.memref_slice %arg7[%mul3A_6, %dma_wait3A_62] : memref<65536x768xf32, #tpu.memory_space<hbm>> -> memref<16x768xf32, #tpu.memory_space<hbm>>
    %dma_wait3A_64 = arith.constant 0 : i32
    %dma_wait3A_65 = tpu.memref_slice %arg7[%mul3A_6, %dma_wait3A_64] : memref<65536x768xf32, #tpu.memory_space<hbm>> -> memref<16x768xf32, #tpu.memory_space<hbm>>
    tpu.wait_dma2 semaphore(%arg28 : memref<!tpu.dma_semaphore, #tpu.memory_space<semaphore_mem>>) src(%arg12 : memref<16x768xf32, #tpu.memory_space<vmem>>) dst(%dma_wait3A_65 : memref<16x768xf32, #tpu.memory_space<hbm>>)
    %dma_wait3A_66 = arith.constant 0 : i32
    %dma_wait3A_67 = tpu.memref_slice %arg7[%mul3A_6, %dma_wait3A_66] : memref<65536x768xf32, #tpu.memory_space<hbm>> -> memref<16x768xf32, #tpu.memory_space<hbm>>
    %dma_wait3A_68 = arith.constant 0 : i32
    %dma_wait3A_69 = tpu.memref_slice %arg7[%mul3A_6, %dma_wait3A_68] : memref<65536x768xf32, #tpu.memory_space<hbm>> -> memref<16x768xf32, #tpu.memory_space<hbm>>
    tpu.wait_dma2 semaphore(%arg29 : memref<!tpu.dma_semaphore, #tpu.memory_space<semaphore_mem>>) src(%arg13 : memref<16x768xf32, #tpu.memory_space<vmem>>) dst(%dma_wait3A_69 : memref<16x768xf32, #tpu.memory_space<hbm>>)
    return
  }
}

module attributes {stable_mosaic.version = 14 : i64} {
  func.func @body(%arg0: i32, %arg1: memref<512x768xf32, #tpu.memory_space<vmem>>, %arg2: memref<3x768xf32, #tpu.memory_space<vmem>>, %arg3: memref<512x768xf32, #tpu.memory_space<vmem>>) attributes {dimension_semantics = [#tpu.dimension_semantics<arbitrary>], iteration_bounds = array<i64: 3>, scalar_prefetch = 0 : i64, scratch_operands = 0 : i64, tpu.core_type = #tpu.core_type<tc>, window_params = [{pipeline_mode = #tpu.pipeline_mode<synchronous>, transform_indices = @transform_0, window_bounds = array<i64: 512, 768>}, {pipeline_mode = #tpu.pipeline_mode<synchronous>, transform_indices = @transform_1, window_bounds = array<i64: 3, 768>}, {transform_indices = @transform_2, window_bounds = array<i64: 512, 768>}]} {
    %get3A = arith.constant 0 : index
    %get3A_0 = arith.constant 0 : index
    %get3A_1 = vector.load %arg1[%get3A, %get3A_0] : memref<512x768xf32, #tpu.memory_space<vmem>>, vector<512x768xf32>
    %get3A_2 = arith.index_cast %arg0 : i32 to index
    %get3A_3 = arith.constant 0 : index
    %get3A_4 = vector.load %arg2[%get3A_2, %get3A_3] : memref<3x768xf32, #tpu.memory_space<vmem>>, vector<1x768xf32>
    %add3A = vector.broadcast %get3A_4 : vector<1x768xf32> to vector<512x768xf32>
    %add3A_5 = arith.addf %get3A_1, %add3A : vector<512x768xf32>
    %swap3A = arith.constant 0 : index
    %swap3A_6 = arith.constant 0 : index
    %swap3A_7 = vector.load %arg3[%swap3A, %swap3A_6] : memref<512x768xf32, #tpu.memory_space<vmem>>, vector<512x768xf32>
    tpu.vector_store %arg3[%swap3A, %swap3A_6], %add3A_5 {strides = array<i32>} : memref<512x768xf32, #tpu.memory_space<vmem>>, vector<512x768xf32>,
    return
  }
  func.func @transform_0(%arg0: i32) -> (i32, i32) {
    %c0_i32 = arith.constant 0 : i32
    %c0_i32_0 = arith.constant 0 : i32
    %c0_i32_1 = arith.constant 0 : i32
    return %c0_i32, %c0_i32_0 : i32, i32
  }
  func.func @transform_1(%arg0: i32) -> (i32, i32) {
    %c0_i32 = arith.constant 0 : i32
    %c0_i32_0 = arith.constant 0 : i32
    %c0_i32_1 = arith.constant 0 : i32
    return %c0_i32, %c0_i32_0 : i32, i32
  }
  func.func @transform_2(%arg0: i32) -> (i32, i32) {
    %c0_i32 = arith.constant 0 : i32
    %c0_i32_0 = arith.constant 0 : i32
    return %arg0, %c0_i32 : i32, i32
  }
}

module attributes {stable_mosaic.version = 14 : i64} {
  func.func @body(%arg0: memref<128x512xi32, #tpu.memory_space<vmem>>, %arg1: memref<128x512xi32, #tpu.memory_space<vmem>>, %arg2: memref<128x512xi32, #tpu.memory_space<vmem>>) attributes {dimension_semantics = [], scalar_prefetch = 0 : i64, scratch_operands = 0 : i64, tpu.core_type = #tpu.core_type<tc>} {
    %iota3A = tpu.iota {dimensions = array<i32: 1>} : vector<128x512xi32>
    %get3A = arith.constant 0 : index
    %get3A_0 = arith.constant 0 : index
    %get3A_1 = vector.load %arg1[%get3A, %get3A_0] : memref<128x512xi32, #tpu.memory_space<vmem>>, vector<128x512xi32>
    %eq3A = arith.constant 0 : i32
    %eq3A_2 = vector.broadcast %eq3A : i32 to vector<128x512xi32>
    %eq3A_3 = arith.cmpi eq, %get3A_1, %eq3A_2 : vector<128x512xi32>
    %get3A_4 = arith.constant 0 : index
    %get3A_5 = arith.constant 0 : index
    %get3A_6 = vector.load %arg0[%get3A_4, %get3A_5] : memref<128x512xi32, #tpu.memory_space<vmem>>, vector<128x512xi32>
    %jit3A = arith.constant 2 : i32
    %broadcast_in_dim3A = vector.broadcast %jit3A : i32 to vector<128x512xi32>
    %select_n3A = arith.select %eq3A_3, %broadcast_in_dim3A, %get3A_6 : vector<128x512xi1>, vector<128x512xi32>
    %mul3A = arith.constant 512 : i32
    %mul3A_7 = vector.broadcast %mul3A : i32 to vector<128x512xi32>
    %mul3A_8 = arith.muli %select_n3A, %mul3A_7 : vector<128x512xi32>
    %add3A = arith.addi %mul3A_8, %iota3A : vector<128x512xi32>
    %swap3A = arith.constant 0 : index
    %swap3A_9 = arith.constant 0 : index
    %swap3A_10 = vector.load %arg2[%swap3A, %swap3A_9] : memref<128x512xi32, #tpu.memory_space<vmem>>, vector<128x512xi32>
    tpu.vector_store %arg2[%swap3A, %swap3A_9], %add3A {strides = array<i32>} : memref<128x512xi32, #tpu.memory_space<vmem>>, vector<128x512xi32>,
    return
  }
}

</mosaic_0001>

<sc_bundles>
// kernel: kernel.5.cloned.1.call-start
scs
__scs_entry_jumppad:
0x0: {  	(pc) =	sbr.rel $0x88, $3  }
0x1: {  	(tag) =	ssettag $0x0;
	lr =	simm.s32 $0x1  }
0x2: {  	[smem:$0x3F9B] =	sst lr;
	_ =	strace $0xD0000000  }
0x3: {  	_ = 	snop  }
0x4: {  	_ = 	snop  }
0x5: {  	_ = 	snop  }
0x6: {  	_ = 	snop  }
0x7: {  	_ = 	snop  }
__scs_overlays_trampoline_lowered:
0x8: {  	[smem:$0x3FAA] =	sst s0  }
0x9: {  	[smem:$0x3FAB] =	sst s1  }
0xa: {  	[smem:$0x3FAC] =	sst s2  }
0xb: {  	[smem:$0x3FAD] =	sst s3  }
0xc: {  	[smem:$0x3FAE] =	sst s4  }
0xd: {  	[smem:$0x3FAF] =	sst s5  }
0xe: {  	[smem:$0x3FB0] =	sst s6  }
0xf: {  	[smem:$0x3FB1] =	sst s7  }
0x10: {  	[smem:$0x3FB2] =	sst s8  }
0x11: {  	[smem:$0x3FB3] =	sst s9;
	s0 =	simm.s32 @!p0 $0x0  }
0x12: {  	s1 =	sld [smem:$0x3F99];
	s0 =	simm.s32 @p0 $0x1  }
0x13: {  	[smem:$0x3FB4] =	sst s0;
	s0 =	simm.s32 @!p1 $0x0  }
0x14: {  	s2 =	sld [smem:$0x3F98];
	s0 =	simm.s32 @p1 $0x1  }
0x15: {  	[smem:$0x3FB5] =	sst s0;
	s0 =	simm.s32 @!p2 $0x0  }
0x16: {  	s3 =	sld [smem:$0x3FDB];
	s0 =	simm.s32 @p2 $0x1  }
0x17: {  	s4 =	simm.s32 $0x1BF5;
	[smem:$0x3FB7] =	sst s0  }
0x18: {  	s0 =	sld [smem:$0x3F9A];
	_ =	swait.ge [sflag:s4], $0x0  }
0x19: {  	s7 =	sld [smem:$0x3F9B]  }
0x1a: {  	s8 =	sadd.s32 $0xFFFFE003, lr  }
0x1b: {  	s9 =	sadd.s32 $0xFFFFFEF7, lr;
	s5 =	simm.s32 $0xFFFFFFFF;
	p2 =	slt.u32 s8, $0xFFFFF086  }
0x1c: {  	p1 =	slt.u32 s9, $0xF7A;
	s5 =	simm.s32 @!p2 $0x0  }
0x1d: {  	s5 =	simm.s32 @p1 $0x1;
	p0 =	seq.s32 s7, s2  }
0x1e: {  	s7 =	smul.u32 @!p0 $0xF7A, s2;
	p2 =	seq.s32 @!p0 s5, $0x0  }
0x1f: {  	s9 =	smul.u32 $0xF7A, s1;
	s8 =	simm.s32 @!p0 $0x1BF5;
	p2 =	por !p2, p0  }
0x20: {  	[sflag:s8] =	ssyncset.s32 @!p0 $0xFFFFF086;
	s6 =	sadd.s32 @!p0 s3, s7;
	s7 =	simm.s32 @!p0 $0x108  }
0x21: {  	s3 =	sadd.s32 s3, s9;
	s6 =	sadd.s32 @!p0 $0x88, s6;
	s7 =	simm.s32 @p2 $0x1082  }
0x22: {  	[simem:s7], [sflag:s8] =	dma.local @!p0 [hbm:s6], $0xF7A  }
0x23: {  	s9 =	sor.u32 $0xD0000000, s2;
	s6 =	simm.s32 $0x108;
	_ =	swait.ge @!p0 [sflag:s8], $0x0  }
0x24: {  	s3 =	sadd.s32 $0x88, s3;
	s6 =	simm.s32 @!p1 $0x1082;
	[sflag:s4] =	ssyncset.s32 $0xFFFFF086  }
0x25: {  	[simem:s6], [sflag:s4] =	dma.local [hbm:s3], $0xF7A  }
0x26: {  	[smem:$0x3F9B] =	sst s1;
	(tag) =	ssettag s2;
	_ =	strace s9  }
0x27: {  	s1 =	sld [smem:$0x3FAB]  }
0x28: {  	s2 =	sld [smem:$0x3FAC]  }
0x29: {  	s4 =	sld [smem:$0x3FAE]  }
0x2a: {  	p0 =	seq.s32 s5, $0x0;
	s5 =	sld [smem:$0x3FAF]  }
0x2b: {  	s6 =	sld [smem:$0x3FB0]  }
0x2c: {  	s7 =	sld [smem:$0x3FB1]  }
0x2d: {  	s3 =	simm.s32 $0x108;
	s8 =	sld [smem:$0x3FB2]  }
0x2e: {  	s3 =	simm.s32 @!p0 $0x1082;
	s9 =	sld [smem:$0x3FB3]  }
0x2f: {  	lr =	sadd.s32 s0, s3;
	s0 =	sld [smem:$0x3FAA]  }
0x30: {  	s3 =	sld [smem:$0x3FAD]  }
0x31: {  	[smem:$0x3FB6] =	sst s10  }
0x32: {  	s10 =	sld [smem:$0x3FB4];
	_ =	sdelay $0x3  }
0x33: {  	p0 =	seq.s32 s10, $0x1;
	s10 =	sld [smem:$0x3FB6];
	_ =	sdelay $0x3  }
0x34: {  	[smem:$0x3FB6] =	sst s10  }
0x35: {  	s10 =	sld [smem:$0x3FB5];
	_ =	sdelay $0x3  }
0x36: {  	p1 =	seq.s32 s10, $0x1;
	s10 =	sld [smem:$0x3FB6];
	_ =	sdelay $0x3  }
0x37: {  	[smem:$0x3FB6] =	sst s10  }
0x38: {  	s10 =	sld [smem:$0x3FB7]  }
0x39: {  	_ = 	snop;
	(pc) =	sbr.ind lr, $3  }
0x3a: {  	_ = 	snop  }
0x3b: {  	_ = 	snop  }
0x3c: {  	p2 =	seq.s32 s10, $0x1;
	s10 =	sld [smem:$0x3FB6]  }
0x3d: {  	_ =	shalt  }
0x3e: {  	_ =	shalt  }
0x3f: {  	_ =	shalt  }
0x40: {  	_ =	shalt  }
0x41: {  	_ =	shalt  }
0x42: {  	_ =	shalt  }
0x43: {  	_ =	shalt  }
0x44: {  	_ =	shalt  }
0x45: {  	_ =	shalt  }
0x46: {  	_ =	shalt  }
0x47: {  	_ =	shalt  }
0x48: {  	_ =	shalt  }
0x49: {  	_ =	shalt  }
0x4a: {  	_ =	shalt  }
0x4b: {  	_ =	shalt  }
0x4c: {  	_ =	shalt  }
0x4d: {  	_ =	shalt  }
0x4e: {  	_ =	shalt  }
0x4f: {  	_ =	shalt  }
0x50: {  	_ =	shalt  }
0x51: {  	_ =	shalt  }
0x52: {  	_ =	shalt  }
0x53: {  	_ =	shalt  }
0x54: {  	_ =	shalt  }
0x55: {  	_ =	shalt  }
0x56: {  	_ =	shalt  }
0x57: {  	_ =	shalt  }
0x58: {  	_ =	shalt  }
0x59: {  	_ =	shalt  }
0x5a: {  	_ =	shalt  }
0x5b: {  	_ =	shalt  }
0x5c: {  	_ =	shalt  }
0x5d: {  	_ =	shalt  }
0x5e: {  	_ =	shalt  }
0x5f: {  	_ =	shalt  }
0x60: {  	_ =	shalt  }
0x61: {  	_ =	shalt  }
0x62: {  	_ =	shalt  }
0x63: {  	_ =	shalt  }
0x64: {  	_ =	shalt  }
0x65: {  	_ =	shalt  }
0x66: {  	_ =	shalt  }
0x67: {  	_ =	shalt  }
0x68: {  	_ =	shalt  }
0x69: {  	_ =	shalt  }
0x6a: {  	_ =	shalt  }
0x6b: {  	_ =	shalt  }
0x6c: {  	_ =	shalt  }
0x6d: {  	_ =	shalt  }
0x6e: {  	_ =	shalt  }
0x6f: {  	_ =	shalt  }
0x70: {  	_ =	shalt  }
0x71: {  	_ =	shalt  }
0x72: {  	_ =	shalt  }
0x73: {  	_ =	shalt  }
0x74: {  	_ =	shalt  }
0x75: {  	_ =	shalt  }
0x76: {  	_ =	shalt  }
0x77: {  	_ =	shalt  }
0x78: {  	_ =	shalt  }
0x79: {  	_ =	shalt  }
0x7a: {  	_ =	shalt  }
0x7b: {  	_ =	shalt  }
0x7c: {  	_ =	shalt  }
0x7d: {  	_ =	shalt  }
0x7e: {  	_ =	shalt  }
0x7f: {  	_ =	shalt  }
0x80: {  	_ =	shalt  }
0x81: {  	_ =	shalt  }
0x82: {  	_ =	shalt  }
0x83: {  	_ =	shalt  }
0x84: {  	_ =	shalt  }
0x85: {  	_ =	shalt  }
0x86: {  	_ =	shalt  }
0x87: {  	_ =	shalt  }
.Lfunc_end0:
.L_simem_size_0:
called_computation_lowered:
.L_overlay_start_0:
0x88: {  	s2 =	sld [smem:$0x3FD9]  }
0x89: {  	s3 =	sld [smem:$0x3FFE];
	_ =	sdelay $0x1  }
0x8a: {  	s1 =	srdreg.scid  }
0x8b: {  	s0 =	sand.u32 $0x1, s1  }
0x8c: {  	s17 =	sshll.u32 s0, $0xA;
	s2 =	sadd.s32 s3, s2  }
0x8d: {  	s2 =	sadd.s32 s2, s17  }
0x8e: {  	[smem:$0x3FC2] =	sst s2  }
0x8f: {  	_ = 	snop  }
0x90: {  	s2 =	sld [smem:$0x3FC6]  }
0x91: {  	s18 =	sld [smem:$0x3FD0];
	(tm) =	ssettm $0x1  }
0x92: {  	s4 =	sld [smem:$0x3FFB];
	_ =	sdelay $0x3  }
0x93: {  	_ =	strace s4  }
0x94: {  	s4 =	sld [smem:$0x3FFC];
	_ =	sdelay $0x3  }
0x95: {  	_ =	strace s4  }
0x96: {  	s4 =	sld [smem:$0x3FFD];
	_ =	sdelay $0x3  }
0x97: {  	_ =	strace s4  }
0x98: {  	_ =	strace $0x8FFFFFFF  }
0x99: {  	s19 =	sld [smem:$0x3FDB];
	_ =	sdelay $0x1  }
0x9a: {  	s5 =	simm.s32 $_scs_section_size  }
0x9b: {  	s6 =	simm.s32 $_size__tile_overlayer_lowered;
	s7 =	simm.s32 $_tile_overlayer_lowered  }
0x9c: {  	s22 =	simm.s32 $0x1BFF;
	s21 =	sshll.u32 s7, $0x1;
	s4 =	sadd.s32 s5, s19  }
0x9d: {  	s8 =	simm.s32 $0x0;
	s20 =	sshll.u32 s6, $0x1;
	s6 =	sadd.s32 s21, s4  }
0x9e: {  	[timem:s8], [sflag:s22] =	dma.local [hbm:s6], s20  }
0x9f: {  	_ =	swait.ge [sflag:s22], s20  }
0xa0: {  	s5 =	ssub.s32 $0x0, s20;
	[sflag:s22] =	ssyncset.done $0x0  }
0xa1: {  	[sflag:s22] =	ssyncadd.s32 s5;
	_ =	sdelay $0x1  }
0xa2: {  	s23 =	simm.s32 $0x1B8B  }
0xa3: {  	_ =	swait.ge [sflag:s23], $0x1  }
0xa4: {  	[sflag:s23] =	ssyncset.done $0x0  }
0xa5: {  	s25 =	simm.s32 $0x1B8E;
	s24 =	sld [smem:$0x3FFE];
	[sflag:s23] =	ssyncadd.s32 $0xFFFFFFFF  }
0xa6: {  	s26 =	simm.s32 $execute0_lowered;
	[smem:$0x3FD2] =	sst s25  }
0xa7: {  	s6 =	sshll.u32 s26, $0x1;
	_ =	strace $0x80000046;
	[dreg:$0x1] =	wrdreg $0xFFFFFFFF  }
0xa8: {  	s28 =	simm.s32 $_size_execute0_lowered;
	s4 =	sadd.s32 s4, s6;
	[dreg:$0x0] =	wrdreg $0x0  }
0xa9: {  	s6 =	sshll.u32 s28, $0x1;
	[dreg:$0x2] =	wrdreg s4  }
0xaa: {  	[dreg:$0x3] =	wrdreg s6  }
0xab: {  	[dreg:$0x4] =	wrdreg $0xC0  }
0xac: {  	_ =	task [dreg:s8], $0x5FFFF  }
0xad: {  	[dreg:$0x1] =	wrdreg $0xFFFFFFFF  }
0xae: {  	[dreg:$0x0] =	wrdreg $0x60  }
0xaf: {  	[dreg:$0x2] =	wrdreg s24  }
0xb0: {  	[dreg:$0x3] =	wrdreg s2  }
0xb1: {  	[dreg:$0x4] =	wrdreg s18  }
0xb2: {  	[dreg:$0x5] =	wrdreg $0x9  }
0xb3: {  	_ =	task.clear_ibuf [dreg:s8], $0x6FFFF;
	_ =	strace $0x90000046  }
0xb4: {  	s29 =	simm.s32 $0x9;
	_ =	strace $0x80000048  }
0xb5: {  	_ =	swait.ge [sflag:s29], $0x1  }
0xb6: {  	[sflag:s29] =	ssyncadd.s32 $0xFFFFFFFF  }
0xb7: {  	_ =	strace $0x90000048  }
0xb8: {  	_ =	sfence  }
0xb9: {  	s30 =	sld [smem:$0x0];
	_ =	sdelay $0x2  }
0xba: {  	s31 =	sshll.u32 s1, $0xD;
	s1 =	sshrl.u32 s1, $0x2  }
0xbb: {  	s3 =	sand.u32 $0x4000, s31;
	s1 =	sadd.s32 s1, s30  }
0xbc: {  	s0 =	sor.u32 s3, s0;
	s1 =	sshll.u32 s1, $0x11  }
0xbd: {  	s0 =	sor.u32 s1, s0  }
0xbe: {  	s0 =	sadd.s32 $0x8F2B, s0  }
0xbf: {  	[sflag:s0] =	ssyncadd.remote.s32 $0x1  }
0xc0: {  	_ =	sfence.sel $0xFFFF  }
0xc1: {  	[dreg:$0x0] =	wrdreg $0xFFFFFFFF;
	(pc) =	sbr.abs _section_cstart, $3  }
0xc2: {  	[dreg:$0x1] =	wrdreg $0xFFFFFFFF  }
0xc3: {  	_ =	task.clear_ibuf [dreg:s8], $0x2FFFF;
	_ =	strace $0x9FFFFFFF  }
0xc4: {  	(tm) =	ssettm $0x7FFFFFFF  }
0xc5: {  	_ =	shalt  }
tec
execute0_lowered:
.L_overlay_start_1:
0x0: {  	(tag) =	ssettag $0x1  }
0x1: {  	s0 =	rddreg [dreg:$0x0]  }
0x2: {  	s2 =	rddreg [dreg:$0x1];
	s1 =	srdreg.scid  }
0x3: {  	s4 =	stileid.u32;
	s3 =	rddreg [dreg:$0x2]  }
0x4: {  	s18 =	simm.s32 $0x1000;
	s31 =	simm.s32 $0x4000;
	s26 =	simm.s32 $0x7000  }
0x5: {  	s23 =	simm.s32 $0x1;
	s24 =	simm.s32 $0x5;
	s25 =	simm.s32 $0xA000  }
0x6: {  	s15 =	simm.s32 $0x18800;
	s17 =	simm.s32 $0x2;
	s19 =	simm.s32 $0x6  }
0x7: {  	s20 =	simm.s32 $0x3;
	s21 =	simm.s32 $0x7;
	s22 =	simm.s32 $0x4  }
0x8: {  	s1 =	sand.u32 $0x1, s1;
	s5 =	sshll.u32 s4, $0x1;
	s4 =	simm.s32 $0x0  }
0x9: {  	s9 =	sadd.s32 $0x28E00, s0;
	s10 =	sadd.s32 $0x100, s2;
	s11 =	sadd.s32 $0x200, s2  }
0xa: {  	s12 =	sadd.s32 $0x4F00, s0;
	s13 =	sadd.s32 $0x5000, s0;
	s6 =	sor.u32 s1, s5  }
0xb: {  	[smem:$0x7FF] =	sst s4;
	s1 =	ssub.s32 $0x2, s1;
	s5 =	sshll.u32 s6, $0x8  }
0xc: {  	_ =	strace $0x80000047;
	s7 =	sshrl.u32 s1, $0x1;
	s8 =	sadd.s32 s5, s0  }
0xd: {  	[dreg:$0x4] =	wrdreg s9;
	s5 =	sadd.s32 $0x4E00, s0;
	s28 =	sadd.s32 $0xE00, s8  }
0xe: {  	v2 =	vlaneseq.u32;
	s1 =	ssub.s32 s1, s7;
	s29 =	sadd.s32 $0x2E00, s8;
	[dreg:$0x5] =	wrdreg s28  }
0xf: {  	vm0 =	vmmov $0xffff;
	v1 =	vshrl.u32 v2, $0x3;
	s7 =	sshll.u32 s6, $0xB;
	s30 =	smax.u32 s1, $0x1;
	[dreg:$0x6] =	wrdreg s29  }
0x10: {  	v0 =	vand.u32 $0x7, v2;
	v2 =	vor.u32 $0x8, v2;
	v1 =	vmul.u32 $0x8, v1;
	s6 =	simm.s32 $0x8;
	s8 =	simm.s32 $0x0;
	[dreg:$0x7] =	wrdreg s30  }
.LBB2_1:
0x11: {  	[dreg:$0x8] =	wrdreg s8  }
0x12: {  	s0 =	rddreg [dreg:$0x4];
	s1 =	simm.s32 $0x19000;
	s16 =	simm.s32 $0xD  }
0x13: {  	[tilespmem:s1], [sflag:$0xD] =	stream.linear.gather [hbm4b:s0+s4], $0x1, $0x38;
	[tilespmem:$0x19080] =	vst v63  }
0x14: {  	_ =	swait.ge [sflag:s16], $0x1  }
0x15: {  	[sflag:s16] =	ssyncset.done $0x0  }
0x16: {  	s28 =	rddreg [dreg:$0x5];
	[sflag:s16] =	ssyncadd.s32 $0xFFFFFFFF  }
0x17: {  	v3 =	vld.msk [tilespmem:$0x19000 ss:$0x0], $0xffff;
	[tilespmem:s4], [sflag:$0xD] =	stream.linear.gather [hbm4b:s28+s4], $0x800, $0x38  }
0x18: {  	_ =	swait.ge [sflag:s16], $0x800  }
0x19: {  	[sflag:s16] =	ssyncset.done $0x0  }
0x1a: {  	s30 =	simm.s32 $0x800;
	s29 =	rddreg [dreg:$0x6];
	[sflag:s16] =	ssyncadd.s32 $0xFFFFF800  }
0x1b: {  	[tilespmem:s30], [sflag:$0xD] =	stream.linear.gather [hbm4b:s29+s4], $0x800, $0x38;
	[tilespmem:$0x19080] =	vst v63  }
0x1c: {  	_ =	swait.ge [sflag:s16], $0x800  }
0x1d: {  	[sflag:s16] =	ssyncset.done $0x0  }
0x1e: {  	[sflag:s16] =	ssyncadd.s32 $0xFFFFF800  }
0x1f: {  	v4 =	vld [tilespmem:$0x0];
	_ =	sdelay $0x4  }
0x20: {  	v5 =	vshrl.u32 v4, $0x3  }
0x21: {  	v5 =	vmul.u32 $0x30, v5  }
0x22: {  	v4 =	vand.u32 $0x7, v4  }
0x23: {  	v4 =	vor.u32 v4, v5  }
0x24: {  	v5 =	vperm.xlane v4, v0;
	_ =	sdelay $0x1  }
0x25: {  	v5 =	vadd.s32 v1, v5;
	_ =	sdelay $0x3  }
0x26: {  	v4 =	vperm.xlane v4, v2  }
0x27: {  	[tilespmem:s18], [sflag:$0x1] =	stream.indirect_vreg.gather [hbm4b:s2+s4], $0x80, v5, vm0, $0xb8;
	[tilespmem:$0x19080] =	vst v63  }
0x28: {  	s9 =	simm.s32 $0x1800;
	v4 =	vadd.s32 v1, v4  }
0x29: {  	[tilespmem:s9], [sflag:$0x1] =	stream.indirect_vreg.gather [hbm4b:s10+s4], $0x80, v5, vm0, $0xb8;
	[tilespmem:$0x19080] =	vst v63  }
0x2a: {  	s14 =	simm.s32 $0x2000  }
0x2b: {  	[tilespmem:s14], [sflag:$0x1] =	stream.indirect_vreg.gather [hbm4b:s11+s4], $0x80, v5, vm0, $0xb8;
	[tilespmem:$0x19080] =	vst v63  }
0x2c: {  	s16 =	simm.s32 $0x2800  }
0x2d: {  	[tilespmem:s16], [sflag:$0x1] =	stream.indirect_vreg.gather [hbm4b:s2+s4], $0x80, v4, vm0, $0xb8;
	[tilespmem:$0x19080] =	vst v63  }
0x2e: {  	s28 =	simm.s32 $0x3000  }
0x2f: {  	[tilespmem:s28], [sflag:$0x1] =	stream.indirect_vreg.gather [hbm4b:s10+s4], $0x80, v4, vm0, $0xb8;
	[tilespmem:$0x19080] =	vst v63  }
0x30: {  	s29 =	simm.s32 $0x3800  }
0x31: {  	[tilespmem:s29], [sflag:$0x1] =	stream.indirect_vreg.gather [hbm4b:s11+s4], $0x80, v4, vm0, $0xb8;
	[tilespmem:$0x19080] =	vst v63  }
0x32: {  	v4 =	vld [tilespmem:$0x800];
	_ =	sdelay $0x4  }
0x33: {  	v5 =	vshrl.u32 v4, $0x3  }
0x34: {  	v5 =	vmul.u32 $0x30, v5  }
0x35: {  	v4 =	vand.u32 $0x7, v4  }
0x36: {  	v4 =	vor.u32 v4, v5  }
0x37: {  	v5 =	vperm.xlane v4, v0;
	_ =	sdelay $0x1  }
0x38: {  	v5 =	vadd.s32 v1, v5;
	_ =	sdelay $0x3  }
0x39: {  	s30 =	simm.s32 $0xD000;
	v4 =	vperm.xlane v4, v2  }
0x3a: {  	[tilespmem:s30], [sflag:$0x5] =	stream.indirect_vreg.gather [hbm4b:s5+s4], $0x80, v5, vm0, $0xb8;
	[tilespmem:$0x19080] =	vst v63  }
0x3b: {  	s1 =	simm.s32 $0xD800;
	v4 =	vadd.s32 v1, v4  }
0x3c: {  	[tilespmem:s1], [sflag:$0x5] =	stream.indirect_vreg.gather [hbm4b:s12+s4], $0x80, v5, vm0, $0xb8;
	[tilespmem:$0x19080] =	vst v63  }
0x3d: {  	s8 =	simm.s32 $0xE000  }
0x3e: {  	[tilespmem:s8], [sflag:$0x5] =	stream.indirect_vreg.gather [hbm4b:s13+s4], $0x80, v5, vm0, $0xb8;
	[tilespmem:$0x19080] =	vst v63  }
0x3f: {  	s9 =	simm.s32 $0xE800  }
0x40: {  	[tilespmem:s9], [sflag:$0x5] =	stream.indirect_vreg.gather [hbm4b:s5+s4], $0x80, v4, vm0, $0xb8;
	[tilespmem:$0x19080] =	vst v63  }
0x41: {  	s14 =	simm.s32 $0xF000  }
0x42: {  	[tilespmem:s14], [sflag:$0x5] =	stream.indirect_vreg.gather [hbm4b:s12+s4], $0x80, v4, vm0, $0xb8;
	[tilespmem:$0x19080] =	vst v63  }
0x43: {  	s16 =	simm.s32 $0xF800  }
0x44: {  	[tilespmem:s16], [sflag:$0x5] =	stream.indirect_vreg.gather [hbm4b:s13+s4], $0x80, v4, vm0, $0xb8;
	[tilespmem:$0x19080] =	vst v63  }
0x45: {  	v4 =	vld [tilespmem:$0x10];
	_ =	sdelay $0x4  }
0x46: {  	v5 =	vshrl.u32 v4, $0x3  }
0x47: {  	v5 =	vmul.u32 $0x30, v5  }
0x48: {  	v4 =	vand.u32 $0x7, v4  }
0x49: {  	v4 =	vor.u32 v4, v5  }
0x4a: {  	v5 =	vperm.xlane v4, v0;
	_ =	sdelay $0x1  }
0x4b: {  	v5 =	vadd.s32 v1, v5;
	_ =	sdelay $0x3  }
0x4c: {  	v4 =	vperm.xlane v4, v2  }
0x4d: {  	[tilespmem:s31], [sflag:$0x2] =	stream.indirect_vreg.gather [hbm4b:s2+s4], $0x80, v5, vm0, $0xb8;
	[tilespmem:$0x19080] =	vst v63  }
0x4e: {  	s28 =	simm.s32 $0x4800;
	v4 =	vadd.s32 v1, v4  }
0x4f: {  	[tilespmem:s28], [sflag:$0x2] =	stream.indirect_vreg.gather [hbm4b:s10+s4], $0x80, v5, vm0, $0xb8;
	[tilespmem:$0x19080] =	vst v63  }
0x50: {  	s29 =	simm.s32 $0x5000  }
0x51: {  	[tilespmem:s29], [sflag:$0x2] =	stream.indirect_vreg.gather [hbm4b:s11+s4], $0x80, v5, vm0, $0xb8;
	[tilespmem:$0x19080] =	vst v63  }
0x52: {  	s30 =	simm.s32 $0x5800  }
0x53: {  	[tilespmem:s30], [sflag:$0x2] =	stream.indirect_vreg.gather [hbm4b:s2+s4], $0x80, v4, vm0, $0xb8;
	[tilespmem:$0x19080] =	vst v63  }
0x54: {  	s1 =	simm.s32 $0x6000  }
0x55: {  	[tilespmem:s1], [sflag:$0x2] =	stream.indirect_vreg.gather [hbm4b:s10+s4], $0x80, v4, vm0, $0xb8;
	[tilespmem:$0x19080] =	vst v63  }
0x56: {  	s8 =	simm.s32 $0x6800  }
0x57: {  	[tilespmem:s8], [sflag:$0x2] =	stream.indirect_vreg.gather [hbm4b:s11+s4], $0x80, v4, vm0, $0xb8;
	[tilespmem:$0x19080] =	vst v63  }
0x58: {  	v4 =	vld [tilespmem:$0x810];
	_ =	sdelay $0x4  }
0x59: {  	v5 =	vshrl.u32 v4, $0x3  }
0x5a: {  	v5 =	vmul.u32 $0x30, v5  }
0x5b: {  	v4 =	vand.u32 $0x7, v4  }
0x5c: {  	v4 =	vor.u32 v4, v5  }
0x5d: {  	v5 =	vperm.xlane v4, v0;
	_ =	sdelay $0x1  }
0x5e: {  	v5 =	vadd.s32 v1, v5;
	_ =	sdelay $0x3  }
0x5f: {  	s9 =	simm.s32 $0x10000;
	v4 =	vperm.xlane v4, v2  }
0x60: {  	[tilespmem:s9], [sflag:$0x6] =	stream.indirect_vreg.gather [hbm4b:s5+s4], $0x80, v5, vm0, $0xb8;
	[tilespmem:$0x19080] =	vst v63  }
0x61: {  	s14 =	simm.s32 $0x10800;
	v4 =	vadd.s32 v1, v4  }
0x62: {  	[tilespmem:s14], [sflag:$0x6] =	stream.indirect_vreg.gather [hbm4b:s12+s4], $0x80, v5, vm0, $0xb8;
	[tilespmem:$0x19080] =	vst v63  }
0x63: {  	s16 =	simm.s32 $0x11000  }
0x64: {  	[tilespmem:s16], [sflag:$0x6] =	stream.indirect_vreg.gather [hbm4b:s13+s4], $0x80, v5, vm0, $0xb8;
	[tilespmem:$0x19080] =	vst v63  }
0x65: {  	s28 =	simm.s32 $0x11800  }
0x66: {  	[tilespmem:s28], [sflag:$0x6] =	stream.indirect_vreg.gather [hbm4b:s5+s4], $0x80, v4, vm0, $0xb8;
	[tilespmem:$0x19080] =	vst v63  }
0x67: {  	s29 =	simm.s32 $0x12000  }
0x68: {  	[tilespmem:s29], [sflag:$0x6] =	stream.indirect_vreg.gather [hbm4b:s12+s4], $0x80, v4, vm0, $0xb8;
	[tilespmem:$0x19080] =	vst v63  }
0x69: {  	s30 =	simm.s32 $0x12800;
	s8 =	simm.s32 $0x0  }
0x6a: {  	[tilespmem:s30], [sflag:$0x6] =	stream.indirect_vreg.gather [hbm4b:s13+s4], $0x80, v4, vm0, $0xb8;
	[tilespmem:$0x19080] =	vst v63  }
.LBB2_2:
0x6b: {  	s14 =	sshll.u32 s8, $0x2  }
0x6c: {  	s9 =	sadd.s32 $0xFFFFFFFC, s14  }
0x6d: {  	p0 =	sgt.u32 s9, $0x7B  }
0x6e: {  	s9 =	simm.s32 @!p0 $0xB  }
0x6f: {  	_ =	swait.ge @!p0 [sflag:s9], $0x3000  }
0x70: {  	[sflag:s9] =	ssyncset.done @!p0 $0x0  }
0x71: {  	[sflag:s9] =	ssyncadd.s32 @!p0 $0xFFFFD000;
	s9 =	sshll.u32 s8, $0x6  }
0x72: {  	v4 =	vld [tilespmem:s9+$0x20];
	_ =	sdelay $0x4  }
0x73: {  	v5 =	vshrl.u32 v4, $0x3  }
0x74: {  	v5 =	vmul.u32 $0x30, v5  }
0x75: {  	v4 =	vand.u32 $0x7, v4  }
0x76: {  	v4 =	vor.u32 v4, v5  }
0x77: {  	v5 =	vperm.xlane v4, v0;
	_ =	sdelay $0x1  }
0x78: {  	v5 =	vadd.s32 v1, v5;
	_ =	sdelay $0x3  }
0x79: {  	s16 =	simm.s32 $0x0;
	v4 =	vperm.xlane v4, v2  }
0x7a: {  	[tilespmem:s26], [sflag:$0x3] =	stream.indirect_vreg.gather [hbm4b:s2+s16], $0x80, v5, vm0, $0xb8;
	[tilespmem:$0x19080] =	vst v63  }
0x7b: {  	s0 =	simm.s32 $0x7800;
	v4 =	vadd.s32 v1, v4  }
0x7c: {  	[tilespmem:s0], [sflag:$0x3] =	stream.indirect_vreg.gather [hbm4b:s10+s16], $0x80, v5, vm0, $0xb8;
	[tilespmem:$0x19080] =	vst v63  }
0x7d: {  	s1 =	simm.s32 $0x8000  }
0x7e: {  	[tilespmem:s1], [sflag:$0x3] =	stream.indirect_vreg.gather [hbm4b:s11+s16], $0x80, v5, vm0, $0xb8;
	[tilespmem:$0x19080] =	vst v63  }
0x7f: {  	s30 =	simm.s32 $0x8800  }
0x80: {  	[tilespmem:s30], [sflag:$0x3] =	stream.indirect_vreg.gather [hbm4b:s2+s16], $0x80, v4, vm0, $0xb8;
	[tilespmem:$0x19080] =	vst v63  }
0x81: {  	s1 =	simm.s32 $0x9000  }
0x82: {  	[tilespmem:s1], [sflag:$0x3] =	stream.indirect_vreg.gather [hbm4b:s10+s16], $0x80, v4, vm0, $0xb8;
	[tilespmem:$0x19080] =	vst v63  }
0x83: {  	s30 =	simm.s32 $0x9800  }
0x84: {  	[tilespmem:s30], [sflag:$0x3] =	stream.indirect_vreg.gather [hbm4b:s11+s16], $0x80, v4, vm0, $0xb8;
	[tilespmem:$0x19080] =	vst v63  }
0x85: {  	v4 =	vld [tilespmem:s9+$0x820];
	_ =	sdelay $0x4  }
0x86: {  	v5 =	vshrl.u32 v4, $0x3  }
0x87: {  	v5 =	vmul.u32 $0x30, v5  }
0x88: {  	v4 =	vand.u32 $0x7, v4  }
0x89: {  	v4 =	vor.u32 v4, v5  }
0x8a: {  	v5 =	vperm.xlane v4, v0;
	_ =	sdelay $0x1  }
0x8b: {  	v5 =	vadd.s32 v1, v5;
	_ =	sdelay $0x3  }
0x8c: {  	s1 =	simm.s32 $0x13000;
	v4 =	vperm.xlane v4, v2  }
0x8d: {  	[tilespmem:s1], [sflag:$0x7] =	stream.indirect_vreg.gather [hbm4b:s5+s16], $0x80, v5, vm0, $0xb8;
	[tilespmem:$0x19080] =	vst v63  }
0x8e: {  	s30 =	simm.s32 $0x13800;
	v4 =	vadd.s32 v1, v4  }
0x8f: {  	[tilespmem:s30], [sflag:$0x7] =	stream.indirect_vreg.gather [hbm4b:s12+s16], $0x80, v5, vm0, $0xb8;
	[tilespmem:$0x19080] =	vst v63  }
0x90: {  	s1 =	simm.s32 $0x14000  }
0x91: {  	[tilespmem:s1], [sflag:$0x7] =	stream.indirect_vreg.gather [hbm4b:s13+s16], $0x80, v5, vm0, $0xb8;
	[tilespmem:$0x19080] =	vst v63  }
0x92: {  	s30 =	simm.s32 $0x14800  }
0x93: {  	[tilespmem:s30], [sflag:$0x7] =	stream.indirect_vreg.gather [hbm4b:s5+s16], $0x80, v4, vm0, $0xb8;
	[tilespmem:$0x19080] =	vst v63  }
0x94: {  	s1 =	simm.s32 $0x15000  }
0x95: {  	[tilespmem:s1], [sflag:$0x7] =	stream.indirect_vreg.gather [hbm4b:s12+s16], $0x80, v4, vm0, $0xb8;
	[tilespmem:$0x19080] =	vst v63  }
0x96: {  	s30 =	simm.s32 $0x15800  }
0x97: {  	[tilespmem:s30], [sflag:$0x7] =	stream.indirect_vreg.gather [hbm4b:s13+s16], $0x80, v4, vm0, $0xb8;
	[tilespmem:$0x19080] =	vst v63  }
0x98: {  	_ =	swait.ge [sflag:s23], $0x3000  }
0x99: {  	[sflag:s23] =	ssyncset.done $0x0  }
0x9a: {  	s28 =	simm.s32 $0x0;
	[sflag:s23] =	ssyncadd.s32 $0xFFFFD000  }
0x9b: {  	s28 =	smul.u32 $0x1800, s28;
	_ =	swait.ge [sflag:s24], $0x3000  }
0x9c: {  	s29 =	sand.u32 $0x380, s16;
	[sflag:s24] =	ssyncset.done $0x0  }
0x9d: {  	s28 =	sor.u32 s29, s28;
	[sflag:s24] =	ssyncadd.s32 $0xFFFFD000  }
0x9e: {  	v6 =	vld [tilespmem:s28+$0xD000]  }
0x9f: {  	v25 =	vld [tilespmem:s28+$0xD010]  }
0xa0: {  	v26 =	vld [tilespmem:s28+$0xD020]  }
0xa1: {  	v27 =	vld [tilespmem:s28+$0xD030]  }
0xa2: {  	v28 =	vld [tilespmem:s28+$0xD040]  }
0xa3: {  	v29 =	vld [tilespmem:s28+$0xD050]  }
0xa4: {  	v30 =	vld [tilespmem:s28+$0xD060]  }
0xa5: {  	v31 =	vld [tilespmem:s28+$0xD070]  }
0xa6: {  	v32 =	vld [tilespmem:s28+$0xD400]  }
0xa7: {  	v33 =	vld [tilespmem:s28+$0xD410]  }
0xa8: {  	v34 =	vld [tilespmem:s28+$0xD420]  }
0xa9: {  	v35 =	vld [tilespmem:s28+$0xD430]  }
0xaa: {  	v36 =	vld [tilespmem:s28+$0xD440]  }
0xab: {  	v37 =	vld [tilespmem:s28+$0xD450]  }
0xac: {  	v38 =	vld [tilespmem:s28+$0xD460]  }
0xad: {  	v39 =	vld [tilespmem:s28+$0xD470]  }
0xae: {  	v40 =	vld [tilespmem:s28+$0xD800]  }
0xaf: {  	v41 =	vld [tilespmem:s28+$0xD810]  }
0xb0: {  	v42 =	vld [tilespmem:s28+$0xD820]  }
0xb1: {  	v43 =	vld [tilespmem:s28+$0xD830]  }
0xb2: {  	v44 =	vld [tilespmem:s28+$0xD840]  }
0xb3: {  	v45 =	vld [tilespmem:s28+$0xD850]  }
0xb4: {  	v46 =	vld [tilespmem:s28+$0xD860]  }
0xb5: {  	v47 =	vld [tilespmem:s28+$0xD870]  }
0xb6: {  	v48 =	vld [tilespmem:s28+$0xDC00]  }
0xb7: {  	v24 =	vld [tilespmem:s28+$0xDC10]  }
0xb8: {  	v23 =	vld [tilespmem:s28+$0xDC20]  }
0xb9: {  	v22 =	vld [tilespmem:s28+$0xDC30]  }
0xba: {  	v21 =	vld [tilespmem:s28+$0xDC40]  }
0xbb: {  	v20 =	vld [tilespmem:s28+$0xDC50]  }
0xbc: {  	v19 =	vld [tilespmem:s28+$0xDC60]  }
0xbd: {  	v18 =	vld [tilespmem:s28+$0xDC70]  }
0xbe: {  	v17 =	vld [tilespmem:s28+$0xE000]  }
0xbf: {  	v16 =	vld [tilespmem:s28+$0xE010]  }
0xc0: {  	v15 =	vld [tilespmem:s28+$0xE020]  }
0xc1: {  	v14 =	vld [tilespmem:s28+$0xE030]  }
0xc2: {  	v13 =	vld [tilespmem:s28+$0xE040]  }
0xc3: {  	v12 =	vld [tilespmem:s28+$0xE050]  }
0xc4: {  	v11 =	vld [tilespmem:s28+$0xE060]  }
0xc5: {  	v10 =	vld [tilespmem:s28+$0xE070]  }
0xc6: {  	v9 =	vld [tilespmem:s28+$0xE400]  }
0xc7: {  	v8 =	vld [tilespmem:s28+$0xE410]  }
0xc8: {  	v7 =	vld [tilespmem:s28+$0xE420]  }
0xc9: {  	v5 =	vld [tilespmem:s28+$0xE430]  }
0xca: {  	v4 =	vld [tilespmem:s28+$0xE440]  }
0xcb: {  	v49 =	vld [tilespmem:s28+$0x1000]  }
0xcc: {  	v50 =	vld [tilespmem:s28+$0x1010]  }
0xcd: {  	v51 =	vld [tilespmem:s28+$0x1020]  }
0xce: {  	v52 =	vld [tilespmem:s28+$0x1030]  }
0xcf: {  	v53 =	vld [tilespmem:s28+$0x1040]  }
0xd0: {  	v54 =	vld [tilespmem:s28+$0x1050]  }
0xd1: {  	v55 =	vld [tilespmem:s28+$0x1060];
	v49 =	vmul.f32 v49, v3  }
0xd2: {  	v56 =	vld [tilespmem:s28+$0x1070];
	v50 =	vmul.f32 v50, v3  }
0xd3: {  	v59 =	vld [tilespmem:s28+$0x1410];
	v51 =	vmul.f32 v51, v3;
	v49 =	vadd.f32 v6, v49  }
0xd4: {  	v63 =	vmul.f32 v52, v3;
	v52 =	vld [tilespmem:s28+$0x1400];
	v25 =	vadd.f32 v25, v50  }
0xd5: {  	v53 =	vmul.f32 v53, v3;
	v58 =	vmul.f32 v54, v3;
	v54 =	vld [tilespmem:s28+$0x1430];
	v26 =	vadd.f32 v26, v51;
	[tilespmem:s28+$0x1000] =	vst v49  }
0xd6: {  	v61 =	vmul.f32 v55, v3;
	v55 =	vld [tilespmem:s28+$0x1440];
	v57 =	vadd.f32 v27, v63;
	[tilespmem:s28+$0x1010] =	vst v25  }
0xd7: {  	v6 =	vld [tilespmem:s28+$0xE450];
	v60 =	vadd.f32 v28, v53;
	[tilespmem:s28+$0x1020] =	vst v26  }
0xd8: {  	v62 =	vadd.f32 v29, v58;
	v63 =	vmul.f32 v56, v3;
	v58 =	vld [tilespmem:s28+$0x1450];
	[tilespmem:s28+$0x1030] =	vst v57  }
0xd9: {  	v51 =	vadd.f32 v30, v61;
	v56 =	vmul.f32 v59, v3;
	v61 =	vld [tilespmem:s28+$0x1820];
	[tilespmem:s28+$0x1040] =	vst v60  }
0xda: {  	v49 =	vld [tilespmem:s28+$0x1420];
	[tilespmem:s28+$0x1050] =	vst v62;
	v53 =	vadd.f32 v31, v63;
	v52 =	vmul.f32 v52, v3  }
0xdb: {  	[tilespmem:s28+$0x1060] =	vst v51;
	v30 =	vadd.f32 v33, v56;
	v60 =	vld [tilespmem:s28+$0x1460];
	v27 =	vmul.f32 v54, v3  }
0xdc: {  	v62 =	vld [tilespmem:s28+$0x1470];
	v26 =	vmul.f32 v55, v3;
	[tilespmem:s28+$0x1070] =	vst v53;
	v28 =	vadd.f32 v32, v52  }
0xdd: {  	v57 =	vld [tilespmem:s28+$0x1800];
	[tilespmem:s28+$0x1410] =	vst v30;
	v27 =	vadd.f32 v35, v27;
	v31 =	vmul.f32 v58, v3  }
0xde: {  	v59 =	vld [tilespmem:s28+$0x1810];
	v26 =	vadd.f32 v36, v26;
	v30 =	vmul.f32 v61, v3;
	[tilespmem:s28+$0x1400] =	vst v28  }
0xdf: {  	v54 =	vld [tilespmem:s28+$0x1C40];
	v29 =	vmul.f32 v49, v3;
	[tilespmem:s28+$0x1430] =	vst v27;
	v31 =	vadd.f32 v37, v31  }
0xe0: {  	v53 =	vld [tilespmem:s28+$0x1C30];
	v32 =	vmul.f32 v60, v3;
	[tilespmem:s28+$0x1440] =	vst v26;
	v30 =	vadd.f32 v42, v30  }
0xe1: {  	v36 =	vld [tilespmem:s28+$0x1840];
	v33 =	vmul.f32 v62, v3;
	v29 =	vadd.f32 v34, v29;
	[tilespmem:s28+$0x1450] =	vst v31  }
0xe2: {  	v63 =	vld [tilespmem:s28+$0x1830];
	v25 =	vmul.f32 v57, v3;
	v32 =	vadd.f32 v38, v32;
	[tilespmem:s28+$0x1820] =	vst v30  }
0xe3: {  	v50 =	vld [tilespmem:s28+$0x1C00];
	v28 =	vmul.f32 v59, v3;
	v33 =	vadd.f32 v39, v33;
	[tilespmem:s28+$0x1420] =	vst v29  }
0xe4: {  	v51 =	vld [tilespmem:s28+$0x1C10];
	v61 =	vmul.f32 v54, v3;
	v25 =	vadd.f32 v40, v25;
	[tilespmem:s28+$0x1460] =	vst v32  }
0xe5: {  	v37 =	vld [tilespmem:s28+$0x1850];
	v28 =	vadd.f32 v41, v28;
	v30 =	vmul.f32 v53, v3;
	[tilespmem:s28+$0x1470] =	vst v33  }
0xe6: {  	v52 =	vld [tilespmem:s28+$0x1C20];
	v27 =	vmul.f32 v36, v3;
	v21 =	vadd.f32 v21, v61;
	[tilespmem:s28+$0x1800] =	vst v25  }
0xe7: {  	v55 =	vld [tilespmem:s28+$0x1C50];
	v29 =	vmul.f32 v63, v3;
	[tilespmem:s28+$0x1810] =	vst v28;
	v22 =	vadd.f32 v22, v30  }
0xe8: {  	v49 =	vld [tilespmem:s28+$0x1870];
	v33 =	vmul.f32 v50, v3;
	v27 =	vadd.f32 v44, v27;
	[tilespmem:s28+$0x1C40] =	vst v21  }
0xe9: {  	v56 =	vld [tilespmem:s28+$0x1C60];
	v25 =	vmul.f32 v51, v3;
	v29 =	vadd.f32 v43, v29;
	[tilespmem:s28+$0x1C30] =	vst v22  }
0xea: {  	v38 =	vld [tilespmem:s28+$0x1860];
	v26 =	vmul.f32 v37, v3;
	v33 =	vadd.f32 v48, v33;
	[tilespmem:s28+$0x1840] =	vst v27  }
0xeb: {  	v58 =	vld [tilespmem:s28+$0x2000];
	v28 =	vmul.f32 v52, v3;
	v24 =	vadd.f32 v24, v25;
	[tilespmem:s28+$0x1830] =	vst v29  }
0xec: {  	v57 =	vld [tilespmem:s28+$0x1C70];
	v26 =	vadd.f32 v45, v26;
	v27 =	vmul.f32 v55, v3;
	[tilespmem:s28+$0x1C00] =	vst v33  }
0xed: {  	v59 =	vld [tilespmem:s28+$0x2010];
	v32 =	vmul.f32 v49, v3;
	v23 =	vadd.f32 v23, v28;
	[tilespmem:s28+$0x1C10] =	vst v24  }
0xee: {  	v60 =	vld [tilespmem:s28+$0x2020];
	[tilespmem:s28+$0x1850] =	vst v26;
	v26 =	vmul.f32 v56, v3;
	v20 =	vadd.f32 v20, v27  }
0xef: {  	v31 =	vmul.f32 v38, v3;
	v32 =	vadd.f32 v47, v32;
	[tilespmem:s28+$0x1C20] =	vst v23;
	v23 =	vld [tilespmem:s28+$0x2030]  }
0xf0: {  	v22 =	vld [tilespmem:s28+$0x2040];
	v19 =	vadd.f32 v19, v26;
	[tilespmem:s28+$0x1C50] =	vst v20;
	v20 =	vmul.f32 v58, v3  }
0xf1: {  	v21 =	vld [tilespmem:s28+$0x2050];
	v62 =	vmul.f32 v57, v3;
	v31 =	vadd.f32 v46, v31;
	[tilespmem:s28+$0x1870] =	vst v32  }
0xf2: {  	v63 =	vld [tilespmem:s28+$0x2060];
	[tilespmem:s28+$0x1C60] =	vst v19;
	v19 =	vmul.f32 v59, v3;
	v20 =	vadd.f32 v17, v20  }
0xf3: {  	v24 =	vmul.f32 v60, v3;
	v27 =	vadd.f32 v18, v62;
	v18 =	vld [tilespmem:s28+$0x2070];
	[tilespmem:s28+$0x1860] =	vst v31  }
0xf4: {  	v17 =	vld [tilespmem:s28+$0x2400];
	v19 =	vadd.f32 v16, v19;
	[tilespmem:s28+$0x2000] =	vst v20;
	v20 =	vmul.f32 v23, v3  }
0xf5: {  	[tilespmem:s28+$0x1C70] =	vst v27;
	v22 =	vmul.f32 v22, v3;
	v16 =	vld [tilespmem:s28+$0x2410];
	v23 =	vadd.f32 v15, v24  }
0xf6: {  	v15 =	vld [tilespmem:s28+$0x2420];
	[tilespmem:s28+$0x2010] =	vst v19;
	v19 =	vadd.f32 v14, v20;
	v20 =	vmul.f32 v21, v3  }
0xf7: {  	s29 =	simm.s32 $0x1;
	[tilespmem:s28+$0x2020] =	vst v23;
	v21 =	vadd.f32 v13, v22;
	v14 =	vmul.f32 v63, v3;
	v13 =	vld [tilespmem:s28+$0x2430]  }
.LBB2_3:
0xf8: {  	p0 =	sne.s32 s29, $0xF;
	[tilespmem:s28+$0x2030] =	vst v19;
	v12 =	vadd.f32 v12, v20;
	v18 =	vmul.f32 v18, v3;
	v19 =	vld [tilespmem:s28+$0x2440]  }
0xf9: {  	[tilespmem:s28+$0x2040] =	vst v21;
	v11 =	vadd.f32 v11, v14;
	v14 =	vmul.f32 v17, v3;
	v17 =	vld [tilespmem:s28+$0x2450]  }
0xfa: {  	s30 =	sshrl.u32 s29, $0x3;
	[tilespmem:s28+$0x2050] =	vst v12;
	v10 =	vadd.f32 v10, v18;
	v12 =	vmul.f32 v16, v3;
	v16 =	vld [tilespmem:s28+$0x2460]  }
0xfb: {  	s16 =	sadd.s32 $0x80, s16;
	s30 =	smul.u32 $0x1800, s30;
	[tilespmem:s28+$0x2060] =	vst v11;
	v9 =	vadd.f32 v9, v14;
	v11 =	vmul.f32 v15, v3;
	v14 =	vld [tilespmem:s28+$0x2470]  }
0xfc: {  	s1 =	sand.u32 $0x380, s16;
	[tilespmem:s28+$0x2070] =	vst v10;
	v8 =	vadd.f32 v8, v12;
	v10 =	vmul.f32 v13, v3;
	v12 =	vld [tilespmem:s28+$0xE460]  }
0xfd: {  	s1 =	sor.u32 s1, s30;
	[tilespmem:s28+$0x2400] =	vst v9;
	v7 =	vadd.f32 v7, v11;
	v9 =	vmul.f32 v19, v3;
	v11 =	vld [tilespmem:s28+$0xE470]  }
0xfe: {  	v42 =	vld [tilespmem:s1+$0xD000];
	[tilespmem:s28+$0x2410] =	vst v8;
	v5 =	vadd.f32 v5, v10;
	v8 =	vmul.f32 v17, v3  }
0xff: {  	v43 =	vld [tilespmem:s1+$0xD010];
	[tilespmem:s28+$0x2420] =	vst v7;
	v4 =	vadd.f32 v4, v9;
	v7 =	vmul.f32 v16, v3  }
0x100: {  	v44 =	vld [tilespmem:s1+$0xD020];
	[tilespmem:s28+$0x2430] =	vst v5;
	v5 =	vadd.f32 v6, v8;
	v6 =	vmul.f32 v14, v3  }
0x101: {  	v45 =	vld [tilespmem:s1+$0xD030];
	[tilespmem:s28+$0x2440] =	vst v4;
	v4 =	vadd.f32 v12, v7  }
0x102: {  	v46 =	vld [tilespmem:s1+$0xD040];
	[tilespmem:s28+$0x2450] =	vst v5;
	v5 =	vadd.f32 v11, v6  }
0x103: {  	v47 =	vld [tilespmem:s1+$0xD050];
	[tilespmem:s28+$0x2460] =	vst v4  }
0x104: {  	v48 =	vld [tilespmem:s1+$0xD060];
	[tilespmem:s28+$0x2470] =	vst v5;
	s28 =	smov.u32 s1  }
0x105: {  	v49 =	vld [tilespmem:s28+$0xD070]  }
0x106: {  	v41 =	vld [tilespmem:s28+$0xD400]  }
0x107: {  	v40 =	vld [tilespmem:s28+$0xD410]  }
0x108: {  	v39 =	vld [tilespmem:s28+$0xD420]  }
0x109: {  	v38 =	vld [tilespmem:s28+$0xD430]  }
0x10a: {  	v37 =	vld [tilespmem:s28+$0xD440]  }
0x10b: {  	v36 =	vld [tilespmem:s28+$0xD450]  }
0x10c: {  	v35 =	vld [tilespmem:s28+$0xD460]  }
0x10d: {  	v34 =	vld [tilespmem:s28+$0xD470]  }
0x10e: {  	v33 =	vld [tilespmem:s28+$0xD800]  }
0x10f: {  	v32 =	vld [tilespmem:s28+$0xD810]  }
0x110: {  	v31 =	vld [tilespmem:s28+$0xD820]  }
0x111: {  	v30 =	vld [tilespmem:s28+$0xD830]  }
0x112: {  	v29 =	vld [tilespmem:s28+$0xD840]  }
0x113: {  	v28 =	vld [tilespmem:s28+$0xD850]  }
0x114: {  	v27 =	vld [tilespmem:s28+$0xD860]  }
0x115: {  	v26 =	vld [tilespmem:s28+$0xD870]  }
0x116: {  	v25 =	vld [tilespmem:s28+$0xDC00]  }
0x117: {  	v24 =	vld [tilespmem:s28+$0xDC10]  }
0x118: {  	v23 =	vld [tilespmem:s28+$0xDC20]  }
0x119: {  	v22 =	vld [tilespmem:s28+$0xDC30]  }
0x11a: {  	v21 =	vld [tilespmem:s28+$0xDC40]  }
0x11b: {  	v20 =	vld [tilespmem:s28+$0xDC50]  }
0x11c: {  	v19 =	vld [tilespmem:s28+$0xDC60]  }
0x11d: {  	v18 =	vld [tilespmem:s28+$0xDC70]  }
0x11e: {  	v17 =	vld [tilespmem:s28+$0xE000]  }
0x11f: {  	v16 =	vld [tilespmem:s28+$0xE010]  }
0x120: {  	v15 =	vld [tilespmem:s28+$0xE020]  }
0x121: {  	v14 =	vld [tilespmem:s28+$0xE030]  }
0x122: {  	v13 =	vld [tilespmem:s28+$0xE040]  }
0x123: {  	v12 =	vld [tilespmem:s28+$0xE050]  }
0x124: {  	v11 =	vld [tilespmem:s28+$0xE060]  }
0x125: {  	v10 =	vld [tilespmem:s28+$0xE070]  }
0x126: {  	v9 =	vld [tilespmem:s28+$0xE400]  }
0x127: {  	v8 =	vld [tilespmem:s28+$0xE410]  }
0x128: {  	v7 =	vld [tilespmem:s28+$0xE420]  }
0x129: {  	v5 =	vld [tilespmem:s28+$0xE430]  }
0x12a: {  	v4 =	vld [tilespmem:s28+$0xE440]  }
0x12b: {  	v6 =	vld [tilespmem:s28+$0xE450]  }
0x12c: {  	v50 =	vld [tilespmem:s28+$0x1000]  }
0x12d: {  	v51 =	vld [tilespmem:s28+$0x1010]  }
0x12e: {  	v52 =	vld [tilespmem:s28+$0x1020]  }
0x12f: {  	v53 =	vld [tilespmem:s28+$0x1030]  }
0x130: {  	v54 =	vld [tilespmem:s28+$0x1040]  }
0x131: {  	v50 =	vmul.f32 v50, v3;
	v55 =	vld [tilespmem:s28+$0x1050]  }
0x132: {  	v51 =	vmul.f32 v51, v3;
	v56 =	vld [tilespmem:s28+$0x1060]  }
0x133: {  	v42 =	vadd.f32 v42, v50;
	v50 =	vmul.f32 v52, v3;
	v52 =	vld [tilespmem:s28+$0x1070]  }
0x134: {  	v43 =	vadd.f32 v43, v51;
	v51 =	vmul.f32 v53, v3;
	v53 =	vld [tilespmem:s28+$0x1400]  }
0x135: {  	[tilespmem:s28+$0x1000] =	vst v42;
	v42 =	vadd.f32 v44, v50;
	v44 =	vmul.f32 v54, v3;
	v50 =	vld [tilespmem:s28+$0x1410]  }
0x136: {  	[tilespmem:s28+$0x1010] =	vst v43;
	v43 =	vadd.f32 v45, v51;
	v45 =	vmul.f32 v55, v3;
	v51 =	vld [tilespmem:s28+$0x1420]  }
0x137: {  	[tilespmem:s28+$0x1020] =	vst v42;
	v42 =	vadd.f32 v46, v44;
	v44 =	vmul.f32 v56, v3;
	v46 =	vld [tilespmem:s28+$0x1430]  }
0x138: {  	[tilespmem:s28+$0x1030] =	vst v43;
	v43 =	vadd.f32 v47, v45;
	v45 =	vmul.f32 v52, v3;
	v47 =	vld [tilespmem:s28+$0x1440]  }
0x139: {  	[tilespmem:s28+$0x1040] =	vst v42;
	v42 =	vadd.f32 v48, v44;
	v44 =	vmul.f32 v53, v3;
	v48 =	vld [tilespmem:s28+$0x1450]  }
0x13a: {  	[tilespmem:s28+$0x1050] =	vst v43;
	v43 =	vadd.f32 v49, v45;
	v45 =	vmul.f32 v50, v3;
	v49 =	vld [tilespmem:s28+$0x1460]  }
0x13b: {  	[tilespmem:s28+$0x1060] =	vst v42;
	v41 =	vadd.f32 v41, v44;
	v42 =	vmul.f32 v51, v3;
	v44 =	vld [tilespmem:s28+$0x1470]  }
0x13c: {  	[tilespmem:s28+$0x1070] =	vst v43;
	v40 =	vadd.f32 v40, v45;
	v43 =	vmul.f32 v46, v3;
	v45 =	vld [tilespmem:s28+$0x1800]  }
0x13d: {  	[tilespmem:s28+$0x1400] =	vst v41;
	v39 =	vadd.f32 v39, v42;
	v41 =	vmul.f32 v47, v3;
	v42 =	vld [tilespmem:s28+$0x1810]  }
0x13e: {  	[tilespmem:s28+$0x1410] =	vst v40;
	v38 =	vadd.f32 v38, v43;
	v40 =	vmul.f32 v48, v3;
	v43 =	vld [tilespmem:s28+$0x1820]  }
0x13f: {  	[tilespmem:s28+$0x1420] =	vst v39;
	v37 =	vadd.f32 v37, v41;
	v39 =	vmul.f32 v49, v3;
	v41 =	vld [tilespmem:s28+$0x1830]  }
0x140: {  	[tilespmem:s28+$0x1430] =	vst v38;
	v36 =	vadd.f32 v36, v40;
	v38 =	vmul.f32 v44, v3;
	v40 =	vld [tilespmem:s28+$0x1840]  }
0x141: {  	[tilespmem:s28+$0x1440] =	vst v37;
	v35 =	vadd.f32 v35, v39;
	v37 =	vmul.f32 v45, v3;
	v39 =	vld [tilespmem:s28+$0x1850]  }
0x142: {  	[tilespmem:s28+$0x1450] =	vst v36;
	v34 =	vadd.f32 v34, v38;
	v36 =	vmul.f32 v42, v3;
	v38 =	vld [tilespmem:s28+$0x1860]  }
0x143: {  	[tilespmem:s28+$0x1460] =	vst v35;
	v33 =	vadd.f32 v33, v37;
	v35 =	vmul.f32 v43, v3;
	v37 =	vld [tilespmem:s28+$0x1870]  }
0x144: {  	[tilespmem:s28+$0x1470] =	vst v34;
	v32 =	vadd.f32 v32, v36;
	v34 =	vmul.f32 v41, v3;
	v36 =	vld [tilespmem:s28+$0x1C00]  }
0x145: {  	[tilespmem:s28+$0x1800] =	vst v33;
	v31 =	vadd.f32 v31, v35;
	v33 =	vmul.f32 v40, v3;
	v35 =	vld [tilespmem:s28+$0x1C10]  }
0x146: {  	[tilespmem:s28+$0x1810] =	vst v32;
	v30 =	vadd.f32 v30, v34;
	v32 =	vmul.f32 v39, v3;
	v34 =	vld [tilespmem:s28+$0x1C20]  }
0x147: {  	[tilespmem:s28+$0x1820] =	vst v31;
	v29 =	vadd.f32 v29, v33;
	v31 =	vmul.f32 v38, v3;
	v33 =	vld [tilespmem:s28+$0x1C30]  }
0x148: {  	[tilespmem:s28+$0x1830] =	vst v30;
	v28 =	vadd.f32 v28, v32;
	v30 =	vmul.f32 v37, v3;
	v32 =	vld [tilespmem:s28+$0x1C40]  }
0x149: {  	[tilespmem:s28+$0x1840] =	vst v29;
	v27 =	vadd.f32 v27, v31;
	v29 =	vmul.f32 v36, v3;
	v31 =	vld [tilespmem:s28+$0x1C50]  }
0x14a: {  	[tilespmem:s28+$0x1850] =	vst v28;
	v26 =	vadd.f32 v26, v30;
	v28 =	vmul.f32 v35, v3;
	v30 =	vld [tilespmem:s28+$0x1C60]  }
0x14b: {  	[tilespmem:s28+$0x1860] =	vst v27;
	v25 =	vadd.f32 v25, v29;
	v27 =	vmul.f32 v34, v3;
	v29 =	vld [tilespmem:s28+$0x1C70]  }
0x14c: {  	[tilespmem:s28+$0x1870] =	vst v26;
	v24 =	vadd.f32 v24, v28;
	v26 =	vmul.f32 v33, v3;
	v28 =	vld [tilespmem:s28+$0x2000]  }
0x14d: {  	[tilespmem:s28+$0x1C00] =	vst v25;
	v23 =	vadd.f32 v23, v27;
	v25 =	vmul.f32 v32, v3;
	v27 =	vld [tilespmem:s28+$0x2010]  }
0x14e: {  	[tilespmem:s28+$0x1C10] =	vst v24;
	v22 =	vadd.f32 v22, v26;
	v24 =	vmul.f32 v31, v3;
	v26 =	vld [tilespmem:s28+$0x2020]  }
0x14f: {  	[tilespmem:s28+$0x1C20] =	vst v23;
	v21 =	vadd.f32 v21, v25;
	v23 =	vmul.f32 v30, v3;
	v25 =	vld [tilespmem:s28+$0x2030]  }
0x150: {  	[tilespmem:s28+$0x1C30] =	vst v22;
	v20 =	vadd.f32 v20, v24;
	v22 =	vmul.f32 v29, v3;
	v24 =	vld [tilespmem:s28+$0x2040]  }
0x151: {  	[tilespmem:s28+$0x1C40] =	vst v21;
	v19 =	vadd.f32 v19, v23;
	v21 =	vmul.f32 v28, v3;
	v23 =	vld [tilespmem:s28+$0x2050]  }
0x152: {  	[tilespmem:s28+$0x1C50] =	vst v20;
	v20 =	vadd.f32 v18, v22;
	v22 =	vmul.f32 v27, v3;
	v27 =	vld [tilespmem:s28+$0x2060]  }
.Ltmp0:
0x153: {  	[tilespmem:s28+$0x1C60] =	vst v19;
	v19 =	vadd.f32 v17, v21;
	v21 =	vmul.f32 v26, v3;
	v18 =	vld [tilespmem:s28+$0x2070];
	(pc) =	sbr.rel @p0 .LBB2_3-.Ltmp0, $4  }
0x154: {  	[tilespmem:s28+$0x1C70] =	vst v20;
	v20 =	vadd.f32 v16, v22;
	v22 =	vmul.f32 v25, v3;
	v17 =	vld [tilespmem:s28+$0x2400]  }
0x155: {  	[tilespmem:s28+$0x2000] =	vst v19;
	v21 =	vadd.f32 v15, v21;
	v24 =	vmul.f32 v24, v3;
	v16 =	vld [tilespmem:s28+$0x2410]  }
0x156: {  	[tilespmem:s28+$0x2010] =	vst v20;
	v19 =	vadd.f32 v14, v22;
	v20 =	vmul.f32 v23, v3;
	v15 =	vld [tilespmem:s28+$0x2420]  }
0x157: {  	s29 =	sadd.s32 $0x1, s29;
	[tilespmem:s28+$0x2020] =	vst v21;
	v21 =	vadd.f32 v13, v24;
	v14 =	vmul.f32 v27, v3;
	v13 =	vld [tilespmem:s28+$0x2430]  }
0x158: {  	v12 =	vadd.f32 v12, v20;
	v18 =	vmul.f32 v18, v3  }
0x159: {  	[tilespmem:s28+$0x2030] =	vst v19;
	v19 =	vld [tilespmem:s28+$0x2440];
	v11 =	vadd.f32 v11, v14  }
0x15a: {  	v20 =	vld [tilespmem:s28+$0x2450];
	v14 =	vmul.f32 v17, v3;
	[tilespmem:s28+$0x2050] =	vst v12;
	v10 =	vadd.f32 v10, v18  }
0x15b: {  	v12 =	vld [tilespmem:s28+$0x2460];
	v16 =	vmul.f32 v16, v3;
	[tilespmem:s28+$0x2060] =	vst v11  }
0x15c: {  	v11 =	vld [tilespmem:s28+$0x2470];
	v9 =	vadd.f32 v9, v14;
	[tilespmem:s28+$0x2070] =	vst v10;
	v10 =	vmul.f32 v15, v3  }
0x15d: {  	[tilespmem:s28+$0x2040] =	vst v21;
	v14 =	vld [tilespmem:s28+$0xE460];
	v8 =	vadd.f32 v8, v16;
	v13 =	vmul.f32 v13, v3  }
0x15e: {  	[tilespmem:s28+$0x2400] =	vst v9;
	v9 =	vmul.f32 v19, v3;
	v7 =	vadd.f32 v7, v10;
	v10 =	vld [tilespmem:s28+$0xE470]  }
0x15f: {  	[tilespmem:s28+$0x2410] =	vst v8;
	v5 =	vadd.f32 v5, v13;
	v8 =	vmul.f32 v20, v3  }
0x160: {  	v4 =	vadd.f32 v4, v9;
	[tilespmem:s28+$0x2420] =	vst v7;
	v7 =	vmul.f32 v12, v3  }
0x161: {  	s1 =	sor.u32 s7, s9;
	[tilespmem:s28+$0x2430] =	vst v5;
	v5 =	vadd.f32 v6, v8;
	v6 =	vmul.f32 v11, v3  }
0x162: {  	s1 =	sshrl.u32 s1, $0x3;
	[tilespmem:s28+$0x2440] =	vst v4;
	v4 =	vadd.f32 v14, v7  }
0x163: {  	s16 =	smul.u32 $0x300, s1;
	[tilespmem:s28+$0x2450] =	vst v5;
	v5 =	vadd.f32 v10, v6  }
0x164: {  	[tilespmem:s28+$0x2460] =	vst v4  }
0x165: {  	p0 =	seq.s32 s8, $0x0;
	s1 =	sadd.s32 s3, s16;
	[tilespmem:s28+$0x2470] =	vst v5  }
0x166: {  	[hbm4b:s1+s4] =	stream.linear.scatter [tilespmem:s18], [sflag:$0x9], $0x3000, $0x38;
	[tilespmem:$0x19080] =	vst v63  }
0x167: {  	s1 =	simm.s32 @!p0 $0xC  }
0x168: {  	_ =	swait.ge @!p0 [sflag:s1], $0x3000  }
0x169: {  	[sflag:s1] =	ssyncset.done @!p0 $0x0  }
0x16a: {  	s0 =	sor.u32 $0x30, s9;
	[sflag:s1] =	ssyncadd.s32 @!p0 $0xFFFFD000  }
0x16b: {  	v4 =	vld [tilespmem:s0+$0x0];
	_ =	sdelay $0x4  }
0x16c: {  	v5 =	vshrl.u32 v4, $0x3  }
0x16d: {  	v5 =	vmul.u32 $0x30, v5  }
0x16e: {  	v4 =	vand.u32 $0x7, v4  }
0x16f: {  	v4 =	vor.u32 v4, v5  }
0x170: {  	v5 =	vperm.xlane v4, v0;
	_ =	sdelay $0x1  }
0x171: {  	v5 =	vadd.s32 v1, v5;
	_ =	sdelay $0x3  }
0x172: {  	s29 =	simm.s32 $0x0;
	v4 =	vperm.xlane v4, v2  }
0x173: {  	[tilespmem:s25], [sflag:$0x4] =	stream.indirect_vreg.gather [hbm4b:s2+s29], $0x80, v5, vm0, $0xb8;
	[tilespmem:$0x19080] =	vst v63  }
0x174: {  	s0 =	simm.s32 $0xA800;
	v4 =	vadd.s32 v1, v4  }
0x175: {  	[tilespmem:s0], [sflag:$0x4] =	stream.indirect_vreg.gather [hbm4b:s10+s29], $0x80, v5, vm0, $0xb8;
	[tilespmem:$0x19080] =	vst v63  }
0x176: {  	s1 =	simm.s32 $0xB000  }
0x177: {  	[tilespmem:s1], [sflag:$0x4] =	stream.indirect_vreg.gather [hbm4b:s11+s29], $0x80, v5, vm0, $0xb8;
	[tilespmem:$0x19080] =	vst v63  }
0x178: {  	s1 =	simm.s32 $0xB800  }
0x179: {  	[tilespmem:s1], [sflag:$0x4] =	stream.indirect_vreg.gather [hbm4b:s2+s29], $0x80, v4, vm0, $0xb8;
	[tilespmem:$0x19080] =	vst v63  }
0x17a: {  	s1 =	simm.s32 $0xC000  }
0x17b: {  	[tilespmem:s1], [sflag:$0x4] =	stream.indirect_vreg.gather [hbm4b:s10+s29], $0x80, v4, vm0, $0xb8;
	[tilespmem:$0x19080] =	vst v63  }
0x17c: {  	s1 =	simm.s32 $0xC800  }
0x17d: {  	[tilespmem:s1], [sflag:$0x4] =	stream.indirect_vreg.gather [hbm4b:s11+s29], $0x80, v4, vm0, $0xb8;
	[tilespmem:$0x19080] =	vst v63  }
0x17e: {  	v4 =	vld [tilespmem:s9+$0x830];
	_ =	sdelay $0x4  }
0x17f: {  	v5 =	vshrl.u32 v4, $0x3  }
0x180: {  	v5 =	vmul.u32 $0x30, v5  }
0x181: {  	v4 =	vand.u32 $0x7, v4  }
0x182: {  	v4 =	vor.u32 v4, v5  }
0x183: {  	v5 =	vperm.xlane v4, v0;
	_ =	sdelay $0x1  }
0x184: {  	v5 =	vadd.s32 v1, v5;
	_ =	sdelay $0x3  }
0x185: {  	s1 =	simm.s32 $0x16000;
	v4 =	vperm.xlane v4, v2  }
0x186: {  	[tilespmem:s1], [sflag:$0x8] =	stream.indirect_vreg.gather [hbm4b:s5+s29], $0x80, v5, vm0, $0xb8;
	[tilespmem:$0x19080] =	vst v63  }
0x187: {  	v4 =	vadd.s32 v1, v4;
	s1 =	simm.s32 $0x16800  }
0x188: {  	[tilespmem:s1], [sflag:$0x8] =	stream.indirect_vreg.gather [hbm4b:s12+s29], $0x80, v5, vm0, $0xb8;
	[tilespmem:$0x19080] =	vst v63  }
0x189: {  	s1 =	simm.s32 $0x17000  }
0x18a: {  	[tilespmem:s1], [sflag:$0x8] =	stream.indirect_vreg.gather [hbm4b:s13+s29], $0x80, v5, vm0, $0xb8;
	[tilespmem:$0x19080] =	vst v63  }
0x18b: {  	s1 =	simm.s32 $0x17800  }
0x18c: {  	[tilespmem:s1], [sflag:$0x8] =	stream.indirect_vreg.gather [hbm4b:s5+s29], $0x80, v4, vm0, $0xb8;
	[tilespmem:$0x19080] =	vst v63  }
0x18d: {  	s1 =	simm.s32 $0x18000  }
0x18e: {  	[tilespmem:s1], [sflag:$0x8] =	stream.indirect_vreg.gather [hbm4b:s12+s29], $0x80, v4, vm0, $0xb8;
	[tilespmem:$0x19080] =	vst v63  }
0x18f: {  	_ = 	snop  }
0x190: {  	[tilespmem:s15], [sflag:$0x8] =	stream.indirect_vreg.gather [hbm4b:s13+s29], $0x80, v4, vm0, $0xb8;
	[tilespmem:$0x19080] =	vst v63  }
0x191: {  	_ =	swait.ge [sflag:s17], $0x3000  }
0x192: {  	[sflag:s17] =	ssyncset.done $0x0  }
0x193: {  	s0 =	simm.s32 $0x0;
	[sflag:s17] =	ssyncadd.s32 $0xFFFFD000  }
0x194: {  	s1 =	smul.u32 $0x1800, s0;
	_ =	swait.ge [sflag:s19], $0x3000  }
0x195: {  	s28 =	sand.u32 $0x380, s29;
	[sflag:s19] =	ssyncset.done $0x0  }
0x196: {  	s28 =	sor.u32 s28, s1;
	[sflag:s19] =	ssyncadd.s32 $0xFFFFD000  }
0x197: {  	v6 =	vld [tilespmem:s28+$0x10000]  }
0x198: {  	v25 =	vld [tilespmem:s28+$0x10010]  }
0x199: {  	v26 =	vld [tilespmem:s28+$0x10020]  }
0x19a: {  	v27 =	vld [tilespmem:s28+$0x10030]  }
0x19b: {  	v28 =	vld [tilespmem:s28+$0x10040]  }
0x19c: {  	v29 =	vld [tilespmem:s28+$0x10050]  }
0x19d: {  	v30 =	vld [tilespmem:s28+$0x10060]  }
0x19e: {  	v31 =	vld [tilespmem:s28+$0x10070]  }
0x19f: {  	v32 =	vld [tilespmem:s28+$0x10400]  }
0x1a0: {  	v33 =	vld [tilespmem:s28+$0x10410]  }
0x1a1: {  	v34 =	vld [tilespmem:s28+$0x10420]  }
0x1a2: {  	v35 =	vld [tilespmem:s28+$0x10430]  }
0x1a3: {  	v36 =	vld [tilespmem:s28+$0x10440]  }
0x1a4: {  	v37 =	vld [tilespmem:s28+$0x10450]  }
0x1a5: {  	v38 =	vld [tilespmem:s28+$0x10460]  }
0x1a6: {  	v39 =	vld [tilespmem:s28+$0x10470]  }
0x1a7: {  	v40 =	vld [tilespmem:s28+$0x10800]  }
0x1a8: {  	v41 =	vld [tilespmem:s28+$0x10810]  }
0x1a9: {  	v42 =	vld [tilespmem:s28+$0x10820]  }
0x1aa: {  	v43 =	vld [tilespmem:s28+$0x10830]  }
0x1ab: {  	v44 =	vld [tilespmem:s28+$0x10840]  }
0x1ac: {  	v45 =	vld [tilespmem:s28+$0x10850]  }
0x1ad: {  	v46 =	vld [tilespmem:s28+$0x10860]  }
0x1ae: {  	v47 =	vld [tilespmem:s28+$0x10870]  }
0x1af: {  	v48 =	vld [tilespmem:s28+$0x10C00]  }
0x1b0: {  	v24 =	vld [tilespmem:s28+$0x10C10]  }
0x1b1: {  	v23 =	vld [tilespmem:s28+$0x10C20]  }
0x1b2: {  	v22 =	vld [tilespmem:s28+$0x10C30]  }
0x1b3: {  	v21 =	vld [tilespmem:s28+$0x10C40]  }
0x1b4: {  	v20 =	vld [tilespmem:s28+$0x10C50]  }
0x1b5: {  	v19 =	vld [tilespmem:s28+$0x10C60]  }
0x1b6: {  	v18 =	vld [tilespmem:s28+$0x10C70]  }
0x1b7: {  	v17 =	vld [tilespmem:s28+$0x11000]  }
0x1b8: {  	v16 =	vld [tilespmem:s28+$0x11010]  }
0x1b9: {  	v15 =	vld [tilespmem:s28+$0x11020]  }
0x1ba: {  	v14 =	vld [tilespmem:s28+$0x11030]  }
0x1bb: {  	v13 =	vld [tilespmem:s28+$0x11040]  }
0x1bc: {  	v12 =	vld [tilespmem:s28+$0x11050]  }
0x1bd: {  	v11 =	vld [tilespmem:s28+$0x11060]  }
0x1be: {  	v10 =	vld [tilespmem:s28+$0x11070]  }
0x1bf: {  	v9 =	vld [tilespmem:s28+$0x11400]  }
0x1c0: {  	v8 =	vld [tilespmem:s28+$0x11410]  }
0x1c1: {  	v7 =	vld [tilespmem:s28+$0x11420]  }
0x1c2: {  	v5 =	vld [tilespmem:s28+$0x11430]  }
0x1c3: {  	v4 =	vld [tilespmem:s28+$0x11440]  }
0x1c4: {  	v49 =	vld [tilespmem:s28+$0x4000]  }
0x1c5: {  	v50 =	vld [tilespmem:s28+$0x4010]  }
0x1c6: {  	v51 =	vld [tilespmem:s28+$0x4020]  }
0x1c7: {  	v52 =	vld [tilespmem:s28+$0x4030]  }
0x1c8: {  	v53 =	vld [tilespmem:s28+$0x4040]  }
0x1c9: {  	v54 =	vld [tilespmem:s28+$0x4050]  }
0x1ca: {  	v55 =	vld [tilespmem:s28+$0x4060];
	v49 =	vmul.f32 v49, v3  }
0x1cb: {  	v56 =	vld [tilespmem:s28+$0x4070];
	v50 =	vmul.f32 v50, v3  }
0x1cc: {  	v59 =	vld [tilespmem:s28+$0x4410];
	v51 =	vmul.f32 v51, v3;
	v49 =	vadd.f32 v6, v49  }
0x1cd: {  	v63 =	vmul.f32 v52, v3;
	v52 =	vld [tilespmem:s28+$0x4400];
	v25 =	vadd.f32 v25, v50  }
0x1ce: {  	v53 =	vmul.f32 v53, v3;
	v58 =	vmul.f32 v54, v3;
	v54 =	vld [tilespmem:s28+$0x4430];
	v26 =	vadd.f32 v26, v51;
	[tilespmem:s28+$0x4000] =	vst v49  }
0x1cf: {  	v61 =	vmul.f32 v55, v3;
	v55 =	vld [tilespmem:s28+$0x4440];
	v57 =	vadd.f32 v27, v63;
	[tilespmem:s28+$0x4010] =	vst v25  }
0x1d0: {  	v6 =	vld [tilespmem:s28+$0x11450];
	v60 =	vadd.f32 v28, v53;
	[tilespmem:s28+$0x4020] =	vst v26  }
0x1d1: {  	v62 =	vadd.f32 v29, v58;
	v63 =	vmul.f32 v56, v3;
	v58 =	vld [tilespmem:s28+$0x4450];
	[tilespmem:s28+$0x4030] =	vst v57  }
0x1d2: {  	v51 =	vadd.f32 v30, v61;
	v56 =	vmul.f32 v59, v3;
	v61 =	vld [tilespmem:s28+$0x4820];
	[tilespmem:s28+$0x4040] =	vst v60  }
0x1d3: {  	v49 =	vld [tilespmem:s28+$0x4420];
	[tilespmem:s28+$0x4050] =	vst v62;
	v53 =	vadd.f32 v31, v63;
	v52 =	vmul.f32 v52, v3  }
0x1d4: {  	[tilespmem:s28+$0x4060] =	vst v51;
	v30 =	vadd.f32 v33, v56;
	v60 =	vld [tilespmem:s28+$0x4460];
	v27 =	vmul.f32 v54, v3  }
0x1d5: {  	v62 =	vld [tilespmem:s28+$0x4470];
	v26 =	vmul.f32 v55, v3;
	[tilespmem:s28+$0x4070] =	vst v53;
	v28 =	vadd.f32 v32, v52  }
0x1d6: {  	v57 =	vld [tilespmem:s28+$0x4800];
	[tilespmem:s28+$0x4410] =	vst v30;
	v27 =	vadd.f32 v35, v27;
	v31 =	vmul.f32 v58, v3  }
0x1d7: {  	v59 =	vld [tilespmem:s28+$0x4810];
	v26 =	vadd.f32 v36, v26;
	v30 =	vmul.f32 v61, v3;
	[tilespmem:s28+$0x4400] =	vst v28  }
0x1d8: {  	v54 =	vld [tilespmem:s28+$0x4C40];
	v29 =	vmul.f32 v49, v3;
	[tilespmem:s28+$0x4430] =	vst v27;
	v31 =	vadd.f32 v37, v31  }
0x1d9: {  	v53 =	vld [tilespmem:s28+$0x4C30];
	v32 =	vmul.f32 v60, v3;
	[tilespmem:s28+$0x4440] =	vst v26;
	v30 =	vadd.f32 v42, v30  }
0x1da: {  	v36 =	vld [tilespmem:s28+$0x4840];
	v33 =	vmul.f32 v62, v3;
	v29 =	vadd.f32 v34, v29;
	[tilespmem:s28+$0x4450] =	vst v31  }
0x1db: {  	v63 =	vld [tilespmem:s28+$0x4830];
	v25 =	vmul.f32 v57, v3;
	v32 =	vadd.f32 v38, v32;
	[tilespmem:s28+$0x4820] =	vst v30  }
0x1dc: {  	v50 =	vld [tilespmem:s28+$0x4C00];
	v28 =	vmul.f32 v59, v3;
	v33 =	vadd.f32 v39, v33;
	[tilespmem:s28+$0x4420] =	vst v29  }
0x1dd: {  	v51 =	vld [tilespmem:s28+$0x4C10];
	v61 =	vmul.f32 v54, v3;
	v25 =	vadd.f32 v40, v25;
	[tilespmem:s28+$0x4460] =	vst v32  }
0x1de: {  	v37 =	vld [tilespmem:s28+$0x4850];
	v28 =	vadd.f32 v41, v28;
	v30 =	vmul.f32 v53, v3;
	[tilespmem:s28+$0x4470] =	vst v33  }
0x1df: {  	v52 =	vld [tilespmem:s28+$0x4C20];
	v27 =	vmul.f32 v36, v3;
	v21 =	vadd.f32 v21, v61;
	[tilespmem:s28+$0x4800] =	vst v25  }
0x1e0: {  	v55 =	vld [tilespmem:s28+$0x4C50];
	v29 =	vmul.f32 v63, v3;
	[tilespmem:s28+$0x4810] =	vst v28;
	v22 =	vadd.f32 v22, v30  }
0x1e1: {  	v49 =	vld [tilespmem:s28+$0x4870];
	v33 =	vmul.f32 v50, v3;
	v27 =	vadd.f32 v44, v27;
	[tilespmem:s28+$0x4C40] =	vst v21  }
0x1e2: {  	v56 =	vld [tilespmem:s28+$0x4C60];
	v25 =	vmul.f32 v51, v3;
	v29 =	vadd.f32 v43, v29;
	[tilespmem:s28+$0x4C30] =	vst v22  }
0x1e3: {  	v38 =	vld [tilespmem:s28+$0x4860];
	v26 =	vmul.f32 v37, v3;
	v33 =	vadd.f32 v48, v33;
	[tilespmem:s28+$0x4840] =	vst v27  }
0x1e4: {  	v58 =	vld [tilespmem:s28+$0x5000];
	v28 =	vmul.f32 v52, v3;
	v24 =	vadd.f32 v24, v25;
	[tilespmem:s28+$0x4830] =	vst v29  }
0x1e5: {  	v57 =	vld [tilespmem:s28+$0x4C70];
	v26 =	vadd.f32 v45, v26;
	v27 =	vmul.f32 v55, v3;
	[tilespmem:s28+$0x4C00] =	vst v33  }
0x1e6: {  	v59 =	vld [tilespmem:s28+$0x5010];
	v32 =	vmul.f32 v49, v3;
	v23 =	vadd.f32 v23, v28;
	[tilespmem:s28+$0x4C10] =	vst v24  }
0x1e7: {  	v60 =	vld [tilespmem:s28+$0x5020];
	[tilespmem:s28+$0x4850] =	vst v26;
	v26 =	vmul.f32 v56, v3;
	v20 =	vadd.f32 v20, v27  }
0x1e8: {  	v31 =	vmul.f32 v38, v3;
	v32 =	vadd.f32 v47, v32;
	[tilespmem:s28+$0x4C20] =	vst v23;
	v23 =	vld [tilespmem:s28+$0x5030]  }
0x1e9: {  	v22 =	vld [tilespmem:s28+$0x5040];
	v19 =	vadd.f32 v19, v26;
	[tilespmem:s28+$0x4C50] =	vst v20;
	v20 =	vmul.f32 v58, v3  }
0x1ea: {  	v21 =	vld [tilespmem:s28+$0x5050];
	v62 =	vmul.f32 v57, v3;
	v31 =	vadd.f32 v46, v31;
	[tilespmem:s28+$0x4870] =	vst v32  }
0x1eb: {  	v63 =	vld [tilespmem:s28+$0x5060];
	[tilespmem:s28+$0x4C60] =	vst v19;
	v19 =	vmul.f32 v59, v3;
	v20 =	vadd.f32 v17, v20  }
0x1ec: {  	v24 =	vmul.f32 v60, v3;
	v27 =	vadd.f32 v18, v62;
	v18 =	vld [tilespmem:s28+$0x5070];
	[tilespmem:s28+$0x4860] =	vst v31  }
0x1ed: {  	v17 =	vld [tilespmem:s28+$0x5400];
	v19 =	vadd.f32 v16, v19;
	[tilespmem:s28+$0x5000] =	vst v20;
	v20 =	vmul.f32 v23, v3  }
0x1ee: {  	[tilespmem:s28+$0x4C70] =	vst v27;
	v22 =	vmul.f32 v22, v3;
	v16 =	vld [tilespmem:s28+$0x5410];
	v23 =	vadd.f32 v15, v24  }
0x1ef: {  	v15 =	vld [tilespmem:s28+$0x5420];
	[tilespmem:s28+$0x5010] =	vst v19;
	v19 =	vadd.f32 v14, v20;
	v20 =	vmul.f32 v21, v3  }
0x1f0: {  	s30 =	simm.s32 $0x1;
	[tilespmem:s28+$0x5020] =	vst v23;
	v21 =	vadd.f32 v13, v22;
	v14 =	vmul.f32 v63, v3;
	v13 =	vld [tilespmem:s28+$0x5430]  }
.LBB2_5:
0x1f1: {  	p0 =	sne.s32 s30, $0xF;
	[tilespmem:s28+$0x5030] =	vst v19;
	v12 =	vadd.f32 v12, v20;
	v18 =	vmul.f32 v18, v3;
	v19 =	vld [tilespmem:s28+$0x5440]  }
0x1f2: {  	[tilespmem:s28+$0x5040] =	vst v21;
	v11 =	vadd.f32 v11, v14;
	v14 =	vmul.f32 v17, v3;
	v17 =	vld [tilespmem:s28+$0x5450]  }
0x1f3: {  	s1 =	sshrl.u32 s30, $0x3;
	[tilespmem:s28+$0x5050] =	vst v12;
	v10 =	vadd.f32 v10, v18;
	v12 =	vmul.f32 v16, v3;
	v16 =	vld [tilespmem:s28+$0x5460]  }
0x1f4: {  	s29 =	sadd.s32 $0x80, s29;
	s1 =	smul.u32 $0x1800, s1;
	[tilespmem:s28+$0x5060] =	vst v11;
	v9 =	vadd.f32 v9, v14;
	v11 =	vmul.f32 v15, v3;
	v14 =	vld [tilespmem:s28+$0x5470]  }
0x1f5: {  	s0 =	sand.u32 $0x380, s29;
	[tilespmem:s28+$0x5070] =	vst v10;
	v8 =	vadd.f32 v8, v12;
	v10 =	vmul.f32 v13, v3;
	v12 =	vld [tilespmem:s28+$0x11460]  }
0x1f6: {  	s0 =	sor.u32 s0, s1;
	[tilespmem:s28+$0x5400] =	vst v9;
	v7 =	vadd.f32 v7, v11;
	v9 =	vmul.f32 v19, v3;
	v11 =	vld [tilespmem:s28+$0x11470]  }
0x1f7: {  	v42 =	vld [tilespmem:s0+$0x10000];
	[tilespmem:s28+$0x5410] =	vst v8;
	v5 =	vadd.f32 v5, v10;
	v8 =	vmul.f32 v17, v3  }
0x1f8: {  	v43 =	vld [tilespmem:s0+$0x10010];
	[tilespmem:s28+$0x5420] =	vst v7;
	v4 =	vadd.f32 v4, v9;
	v7 =	vmul.f32 v16, v3  }
0x1f9: {  	v44 =	vld [tilespmem:s0+$0x10020];
	[tilespmem:s28+$0x5430] =	vst v5;
	v5 =	vadd.f32 v6, v8;
	v6 =	vmul.f32 v14, v3  }
0x1fa: {  	v45 =	vld [tilespmem:s0+$0x10030];
	[tilespmem:s28+$0x5440] =	vst v4;
	v4 =	vadd.f32 v12, v7  }
0x1fb: {  	v46 =	vld [tilespmem:s0+$0x10040];
	[tilespmem:s28+$0x5450] =	vst v5;
	v5 =	vadd.f32 v11, v6  }
0x1fc: {  	v47 =	vld [tilespmem:s0+$0x10050];
	[tilespmem:s28+$0x5460] =	vst v4  }
0x1fd: {  	v48 =	vld [tilespmem:s0+$0x10060];
	[tilespmem:s28+$0x5470] =	vst v5;
	s28 =	smov.u32 s0  }
0x1fe: {  	v49 =	vld [tilespmem:s28+$0x10070]  }
0x1ff: {  	v41 =	vld [tilespmem:s28+$0x10400]  }
0x200: {  	v40 =	vld [tilespmem:s28+$0x10410]  }
0x201: {  	v39 =	vld [tilespmem:s28+$0x10420]  }
0x202: {  	v38 =	vld [tilespmem:s28+$0x10430]  }
0x203: {  	v37 =	vld [tilespmem:s28+$0x10440]  }
0x204: {  	v36 =	vld [tilespmem:s28+$0x10450]  }
0x205: {  	v35 =	vld [tilespmem:s28+$0x10460]  }
0x206: {  	v34 =	vld [tilespmem:s28+$0x10470]  }
0x207: {  	v33 =	vld [tilespmem:s28+$0x10800]  }
0x208: {  	v32 =	vld [tilespmem:s28+$0x10810]  }
0x209: {  	v31 =	vld [tilespmem:s28+$0x10820]  }
0x20a: {  	v30 =	vld [tilespmem:s28+$0x10830]  }
0x20b: {  	v29 =	vld [tilespmem:s28+$0x10840]  }
0x20c: {  	v28 =	vld [tilespmem:s28+$0x10850]  }
0x20d: {  	v27 =	vld [tilespmem:s28+$0x10860]  }
0x20e: {  	v26 =	vld [tilespmem:s28+$0x10870]  }
0x20f: {  	v25 =	vld [tilespmem:s28+$0x10C00]  }
0x210: {  	v24 =	vld [tilespmem:s28+$0x10C10]  }
0x211: {  	v23 =	vld [tilespmem:s28+$0x10C20]  }
0x212: {  	v22 =	vld [tilespmem:s28+$0x10C30]  }
0x213: {  	v21 =	vld [tilespmem:s28+$0x10C40]  }
0x214: {  	v20 =	vld [tilespmem:s28+$0x10C50]  }
0x215: {  	v19 =	vld [tilespmem:s28+$0x10C60]  }
0x216: {  	v18 =	vld [tilespmem:s28+$0x10C70]  }
0x217: {  	v17 =	vld [tilespmem:s28+$0x11000]  }
0x218: {  	v16 =	vld [tilespmem:s28+$0x11010]  }
0x219: {  	v15 =	vld [tilespmem:s28+$0x11020]  }
0x21a: {  	v14 =	vld [tilespmem:s28+$0x11030]  }
0x21b: {  	v13 =	vld [tilespmem:s28+$0x11040]  }
0x21c: {  	v12 =	vld [tilespmem:s28+$0x11050]  }
0x21d: {  	v11 =	vld [tilespmem:s28+$0x11060]  }
0x21e: {  	v10 =	vld [tilespmem:s28+$0x11070]  }
0x21f: {  	v9 =	vld [tilespmem:s28+$0x11400]  }
0x220: {  	v8 =	vld [tilespmem:s28+$0x11410]  }
0x221: {  	v7 =	vld [tilespmem:s28+$0x11420]  }
0x222: {  	v5 =	vld [tilespmem:s28+$0x11430]  }
0x223: {  	v4 =	vld [tilespmem:s28+$0x11440]  }
0x224: {  	v6 =	vld [tilespmem:s28+$0x11450]  }
0x225: {  	v50 =	vld [tilespmem:s28+$0x4000]  }
0x226: {  	v51 =	vld [tilespmem:s28+$0x4010]  }
0x227: {  	v52 =	vld [tilespmem:s28+$0x4020]  }
0x228: {  	v53 =	vld [tilespmem:s28+$0x4030]  }
0x229: {  	v54 =	vld [tilespmem:s28+$0x4040]  }
0x22a: {  	v50 =	vmul.f32 v50, v3;
	v55 =	vld [tilespmem:s28+$0x4050]  }
0x22b: {  	v51 =	vmul.f32 v51, v3;
	v56 =	vld [tilespmem:s28+$0x4060]  }
0x22c: {  	v42 =	vadd.f32 v42, v50;
	v50 =	vmul.f32 v52, v3;
	v52 =	vld [tilespmem:s28+$0x4070]  }
0x22d: {  	v43 =	vadd.f32 v43, v51;
	v51 =	vmul.f32 v53, v3;
	v53 =	vld [tilespmem:s28+$0x4400]  }
0x22e: {  	[tilespmem:s28+$0x4000] =	vst v42;
	v42 =	vadd.f32 v44, v50;
	v44 =	vmul.f32 v54, v3;
	v50 =	vld [tilespmem:s28+$0x4410]  }
0x22f: {  	[tilespmem:s28+$0x4010] =	vst v43;
	v43 =	vadd.f32 v45, v51;
	v45 =	vmul.f32 v55, v3;
	v51 =	vld [tilespmem:s28+$0x4420]  }
0x230: {  	[tilespmem:s28+$0x4020] =	vst v42;
	v42 =	vadd.f32 v46, v44;
	v44 =	vmul.f32 v56, v3;
	v46 =	vld [tilespmem:s28+$0x4430]  }
0x231: {  	[tilespmem:s28+$0x4030] =	vst v43;
	v43 =	vadd.f32 v47, v45;
	v45 =	vmul.f32 v52, v3;
	v47 =	vld [tilespmem:s28+$0x4440]  }
0x232: {  	[tilespmem:s28+$0x4040] =	vst v42;
	v42 =	vadd.f32 v48, v44;
	v44 =	vmul.f32 v53, v3;
	v48 =	vld [tilespmem:s28+$0x4450]  }
0x233: {  	[tilespmem:s28+$0x4050] =	vst v43;
	v43 =	vadd.f32 v49, v45;
	v45 =	vmul.f32 v50, v3;
	v49 =	vld [tilespmem:s28+$0x4460]  }
0x234: {  	[tilespmem:s28+$0x4060] =	vst v42;
	v41 =	vadd.f32 v41, v44;
	v42 =	vmul.f32 v51, v3;
	v44 =	vld [tilespmem:s28+$0x4470]  }
0x235: {  	[tilespmem:s28+$0x4070] =	vst v43;
	v40 =	vadd.f32 v40, v45;
	v43 =	vmul.f32 v46, v3;
	v45 =	vld [tilespmem:s28+$0x4800]  }
0x236: {  	[tilespmem:s28+$0x4400] =	vst v41;
	v39 =	vadd.f32 v39, v42;
	v41 =	vmul.f32 v47, v3;
	v42 =	vld [tilespmem:s28+$0x4810]  }
0x237: {  	[tilespmem:s28+$0x4410] =	vst v40;
	v38 =	vadd.f32 v38, v43;
	v40 =	vmul.f32 v48, v3;
	v43 =	vld [tilespmem:s28+$0x4820]  }
0x238: {  	[tilespmem:s28+$0x4420] =	vst v39;
	v37 =	vadd.f32 v37, v41;
	v39 =	vmul.f32 v49, v3;
	v41 =	vld [tilespmem:s28+$0x4830]  }
0x239: {  	[tilespmem:s28+$0x4430] =	vst v38;
	v36 =	vadd.f32 v36, v40;
	v38 =	vmul.f32 v44, v3;
	v40 =	vld [tilespmem:s28+$0x4840]  }
0x23a: {  	[tilespmem:s28+$0x4440] =	vst v37;
	v35 =	vadd.f32 v35, v39;
	v37 =	vmul.f32 v45, v3;
	v39 =	vld [tilespmem:s28+$0x4850]  }
0x23b: {  	[tilespmem:s28+$0x4450] =	vst v36;
	v34 =	vadd.f32 v34, v38;
	v36 =	vmul.f32 v42, v3;
	v38 =	vld [tilespmem:s28+$0x4860]  }
0x23c: {  	[tilespmem:s28+$0x4460] =	vst v35;
	v33 =	vadd.f32 v33, v37;
	v35 =	vmul.f32 v43, v3;
	v37 =	vld [tilespmem:s28+$0x4870]  }
0x23d: {  	[tilespmem:s28+$0x4470] =	vst v34;
	v32 =	vadd.f32 v32, v36;
	v34 =	vmul.f32 v41, v3;
	v36 =	vld [tilespmem:s28+$0x4C00]  }
0x23e: {  	[tilespmem:s28+$0x4800] =	vst v33;
	v31 =	vadd.f32 v31, v35;
	v33 =	vmul.f32 v40, v3;
	v35 =	vld [tilespmem:s28+$0x4C10]  }
0x23f: {  	[tilespmem:s28+$0x4810] =	vst v32;
	v30 =	vadd.f32 v30, v34;
	v32 =	vmul.f32 v39, v3;
	v34 =	vld [tilespmem:s28+$0x4C20]  }
0x240: {  	[tilespmem:s28+$0x4820] =	vst v31;
	v29 =	vadd.f32 v29, v33;
	v31 =	vmul.f32 v38, v3;
	v33 =	vld [tilespmem:s28+$0x4C30]  }
0x241: {  	[tilespmem:s28+$0x4830] =	vst v30;
	v28 =	vadd.f32 v28, v32;
	v30 =	vmul.f32 v37, v3;
	v32 =	vld [tilespmem:s28+$0x4C40]  }
0x242: {  	[tilespmem:s28+$0x4840] =	vst v29;
	v27 =	vadd.f32 v27, v31;
	v29 =	vmul.f32 v36, v3;
	v31 =	vld [tilespmem:s28+$0x4C50]  }
0x243: {  	[tilespmem:s28+$0x4850] =	vst v28;
	v26 =	vadd.f32 v26, v30;
	v28 =	vmul.f32 v35, v3;
	v30 =	vld [tilespmem:s28+$0x4C60]  }
0x244: {  	[tilespmem:s28+$0x4860] =	vst v27;
	v25 =	vadd.f32 v25, v29;
	v27 =	vmul.f32 v34, v3;
	v29 =	vld [tilespmem:s28+$0x4C70]  }
0x245: {  	[tilespmem:s28+$0x4870] =	vst v26;
	v24 =	vadd.f32 v24, v28;
	v26 =	vmul.f32 v33, v3;
	v28 =	vld [tilespmem:s28+$0x5000]  }
0x246: {  	[tilespmem:s28+$0x4C00] =	vst v25;
	v23 =	vadd.f32 v23, v27;
	v25 =	vmul.f32 v32, v3;
	v27 =	vld [tilespmem:s28+$0x5010]  }
0x247: {  	[tilespmem:s28+$0x4C10] =	vst v24;
	v22 =	vadd.f32 v22, v26;
	v24 =	vmul.f32 v31, v3;
	v26 =	vld [tilespmem:s28+$0x5020]  }
0x248: {  	[tilespmem:s28+$0x4C20] =	vst v23;
	v21 =	vadd.f32 v21, v25;
	v23 =	vmul.f32 v30, v3;
	v25 =	vld [tilespmem:s28+$0x5030]  }
0x249: {  	[tilespmem:s28+$0x4C30] =	vst v22;
	v20 =	vadd.f32 v20, v24;
	v22 =	vmul.f32 v29, v3;
	v24 =	vld [tilespmem:s28+$0x5040]  }
0x24a: {  	[tilespmem:s28+$0x4C40] =	vst v21;
	v19 =	vadd.f32 v19, v23;
	v21 =	vmul.f32 v28, v3;
	v23 =	vld [tilespmem:s28+$0x5050]  }
0x24b: {  	[tilespmem:s28+$0x4C50] =	vst v20;
	v20 =	vadd.f32 v18, v22;
	v22 =	vmul.f32 v27, v3;
	v27 =	vld [tilespmem:s28+$0x5060]  }
.Ltmp1:
0x24c: {  	[tilespmem:s28+$0x4C60] =	vst v19;
	v19 =	vadd.f32 v17, v21;
	v21 =	vmul.f32 v26, v3;
	v18 =	vld [tilespmem:s28+$0x5070];
	(pc) =	sbr.rel @p0 .LBB2_5-.Ltmp1, $4  }
0x24d: {  	[tilespmem:s28+$0x4C70] =	vst v20;
	v20 =	vadd.f32 v16, v22;
	v22 =	vmul.f32 v25, v3;
	v17 =	vld [tilespmem:s28+$0x5400]  }
0x24e: {  	[tilespmem:s28+$0x5000] =	vst v19;
	v21 =	vadd.f32 v15, v21;
	v24 =	vmul.f32 v24, v3;
	v16 =	vld [tilespmem:s28+$0x5410]  }
0x24f: {  	[tilespmem:s28+$0x5010] =	vst v20;
	v19 =	vadd.f32 v14, v22;
	v20 =	vmul.f32 v23, v3;
	v15 =	vld [tilespmem:s28+$0x5420]  }
0x250: {  	s30 =	sadd.s32 $0x1, s30;
	[tilespmem:s28+$0x5020] =	vst v21;
	v21 =	vadd.f32 v13, v24;
	v14 =	vmul.f32 v27, v3;
	v13 =	vld [tilespmem:s28+$0x5430]  }
0x251: {  	v12 =	vadd.f32 v12, v20;
	v18 =	vmul.f32 v18, v3  }
0x252: {  	[tilespmem:s28+$0x5030] =	vst v19;
	v19 =	vld [tilespmem:s28+$0x5440];
	v11 =	vadd.f32 v11, v14  }
0x253: {  	v20 =	vld [tilespmem:s28+$0x5450];
	v14 =	vmul.f32 v17, v3;
	[tilespmem:s28+$0x5050] =	vst v12;
	v10 =	vadd.f32 v10, v18  }
0x254: {  	v12 =	vld [tilespmem:s28+$0x5460];
	v16 =	vmul.f32 v16, v3;
	[tilespmem:s28+$0x5060] =	vst v11  }
0x255: {  	v11 =	vld [tilespmem:s28+$0x5470];
	v9 =	vadd.f32 v9, v14;
	[tilespmem:s28+$0x5070] =	vst v10;
	v10 =	vmul.f32 v15, v3  }
0x256: {  	[tilespmem:s28+$0x5040] =	vst v21;
	v14 =	vld [tilespmem:s28+$0x11460];
	v8 =	vadd.f32 v8, v16;
	v13 =	vmul.f32 v13, v3  }
0x257: {  	[tilespmem:s28+$0x5400] =	vst v9;
	v9 =	vmul.f32 v19, v3;
	v7 =	vadd.f32 v7, v10;
	v10 =	vld [tilespmem:s28+$0x11470]  }
0x258: {  	[tilespmem:s28+$0x5410] =	vst v8;
	v5 =	vadd.f32 v5, v13;
	v8 =	vmul.f32 v20, v3  }
0x259: {  	v4 =	vadd.f32 v4, v9;
	[tilespmem:s28+$0x5420] =	vst v7;
	v7 =	vmul.f32 v12, v3  }
0x25a: {  	[tilespmem:s28+$0x5430] =	vst v5;
	v5 =	vadd.f32 v6, v8;
	v6 =	vmul.f32 v11, v3  }
0x25b: {  	[tilespmem:s28+$0x5440] =	vst v4;
	v4 =	vadd.f32 v14, v7  }
0x25c: {  	[tilespmem:s28+$0x5450] =	vst v5;
	v5 =	vadd.f32 v10, v6  }
0x25d: {  	s0 =	sadd.s32 s16, s3;
	s16 =	sor.u32 $0x2, s14;
	[tilespmem:s28+$0x5460] =	vst v4  }
0x25e: {  	s0 =	sadd.s32 $0x600, s0;
	p0 =	sgt.u32 s16, $0x7D;
	[tilespmem:s28+$0x5470] =	vst v5  }
0x25f: {  	[hbm4b:s0+s4] =	stream.linear.scatter [tilespmem:s31], [sflag:$0xA], $0x3000, $0x38;
	[tilespmem:$0x19080] =	vst v63  }
0x260: {  	s0 =	simm.s32 @!p0 $0x9  }
0x261: {  	_ =	swait.ge @!p0 [sflag:s0], $0x3000  }
0x262: {  	[sflag:s0] =	ssyncset.done @!p0 $0x0  }
0x263: {  	[sflag:s0] =	ssyncadd.s32 @!p0 $0xFFFFD000  }
0x264: {  	v4 =	vld @!p0 [tilespmem:s9+$0x40];
	_ =	sdelay $0x4  }
0x265: {  	v5 =	vshrl.u32 @!p0 v4, $0x3  }
0x266: {  	v5 =	vmul.u32 @!p0 $0x30, v5  }
0x267: {  	v6 =	vlaneseq.u32 @!p0;
	v4 =	vand.u32 @!p0 $0x7, v4  }
0x268: {  	v7 =	vshrl.u32 @!p0 v6, $0x3;
	v4 =	vor.u32 @!p0 v4, v5;
	v5 =	vand.u32 @!p0 $0x7, v6  }
0x269: {  	v7 =	vmul.u32 @!p0 $0x8, v7;
	v8 =	vperm.xlane @!p0 v4, v5;
	_ =	sdelay $0x1  }
0x26a: {  	v8 =	vadd.s32 @!p0 v7, v8;
	_ =	sdelay $0x2  }
0x26b: {  	v6 =	vor.u32 @!p0 $0x8, v6  }
0x26c: {  	vm1 =	vmmov @!p0 $0xffff;
	s1 =	simm.s32 @!p0 $0x1000;
	s0 =	simm.s32 @!p0 $0x0;
	v4 =	vperm.xlane @!p0 v4, v6  }
0x26d: {  	[tilespmem:s1], [sflag:$0x1] =	stream.indirect_vreg.gather @!p0 [hbm4b:s2+s0], $0x80, v8, vm1, $0xb8;
	[tilespmem:$0x19080] =	vst v63  }
0x26e: {  	v4 =	vadd.s32 @!p0 v7, v4;
	s1 =	simm.s32 @!p0 $0x1800  }
0x26f: {  	[tilespmem:s1], [sflag:$0x1] =	stream.indirect_vreg.gather @!p0 [hbm4b:s10+s0], $0x80, v8, vm1, $0xb8;
	[tilespmem:$0x19080] =	vst v63  }
0x270: {  	s1 =	simm.s32 @!p0 $0x2000  }
0x271: {  	[tilespmem:s1], [sflag:$0x1] =	stream.indirect_vreg.gather @!p0 [hbm4b:s11+s0], $0x80, v8, vm1, $0xb8;
	[tilespmem:$0x19080] =	vst v63  }
0x272: {  	s1 =	simm.s32 @!p0 $0x2800  }
0x273: {  	[tilespmem:s1], [sflag:$0x1] =	stream.indirect_vreg.gather @!p0 [hbm4b:s2+s0], $0x80, v4, vm1, $0xb8;
	[tilespmem:$0x19080] =	vst v63  }
0x274: {  	s1 =	simm.s32 @!p0 $0x3000  }
0x275: {  	[tilespmem:s1], [sflag:$0x1] =	stream.indirect_vreg.gather @!p0 [hbm4b:s10+s0], $0x80, v4, vm1, $0xb8;
	[tilespmem:$0x19080] =	vst v63  }
0x276: {  	s1 =	simm.s32 @!p0 $0x3800  }
0x277: {  	[tilespmem:s1], [sflag:$0x1] =	stream.indirect_vreg.gather @!p0 [hbm4b:s11+s0], $0x80, v4, vm1, $0xb8;
	[tilespmem:$0x19080] =	vst v63  }
0x278: {  	v4 =	vld @!p0 [tilespmem:s9+$0x840];
	_ =	sdelay $0x4  }
0x279: {  	v8 =	vshrl.u32 @!p0 v4, $0x3  }
0x27a: {  	v8 =	vmul.u32 @!p0 $0x30, v8  }
0x27b: {  	v4 =	vand.u32 @!p0 $0x7, v4  }
0x27c: {  	v4 =	vor.u32 @!p0 v4, v8  }
0x27d: {  	v5 =	vperm.xlane @!p0 v4, v5;
	_ =	sdelay $0x1  }
0x27e: {  	v5 =	vadd.s32 @!p0 v7, v5;
	_ =	sdelay $0x3  }
0x27f: {  	s1 =	simm.s32 @!p0 $0xD000;
	v4 =	vperm.xlane @!p0 v4, v6  }
0x280: {  	[tilespmem:s1], [sflag:$0x5] =	stream.indirect_vreg.gather @!p0 [hbm4b:s5+s0], $0x80, v5, vm1, $0xb8;
	[tilespmem:$0x19080] =	vst v63  }
0x281: {  	v4 =	vadd.s32 @!p0 v7, v4;
	s1 =	simm.s32 @!p0 $0xD800  }
0x282: {  	[tilespmem:s1], [sflag:$0x5] =	stream.indirect_vreg.gather @!p0 [hbm4b:s12+s0], $0x80, v5, vm1, $0xb8;
	[tilespmem:$0x19080] =	vst v63  }
0x283: {  	s1 =	simm.s32 @!p0 $0xE000  }
0x284: {  	[tilespmem:s1], [sflag:$0x5] =	stream.indirect_vreg.gather @!p0 [hbm4b:s13+s0], $0x80, v5, vm1, $0xb8;
	[tilespmem:$0x19080] =	vst v63  }
0x285: {  	s1 =	simm.s32 @!p0 $0xE800  }
0x286: {  	[tilespmem:s1], [sflag:$0x5] =	stream.indirect_vreg.gather @!p0 [hbm4b:s5+s0], $0x80, v4, vm1, $0xb8;
	[tilespmem:$0x19080] =	vst v63  }
0x287: {  	s1 =	simm.s32 @!p0 $0xF000  }
0x288: {  	[tilespmem:s1], [sflag:$0x5] =	stream.indirect_vreg.gather @!p0 [hbm4b:s12+s0], $0x80, v4, vm1, $0xb8;
	[tilespmem:$0x19080] =	vst v63  }
0x289: {  	s1 =	simm.s32 @!p0 $0xF800  }
0x28a: {  	[tilespmem:s1], [sflag:$0x5] =	stream.indirect_vreg.gather @!p0 [hbm4b:s13+s0], $0x80, v4, vm1, $0xb8;
	[tilespmem:$0x19080] =	vst v63  }
0x28b: {  	_ =	swait.ge [sflag:s20], $0x3000  }
0x28c: {  	[sflag:s20] =	ssyncset.done $0x0  }
0x28d: {  	s1 =	simm.s32 $0x0;
	[sflag:s20] =	ssyncadd.s32 $0xFFFFD000  }
0x28e: {  	s29 =	simm.s32 $0x0;
	s0 =	smul.u32 $0x1800, s1;
	_ =	swait.ge [sflag:s21], $0x3000  }
0x28f: {  	s1 =	sand.u32 $0x380, s29;
	[sflag:s21] =	ssyncset.done $0x0  }
0x290: {  	s28 =	sor.u32 s1, s0;
	[sflag:s21] =	ssyncadd.s32 $0xFFFFD000  }
0x291: {  	v6 =	vld [tilespmem:s28+$0x13000]  }
0x292: {  	v25 =	vld [tilespmem:s28+$0x13010]  }
0x293: {  	v26 =	vld [tilespmem:s28+$0x13020]  }
0x294: {  	v27 =	vld [tilespmem:s28+$0x13030]  }
0x295: {  	v28 =	vld [tilespmem:s28+$0x13040]  }
0x296: {  	v29 =	vld [tilespmem:s28+$0x13050]  }
0x297: {  	v30 =	vld [tilespmem:s28+$0x13060]  }
0x298: {  	v31 =	vld [tilespmem:s28+$0x13070]  }
0x299: {  	v32 =	vld [tilespmem:s28+$0x13400]  }
0x29a: {  	v33 =	vld [tilespmem:s28+$0x13410]  }
0x29b: {  	v34 =	vld [tilespmem:s28+$0x13420]  }
0x29c: {  	v35 =	vld [tilespmem:s28+$0x13430]  }
0x29d: {  	v36 =	vld [tilespmem:s28+$0x13440]  }
0x29e: {  	v37 =	vld [tilespmem:s28+$0x13450]  }
0x29f: {  	v38 =	vld [tilespmem:s28+$0x13460]  }
0x2a0: {  	v39 =	vld [tilespmem:s28+$0x13470]  }
0x2a1: {  	v40 =	vld [tilespmem:s28+$0x13800]  }
0x2a2: {  	v41 =	vld [tilespmem:s28+$0x13810]  }
0x2a3: {  	v42 =	vld [tilespmem:s28+$0x13820]  }
0x2a4: {  	v43 =	vld [tilespmem:s28+$0x13830]  }
0x2a5: {  	v44 =	vld [tilespmem:s28+$0x13840]  }
0x2a6: {  	v45 =	vld [tilespmem:s28+$0x13850]  }
0x2a7: {  	v46 =	vld [tilespmem:s28+$0x13860]  }
0x2a8: {  	v47 =	vld [tilespmem:s28+$0x13870]  }
0x2a9: {  	v48 =	vld [tilespmem:s28+$0x13C00]  }
0x2aa: {  	v24 =	vld [tilespmem:s28+$0x13C10]  }
0x2ab: {  	v23 =	vld [tilespmem:s28+$0x13C20]  }
0x2ac: {  	v22 =	vld [tilespmem:s28+$0x13C30]  }
0x2ad: {  	v21 =	vld [tilespmem:s28+$0x13C40]  }
0x2ae: {  	v20 =	vld [tilespmem:s28+$0x13C50]  }
0x2af: {  	v19 =	vld [tilespmem:s28+$0x13C60]  }
0x2b0: {  	v18 =	vld [tilespmem:s28+$0x13C70]  }
0x2b1: {  	v17 =	vld [tilespmem:s28+$0x14000]  }
0x2b2: {  	v16 =	vld [tilespmem:s28+$0x14010]  }
0x2b3: {  	v15 =	vld [tilespmem:s28+$0x14020]  }
0x2b4: {  	v14 =	vld [tilespmem:s28+$0x14030]  }
0x2b5: {  	v13 =	vld [tilespmem:s28+$0x14040]  }
0x2b6: {  	v12 =	vld [tilespmem:s28+$0x14050]  }
0x2b7: {  	v11 =	vld [tilespmem:s28+$0x14060]  }
0x2b8: {  	v10 =	vld [tilespmem:s28+$0x14070]  }
0x2b9: {  	v9 =	vld [tilespmem:s28+$0x14400]  }
0x2ba: {  	v8 =	vld [tilespmem:s28+$0x14410]  }
0x2bb: {  	v7 =	vld [tilespmem:s28+$0x14420]  }
0x2bc: {  	v5 =	vld [tilespmem:s28+$0x14430]  }
0x2bd: {  	v4 =	vld [tilespmem:s28+$0x14440]  }
0x2be: {  	v49 =	vld [tilespmem:s28+$0x7000]  }
0x2bf: {  	v50 =	vld [tilespmem:s28+$0x7010]  }
0x2c0: {  	v51 =	vld [tilespmem:s28+$0x7020]  }
0x2c1: {  	v52 =	vld [tilespmem:s28+$0x7030]  }
0x2c2: {  	v53 =	vld [tilespmem:s28+$0x7040]  }
0x2c3: {  	v54 =	vld [tilespmem:s28+$0x7050]  }
0x2c4: {  	v55 =	vld [tilespmem:s28+$0x7060];
	v49 =	vmul.f32 v49, v3  }
0x2c5: {  	v56 =	vld [tilespmem:s28+$0x7070];
	v50 =	vmul.f32 v50, v3  }
0x2c6: {  	v59 =	vld [tilespmem:s28+$0x7410];
	v51 =	vmul.f32 v51, v3;
	v49 =	vadd.f32 v6, v49  }
0x2c7: {  	v63 =	vmul.f32 v52, v3;
	v52 =	vld [tilespmem:s28+$0x7400];
	v25 =	vadd.f32 v25, v50  }
0x2c8: {  	v53 =	vmul.f32 v53, v3;
	v58 =	vmul.f32 v54, v3;
	v54 =	vld [tilespmem:s28+$0x7430];
	v26 =	vadd.f32 v26, v51;
	[tilespmem:s28+$0x7000] =	vst v49  }
0x2c9: {  	v61 =	vmul.f32 v55, v3;
	v55 =	vld [tilespmem:s28+$0x7440];
	v57 =	vadd.f32 v27, v63;
	[tilespmem:s28+$0x7010] =	vst v25  }
0x2ca: {  	v6 =	vld [tilespmem:s28+$0x14450];
	v60 =	vadd.f32 v28, v53;
	[tilespmem:s28+$0x7020] =	vst v26  }
0x2cb: {  	v62 =	vadd.f32 v29, v58;
	v63 =	vmul.f32 v56, v3;
	v58 =	vld [tilespmem:s28+$0x7450];
	[tilespmem:s28+$0x7030] =	vst v57  }
0x2cc: {  	v51 =	vadd.f32 v30, v61;
	v56 =	vmul.f32 v59, v3;
	v61 =	vld [tilespmem:s28+$0x7820];
	[tilespmem:s28+$0x7040] =	vst v60  }
0x2cd: {  	v49 =	vld [tilespmem:s28+$0x7420];
	[tilespmem:s28+$0x7050] =	vst v62;
	v53 =	vadd.f32 v31, v63;
	v52 =	vmul.f32 v52, v3  }
0x2ce: {  	[tilespmem:s28+$0x7060] =	vst v51;
	v30 =	vadd.f32 v33, v56;
	v60 =	vld [tilespmem:s28+$0x7460];
	v27 =	vmul.f32 v54, v3  }
0x2cf: {  	v62 =	vld [tilespmem:s28+$0x7470];
	v26 =	vmul.f32 v55, v3;
	[tilespmem:s28+$0x7070] =	vst v53;
	v28 =	vadd.f32 v32, v52  }
0x2d0: {  	v57 =	vld [tilespmem:s28+$0x7800];
	[tilespmem:s28+$0x7410] =	vst v30;
	v27 =	vadd.f32 v35, v27;
	v31 =	vmul.f32 v58, v3  }
0x2d1: {  	v59 =	vld [tilespmem:s28+$0x7810];
	v26 =	vadd.f32 v36, v26;
	v30 =	vmul.f32 v61, v3;
	[tilespmem:s28+$0x7400] =	vst v28  }
0x2d2: {  	v54 =	vld [tilespmem:s28+$0x7C40];
	v29 =	vmul.f32 v49, v3;
	[tilespmem:s28+$0x7430] =	vst v27;
	v31 =	vadd.f32 v37, v31  }
0x2d3: {  	v53 =	vld [tilespmem:s28+$0x7C30];
	v32 =	vmul.f32 v60, v3;
	[tilespmem:s28+$0x7440] =	vst v26;
	v30 =	vadd.f32 v42, v30  }
0x2d4: {  	v36 =	vld [tilespmem:s28+$0x7840];
	v33 =	vmul.f32 v62, v3;
	v29 =	vadd.f32 v34, v29;
	[tilespmem:s28+$0x7450] =	vst v31  }
0x2d5: {  	v63 =	vld [tilespmem:s28+$0x7830];
	v25 =	vmul.f32 v57, v3;
	v32 =	vadd.f32 v38, v32;
	[tilespmem:s28+$0x7820] =	vst v30  }
0x2d6: {  	v50 =	vld [tilespmem:s28+$0x7C00];
	v28 =	vmul.f32 v59, v3;
	v33 =	vadd.f32 v39, v33;
	[tilespmem:s28+$0x7420] =	vst v29  }
0x2d7: {  	v51 =	vld [tilespmem:s28+$0x7C10];
	v61 =	vmul.f32 v54, v3;
	v25 =	vadd.f32 v40, v25;
	[tilespmem:s28+$0x7460] =	vst v32  }
0x2d8: {  	v37 =	vld [tilespmem:s28+$0x7850];
	v28 =	vadd.f32 v41, v28;
	v30 =	vmul.f32 v53, v3;
	[tilespmem:s28+$0x7470] =	vst v33  }
0x2d9: {  	v52 =	vld [tilespmem:s28+$0x7C20];
	v27 =	vmul.f32 v36, v3;
	v21 =	vadd.f32 v21, v61;
	[tilespmem:s28+$0x7800] =	vst v25  }
0x2da: {  	v55 =	vld [tilespmem:s28+$0x7C50];
	v29 =	vmul.f32 v63, v3;
	[tilespmem:s28+$0x7810] =	vst v28;
	v22 =	vadd.f32 v22, v30  }
0x2db: {  	v49 =	vld [tilespmem:s28+$0x7870];
	v33 =	vmul.f32 v50, v3;
	v27 =	vadd.f32 v44, v27;
	[tilespmem:s28+$0x7C40] =	vst v21  }
0x2dc: {  	v56 =	vld [tilespmem:s28+$0x7C60];
	v25 =	vmul.f32 v51, v3;
	v29 =	vadd.f32 v43, v29;
	[tilespmem:s28+$0x7C30] =	vst v22  }
0x2dd: {  	v38 =	vld [tilespmem:s28+$0x7860];
	v26 =	vmul.f32 v37, v3;
	v33 =	vadd.f32 v48, v33;
	[tilespmem:s28+$0x7840] =	vst v27  }
0x2de: {  	v58 =	vld [tilespmem:s28+$0x8000];
	v28 =	vmul.f32 v52, v3;
	v24 =	vadd.f32 v24, v25;
	[tilespmem:s28+$0x7830] =	vst v29  }
0x2df: {  	v57 =	vld [tilespmem:s28+$0x7C70];
	v26 =	vadd.f32 v45, v26;
	v27 =	vmul.f32 v55, v3;
	[tilespmem:s28+$0x7C00] =	vst v33  }
0x2e0: {  	v59 =	vld [tilespmem:s28+$0x8010];
	v32 =	vmul.f32 v49, v3;
	v23 =	vadd.f32 v23, v28;
	[tilespmem:s28+$0x7C10] =	vst v24  }
0x2e1: {  	v60 =	vld [tilespmem:s28+$0x8020];
	[tilespmem:s28+$0x7850] =	vst v26;
	v26 =	vmul.f32 v56, v3;
	v20 =	vadd.f32 v20, v27  }
0x2e2: {  	v31 =	vmul.f32 v38, v3;
	v32 =	vadd.f32 v47, v32;
	[tilespmem:s28+$0x7C20] =	vst v23;
	v23 =	vld [tilespmem:s28+$0x8030]  }
0x2e3: {  	v22 =	vld [tilespmem:s28+$0x8040];
	v19 =	vadd.f32 v19, v26;
	[tilespmem:s28+$0x7C50] =	vst v20;
	v20 =	vmul.f32 v58, v3  }
0x2e4: {  	v21 =	vld [tilespmem:s28+$0x8050];
	v62 =	vmul.f32 v57, v3;
	v31 =	vadd.f32 v46, v31;
	[tilespmem:s28+$0x7870] =	vst v32  }
0x2e5: {  	v63 =	vld [tilespmem:s28+$0x8060];
	[tilespmem:s28+$0x7C60] =	vst v19;
	v19 =	vmul.f32 v59, v3;
	v20 =	vadd.f32 v17, v20  }
0x2e6: {  	v24 =	vmul.f32 v60, v3;
	v27 =	vadd.f32 v18, v62;
	v18 =	vld [tilespmem:s28+$0x8070];
	[tilespmem:s28+$0x7860] =	vst v31  }
0x2e7: {  	v17 =	vld [tilespmem:s28+$0x8400];
	v19 =	vadd.f32 v16, v19;
	[tilespmem:s28+$0x8000] =	vst v20;
	v20 =	vmul.f32 v23, v3  }
0x2e8: {  	[tilespmem:s28+$0x7C70] =	vst v27;
	v22 =	vmul.f32 v22, v3;
	v16 =	vld [tilespmem:s28+$0x8410];
	v23 =	vadd.f32 v15, v24  }
0x2e9: {  	v15 =	vld [tilespmem:s28+$0x8420];
	[tilespmem:s28+$0x8010] =	vst v19;
	v19 =	vadd.f32 v14, v20;
	v20 =	vmul.f32 v21, v3  }
0x2ea: {  	s30 =	simm.s32 $0x1;
	[tilespmem:s28+$0x8020] =	vst v23;
	v21 =	vadd.f32 v13, v22;
	v14 =	vmul.f32 v63, v3;
	v13 =	vld [tilespmem:s28+$0x8430]  }
.LBB2_7:
0x2eb: {  	p0 =	sne.s32 s30, $0xF;
	[tilespmem:s28+$0x8030] =	vst v19;
	v12 =	vadd.f32 v12, v20;
	v18 =	vmul.f32 v18, v3;
	v19 =	vld [tilespmem:s28+$0x8440]  }
0x2ec: {  	[tilespmem:s28+$0x8040] =	vst v21;
	v11 =	vadd.f32 v11, v14;
	v14 =	vmul.f32 v17, v3;
	v17 =	vld [tilespmem:s28+$0x8450]  }
0x2ed: {  	s0 =	sshrl.u32 s30, $0x3;
	[tilespmem:s28+$0x8050] =	vst v12;
	v10 =	vadd.f32 v10, v18;
	v12 =	vmul.f32 v16, v3;
	v16 =	vld [tilespmem:s28+$0x8460]  }
0x2ee: {  	s29 =	sadd.s32 $0x80, s29;
	s0 =	smul.u32 $0x1800, s0;
	[tilespmem:s28+$0x8060] =	vst v11;
	v9 =	vadd.f32 v9, v14;
	v11 =	vmul.f32 v15, v3;
	v14 =	vld [tilespmem:s28+$0x8470]  }
0x2ef: {  	s1 =	sand.u32 $0x380, s29;
	[tilespmem:s28+$0x8070] =	vst v10;
	v8 =	vadd.f32 v8, v12;
	v10 =	vmul.f32 v13, v3;
	v12 =	vld [tilespmem:s28+$0x14460]  }
0x2f0: {  	s0 =	sor.u32 s1, s0;
	[tilespmem:s28+$0x8400] =	vst v9;
	v7 =	vadd.f32 v7, v11;
	v9 =	vmul.f32 v19, v3;
	v11 =	vld [tilespmem:s28+$0x14470]  }
0x2f1: {  	v42 =	vld [tilespmem:s0+$0x13000];
	[tilespmem:s28+$0x8410] =	vst v8;
	v5 =	vadd.f32 v5, v10;
	v8 =	vmul.f32 v17, v3  }
0x2f2: {  	v43 =	vld [tilespmem:s0+$0x13010];
	[tilespmem:s28+$0x8420] =	vst v7;
	v4 =	vadd.f32 v4, v9;
	v7 =	vmul.f32 v16, v3  }
0x2f3: {  	v44 =	vld [tilespmem:s0+$0x13020];
	[tilespmem:s28+$0x8430] =	vst v5;
	v5 =	vadd.f32 v6, v8;
	v6 =	vmul.f32 v14, v3  }
0x2f4: {  	v45 =	vld [tilespmem:s0+$0x13030];
	[tilespmem:s28+$0x8440] =	vst v4;
	v4 =	vadd.f32 v12, v7  }
0x2f5: {  	v46 =	vld [tilespmem:s0+$0x13040];
	[tilespmem:s28+$0x8450] =	vst v5;
	v5 =	vadd.f32 v11, v6  }
0x2f6: {  	v47 =	vld [tilespmem:s0+$0x13050];
	[tilespmem:s28+$0x8460] =	vst v4  }
0x2f7: {  	v48 =	vld [tilespmem:s0+$0x13060];
	[tilespmem:s28+$0x8470] =	vst v5;
	s28 =	smov.u32 s0  }
0x2f8: {  	v49 =	vld [tilespmem:s28+$0x13070]  }
0x2f9: {  	v41 =	vld [tilespmem:s28+$0x13400]  }
0x2fa: {  	v40 =	vld [tilespmem:s28+$0x13410]  }
0x2fb: {  	v39 =	vld [tilespmem:s28+$0x13420]  }
0x2fc: {  	v38 =	vld [tilespmem:s28+$0x13430]  }
0x2fd: {  	v37 =	vld [tilespmem:s28+$0x13440]  }
0x2fe: {  	v36 =	vld [tilespmem:s28+$0x13450]  }
0x2ff: {  	v35 =	vld [tilespmem:s28+$0x13460]  }
0x300: {  	v34 =	vld [tilespmem:s28+$0x13470]  }
0x301: {  	v33 =	vld [tilespmem:s28+$0x13800]  }
0x302: {  	v32 =	vld [tilespmem:s28+$0x13810]  }
0x303: {  	v31 =	vld [tilespmem:s28+$0x13820]  }
0x304: {  	v30 =	vld [tilespmem:s28+$0x13830]  }
0x305: {  	v29 =	vld [tilespmem:s28+$0x13840]  }
0x306: {  	v28 =	vld [tilespmem:s28+$0x13850]  }
0x307: {  	v27 =	vld [tilespmem:s28+$0x13860]  }
0x308: {  	v26 =	vld [tilespmem:s28+$0x13870]  }
0x309: {  	v25 =	vld [tilespmem:s28+$0x13C00]  }
0x30a: {  	v24 =	vld [tilespmem:s28+$0x13C10]  }
0x30b: {  	v23 =	vld [tilespmem:s28+$0x13C20]  }
0x30c: {  	v22 =	vld [tilespmem:s28+$0x13C30]  }
0x30d: {  	v21 =	vld [tilespmem:s28+$0x13C40]  }
0x30e: {  	v20 =	vld [tilespmem:s28+$0x13C50]  }
0x30f: {  	v19 =	vld [tilespmem:s28+$0x13C60]  }
0x310: {  	v18 =	vld [tilespmem:s28+$0x13C70]  }
0x311: {  	v17 =	vld [tilespmem:s28+$0x14000]  }
0x312: {  	v16 =	vld [tilespmem:s28+$0x14010]  }
0x313: {  	v15 =	vld [tilespmem:s28+$0x14020]  }
0x314: {  	v14 =	vld [tilespmem:s28+$0x14030]  }
0x315: {  	v13 =	vld [tilespmem:s28+$0x14040]  }
0x316: {  	v12 =	vld [tilespmem:s28+$0x14050]  }
0x317: {  	v11 =	vld [tilespmem:s28+$0x14060]  }
0x318: {  	v10 =	vld [tilespmem:s28+$0x14070]  }
0x319: {  	v9 =	vld [tilespmem:s28+$0x14400]  }
0x31a: {  	v8 =	vld [tilespmem:s28+$0x14410]  }
0x31b: {  	v7 =	vld [tilespmem:s28+$0x14420]  }
0x31c: {  	v5 =	vld [tilespmem:s28+$0x14430]  }
0x31d: {  	v4 =	vld [tilespmem:s28+$0x14440]  }
0x31e: {  	v6 =	vld [tilespmem:s28+$0x14450]  }
0x31f: {  	v50 =	vld [tilespmem:s28+$0x7000]  }
0x320: {  	v51 =	vld [tilespmem:s28+$0x7010]  }
0x321: {  	v52 =	vld [tilespmem:s28+$0x7020]  }
0x322: {  	v53 =	vld [tilespmem:s28+$0x7030]  }
0x323: {  	v54 =	vld [tilespmem:s28+$0x7040]  }
0x324: {  	v50 =	vmul.f32 v50, v3;
	v55 =	vld [tilespmem:s28+$0x7050]  }
0x325: {  	v51 =	vmul.f32 v51, v3;
	v56 =	vld [tilespmem:s28+$0x7060]  }
0x326: {  	v42 =	vadd.f32 v42, v50;
	v50 =	vmul.f32 v52, v3;
	v52 =	vld [tilespmem:s28+$0x7070]  }
0x327: {  	v43 =	vadd.f32 v43, v51;
	v51 =	vmul.f32 v53, v3;
	v53 =	vld [tilespmem:s28+$0x7400]  }
0x328: {  	[tilespmem:s28+$0x7000] =	vst v42;
	v42 =	vadd.f32 v44, v50;
	v44 =	vmul.f32 v54, v3;
	v50 =	vld [tilespmem:s28+$0x7410]  }
0x329: {  	[tilespmem:s28+$0x7010] =	vst v43;
	v43 =	vadd.f32 v45, v51;
	v45 =	vmul.f32 v55, v3;
	v51 =	vld [tilespmem:s28+$0x7420]  }
0x32a: {  	[tilespmem:s28+$0x7020] =	vst v42;
	v42 =	vadd.f32 v46, v44;
	v44 =	vmul.f32 v56, v3;
	v46 =	vld [tilespmem:s28+$0x7430]  }
0x32b: {  	[tilespmem:s28+$0x7030] =	vst v43;
	v43 =	vadd.f32 v47, v45;
	v45 =	vmul.f32 v52, v3;
	v47 =	vld [tilespmem:s28+$0x7440]  }
0x32c: {  	[tilespmem:s28+$0x7040] =	vst v42;
	v42 =	vadd.f32 v48, v44;
	v44 =	vmul.f32 v53, v3;
	v48 =	vld [tilespmem:s28+$0x7450]  }
0x32d: {  	[tilespmem:s28+$0x7050] =	vst v43;
	v43 =	vadd.f32 v49, v45;
	v45 =	vmul.f32 v50, v3;
	v49 =	vld [tilespmem:s28+$0x7460]  }
0x32e: {  	[tilespmem:s28+$0x7060] =	vst v42;
	v41 =	vadd.f32 v41, v44;
	v42 =	vmul.f32 v51, v3;
	v44 =	vld [tilespmem:s28+$0x7470]  }
0x32f: {  	[tilespmem:s28+$0x7070] =	vst v43;
	v40 =	vadd.f32 v40, v45;
	v43 =	vmul.f32 v46, v3;
	v45 =	vld [tilespmem:s28+$0x7800]  }
0x330: {  	[tilespmem:s28+$0x7400] =	vst v41;
	v39 =	vadd.f32 v39, v42;
	v41 =	vmul.f32 v47, v3;
	v42 =	vld [tilespmem:s28+$0x7810]  }
0x331: {  	[tilespmem:s28+$0x7410] =	vst v40;
	v38 =	vadd.f32 v38, v43;
	v40 =	vmul.f32 v48, v3;
	v43 =	vld [tilespmem:s28+$0x7820]  }
0x332: {  	[tilespmem:s28+$0x7420] =	vst v39;
	v37 =	vadd.f32 v37, v41;
	v39 =	vmul.f32 v49, v3;
	v41 =	vld [tilespmem:s28+$0x7830]  }
0x333: {  	[tilespmem:s28+$0x7430] =	vst v38;
	v36 =	vadd.f32 v36, v40;
	v38 =	vmul.f32 v44, v3;
	v40 =	vld [tilespmem:s28+$0x7840]  }
0x334: {  	[tilespmem:s28+$0x7440] =	vst v37;
	v35 =	vadd.f32 v35, v39;
	v37 =	vmul.f32 v45, v3;
	v39 =	vld [tilespmem:s28+$0x7850]  }
0x335: {  	[tilespmem:s28+$0x7450] =	vst v36;
	v34 =	vadd.f32 v34, v38;
	v36 =	vmul.f32 v42, v3;
	v38 =	vld [tilespmem:s28+$0x7860]  }
0x336: {  	[tilespmem:s28+$0x7460] =	vst v35;
	v33 =	vadd.f32 v33, v37;
	v35 =	vmul.f32 v43, v3;
	v37 =	vld [tilespmem:s28+$0x7870]  }
0x337: {  	[tilespmem:s28+$0x7470] =	vst v34;
	v32 =	vadd.f32 v32, v36;
	v34 =	vmul.f32 v41, v3;
	v36 =	vld [tilespmem:s28+$0x7C00]  }
0x338: {  	[tilespmem:s28+$0x7800] =	vst v33;
	v31 =	vadd.f32 v31, v35;
	v33 =	vmul.f32 v40, v3;
	v35 =	vld [tilespmem:s28+$0x7C10]  }
0x339: {  	[tilespmem:s28+$0x7810] =	vst v32;
	v30 =	vadd.f32 v30, v34;
	v32 =	vmul.f32 v39, v3;
	v34 =	vld [tilespmem:s28+$0x7C20]  }
0x33a: {  	[tilespmem:s28+$0x7820] =	vst v31;
	v29 =	vadd.f32 v29, v33;
	v31 =	vmul.f32 v38, v3;
	v33 =	vld [tilespmem:s28+$0x7C30]  }
0x33b: {  	[tilespmem:s28+$0x7830] =	vst v30;
	v28 =	vadd.f32 v28, v32;
	v30 =	vmul.f32 v37, v3;
	v32 =	vld [tilespmem:s28+$0x7C40]  }
0x33c: {  	[tilespmem:s28+$0x7840] =	vst v29;
	v27 =	vadd.f32 v27, v31;
	v29 =	vmul.f32 v36, v3;
	v31 =	vld [tilespmem:s28+$0x7C50]  }
0x33d: {  	[tilespmem:s28+$0x7850] =	vst v28;
	v26 =	vadd.f32 v26, v30;
	v28 =	vmul.f32 v35, v3;
	v30 =	vld [tilespmem:s28+$0x7C60]  }
0x33e: {  	[tilespmem:s28+$0x7860] =	vst v27;
	v25 =	vadd.f32 v25, v29;
	v27 =	vmul.f32 v34, v3;
	v29 =	vld [tilespmem:s28+$0x7C70]  }
0x33f: {  	[tilespmem:s28+$0x7870] =	vst v26;
	v24 =	vadd.f32 v24, v28;
	v26 =	vmul.f32 v33, v3;
	v28 =	vld [tilespmem:s28+$0x8000]  }
0x340: {  	[tilespmem:s28+$0x7C00] =	vst v25;
	v23 =	vadd.f32 v23, v27;
	v25 =	vmul.f32 v32, v3;
	v27 =	vld [tilespmem:s28+$0x8010]  }
0x341: {  	[tilespmem:s28+$0x7C10] =	vst v24;
	v22 =	vadd.f32 v22, v26;
	v24 =	vmul.f32 v31, v3;
	v26 =	vld [tilespmem:s28+$0x8020]  }
0x342: {  	[tilespmem:s28+$0x7C20] =	vst v23;
	v21 =	vadd.f32 v21, v25;
	v23 =	vmul.f32 v30, v3;
	v25 =	vld [tilespmem:s28+$0x8030]  }
0x343: {  	[tilespmem:s28+$0x7C30] =	vst v22;
	v20 =	vadd.f32 v20, v24;
	v22 =	vmul.f32 v29, v3;
	v24 =	vld [tilespmem:s28+$0x8040]  }
0x344: {  	[tilespmem:s28+$0x7C40] =	vst v21;
	v19 =	vadd.f32 v19, v23;
	v21 =	vmul.f32 v28, v3;
	v23 =	vld [tilespmem:s28+$0x8050]  }
0x345: {  	[tilespmem:s28+$0x7C50] =	vst v20;
	v20 =	vadd.f32 v18, v22;
	v22 =	vmul.f32 v27, v3;
	v27 =	vld [tilespmem:s28+$0x8060]  }
.Ltmp2:
0x346: {  	[tilespmem:s28+$0x7C60] =	vst v19;
	v19 =	vadd.f32 v17, v21;
	v21 =	vmul.f32 v26, v3;
	v18 =	vld [tilespmem:s28+$0x8070];
	(pc) =	sbr.rel @p0 .LBB2_7-.Ltmp2, $4  }
0x347: {  	[tilespmem:s28+$0x7C70] =	vst v20;
	v20 =	vadd.f32 v16, v22;
	v22 =	vmul.f32 v25, v3;
	v17 =	vld [tilespmem:s28+$0x8400]  }
0x348: {  	[tilespmem:s28+$0x8000] =	vst v19;
	v21 =	vadd.f32 v15, v21;
	v24 =	vmul.f32 v24, v3;
	v16 =	vld [tilespmem:s28+$0x8410]  }
0x349: {  	[tilespmem:s28+$0x8010] =	vst v20;
	v19 =	vadd.f32 v14, v22;
	v20 =	vmul.f32 v23, v3;
	v15 =	vld [tilespmem:s28+$0x8420]  }
0x34a: {  	s30 =	sadd.s32 $0x1, s30;
	[tilespmem:s28+$0x8020] =	vst v21;
	v21 =	vadd.f32 v13, v24;
	v14 =	vmul.f32 v27, v3;
	v13 =	vld [tilespmem:s28+$0x8430]  }
0x34b: {  	v12 =	vadd.f32 v12, v20;
	v18 =	vmul.f32 v18, v3  }
0x34c: {  	[tilespmem:s28+$0x8030] =	vst v19;
	v19 =	vld [tilespmem:s28+$0x8440];
	v11 =	vadd.f32 v11, v14  }
0x34d: {  	v20 =	vld [tilespmem:s28+$0x8450];
	v14 =	vmul.f32 v17, v3;
	[tilespmem:s28+$0x8050] =	vst v12;
	v10 =	vadd.f32 v10, v18  }
0x34e: {  	v12 =	vld [tilespmem:s28+$0x8460];
	v16 =	vmul.f32 v16, v3;
	[tilespmem:s28+$0x8060] =	vst v11  }
0x34f: {  	v11 =	vld [tilespmem:s28+$0x8470];
	v9 =	vadd.f32 v9, v14;
	[tilespmem:s28+$0x8070] =	vst v10;
	v10 =	vmul.f32 v15, v3  }
0x350: {  	[tilespmem:s28+$0x8040] =	vst v21;
	v14 =	vld [tilespmem:s28+$0x14460];
	v8 =	vadd.f32 v8, v16;
	v13 =	vmul.f32 v13, v3  }
0x351: {  	[tilespmem:s28+$0x8400] =	vst v9;
	v9 =	vmul.f32 v19, v3;
	v7 =	vadd.f32 v7, v10;
	v10 =	vld [tilespmem:s28+$0x14470]  }
0x352: {  	[tilespmem:s28+$0x8410] =	vst v8;
	v5 =	vadd.f32 v5, v13;
	v8 =	vmul.f32 v20, v3  }
0x353: {  	s0 =	sshll.u32 s16, $0x4;
	v4 =	vadd.f32 v4, v9;
	[tilespmem:s28+$0x8420] =	vst v7;
	v7 =	vmul.f32 v12, v3  }
0x354: {  	s0 =	sadd.s32 s7, s0;
	[tilespmem:s28+$0x8430] =	vst v5;
	v5 =	vadd.f32 v6, v8;
	v6 =	vmul.f32 v11, v3  }
0x355: {  	s0 =	sshrl.u32 s0, $0x3;
	[tilespmem:s28+$0x8440] =	vst v4;
	v4 =	vadd.f32 v14, v7  }
0x356: {  	s0 =	smul.u32 $0x300, s0;
	[tilespmem:s28+$0x8450] =	vst v5;
	v5 =	vadd.f32 v10, v6  }
0x357: {  	s14 =	sor.u32 $0x3, s14;
	[tilespmem:s28+$0x8460] =	vst v4  }
0x358: {  	p0 =	sgt.u32 s14, $0x7D;
	s0 =	sadd.s32 s3, s0;
	[tilespmem:s28+$0x8470] =	vst v5  }
0x359: {  	[hbm4b:s0+s4] =	stream.linear.scatter [tilespmem:s26], [sflag:$0xB], $0x3000, $0x38;
	[tilespmem:$0x19080] =	vst v63  }
0x35a: {  	s0 =	simm.s32 @!p0 $0xA  }
0x35b: {  	_ =	swait.ge @!p0 [sflag:s0], $0x3000  }
0x35c: {  	[sflag:s0] =	ssyncset.done @!p0 $0x0  }
0x35d: {  	[sflag:s0] =	ssyncadd.s32 @!p0 $0xFFFFD000  }
0x35e: {  	v4 =	vld @!p0 [tilespmem:s9+$0x50];
	_ =	sdelay $0x4  }
0x35f: {  	v5 =	vshrl.u32 @!p0 v4, $0x3  }
0x360: {  	v5 =	vmul.u32 @!p0 $0x30, v5  }
0x361: {  	v6 =	vlaneseq.u32 @!p0;
	v4 =	vand.u32 @!p0 $0x7, v4  }
0x362: {  	v7 =	vshrl.u32 @!p0 v6, $0x3;
	v4 =	vor.u32 @!p0 v4, v5;
	v5 =	vand.u32 @!p0 $0x7, v6  }
0x363: {  	v7 =	vmul.u32 @!p0 $0x8, v7;
	v8 =	vperm.xlane @!p0 v4, v5;
	_ =	sdelay $0x1  }
0x364: {  	v8 =	vadd.s32 @!p0 v7, v8;
	_ =	sdelay $0x2  }
0x365: {  	v6 =	vor.u32 @!p0 $0x8, v6  }
0x366: {  	vm1 =	vmmov @!p0 $0xffff;
	s1 =	simm.s32 @!p0 $0x4000;
	s0 =	simm.s32 @!p0 $0x0;
	v4 =	vperm.xlane @!p0 v4, v6  }
0x367: {  	[tilespmem:s1], [sflag:$0x2] =	stream.indirect_vreg.gather @!p0 [hbm4b:s2+s0], $0x80, v8, vm1, $0xb8;
	[tilespmem:$0x19080] =	vst v63  }
0x368: {  	v4 =	vadd.s32 @!p0 v7, v4;
	s1 =	simm.s32 @!p0 $0x4800  }
0x369: {  	[tilespmem:s1], [sflag:$0x2] =	stream.indirect_vreg.gather @!p0 [hbm4b:s10+s0], $0x80, v8, vm1, $0xb8;
	[tilespmem:$0x19080] =	vst v63  }
0x36a: {  	s1 =	simm.s32 @!p0 $0x5000  }
0x36b: {  	[tilespmem:s1], [sflag:$0x2] =	stream.indirect_vreg.gather @!p0 [hbm4b:s11+s0], $0x80, v8, vm1, $0xb8;
	[tilespmem:$0x19080] =	vst v63  }
0x36c: {  	s1 =	simm.s32 @!p0 $0x5800  }
0x36d: {  	[tilespmem:s1], [sflag:$0x2] =	stream.indirect_vreg.gather @!p0 [hbm4b:s2+s0], $0x80, v4, vm1, $0xb8;
	[tilespmem:$0x19080] =	vst v63  }
0x36e: {  	s1 =	simm.s32 @!p0 $0x6000  }
0x36f: {  	[tilespmem:s1], [sflag:$0x2] =	stream.indirect_vreg.gather @!p0 [hbm4b:s10+s0], $0x80, v4, vm1, $0xb8;
	[tilespmem:$0x19080] =	vst v63  }
0x370: {  	s1 =	simm.s32 @!p0 $0x6800  }
0x371: {  	[tilespmem:s1], [sflag:$0x2] =	stream.indirect_vreg.gather @!p0 [hbm4b:s11+s0], $0x80, v4, vm1, $0xb8;
	[tilespmem:$0x19080] =	vst v63  }
0x372: {  	v4 =	vld @!p0 [tilespmem:s9+$0x850];
	_ =	sdelay $0x4  }
0x373: {  	v8 =	vshrl.u32 @!p0 v4, $0x3  }
0x374: {  	v8 =	vmul.u32 @!p0 $0x30, v8  }
0x375: {  	v4 =	vand.u32 @!p0 $0x7, v4  }
0x376: {  	v4 =	vor.u32 @!p0 v4, v8  }
0x377: {  	v5 =	vperm.xlane @!p0 v4, v5;
	_ =	sdelay $0x1  }
0x378: {  	v5 =	vadd.s32 @!p0 v7, v5;
	_ =	sdelay $0x3  }
0x379: {  	s1 =	simm.s32 @!p0 $0x10000;
	v4 =	vperm.xlane @!p0 v4, v6  }
0x37a: {  	[tilespmem:s1], [sflag:$0x6] =	stream.indirect_vreg.gather @!p0 [hbm4b:s5+s0], $0x80, v5, vm1, $0xb8;
	[tilespmem:$0x19080] =	vst v63  }
0x37b: {  	v4 =	vadd.s32 @!p0 v7, v4;
	s1 =	simm.s32 @!p0 $0x10800  }
0x37c: {  	[tilespmem:s1], [sflag:$0x6] =	stream.indirect_vreg.gather @!p0 [hbm4b:s12+s0], $0x80, v5, vm1, $0xb8;
	[tilespmem:$0x19080] =	vst v63  }
0x37d: {  	s1 =	simm.s32 @!p0 $0x11000  }
0x37e: {  	[tilespmem:s1], [sflag:$0x6] =	stream.indirect_vreg.gather @!p0 [hbm4b:s13+s0], $0x80, v5, vm1, $0xb8;
	[tilespmem:$0x19080] =	vst v63  }
0x37f: {  	s1 =	simm.s32 @!p0 $0x11800  }
0x380: {  	[tilespmem:s1], [sflag:$0x6] =	stream.indirect_vreg.gather @!p0 [hbm4b:s5+s0], $0x80, v4, vm1, $0xb8;
	[tilespmem:$0x19080] =	vst v63  }
0x381: {  	s1 =	simm.s32 @!p0 $0x12000  }
0x382: {  	[tilespmem:s1], [sflag:$0x6] =	stream.indirect_vreg.gather @!p0 [hbm4b:s12+s0], $0x80, v4, vm1, $0xb8;
	[tilespmem:$0x19080] =	vst v63  }
0x383: {  	s1 =	simm.s32 @!p0 $0x12800  }
0x384: {  	[tilespmem:s1], [sflag:$0x6] =	stream.indirect_vreg.gather @!p0 [hbm4b:s13+s0], $0x80, v4, vm1, $0xb8;
	[tilespmem:$0x19080] =	vst v63  }
0x385: {  	_ =	swait.ge [sflag:s22], $0x3000  }
0x386: {  	[sflag:s22] =	ssyncset.done $0x0  }
0x387: {  	s29 =	simm.s32 $0x0;
	[sflag:s22] =	ssyncadd.s32 $0xFFFFD000  }
0x388: {  	s16 =	simm.s32 $0x0;
	s0 =	smul.u32 $0x1800, s29;
	_ =	swait.ge [sflag:s6], $0x3000  }
0x389: {  	s30 =	sand.u32 $0x380, s16;
	[sflag:s6] =	ssyncset.done $0x0  }
0x38a: {  	s9 =	sor.u32 s30, s0;
	[sflag:s6] =	ssyncadd.s32 $0xFFFFD000  }
0x38b: {  	v6 =	vld [tilespmem:s9+$0x16000]  }
0x38c: {  	v25 =	vld [tilespmem:s9+$0x16010]  }
0x38d: {  	v26 =	vld [tilespmem:s9+$0x16020]  }
0x38e: {  	v27 =	vld [tilespmem:s9+$0x16030]  }
0x38f: {  	v28 =	vld [tilespmem:s9+$0x16040]  }
0x390: {  	v29 =	vld [tilespmem:s9+$0x16050]  }
0x391: {  	v30 =	vld [tilespmem:s9+$0x16060]  }
0x392: {  	v31 =	vld [tilespmem:s9+$0x16070]  }
0x393: {  	v32 =	vld [tilespmem:s9+$0x16400]  }
0x394: {  	v33 =	vld [tilespmem:s9+$0x16410]  }
0x395: {  	v34 =	vld [tilespmem:s9+$0x16420]  }
0x396: {  	v35 =	vld [tilespmem:s9+$0x16430]  }
0x397: {  	v36 =	vld [tilespmem:s9+$0x16440]  }
0x398: {  	v37 =	vld [tilespmem:s9+$0x16450]  }
0x399: {  	v38 =	vld [tilespmem:s9+$0x16460]  }
0x39a: {  	v39 =	vld [tilespmem:s9+$0x16470]  }
0x39b: {  	v40 =	vld [tilespmem:s9+$0x16800]  }
0x39c: {  	v41 =	vld [tilespmem:s9+$0x16810]  }
0x39d: {  	v42 =	vld [tilespmem:s9+$0x16820]  }
0x39e: {  	v43 =	vld [tilespmem:s9+$0x16830]  }
0x39f: {  	v44 =	vld [tilespmem:s9+$0x16840]  }
0x3a0: {  	v45 =	vld [tilespmem:s9+$0x16850]  }
0x3a1: {  	v46 =	vld [tilespmem:s9+$0x16860]  }
0x3a2: {  	v47 =	vld [tilespmem:s9+$0x16870]  }
0x3a3: {  	v48 =	vld [tilespmem:s9+$0x16C00]  }
0x3a4: {  	v24 =	vld [tilespmem:s9+$0x16C10]  }
0x3a5: {  	v23 =	vld [tilespmem:s9+$0x16C20]  }
0x3a6: {  	v22 =	vld [tilespmem:s9+$0x16C30]  }
0x3a7: {  	v21 =	vld [tilespmem:s9+$0x16C40]  }
0x3a8: {  	v20 =	vld [tilespmem:s9+$0x16C50]  }
0x3a9: {  	v19 =	vld [tilespmem:s9+$0x16C60]  }
0x3aa: {  	v18 =	vld [tilespmem:s9+$0x16C70]  }
0x3ab: {  	v17 =	vld [tilespmem:s9+$0x17000]  }
0x3ac: {  	v16 =	vld [tilespmem:s9+$0x17010]  }
0x3ad: {  	v15 =	vld [tilespmem:s9+$0x17020]  }
0x3ae: {  	v14 =	vld [tilespmem:s9+$0x17030]  }
0x3af: {  	v13 =	vld [tilespmem:s9+$0x17040]  }
0x3b0: {  	v12 =	vld [tilespmem:s9+$0x17050]  }
0x3b1: {  	v11 =	vld [tilespmem:s9+$0x17060]  }
0x3b2: {  	v10 =	vld [tilespmem:s9+$0x17070]  }
0x3b3: {  	v9 =	vld [tilespmem:s9+$0x17400]  }
0x3b4: {  	v8 =	vld [tilespmem:s9+$0x17410]  }
0x3b5: {  	v7 =	vld [tilespmem:s9+$0x17420]  }
0x3b6: {  	v5 =	vld [tilespmem:s9+$0x17430]  }
0x3b7: {  	v4 =	vld [tilespmem:s9+$0x17440]  }
0x3b8: {  	v49 =	vld [tilespmem:s9+$0xA000]  }
0x3b9: {  	v50 =	vld [tilespmem:s9+$0xA010]  }
0x3ba: {  	v51 =	vld [tilespmem:s9+$0xA020]  }
0x3bb: {  	v52 =	vld [tilespmem:s9+$0xA030]  }
0x3bc: {  	v53 =	vld [tilespmem:s9+$0xA040]  }
0x3bd: {  	v54 =	vld [tilespmem:s9+$0xA050]  }
0x3be: {  	v55 =	vld [tilespmem:s9+$0xA060];
	v49 =	vmul.f32 v49, v3  }
0x3bf: {  	v56 =	vld [tilespmem:s9+$0xA070];
	v50 =	vmul.f32 v50, v3  }
0x3c0: {  	v59 =	vld [tilespmem:s9+$0xA410];
	v51 =	vmul.f32 v51, v3;
	v49 =	vadd.f32 v6, v49  }
0x3c1: {  	v63 =	vmul.f32 v52, v3;
	v52 =	vld [tilespmem:s9+$0xA400];
	v25 =	vadd.f32 v25, v50  }
0x3c2: {  	v53 =	vmul.f32 v53, v3;
	v58 =	vmul.f32 v54, v3;
	v54 =	vld [tilespmem:s9+$0xA430];
	v26 =	vadd.f32 v26, v51;
	[tilespmem:s9+$0xA000] =	vst v49  }
0x3c3: {  	v61 =	vmul.f32 v55, v3;
	v55 =	vld [tilespmem:s9+$0xA440];
	v57 =	vadd.f32 v27, v63;
	[tilespmem:s9+$0xA010] =	vst v25  }
0x3c4: {  	v6 =	vld [tilespmem:s9+$0x17450];
	v60 =	vadd.f32 v28, v53;
	[tilespmem:s9+$0xA020] =	vst v26  }
0x3c5: {  	v62 =	vadd.f32 v29, v58;
	v63 =	vmul.f32 v56, v3;
	v58 =	vld [tilespmem:s9+$0xA450];
	[tilespmem:s9+$0xA030] =	vst v57  }
0x3c6: {  	v51 =	vadd.f32 v30, v61;
	v56 =	vmul.f32 v59, v3;
	v61 =	vld [tilespmem:s9+$0xA820];
	[tilespmem:s9+$0xA040] =	vst v60  }
0x3c7: {  	v49 =	vld [tilespmem:s9+$0xA420];
	[tilespmem:s9+$0xA050] =	vst v62;
	v53 =	vadd.f32 v31, v63;
	v52 =	vmul.f32 v52, v3  }
0x3c8: {  	[tilespmem:s9+$0xA060] =	vst v51;
	v30 =	vadd.f32 v33, v56;
	v60 =	vld [tilespmem:s9+$0xA460];
	v27 =	vmul.f32 v54, v3  }
0x3c9: {  	v62 =	vld [tilespmem:s9+$0xA470];
	v26 =	vmul.f32 v55, v3;
	[tilespmem:s9+$0xA070] =	vst v53;
	v28 =	vadd.f32 v32, v52  }
0x3ca: {  	v57 =	vld [tilespmem:s9+$0xA800];
	[tilespmem:s9+$0xA410] =	vst v30;
	v27 =	vadd.f32 v35, v27;
	v31 =	vmul.f32 v58, v3  }
0x3cb: {  	v59 =	vld [tilespmem:s9+$0xA810];
	v26 =	vadd.f32 v36, v26;
	v30 =	vmul.f32 v61, v3;
	[tilespmem:s9+$0xA400] =	vst v28  }
0x3cc: {  	v54 =	vld [tilespmem:s9+$0xAC40];
	v29 =	vmul.f32 v49, v3;
	[tilespmem:s9+$0xA430] =	vst v27;
	v31 =	vadd.f32 v37, v31  }
0x3cd: {  	v53 =	vld [tilespmem:s9+$0xAC30];
	v32 =	vmul.f32 v60, v3;
	[tilespmem:s9+$0xA440] =	vst v26;
	v30 =	vadd.f32 v42, v30  }
0x3ce: {  	v36 =	vld [tilespmem:s9+$0xA840];
	v33 =	vmul.f32 v62, v3;
	v29 =	vadd.f32 v34, v29;
	[tilespmem:s9+$0xA450] =	vst v31  }
0x3cf: {  	v63 =	vld [tilespmem:s9+$0xA830];
	v25 =	vmul.f32 v57, v3;
	v32 =	vadd.f32 v38, v32;
	[tilespmem:s9+$0xA820] =	vst v30  }
0x3d0: {  	v50 =	vld [tilespmem:s9+$0xAC00];
	v28 =	vmul.f32 v59, v3;
	v33 =	vadd.f32 v39, v33;
	[tilespmem:s9+$0xA420] =	vst v29  }
0x3d1: {  	v51 =	vld [tilespmem:s9+$0xAC10];
	v61 =	vmul.f32 v54, v3;
	v25 =	vadd.f32 v40, v25;
	[tilespmem:s9+$0xA460] =	vst v32  }
0x3d2: {  	v37 =	vld [tilespmem:s9+$0xA850];
	v28 =	vadd.f32 v41, v28;
	v30 =	vmul.f32 v53, v3;
	[tilespmem:s9+$0xA470] =	vst v33  }
0x3d3: {  	v52 =	vld [tilespmem:s9+$0xAC20];
	v27 =	vmul.f32 v36, v3;
	v21 =	vadd.f32 v21, v61;
	[tilespmem:s9+$0xA800] =	vst v25  }
0x3d4: {  	v55 =	vld [tilespmem:s9+$0xAC50];
	v29 =	vmul.f32 v63, v3;
	[tilespmem:s9+$0xA810] =	vst v28;
	v22 =	vadd.f32 v22, v30  }
0x3d5: {  	v49 =	vld [tilespmem:s9+$0xA870];
	v33 =	vmul.f32 v50, v3;
	v27 =	vadd.f32 v44, v27;
	[tilespmem:s9+$0xAC40] =	vst v21  }
0x3d6: {  	v56 =	vld [tilespmem:s9+$0xAC60];
	v25 =	vmul.f32 v51, v3;
	v29 =	vadd.f32 v43, v29;
	[tilespmem:s9+$0xAC30] =	vst v22  }
0x3d7: {  	v38 =	vld [tilespmem:s9+$0xA860];
	v26 =	vmul.f32 v37, v3;
	v33 =	vadd.f32 v48, v33;
	[tilespmem:s9+$0xA840] =	vst v27  }
0x3d8: {  	v58 =	vld [tilespmem:s9+$0xB000];
	v28 =	vmul.f32 v52, v3;
	v24 =	vadd.f32 v24, v25;
	[tilespmem:s9+$0xA830] =	vst v29  }
0x3d9: {  	v57 =	vld [tilespmem:s9+$0xAC70];
	v26 =	vadd.f32 v45, v26;
	v27 =	vmul.f32 v55, v3;
	[tilespmem:s9+$0xAC00] =	vst v33  }
0x3da: {  	v59 =	vld [tilespmem:s9+$0xB010];
	v32 =	vmul.f32 v49, v3;
	v23 =	vadd.f32 v23, v28;
	[tilespmem:s9+$0xAC10] =	vst v24  }
0x3db: {  	v60 =	vld [tilespmem:s9+$0xB020];
	[tilespmem:s9+$0xA850] =	vst v26;
	v26 =	vmul.f32 v56, v3;
	v20 =	vadd.f32 v20, v27  }
0x3dc: {  	v31 =	vmul.f32 v38, v3;
	v32 =	vadd.f32 v47, v32;
	[tilespmem:s9+$0xAC20] =	vst v23;
	v23 =	vld [tilespmem:s9+$0xB030]  }
0x3dd: {  	v22 =	vld [tilespmem:s9+$0xB040];
	v19 =	vadd.f32 v19, v26;
	[tilespmem:s9+$0xAC50] =	vst v20;
	v20 =	vmul.f32 v58, v3  }
0x3de: {  	v21 =	vld [tilespmem:s9+$0xB050];
	v62 =	vmul.f32 v57, v3;
	v31 =	vadd.f32 v46, v31;
	[tilespmem:s9+$0xA870] =	vst v32  }
0x3df: {  	v63 =	vld [tilespmem:s9+$0xB060];
	[tilespmem:s9+$0xAC60] =	vst v19;
	v19 =	vmul.f32 v59, v3;
	v20 =	vadd.f32 v17, v20  }
0x3e0: {  	v24 =	vmul.f32 v60, v3;
	v27 =	vadd.f32 v18, v62;
	v18 =	vld [tilespmem:s9+$0xB070];
	[tilespmem:s9+$0xA860] =	vst v31  }
0x3e1: {  	v17 =	vld [tilespmem:s9+$0xB400];
	v19 =	vadd.f32 v16, v19;
	[tilespmem:s9+$0xB000] =	vst v20;
	v20 =	vmul.f32 v23, v3  }
0x3e2: {  	[tilespmem:s9+$0xAC70] =	vst v27;
	v22 =	vmul.f32 v22, v3;
	v16 =	vld [tilespmem:s9+$0xB410];
	v23 =	vadd.f32 v15, v24  }
0x3e3: {  	v15 =	vld [tilespmem:s9+$0xB420];
	[tilespmem:s9+$0xB010] =	vst v19;
	v19 =	vadd.f32 v14, v20;
	v20 =	vmul.f32 v21, v3  }
0x3e4: {  	s28 =	simm.s32 $0x1;
	[tilespmem:s9+$0xB020] =	vst v23;
	v21 =	vadd.f32 v13, v22;
	v14 =	vmul.f32 v63, v3;
	v13 =	vld [tilespmem:s9+$0xB430]  }
.LBB2_9:
0x3e5: {  	p0 =	sne.s32 s28, $0xF;
	[tilespmem:s9+$0xB030] =	vst v19;
	v12 =	vadd.f32 v12, v20;
	v18 =	vmul.f32 v18, v3;
	v19 =	vld [tilespmem:s9+$0xB440]  }
0x3e6: {  	[tilespmem:s9+$0xB040] =	vst v21;
	v11 =	vadd.f32 v11, v14;
	v14 =	vmul.f32 v17, v3;
	v17 =	vld [tilespmem:s9+$0xB450]  }
0x3e7: {  	s0 =	sshrl.u32 s28, $0x3;
	[tilespmem:s9+$0xB050] =	vst v12;
	v10 =	vadd.f32 v10, v18;
	v12 =	vmul.f32 v16, v3;
	v16 =	vld [tilespmem:s9+$0xB460]  }
0x3e8: {  	s16 =	sadd.s32 $0x80, s16;
	s0 =	smul.u32 $0x1800, s0;
	[tilespmem:s9+$0xB060] =	vst v11;
	v9 =	vadd.f32 v9, v14;
	v11 =	vmul.f32 v15, v3;
	v14 =	vld [tilespmem:s9+$0xB470]  }
0x3e9: {  	s1 =	sand.u32 $0x380, s16;
	[tilespmem:s9+$0xB070] =	vst v10;
	v8 =	vadd.f32 v8, v12;
	v10 =	vmul.f32 v13, v3;
	v12 =	vld [tilespmem:s9+$0x17460]  }
0x3ea: {  	s0 =	sor.u32 s1, s0;
	[tilespmem:s9+$0xB400] =	vst v9;
	v7 =	vadd.f32 v7, v11;
	v9 =	vmul.f32 v19, v3;
	v11 =	vld [tilespmem:s9+$0x17470]  }
0x3eb: {  	v42 =	vld [tilespmem:s0+$0x16000];
	[tilespmem:s9+$0xB410] =	vst v8;
	v5 =	vadd.f32 v5, v10;
	v8 =	vmul.f32 v17, v3  }
0x3ec: {  	v43 =	vld [tilespmem:s0+$0x16010];
	[tilespmem:s9+$0xB420] =	vst v7;
	v4 =	vadd.f32 v4, v9;
	v7 =	vmul.f32 v16, v3  }
0x3ed: {  	v44 =	vld [tilespmem:s0+$0x16020];
	[tilespmem:s9+$0xB430] =	vst v5;
	v5 =	vadd.f32 v6, v8;
	v6 =	vmul.f32 v14, v3  }
0x3ee: {  	v45 =	vld [tilespmem:s0+$0x16030];
	[tilespmem:s9+$0xB440] =	vst v4;
	v4 =	vadd.f32 v12, v7  }
0x3ef: {  	v46 =	vld [tilespmem:s0+$0x16040];
	[tilespmem:s9+$0xB450] =	vst v5;
	v5 =	vadd.f32 v11, v6  }
0x3f0: {  	v47 =	vld [tilespmem:s0+$0x16050];
	[tilespmem:s9+$0xB460] =	vst v4  }
0x3f1: {  	v48 =	vld [tilespmem:s0+$0x16060];
	[tilespmem:s9+$0xB470] =	vst v5;
	s9 =	smov.u32 s0  }
0x3f2: {  	v49 =	vld [tilespmem:s9+$0x16070]  }
0x3f3: {  	v41 =	vld [tilespmem:s9+$0x16400]  }
0x3f4: {  	v40 =	vld [tilespmem:s9+$0x16410]  }
0x3f5: {  	v39 =	vld [tilespmem:s9+$0x16420]  }
0x3f6: {  	v38 =	vld [tilespmem:s9+$0x16430]  }
0x3f7: {  	v37 =	vld [tilespmem:s9+$0x16440]  }
0x3f8: {  	v36 =	vld [tilespmem:s9+$0x16450]  }
0x3f9: {  	v35 =	vld [tilespmem:s9+$0x16460]  }
0x3fa: {  	v34 =	vld [tilespmem:s9+$0x16470]  }
0x3fb: {  	v33 =	vld [tilespmem:s9+$0x16800]  }
0x3fc: {  	v32 =	vld [tilespmem:s9+$0x16810]  }
0x3fd: {  	v31 =	vld [tilespmem:s9+$0x16820]  }
0x3fe: {  	v30 =	vld [tilespmem:s9+$0x16830]  }
0x3ff: {  	v29 =	vld [tilespmem:s9+$0x16840]  }
0x400: {  	v28 =	vld [tilespmem:s9+$0x16850]  }
0x401: {  	v27 =	vld [tilespmem:s9+$0x16860]  }
0x402: {  	v26 =	vld [tilespmem:s9+$0x16870]  }
0x403: {  	v25 =	vld [tilespmem:s9+$0x16C00]  }
0x404: {  	v24 =	vld [tilespmem:s9+$0x16C10]  }
0x405: {  	v23 =	vld [tilespmem:s9+$0x16C20]  }
0x406: {  	v22 =	vld [tilespmem:s9+$0x16C30]  }
0x407: {  	v21 =	vld [tilespmem:s9+$0x16C40]  }
0x408: {  	v20 =	vld [tilespmem:s9+$0x16C50]  }
0x409: {  	v19 =	vld [tilespmem:s9+$0x16C60]  }
0x40a: {  	v18 =	vld [tilespmem:s9+$0x16C70]  }
0x40b: {  	v17 =	vld [tilespmem:s9+$0x17000]  }
0x40c: {  	v16 =	vld [tilespmem:s9+$0x17010]  }
0x40d: {  	v15 =	vld [tilespmem:s9+$0x17020]  }
0x40e: {  	v14 =	vld [tilespmem:s9+$0x17030]  }
0x40f: {  	v13 =	vld [tilespmem:s9+$0x17040]  }
0x410: {  	v12 =	vld [tilespmem:s9+$0x17050]  }
0x411: {  	v11 =	vld [tilespmem:s9+$0x17060]  }
0x412: {  	v10 =	vld [tilespmem:s9+$0x17070]  }
0x413: {  	v9 =	vld [tilespmem:s9+$0x17400]  }
0x414: {  	v8 =	vld [tilespmem:s9+$0x17410]  }
0x415: {  	v7 =	vld [tilespmem:s9+$0x17420]  }
0x416: {  	v5 =	vld [tilespmem:s9+$0x17430]  }
0x417: {  	v4 =	vld [tilespmem:s9+$0x17440]  }
0x418: {  	v6 =	vld [tilespmem:s9+$0x17450]  }
0x419: {  	v50 =	vld [tilespmem:s9+$0xA000]  }
0x41a: {  	v51 =	vld [tilespmem:s9+$0xA010]  }
0x41b: {  	v52 =	vld [tilespmem:s9+$0xA020]  }
0x41c: {  	v53 =	vld [tilespmem:s9+$0xA030]  }
0x41d: {  	v54 =	vld [tilespmem:s9+$0xA040]  }
0x41e: {  	v50 =	vmul.f32 v50, v3;
	v55 =	vld [tilespmem:s9+$0xA050]  }
0x41f: {  	v51 =	vmul.f32 v51, v3;
	v56 =	vld [tilespmem:s9+$0xA060]  }
0x420: {  	v42 =	vadd.f32 v42, v50;
	v50 =	vmul.f32 v52, v3;
	v52 =	vld [tilespmem:s9+$0xA070]  }
0x421: {  	v43 =	vadd.f32 v43, v51;
	v51 =	vmul.f32 v53, v3;
	v53 =	vld [tilespmem:s9+$0xA400]  }
0x422: {  	[tilespmem:s9+$0xA000] =	vst v42;
	v42 =	vadd.f32 v44, v50;
	v44 =	vmul.f32 v54, v3;
	v50 =	vld [tilespmem:s9+$0xA410]  }
0x423: {  	[tilespmem:s9+$0xA010] =	vst v43;
	v43 =	vadd.f32 v45, v51;
	v45 =	vmul.f32 v55, v3;
	v51 =	vld [tilespmem:s9+$0xA420]  }
0x424: {  	[tilespmem:s9+$0xA020] =	vst v42;
	v42 =	vadd.f32 v46, v44;
	v44 =	vmul.f32 v56, v3;
	v46 =	vld [tilespmem:s9+$0xA430]  }
0x425: {  	[tilespmem:s9+$0xA030] =	vst v43;
	v43 =	vadd.f32 v47, v45;
	v45 =	vmul.f32 v52, v3;
	v47 =	vld [tilespmem:s9+$0xA440]  }
0x426: {  	[tilespmem:s9+$0xA040] =	vst v42;
	v42 =	vadd.f32 v48, v44;
	v44 =	vmul.f32 v53, v3;
	v48 =	vld [tilespmem:s9+$0xA450]  }
0x427: {  	[tilespmem:s9+$0xA050] =	vst v43;
	v43 =	vadd.f32 v49, v45;
	v45 =	vmul.f32 v50, v3;
	v49 =	vld [tilespmem:s9+$0xA460]  }
0x428: {  	[tilespmem:s9+$0xA060] =	vst v42;
	v41 =	vadd.f32 v41, v44;
	v42 =	vmul.f32 v51, v3;
	v44 =	vld [tilespmem:s9+$0xA470]  }
0x429: {  	[tilespmem:s9+$0xA070] =	vst v43;
	v40 =	vadd.f32 v40, v45;
	v43 =	vmul.f32 v46, v3;
	v45 =	vld [tilespmem:s9+$0xA800]  }
0x42a: {  	[tilespmem:s9+$0xA400] =	vst v41;
	v39 =	vadd.f32 v39, v42;
	v41 =	vmul.f32 v47, v3;
	v42 =	vld [tilespmem:s9+$0xA810]  }
0x42b: {  	[tilespmem:s9+$0xA410] =	vst v40;
	v38 =	vadd.f32 v38, v43;
	v40 =	vmul.f32 v48, v3;
	v43 =	vld [tilespmem:s9+$0xA820]  }
0x42c: {  	[tilespmem:s9+$0xA420] =	vst v39;
	v37 =	vadd.f32 v37, v41;
	v39 =	vmul.f32 v49, v3;
	v41 =	vld [tilespmem:s9+$0xA830]  }
0x42d: {  	[tilespmem:s9+$0xA430] =	vst v38;
	v36 =	vadd.f32 v36, v40;
	v38 =	vmul.f32 v44, v3;
	v40 =	vld [tilespmem:s9+$0xA840]  }
0x42e: {  	[tilespmem:s9+$0xA440] =	vst v37;
	v35 =	vadd.f32 v35, v39;
	v37 =	vmul.f32 v45, v3;
	v39 =	vld [tilespmem:s9+$0xA850]  }
0x42f: {  	[tilespmem:s9+$0xA450] =	vst v36;
	v34 =	vadd.f32 v34, v38;
	v36 =	vmul.f32 v42, v3;
	v38 =	vld [tilespmem:s9+$0xA860]  }
0x430: {  	[tilespmem:s9+$0xA460] =	vst v35;
	v33 =	vadd.f32 v33, v37;
	v35 =	vmul.f32 v43, v3;
	v37 =	vld [tilespmem:s9+$0xA870]  }
0x431: {  	[tilespmem:s9+$0xA470] =	vst v34;
	v32 =	vadd.f32 v32, v36;
	v34 =	vmul.f32 v41, v3;
	v36 =	vld [tilespmem:s9+$0xAC00]  }
0x432: {  	[tilespmem:s9+$0xA800] =	vst v33;
	v31 =	vadd.f32 v31, v35;
	v33 =	vmul.f32 v40, v3;
	v35 =	vld [tilespmem:s9+$0xAC10]  }
0x433: {  	[tilespmem:s9+$0xA810] =	vst v32;
	v30 =	vadd.f32 v30, v34;
	v32 =	vmul.f32 v39, v3;
	v34 =	vld [tilespmem:s9+$0xAC20]  }
0x434: {  	[tilespmem:s9+$0xA820] =	vst v31;
	v29 =	vadd.f32 v29, v33;
	v31 =	vmul.f32 v38, v3;
	v33 =	vld [tilespmem:s9+$0xAC30]  }
0x435: {  	[tilespmem:s9+$0xA830] =	vst v30;
	v28 =	vadd.f32 v28, v32;
	v30 =	vmul.f32 v37, v3;
	v32 =	vld [tilespmem:s9+$0xAC40]  }
0x436: {  	[tilespmem:s9+$0xA840] =	vst v29;
	v27 =	vadd.f32 v27, v31;
	v29 =	vmul.f32 v36, v3;
	v31 =	vld [tilespmem:s9+$0xAC50]  }
0x437: {  	[tilespmem:s9+$0xA850] =	vst v28;
	v26 =	vadd.f32 v26, v30;
	v28 =	vmul.f32 v35, v3;
	v30 =	vld [tilespmem:s9+$0xAC60]  }
0x438: {  	[tilespmem:s9+$0xA860] =	vst v27;
	v25 =	vadd.f32 v25, v29;
	v27 =	vmul.f32 v34, v3;
	v29 =	vld [tilespmem:s9+$0xAC70]  }
0x439: {  	[tilespmem:s9+$0xA870] =	vst v26;
	v24 =	vadd.f32 v24, v28;
	v26 =	vmul.f32 v33, v3;
	v28 =	vld [tilespmem:s9+$0xB000]  }
0x43a: {  	[tilespmem:s9+$0xAC00] =	vst v25;
	v23 =	vadd.f32 v23, v27;
	v25 =	vmul.f32 v32, v3;
	v27 =	vld [tilespmem:s9+$0xB010]  }
0x43b: {  	[tilespmem:s9+$0xAC10] =	vst v24;
	v22 =	vadd.f32 v22, v26;
	v24 =	vmul.f32 v31, v3;
	v26 =	vld [tilespmem:s9+$0xB020]  }
0x43c: {  	[tilespmem:s9+$0xAC20] =	vst v23;
	v21 =	vadd.f32 v21, v25;
	v23 =	vmul.f32 v30, v3;
	v25 =	vld [tilespmem:s9+$0xB030]  }
0x43d: {  	[tilespmem:s9+$0xAC30] =	vst v22;
	v20 =	vadd.f32 v20, v24;
	v22 =	vmul.f32 v29, v3;
	v24 =	vld [tilespmem:s9+$0xB040]  }
0x43e: {  	[tilespmem:s9+$0xAC40] =	vst v21;
	v19 =	vadd.f32 v19, v23;
	v21 =	vmul.f32 v28, v3;
	v23 =	vld [tilespmem:s9+$0xB050]  }
0x43f: {  	[tilespmem:s9+$0xAC50] =	vst v20;
	v20 =	vadd.f32 v18, v22;
	v22 =	vmul.f32 v27, v3;
	v27 =	vld [tilespmem:s9+$0xB060]  }
.Ltmp3:
0x440: {  	[tilespmem:s9+$0xAC60] =	vst v19;
	v19 =	vadd.f32 v17, v21;
	v21 =	vmul.f32 v26, v3;
	v18 =	vld [tilespmem:s9+$0xB070];
	(pc) =	sbr.rel @p0 .LBB2_9-.Ltmp3, $4  }
0x441: {  	[tilespmem:s9+$0xAC70] =	vst v20;
	v20 =	vadd.f32 v16, v22;
	v22 =	vmul.f32 v25, v3;
	v17 =	vld [tilespmem:s9+$0xB400]  }
0x442: {  	[tilespmem:s9+$0xB000] =	vst v19;
	v21 =	vadd.f32 v15, v21;
	v24 =	vmul.f32 v24, v3;
	v16 =	vld [tilespmem:s9+$0xB410]  }
0x443: {  	[tilespmem:s9+$0xB010] =	vst v20;
	v19 =	vadd.f32 v14, v22;
	v20 =	vmul.f32 v23, v3;
	v15 =	vld [tilespmem:s9+$0xB420]  }
0x444: {  	s28 =	sadd.s32 $0x1, s28;
	[tilespmem:s9+$0xB020] =	vst v21;
	v21 =	vadd.f32 v13, v24;
	v14 =	vmul.f32 v27, v3;
	v13 =	vld [tilespmem:s9+$0xB430]  }
0x445: {  	[tilespmem:s9+$0xB030] =	vst v19;
	v52 =	vld [tilespmem:s9+$0xB440];
	v12 =	vadd.f32 v12, v20;
	v18 =	vmul.f32 v18, v3  }
0x446: {  	v53 =	vld [tilespmem:s9+$0xB450];
	[tilespmem:s9+$0xB040] =	vst v21;
	v11 =	vadd.f32 v11, v14;
	v55 =	vmul.f32 v17, v3  }
0x447: {  	v54 =	vld [tilespmem:s9+$0xB460];
	[tilespmem:s9+$0xB050] =	vst v12;
	v10 =	vadd.f32 v10, v18;
	v16 =	vmul.f32 v16, v3  }
0x448: {  	v56 =	vld [tilespmem:s9+$0xB470];
	[tilespmem:s9+$0xB060] =	vst v11;
	v9 =	vadd.f32 v9, v55;
	v57 =	vmul.f32 v15, v3  }
0x449: {  	v58 =	vld [tilespmem:s9+$0x17460];
	[tilespmem:s9+$0xB070] =	vst v10;
	v8 =	vadd.f32 v8, v16;
	v13 =	vmul.f32 v13, v3  }
0x44a: {  	v60 =	vld [tilespmem:s9+$0x17470];
	[tilespmem:s9+$0xB400] =	vst v9;
	v7 =	vadd.f32 v7, v57;
	v59 =	vmul.f32 v52, v3  }
0x44b: {  	v61 =	vmul.f32 v53, v3;
	[tilespmem:s9+$0xB410] =	vst v8;
	v5 =	vadd.f32 v5, v13  }
0x44c: {  	s0 =	sshll.u32 s14, $0x4;
	s8 =	sadd.s32 $0x1, s8;
	v62 =	vmul.f32 v54, v3;
	[tilespmem:s9+$0xB420] =	vst v7;
	v4 =	vadd.f32 v4, v59  }
0x44d: {  	s0 =	sadd.s32 s7, s0;
	p0 =	sne.s32 s8, $0x20;
	v63 =	vmul.f32 v56, v3;
	[tilespmem:s9+$0xB430] =	vst v5;
	v5 =	vadd.f32 v6, v61  }
.Ltmp4:
0x44e: {  	s0 =	sshrl.u32 s0, $0x3;
	[tilespmem:s9+$0xB440] =	vst v4;
	v4 =	vadd.f32 v58, v62;
	(pc) =	sbr.rel @p0 .LBB2_2-.Ltmp4, $4  }
0x44f: {  	s0 =	smul.u32 $0x300, s0;
	[tilespmem:s9+$0xB450] =	vst v5;
	v5 =	vadd.f32 v60, v63  }
0x450: {  	[tilespmem:s9+$0xB460] =	vst v4  }
0x451: {  	s0 =	sadd.s32 s3, s0;
	[tilespmem:s9+$0xB470] =	vst v5  }
0x452: {  	[hbm4b:s0+s4] =	stream.linear.scatter [tilespmem:s25], [sflag:$0xC], $0x3000, $0x38;
	[tilespmem:$0x19080] =	vst v63  }
0x453: {  	s0 =	simm.s32 $0x9  }
0x454: {  	_ =	swait.ge [sflag:s0], $0x3000  }
0x455: {  	[sflag:s0] =	ssyncset.done $0x0  }
0x456: {  	s28 =	simm.s32 $0xA;
	[sflag:s0] =	ssyncadd.s32 $0xFFFFD000  }
0x457: {  	_ =	swait.ge [sflag:s28], $0x3000  }
0x458: {  	[sflag:s28] =	ssyncset.done $0x0  }
0x459: {  	s29 =	simm.s32 $0xB;
	[sflag:s28] =	ssyncadd.s32 $0xFFFFD000  }
0x45a: {  	_ =	swait.ge [sflag:s29], $0x3000  }
0x45b: {  	[sflag:s29] =	ssyncset.done $0x0  }
0x45c: {  	s1 =	simm.s32 $0xC;
	[sflag:s29] =	ssyncadd.s32 $0xFFFFD000  }
0x45d: {  	_ =	swait.ge [sflag:s1], $0x3000  }
0x45e: {  	s8 =	rddreg [dreg:$0x8]  }
0x45f: {  	s30 =	rddreg [dreg:$0x7];
	s8 =	sadd.s32 $0x1, s8  }
0x460: {  	p0 =	sne.s32 s8, s30  }
.Ltmp5:
0x461: {  	_ = 	snop;
	(pc) =	sbr.rel @p0 .LBB2_1-.Ltmp5, $3  }
0x462: {  	_ =	sdelay $0x1  }
0x463: {  	[sflag:s1] =	ssyncset.done $0x0  }
0x464: {  	[sflag:s1] =	ssyncadd.s32 $0xFFFFD000  }
0x465: {  	_ =	sfence.sel $0x180000  }
0x466: {  	[bflag:$0x0] =	sbarrier.arrive $0xFFFF  }
0x467: {  	_ =	strace $0x90000047  }
0x468: {  	s0 =	stileid.u32;
	[bflag:$0x2] =	sbarrier.arrive $0xFFFF  }
0x469: {  	p0 =	sne.s32 s0, $0x0;
	s0 =	rddreg [dreg:$0x3]  }
0x46a: {  	s0 =	sadd.s32 @!p0 $0x100000, s0  }
0x46b: {  	[sflag:s0] =	ssyncadd.tile.s32 @!p0 $0x1;
	_ =	shalt  }
.Lfunc_end2:
_tile_overlayer_lowered:
.L_overlay_start_2:
0x46c: {  	(tag) =	ssettag $0x2  }
0x46d: {  	s0 =	rddreg [dreg:$0x0];
	s2 =	stileid.u32  }
0x46e: {  	s1 =	rddreg [dreg:$0x1];
	p0 =	sne.s32 s2, $0x0  }
0x46f: {  	s3 =	rddreg [dreg:$0x2];
	[bflag:$0x3] =	sbarrier.arrive $0xFFFF;
	s2 =	simm.s32 @!p0 $0x1C0D  }
0x470: {  	[timem:s3], [sflag:s2] =	dma.local @!p0 [hbm:s0], s1  }
0x471: {  	s0 =	simm.s32 @!p0 $0xD  }
0x472: {  	_ =	swait.ge @!p0 [sflag:s0], s1  }
0x473: {  	s1 =	ssub.s32 @!p0 $0x0, s1;
	[sflag:s0] =	ssyncset.done @!p0 $0x0  }
0x474: {  	[sflag:s0] =	ssyncadd.s32 @!p0 s1  }
0x475: {  	[bflag:$0x3] =	sbarrier.arrive $0xFFFF  }
0x476: {  	_ =	shalt  }

</sc_bundles>
